<compile_context>
chip_gen: v7x
topology: tpu7x:2x2x1
jax: 0.10.2.dev20260603
libtpu: 0.0.44.dev20260713+nightly
codegen_flags: <defaults>
</compile_context>

<pallas_src>
import jax
import jax.numpy as jnp
from jax import lax
from jax.experimental import pallas as pl
from jax.experimental.pallas import tpu as pltpu
from jax.experimental.pallas import tpu_sc as plsc

N = 100000
R = 8
H = 32
HF = 16
C = 16
E = 1600000
NR = N * R

NC, NS = 2, 16
NW = NC * NS

KE = 2000
EPT = E // NS
EPW = E // NW
BPT = NR // NS
_ZB = 10000

NP = 100096
SPT = NP // NS
KC = 800
NCH = EPT // KC
NPAIR = (NCH - 1) // 2
_ZR = 800
_NZ = SPT // _ZR
_ZT = SPT - _NZ * _ZR

_MESH = plsc.VectorSubcoreMesh(
    core_axis_name="c", subcore_axis_name="s", num_cores=NC, num_subcores=NS
)


_EROWS = 2500
_ECOLS = 640


def _prep_body(src_ref, dst_ref, rel_ref, g1_ref, g2_ref, key_ref):
    s = src_ref[...]
    d = dst_ref[...]
    r = rel_ref[...]
    t1 = (r * N + s) * 2
    g1_ref[0, :, :] = t1
    g1_ref[1, :, :] = t1 + 1
    t2 = s * R + r
    g2_ref[0, :, :] = t2
    g2_ref[1, :, :] = t2 + N * R
    key_ref[...] = d * R + r


def _prep(src, dst, rel):
    grid = (_ECOLS // 128,)
    bs = pl.BlockSpec((_EROWS, 128), lambda i: (0, i))
    bs2 = pl.BlockSpec((NC, _EROWS, 128), lambda i: (0, 0, i))
    o = jax.ShapeDtypeStruct((_EROWS, _ECOLS), jnp.int32)
    o2 = jax.ShapeDtypeStruct((NC, _EROWS, _ECOLS), jnp.int32)
    g1, g2, key = pl.pallas_call(
        _prep_body,
        grid=grid,
        in_specs=[bs, bs, bs],
        out_specs=[bs2, bs2, bs],
        out_shape=[o2, o2, o],
    )(src.reshape(_EROWS, _ECOLS), dst.reshape(_EROWS, _ECOLS),
      rel.reshape(_EROWS, _ECOLS))
    return g1.reshape(NC, E), g2.reshape(NC, E), key.reshape(E)


def _hist_body(key_hbm, enorm_hbm, bins, key_v0, key_v1, ones_v, en_v, zb_v,
               ksem0, ksem1):
    cid = lax.axis_index("c")
    sid = lax.axis_index("s")

    z16 = jnp.zeros((16,), jnp.float32)

    def zv(j, _):
        zb_v[pl.ds(j * 16, 16)] = z16
        return 0

    lax.fori_loop(0, _ZB // 16, zv, 0)

    def zfill(j, _):
        pltpu.sync_copy(zb_v, bins.at[pl.ds(sid * BPT + j * _ZB, _ZB)])
        return 0

    lax.fori_loop(0, BPT // _ZB, zfill, 0)

    o16 = jnp.full((16,), 1.0, jnp.float32)

    def fill(j, _):
        ones_v[pl.ds(j * 16, 16)] = o16
        return 0

    lax.fori_loop(0, KE // 16, fill, 0)
    plsc.subcore_barrier()

    nh = EPT // KE
    kbufs = (key_v0, key_v1)
    ksems = (ksem0, ksem1)

    def _kargs(g, b):
        off = pl.multiple_of(sid * EPT + g * KE, 8)
        return key_hbm.at[pl.ds(off, KE)], kbufs[b], ksems[b]

    pltpu.async_copy(*_kargs(0, 0))
    pltpu.async_copy(*_kargs(1, 1))

    def hchunk2(j, _):
        for b in range(2):
            g = 2 * j + b
            pltpu.make_async_copy(*_kargs(g, b)).wait()
            pltpu.sync_copy(ones_v, bins.at[kbufs[b]], add=True)

            @pl.when(g + 2 < nh)
            def _():
                pltpu.async_copy(*_kargs(g + 2, b))
        return 0

    lax.fori_loop(0, nh // 2, hchunk2, 0)
    plsc.subcore_barrier()

    def echunk(g, _):
        off = pl.multiple_of((cid * NS + sid) * EPW + g * KE, 8)
        pltpu.sync_copy(key_hbm.at[pl.ds(off, KE)], key_v0)
        pltpu.sync_copy(bins.at[key_v0], en_v)

        def recip(j, _):
            sl = pl.ds(j * 16, 16)
            en_v[sl] = 1.0 / en_v[sl]
            return 0

        lax.fori_loop(0, KE // 16, recip, 0)
        pltpu.sync_copy(en_v, enorm_hbm.at[pl.ds(off, KE)])
        return 0

    lax.fori_loop(0, EPW // KE, echunk, 0)


def _hist_norm(key):
    return pl.kernel(
        _hist_body,
        out_type=jax.ShapeDtypeStruct((E,), jnp.float32),
        mesh=_MESH,
        scratch_types=[
            pltpu.VMEM_SHARED((NR,), jnp.float32),
            pltpu.VMEM((KE,), jnp.int32),
            pltpu.VMEM((KE,), jnp.int32),
            pltpu.VMEM((KE,), jnp.float32),
            pltpu.VMEM((KE,), jnp.float32),
            pltpu.VMEM((_ZB,), jnp.float32),
            pltpu.SemaphoreType.DMA,
            pltpu.SemaphoreType.DMA,
        ],
    )(key)


def _conv_body(tbl_hbm, gidx_hbm, dst_hbm, en_hbm, agg_hbm,
               acc, gidx_v0, gidx_v1, dst_v0, dst_v1, en_v0, en_v1,
               rows_v0, rows_v1, sem0, sem1):
    cid = lax.axis_index("c")
    sid = lax.axis_index("s")

    z16 = jnp.zeros((16,), jnp.float32)
    r0 = rows_v0

    @plsc.parallel_loop(0, KC, unroll=8)
    def _zrows(i):
        rows_v0[i, :] = z16

    rs = sid * SPT

    def zfill(j, _):
        pltpu.sync_copy(r0, acc.at[pl.ds(rs + j * _ZR, _ZR), :])
        return 0

    lax.fori_loop(0, _NZ, zfill, 0)
    pltpu.sync_copy(r0.at[pl.ds(0, _ZT), :],
                    acc.at[pl.ds(rs + _NZ * _ZR, _ZT), :])
    plsc.subcore_barrier()

    gc = gidx_hbm.at[cid]
    gbufs = (gidx_v0, gidx_v1)
    dbufs = (dst_v0, dst_v1)
    ebufs = (en_v0, en_v1)
    rbufs = (rows_v0, rows_v1)
    sems = (sem0, sem1)

    def _issue(g, b):
        off = pl.multiple_of(sid * EPT + g * KC, 8)
        pltpu.sync_copy(gc.at[pl.ds(off, KC)], gbufs[b])
        pltpu.sync_copy(dst_hbm.at[pl.ds(off, KC)], dbufs[b])
        pltpu.sync_copy(en_hbm.at[pl.ds(off, KC)], ebufs[b])
        pltpu.async_copy(tbl_hbm.at[gbufs[b]], rbufs[b], sems[b])

    _issue(0, 0)
    _issue(1, 1)

    def _drain(b):
        pltpu.make_async_copy(tbl_hbm.at[gbufs[b]], rbufs[b],
                              sems[b]).wait()
        rb = rbufs[b]
        eb = ebufs[b]

        @plsc.parallel_loop(0, KC, unroll=8)
        def _scale(i):
            e = plsc.load_gather(eb, [jnp.full((16,), i, jnp.int32)])
            rb[i, :] = rb[i, :] * e

        pltpu.sync_copy(rb, acc.at[dbufs[b]], add=True)

    def chunk2(j, _):
        for b in range(2):
            g = 2 * j + b
            _drain(b)

            @pl.when(g + 2 < NCH)
            def _():
                _issue(g + 2, b)
        return 0

    lax.fori_loop(0, NPAIR, chunk2, 0)
    _drain(0)
    plsc.subcore_barrier()

    def flush(j, _):
        pltpu.sync_copy(acc.at[pl.ds(rs + j * _ZR, _ZR), :], r0)
        pltpu.sync_copy(r0, agg_hbm.at[cid, pl.ds(rs + j * _ZR, _ZR), :])
        return 0

    lax.fori_loop(0, _NZ, flush, 0)
    tail = rs + _NZ * _ZR
    pltpu.sync_copy(acc.at[pl.ds(tail, _ZT), :], r0.at[pl.ds(0, _ZT), :])
    pltpu.sync_copy(r0.at[pl.ds(0, _ZT), :],
                    agg_hbm.at[cid, pl.ds(tail, _ZT), :])


def _conv_agg(tbl, gidx, dst, enorm):
    return pl.kernel(
        _conv_body,
        out_type=jax.ShapeDtypeStruct((NC, NP, HF), jnp.float32),
        mesh=_MESH,
        scratch_types=[
            pltpu.VMEM_SHARED((NP, HF), jnp.float32),
            pltpu.VMEM((KC,), jnp.int32),
            pltpu.VMEM((KC,), jnp.int32),
            pltpu.VMEM((KC,), jnp.int32),
            pltpu.VMEM((KC,), jnp.int32),
            pltpu.VMEM((KC,), jnp.float32),
            pltpu.VMEM((KC,), jnp.float32),
            pltpu.VMEM((KC, HF), jnp.float32),
            pltpu.VMEM((KC, HF), jnp.float32),
            pltpu.SemaphoreType.DMA,
            pltpu.SemaphoreType.DMA,
        ],
        compiler_params=pltpu.CompilerParams(
            use_tc_tiling_on_sc=False, needs_layout_passes=False
        ),
    )(tbl, gidx, dst, enorm)


_BW = 8000


def _packw1_body(w_ref, o_ref):
    x = w_ref[...]
    xr = x.reshape(_BW // 4, 4, H)
    for k in range(4):
        o_ref[:, k * H:(k + 1) * H] = xr[:, k, :]


def _packw1(w1flat):
    return pl.pallas_call(
        _packw1_body,
        grid=(NR // _BW,),
        in_specs=[pl.BlockSpec((_BW, H), lambda i: (i, 0))],
        out_specs=pl.BlockSpec((_BW // 4, 128), lambda i: (i, 0)),
        out_shape=jax.ShapeDtypeStruct((NR // 4, 128), jnp.float32),
    )(w1flat)


def _w2cat_body(w2_ref, o_ref):
    w2 = w2_ref[...]
    for c in range(NC):
        o_ref[c, :, :] = jnp.concatenate(
            [w2[r][:, c * HF:(c + 1) * HF] for r in range(R)], axis=1)


def _w2cat(w2):
    return pl.pallas_call(
        _w2cat_body,
        out_shape=jax.ShapeDtypeStruct((NC, H, R * HF), jnp.float32),
    )(w2)


_BN = 1000


def _dense1_body(agg_ref, root1_ref, b1_ref, w2c_ref, root2_ref, b2_ref,
                 xw_ref, z_ref):
    a = agg_ref[...]
    h = jnp.concatenate([a[0], a[1]], axis=1) + root1_ref[...] + b1_ref[...]
    h = jnp.maximum(h, 0.0)
    w2c = w2c_ref[...]
    for c in range(NC):
        xw_ref[c, :, :] = jnp.dot(h, w2c[c],
                                  preferred_element_type=jnp.float32)
    z_ref[...] = (jnp.dot(h, root2_ref[...], preferred_element_type=jnp.float32)
                  + b2_ref[...])


def _dense1(agg1, root1, bias1, w2c, root2, bias2):
    grid = (N // _BN,)
    xw, z = pl.pallas_call(
        _dense1_body,
        grid=grid,
        in_specs=[
            pl.BlockSpec((NC, _BN, HF), lambda i: (0, i, 0)),
            pl.BlockSpec((_BN, H), lambda i: (i, 0)),
            pl.BlockSpec((1, H), lambda i: (0, 0)),
            pl.BlockSpec((NC, H, R * HF), lambda i: (0, 0, 0)),
            pl.BlockSpec((H, H), lambda i: (0, 0)),
            pl.BlockSpec((1, H), lambda i: (0, 0)),
        ],
        out_specs=[
            pl.BlockSpec((NC, _BN, R * HF), lambda i: (0, i, 0)),
            pl.BlockSpec((_BN, H), lambda i: (i, 0)),
        ],
        out_shape=[
            jax.ShapeDtypeStruct((NC, N, R * HF), jnp.float32),
            jax.ShapeDtypeStruct((N, H), jnp.float32),
        ],
    )(agg1, root1, bias1.reshape(1, H), w2c, root2, bias2.reshape(1, H))
    return xw, z


def _final_body(agg_ref, z_ref, lw_ref, lb_ref, o_ref):
    a = agg_ref[...]
    h2 = jnp.concatenate([a[0], a[1]], axis=1) + z_ref[...]
    h2 = jnp.maximum(h2, 0.0)
    o_ref[...] = (jnp.dot(h2, lw_ref[...], preferred_element_type=jnp.float32)
                  + lb_ref[...])


def _final(agg2, z, lin_w, lin_b):
    grid = (N // _BN,)
    return pl.pallas_call(
        _final_body,
        grid=grid,
        in_specs=[
            pl.BlockSpec((NC, _BN, HF), lambda i: (0, i, 0)),
            pl.BlockSpec((_BN, H), lambda i: (i, 0)),
            pl.BlockSpec((H, C), lambda i: (0, 0)),
            pl.BlockSpec((1, C), lambda i: (0, 0)),
        ],
        out_specs=pl.BlockSpec((_BN, C), lambda i: (i, 0)),
        out_shape=jax.ShapeDtypeStruct((N, C), jnp.float32),
    )(agg2, z, lin_w, lin_b.reshape(1, C))


def kernel(weight1, root1, bias1, weight2, root2, bias2, lin_w, lin_b,
           edge_index, edge_type):
    src = edge_index[0]
    dst = edge_index[1]
    gidx1, gidx2, key = _prep(src, dst, edge_type)

    enorm = _hist_norm(key)

    w1rows = _packw1(weight1.reshape(NR, H)).reshape(NR * NC, HF)
    agg1 = _conv_agg(w1rows, gidx1, dst, enorm)

    w2c = _w2cat(weight2)
    xw, z = _dense1(agg1, root1, bias1, w2c, root2, bias2)

    xwrows = xw.reshape(NC * N * R, HF)
    agg2 = _conv_agg(xwrows, gidx2, dst, enorm)
    return _final(agg2, z, lin_w, lin_b)

# --- scband reference (transcript-rebuilt; emitter-appended) ---
"""Pipeline reference for scband-rgcn-82025285419624 (READ-ONLY COPY).

The authoritative reference and input builder live on the scoring server;
editing this copy changes nothing except your own understanding.
"""

import jax, jax.numpy as jnp
import numpy as np

N = 100000
R = 8
H = 32
C = 16
E = 1600000


def setup_inputs(seed: int = 0) -> dict:
    key = jax.random.key(seed)
    ks = jax.random.split(key, 12)
    edge_index = jax.random.randint(ks[0], (2, E), 0, N, dtype=jnp.int32)
    edge_type = jax.random.randint(ks[1], (E,), 0, R, dtype=jnp.int32)
    # conv1: in_channels == num_nodes, x is None -> featureless (one-hot) nodes
    weight1 = jax.random.normal(ks[2], (R, N, H), dtype=jnp.float32) * 0.05
    root1 = jax.random.normal(ks[3], (N, H), dtype=jnp.float32) * 0.05
    bias1 = jnp.zeros((H,), dtype=jnp.float32)
    # conv2: hidden -> hidden
    weight2 = jax.random.normal(ks[4], (R, H, H), dtype=jnp.float32) * 0.1
    root2 = jax.random.normal(ks[5], (H, H), dtype=jnp.float32) * 0.1
    bias2 = jnp.zeros((H,), dtype=jnp.float32)
    # final linear
    lin_w = jax.random.normal(ks[6], (H, C), dtype=jnp.float32) * 0.1
    lin_b = jnp.zeros((C,), dtype=jnp.float32)
    return {
        'weight1': weight1, 'root1': root1, 'bias1': bias1,
        'weight2': weight2, 'root2': root2, 'bias2': bias2,
        'lin_w': lin_w, 'lin_b': lin_b,
        'edge_index': edge_index, 'edge_type': edge_type,
    }


def _rel_mean_agg(msg, dst, edge_type):
    # PyG RGCNConv default aggr='mean': per-(dst, relation) mean, summed over relations
    key = dst * R + edge_type
    cnt = jax.ops.segment_sum(jnp.ones((msg.shape[0],), jnp.float32), key, num_segments=N * R)
    c = cnt[key]
    norm = jnp.where(c > 0, 1.0 / jnp.maximum(c, 1.0), 0.0)
    return jax.ops.segment_sum(msg * norm[:, None], dst, num_segments=N)


def reference(weight1, root1, bias1, weight2, root2, bias2, lin_w, lin_b, edge_index, edge_type):
    src, dst = edge_index[0], edge_index[1]
    # ---- conv1 (x=None -> one-hot features: W_r x_j == weight1[r, j]) ----
    msg1 = weight1[edge_type, src]  # [E, H] gather over (relation, src-node)
    h = _rel_mean_agg(msg1, dst, edge_type) + root1 + bias1
    h = jax.nn.relu(h)
    # ---- conv2 ----
    xw = jnp.einsum('nd,rdo->nro', h, weight2)  # [N, R, H]
    msg2 = xw[src, edge_type]  # [E, H]
    h2 = _rel_mean_agg(msg2, dst, edge_type) + h @ root2 + bias2
    h2 = jax.nn.relu(h2)
    # ---- linear head ----
    out = h2 @ lin_w + lin_b
    return out

if __name__ == "__main__":
    import jax
    _d = setup_inputs()
    print(jax.jit(kernel)(*tuple(_d.values())))

</pallas_src>

<mosaic_0001>
#map = affine_map<(d0, d1) -> (0, 0)>
#map1 = affine_map<(d0, d1) -> (0)>
#map2 = affine_map<(d0, d1) -> (0, 0, 0)>
module attributes {stable_mosaic.version = 14 : i64} {
  func.func @_conv_body(%arg0: i32, %arg1: i32, %arg2: memref<1600000x16xf32, #tpu.memory_space<hbm>>, %arg3: memref<2x1600000xi32, #tpu.memory_space<hbm>>, %arg4: memref<1600000xi32, #tpu.memory_space<hbm>>, %arg5: memref<1600000xf32, #tpu.memory_space<hbm>>, %arg6: memref<2x100096x16xf32, #tpu.memory_space<hbm>>, %arg7: memref<100096x16xf32, #tpu.memory_space<vmem_shared>>, %arg8: memref<800xi32, #tpu.memory_space<vmem>>, %arg9: memref<800xi32, #tpu.memory_space<vmem>>, %arg10: memref<800xi32, #tpu.memory_space<vmem>>, %arg11: memref<800xi32, #tpu.memory_space<vmem>>, %arg12: memref<800xf32, #tpu.memory_space<vmem>>, %arg13: memref<800xf32, #tpu.memory_space<vmem>>, %arg14: memref<800x16xf32, #tpu.memory_space<vmem>>, %arg15: memref<800x16xf32, #tpu.memory_space<vmem>>, %arg16: memref<!tpu.dma_semaphore, #tpu.memory_space<semaphore_mem>>, %arg17: memref<!tpu.dma_semaphore, #tpu.memory_space<semaphore_mem>>) attributes {dimension_semantics = [#tpu.dimension_semantics<core_parallel>, #tpu.dimension_semantics<subcore_parallel>], iteration_bounds = array<i64: 2, 16>, scalar_prefetch = 0 : i64, scratch_operands = 11 : i64, tpu.core_type = #tpu.core_type<sc_vector_subcore>, window_params = [{transform_indices = #map}, {transform_indices = #map}, {transform_indices = #map1}, {transform_indices = #map1}, {transform_indices = #map2}]} {
    %broadcast_in_dim3A = arith.constant 0.000000e+00 : f32
    %broadcast_in_dim3A_0 = vector.broadcast %broadcast_in_dim3A : f32 to vector<16xf32>
    %parallel_loop3A = arith.constant 0 : i32
    %parallel_loop3A_1 = arith.constant 800 : i32
    %parallel_loop3A_2 = arith.constant 1 : i32
    scf.for %parallel_loop3A_47 = %parallel_loop3A to %parallel_loop3A_1 step %parallel_loop3A_2  : i32 {
      %parallel_loop3A_48 = arith.index_cast %parallel_loop3A_47 : i32 to index
      %parallel_loop3A_49 = arith.constant 0 : index
      %parallel_loop3A_50 = tpu.vector_load %arg14[%parallel_loop3A_48, %parallel_loop3A_49] {strides = array<i32>} : memref<800x16xf32, #tpu.memory_space<vmem>>, vector<16xf32>,
      tpu.vector_store %arg14[%parallel_loop3A_48, %parallel_loop3A_49], %broadcast_in_dim3A_0 {strides = array<i32>} : memref<800x16xf32, #tpu.memory_space<vmem>>, vector<16xf32>,
    } {sc.loop_unroll_factor = 8 : i64, sc.parallel_access}
    %mul3A = arith.constant 6256 : i32
    %mul3A_3 = arith.muli %arg1, %mul3A : i32
    %scan3A = arith.constant 0 : i32
    %scan3A_4 = arith.constant 0 : i32
    %scan3A_5 = arith.constant 7 : i32
    %scan3A_6 = arith.addi %scan3A_4, %scan3A_5 : i32
    %scan3A_7 = arith.constant 1 : i32
    %scan3A_8 = scf.for %scan3A_47 = %scan3A_4 to %scan3A_6 step %scan3A_7 iter_args(%scan3A_48 = %scan3A) -> (i32)  : i32 {
      %mul3A_49 = arith.constant 800 : i32
      %mul3A_50 = arith.muli %scan3A_47, %mul3A_49 : i32
      %add3A_51 = arith.addi %mul3A_3, %mul3A_50 : i32
      "tpu.region"() ({
        %run_scoped3A = tpu.sem_alloc : memref<!tpu.dma_semaphore, #tpu.memory_space<semaphore_mem>>
        %dma_start3A_53 = arith.constant 0 : i32
        %dma_start3A_54 = tpu.memref_slice %arg7[%add3A_51, %dma_start3A_53] : memref<100096x16xf32, #tpu.memory_space<vmem_shared>> -> memref<800x16xf32, #tpu.memory_space<vmem_shared>>
        %dma_start3A_55 = arith.constant 0 : i32
        %dma_start3A_56 = tpu.memref_slice %arg7[%add3A_51, %dma_start3A_55] : memref<100096x16xf32, #tpu.memory_space<vmem_shared>> -> memref<800x16xf32, #tpu.memory_space<vmem_shared>>
        tpu.enqueue_dma source(%arg14 : memref<800x16xf32, #tpu.memory_space<vmem>>) target(%dma_start3A_56 : memref<800x16xf32, #tpu.memory_space<vmem_shared>>) target_semaphore(%run_scoped3A : memref<!tpu.dma_semaphore, #tpu.memory_space<semaphore_mem>>)
        %dma_wait3A_57 = arith.constant 0 : i32
        %dma_wait3A_58 = tpu.memref_slice %arg7[%add3A_51, %dma_wait3A_57] : memref<100096x16xf32, #tpu.memory_space<vmem_shared>> -> memref<800x16xf32, #tpu.memory_space<vmem_shared>>
        %dma_wait3A_59 = arith.constant 0 : i32
        %dma_wait3A_60 = tpu.memref_slice %arg7[%add3A_51, %dma_wait3A_59] : memref<100096x16xf32, #tpu.memory_space<vmem_shared>> -> memref<800x16xf32, #tpu.memory_space<vmem_shared>>
        tpu.wait_dma2 semaphore(%run_scoped3A : memref<!tpu.dma_semaphore, #tpu.memory_space<semaphore_mem>>) src(%arg14 : memref<800x16xf32, #tpu.memory_space<vmem>>) dst(%dma_wait3A_60 : memref<800x16xf32, #tpu.memory_space<vmem_shared>>)
        tpu.yield
      }) : () -> ()
      %scan3A_52 = arith.constant 0 : i32
      scf.yield %scan3A_52 : i32
    }
    %scan3A_9 = arith.constant 7 : i32
    %add3A = arith.constant 5600 : i32
    %add3A_10 = arith.addi %mul3A_3, %add3A : i32
    "tpu.region"() ({
      %run_scoped3A = tpu.sem_alloc : memref<!tpu.dma_semaphore, #tpu.memory_space<semaphore_mem>>
      %dma_start3A_47 = arith.constant 0 : i32
      %dma_start3A_48 = arith.constant 0 : i32
      %dma_start3A_49 = tpu.memref_slice %arg14[%dma_start3A_47, %dma_start3A_48] : memref<800x16xf32, #tpu.memory_space<vmem>> -> memref<656x16xf32, #tpu.memory_space<vmem>>
      %dma_start3A_50 = arith.constant 0 : i32
      %dma_start3A_51 = tpu.memref_slice %arg7[%add3A_10, %dma_start3A_50] : memref<100096x16xf32, #tpu.memory_space<vmem_shared>> -> memref<656x16xf32, #tpu.memory_space<vmem_shared>>
      %dma_start3A_52 = arith.constant 0 : i32
      %dma_start3A_53 = tpu.memref_slice %arg7[%add3A_10, %dma_start3A_52] : memref<100096x16xf32, #tpu.memory_space<vmem_shared>> -> memref<656x16xf32, #tpu.memory_space<vmem_shared>>
      %dma_start3A_54 = arith.constant 0 : i32
      %dma_start3A_55 = arith.constant 0 : i32
      %dma_start3A_56 = tpu.memref_slice %arg14[%dma_start3A_54, %dma_start3A_55] : memref<800x16xf32, #tpu.memory_space<vmem>> -> memref<656x16xf32, #tpu.memory_space<vmem>>
      tpu.enqueue_dma source(%dma_start3A_56 : memref<656x16xf32, #tpu.memory_space<vmem>>) target(%dma_start3A_53 : memref<656x16xf32, #tpu.memory_space<vmem_shared>>) target_semaphore(%run_scoped3A : memref<!tpu.dma_semaphore, #tpu.memory_space<semaphore_mem>>)
      %dma_wait3A_57 = arith.constant 0 : i32
      %dma_wait3A_58 = arith.constant 0 : i32
      %dma_wait3A_59 = tpu.memref_slice %arg14[%dma_wait3A_57, %dma_wait3A_58] : memref<800x16xf32, #tpu.memory_space<vmem>> -> memref<656x16xf32, #tpu.memory_space<vmem>>
      %dma_wait3A_60 = arith.constant 0 : i32
      %dma_wait3A_61 = tpu.memref_slice %arg7[%add3A_10, %dma_wait3A_60] : memref<100096x16xf32, #tpu.memory_space<vmem_shared>> -> memref<656x16xf32, #tpu.memory_space<vmem_shared>>
      %dma_wait3A_62 = arith.constant 0 : i32
      %dma_wait3A_63 = tpu.memref_slice %arg7[%add3A_10, %dma_wait3A_62] : memref<100096x16xf32, #tpu.memory_space<vmem_shared>> -> memref<656x16xf32, #tpu.memory_space<vmem_shared>>
      %dma_wait3A_64 = arith.constant 0 : i32
      %dma_wait3A_65 = arith.constant 0 : i32
      %dma_wait3A_66 = tpu.memref_slice %arg14[%dma_wait3A_64, %dma_wait3A_65] : memref<800x16xf32, #tpu.memory_space<vmem>> -> memref<656x16xf32, #tpu.memory_space<vmem>>
      tpu.wait_dma2 semaphore(%run_scoped3A : memref<!tpu.dma_semaphore, #tpu.memory_space<semaphore_mem>>) src(%dma_wait3A_66 : memref<656x16xf32, #tpu.memory_space<vmem>>) dst(%dma_wait3A_63 : memref<656x16xf32, #tpu.memory_space<vmem_shared>>)
      tpu.yield
    }) : () -> ()
    %barrier3A = arith.constant 0 : index
    tpu.barrier barrier_id(%barrier3A)
    %mul3A_11 = arith.constant 100000 : i32
    %mul3A_12 = arith.muli %arg1, %mul3A_11 : i32
    %add3A_13 = arith.constant 0 : i32
    %add3A_14 = arith.addi %mul3A_12, %add3A_13 : i32
    %multiple_of3A = tpu.assume_multiple %add3A_14, 8 : i32
    "tpu.region"() ({
      %run_scoped3A = tpu.sem_alloc : memref<!tpu.dma_semaphore, #tpu.memory_space<semaphore_mem>>
      %dma_start3A_47 = arith.constant 0 : i32
      %dma_start3A_48 = tpu.memref_slice %arg3[%arg0, %dma_start3A_47] : memref<2x1600000xi32, #tpu.memory_space<hbm>> -> memref<1x1600000xi32, #tpu.memory_space<hbm>>
      %dma_start3A_49 = tpu.memref_squeeze %dma_start3A_48 : memref<1x1600000xi32, #tpu.memory_space<hbm>> -> memref<1600000xi32, #tpu.memory_space<hbm>>
      %dma_start3A_50 = tpu.memref_slice %dma_start3A_49[%multiple_of3A] : memref<1600000xi32, #tpu.memory_space<hbm>> -> memref<800xi32, #tpu.memory_space<hbm>>
      %dma_start3A_51 = arith.constant 0 : i32
      %dma_start3A_52 = tpu.memref_slice %arg3[%arg0, %dma_start3A_51] : memref<2x1600000xi32, #tpu.memory_space<hbm>> -> memref<1x1600000xi32, #tpu.memory_space<hbm>>
      %dma_start3A_53 = tpu.memref_squeeze %dma_start3A_52 : memref<1x1600000xi32, #tpu.memory_space<hbm>> -> memref<1600000xi32, #tpu.memory_space<hbm>>
      %dma_start3A_54 = tpu.memref_slice %dma_start3A_53[%multiple_of3A] : memref<1600000xi32, #tpu.memory_space<hbm>> -> memref<800xi32, #tpu.memory_space<hbm>>
      tpu.enqueue_dma source(%dma_start3A_54 : memref<800xi32, #tpu.memory_space<hbm>>) target(%arg8 : memref<800xi32, #tpu.memory_space<vmem>>) target_semaphore(%run_scoped3A : memref<!tpu.dma_semaphore, #tpu.memory_space<semaphore_mem>>)
      %dma_wait3A_55 = arith.constant 0 : i32
      %dma_wait3A_56 = tpu.memref_slice %arg3[%arg0, %dma_wait3A_55] : memref<2x1600000xi32, #tpu.memory_space<hbm>> -> memref<1x1600000xi32, #tpu.memory_space<hbm>>
      %dma_wait3A_57 = tpu.memref_squeeze %dma_wait3A_56 : memref<1x1600000xi32, #tpu.memory_space<hbm>> -> memref<1600000xi32, #tpu.memory_space<hbm>>
      %dma_wait3A_58 = tpu.memref_slice %dma_wait3A_57[%multiple_of3A] : memref<1600000xi32, #tpu.memory_space<hbm>> -> memref<800xi32, #tpu.memory_space<hbm>>
      %dma_wait3A_59 = arith.constant 0 : i32
      %dma_wait3A_60 = tpu.memref_slice %arg3[%arg0, %dma_wait3A_59] : memref<2x1600000xi32, #tpu.memory_space<hbm>> -> memref<1x1600000xi32, #tpu.memory_space<hbm>>
      %dma_wait3A_61 = tpu.memref_squeeze %dma_wait3A_60 : memref<1x1600000xi32, #tpu.memory_space<hbm>> -> memref<1600000xi32, #tpu.memory_space<hbm>>
      %dma_wait3A_62 = tpu.memref_slice %dma_wait3A_61[%multiple_of3A] : memref<1600000xi32, #tpu.memory_space<hbm>> -> memref<800xi32, #tpu.memory_space<hbm>>
      tpu.wait_dma2 semaphore(%run_scoped3A : memref<!tpu.dma_semaphore, #tpu.memory_space<semaphore_mem>>) src(%dma_wait3A_62 : memref<800xi32, #tpu.memory_space<hbm>>) dst(%arg8 : memref<800xi32, #tpu.memory_space<vmem>>)
      tpu.yield
    }) : () -> ()
    "tpu.region"() ({
      %run_scoped3A = tpu.sem_alloc : memref<!tpu.dma_semaphore, #tpu.memory_space<semaphore_mem>>
      %dma_start3A_47 = tpu.memref_slice %arg4[%multiple_of3A] : memref<1600000xi32, #tpu.memory_space<hbm>> -> memref<800xi32, #tpu.memory_space<hbm>>
      %dma_start3A_48 = tpu.memref_slice %arg4[%multiple_of3A] : memref<1600000xi32, #tpu.memory_space<hbm>> -> memref<800xi32, #tpu.memory_space<hbm>>
      tpu.enqueue_dma source(%dma_start3A_48 : memref<800xi32, #tpu.memory_space<hbm>>) target(%arg10 : memref<800xi32, #tpu.memory_space<vmem>>) target_semaphore(%run_scoped3A : memref<!tpu.dma_semaphore, #tpu.memory_space<semaphore_mem>>)
      %dma_wait3A_49 = tpu.memref_slice %arg4[%multiple_of3A] : memref<1600000xi32, #tpu.memory_space<hbm>> -> memref<800xi32, #tpu.memory_space<hbm>>
      %dma_wait3A_50 = tpu.memref_slice %arg4[%multiple_of3A] : memref<1600000xi32, #tpu.memory_space<hbm>> -> memref<800xi32, #tpu.memory_space<hbm>>
      tpu.wait_dma2 semaphore(%run_scoped3A : memref<!tpu.dma_semaphore, #tpu.memory_space<semaphore_mem>>) src(%dma_wait3A_50 : memref<800xi32, #tpu.memory_space<hbm>>) dst(%arg10 : memref<800xi32, #tpu.memory_space<vmem>>)
      tpu.yield
    }) : () -> ()
    "tpu.region"() ({
      %run_scoped3A = tpu.sem_alloc : memref<!tpu.dma_semaphore, #tpu.memory_space<semaphore_mem>>
      %dma_start3A_47 = tpu.memref_slice %arg5[%multiple_of3A] : memref<1600000xf32, #tpu.memory_space<hbm>> -> memref<800xf32, #tpu.memory_space<hbm>>
      %dma_start3A_48 = tpu.memref_slice %arg5[%multiple_of3A] : memref<1600000xf32, #tpu.memory_space<hbm>> -> memref<800xf32, #tpu.memory_space<hbm>>
      tpu.enqueue_dma source(%dma_start3A_48 : memref<800xf32, #tpu.memory_space<hbm>>) target(%arg12 : memref<800xf32, #tpu.memory_space<vmem>>) target_semaphore(%run_scoped3A : memref<!tpu.dma_semaphore, #tpu.memory_space<semaphore_mem>>)
      %dma_wait3A_49 = tpu.memref_slice %arg5[%multiple_of3A] : memref<1600000xf32, #tpu.memory_space<hbm>> -> memref<800xf32, #tpu.memory_space<hbm>>
      %dma_wait3A_50 = tpu.memref_slice %arg5[%multiple_of3A] : memref<1600000xf32, #tpu.memory_space<hbm>> -> memref<800xf32, #tpu.memory_space<hbm>>
      tpu.wait_dma2 semaphore(%run_scoped3A : memref<!tpu.dma_semaphore, #tpu.memory_space<semaphore_mem>>) src(%dma_wait3A_50 : memref<800xf32, #tpu.memory_space<hbm>>) dst(%arg12 : memref<800xf32, #tpu.memory_space<vmem>>)
      tpu.yield
    }) : () -> ()
    %dma_start3A = arith.constant 0 : i32
    %dma_start3A_15 = arith.constant 0 : i32
    %dma_start3A_16 = tpu.memref_slice %arg2[%dma_start3A, %dma_start3A_15] : memref<1600000x16xf32, #tpu.memory_space<hbm>> -> memref<1600000x16xf32, #tpu.memory_space<hbm>>
    tpu.enqueue_indirect_dma source(%dma_start3A_16 : memref<1600000x16xf32, #tpu.memory_space<hbm>>) target(%arg14 : memref<800x16xf32, #tpu.memory_space<vmem>>) offsets(%arg8 : memref<800xi32, #tpu.memory_space<vmem>>) semaphore(%arg16 : memref<!tpu.dma_semaphore, #tpu.memory_space<semaphore_mem>>)
    %mul3A_17 = arith.constant 100000 : i32
    %mul3A_18 = arith.muli %arg1, %mul3A_17 : i32
    %add3A_19 = arith.constant 800 : i32
    %add3A_20 = arith.addi %mul3A_18, %add3A_19 : i32
    %multiple_of3A_21 = tpu.assume_multiple %add3A_20, 8 : i32
    "tpu.region"() ({
      %run_scoped3A = tpu.sem_alloc : memref<!tpu.dma_semaphore, #tpu.memory_space<semaphore_mem>>
      %dma_start3A_47 = arith.constant 0 : i32
      %dma_start3A_48 = tpu.memref_slice %arg3[%arg0, %dma_start3A_47] : memref<2x1600000xi32, #tpu.memory_space<hbm>> -> memref<1x1600000xi32, #tpu.memory_space<hbm>>
      %dma_start3A_49 = tpu.memref_squeeze %dma_start3A_48 : memref<1x1600000xi32, #tpu.memory_space<hbm>> -> memref<1600000xi32, #tpu.memory_space<hbm>>
      %dma_start3A_50 = tpu.memref_slice %dma_start3A_49[%multiple_of3A_21] : memref<1600000xi32, #tpu.memory_space<hbm>> -> memref<800xi32, #tpu.memory_space<hbm>>
      %dma_start3A_51 = arith.constant 0 : i32
      %dma_start3A_52 = tpu.memref_slice %arg3[%arg0, %dma_start3A_51] : memref<2x1600000xi32, #tpu.memory_space<hbm>> -> memref<1x1600000xi32, #tpu.memory_space<hbm>>
      %dma_start3A_53 = tpu.memref_squeeze %dma_start3A_52 : memref<1x1600000xi32, #tpu.memory_space<hbm>> -> memref<1600000xi32, #tpu.memory_space<hbm>>
      %dma_start3A_54 = tpu.memref_slice %dma_start3A_53[%multiple_of3A_21] : memref<1600000xi32, #tpu.memory_space<hbm>> -> memref<800xi32, #tpu.memory_space<hbm>>
      tpu.enqueue_dma source(%dma_start3A_54 : memref<800xi32, #tpu.memory_space<hbm>>) target(%arg9 : memref<800xi32, #tpu.memory_space<vmem>>) target_semaphore(%run_scoped3A : memref<!tpu.dma_semaphore, #tpu.memory_space<semaphore_mem>>)
      %dma_wait3A_55 = arith.constant 0 : i32
      %dma_wait3A_56 = tpu.memref_slice %arg3[%arg0, %dma_wait3A_55] : memref<2x1600000xi32, #tpu.memory_space<hbm>> -> memref<1x1600000xi32, #tpu.memory_space<hbm>>
      %dma_wait3A_57 = tpu.memref_squeeze %dma_wait3A_56 : memref<1x1600000xi32, #tpu.memory_space<hbm>> -> memref<1600000xi32, #tpu.memory_space<hbm>>
      %dma_wait3A_58 = tpu.memref_slice %dma_wait3A_57[%multiple_of3A_21] : memref<1600000xi32, #tpu.memory_space<hbm>> -> memref<800xi32, #tpu.memory_space<hbm>>
      %dma_wait3A_59 = arith.constant 0 : i32
      %dma_wait3A_60 = tpu.memref_slice %arg3[%arg0, %dma_wait3A_59] : memref<2x1600000xi32, #tpu.memory_space<hbm>> -> memref<1x1600000xi32, #tpu.memory_space<hbm>>
      %dma_wait3A_61 = tpu.memref_squeeze %dma_wait3A_60 : memref<1x1600000xi32, #tpu.memory_space<hbm>> -> memref<1600000xi32, #tpu.memory_space<hbm>>
      %dma_wait3A_62 = tpu.memref_slice %dma_wait3A_61[%multiple_of3A_21] : memref<1600000xi32, #tpu.memory_space<hbm>> -> memref<800xi32, #tpu.memory_space<hbm>>
      tpu.wait_dma2 semaphore(%run_scoped3A : memref<!tpu.dma_semaphore, #tpu.memory_space<semaphore_mem>>) src(%dma_wait3A_62 : memref<800xi32, #tpu.memory_space<hbm>>) dst(%arg9 : memref<800xi32, #tpu.memory_space<vmem>>)
      tpu.yield
    }) : () -> ()
    "tpu.region"() ({
      %run_scoped3A = tpu.sem_alloc : memref<!tpu.dma_semaphore, #tpu.memory_space<semaphore_mem>>
      %dma_start3A_47 = tpu.memref_slice %arg4[%multiple_of3A_21] : memref<1600000xi32, #tpu.memory_space<hbm>> -> memref<800xi32, #tpu.memory_space<hbm>>
      %dma_start3A_48 = tpu.memref_slice %arg4[%multiple_of3A_21] : memref<1600000xi32, #tpu.memory_space<hbm>> -> memref<800xi32, #tpu.memory_space<hbm>>
      tpu.enqueue_dma source(%dma_start3A_48 : memref<800xi32, #tpu.memory_space<hbm>>) target(%arg11 : memref<800xi32, #tpu.memory_space<vmem>>) target_semaphore(%run_scoped3A : memref<!tpu.dma_semaphore, #tpu.memory_space<semaphore_mem>>)
      %dma_wait3A_49 = tpu.memref_slice %arg4[%multiple_of3A_21] : memref<1600000xi32, #tpu.memory_space<hbm>> -> memref<800xi32, #tpu.memory_space<hbm>>
      %dma_wait3A_50 = tpu.memref_slice %arg4[%multiple_of3A_21] : memref<1600000xi32, #tpu.memory_space<hbm>> -> memref<800xi32, #tpu.memory_space<hbm>>
      tpu.wait_dma2 semaphore(%run_scoped3A : memref<!tpu.dma_semaphore, #tpu.memory_space<semaphore_mem>>) src(%dma_wait3A_50 : memref<800xi32, #tpu.memory_space<hbm>>) dst(%arg11 : memref<800xi32, #tpu.memory_space<vmem>>)
      tpu.yield
    }) : () -> ()
    "tpu.region"() ({
      %run_scoped3A = tpu.sem_alloc : memref<!tpu.dma_semaphore, #tpu.memory_space<semaphore_mem>>
      %dma_start3A_47 = tpu.memref_slice %arg5[%multiple_of3A_21] : memref<1600000xf32, #tpu.memory_space<hbm>> -> memref<800xf32, #tpu.memory_space<hbm>>
      %dma_start3A_48 = tpu.memref_slice %arg5[%multiple_of3A_21] : memref<1600000xf32, #tpu.memory_space<hbm>> -> memref<800xf32, #tpu.memory_space<hbm>>
      tpu.enqueue_dma source(%dma_start3A_48 : memref<800xf32, #tpu.memory_space<hbm>>) target(%arg13 : memref<800xf32, #tpu.memory_space<vmem>>) target_semaphore(%run_scoped3A : memref<!tpu.dma_semaphore, #tpu.memory_space<semaphore_mem>>)
      %dma_wait3A_49 = tpu.memref_slice %arg5[%multiple_of3A_21] : memref<1600000xf32, #tpu.memory_space<hbm>> -> memref<800xf32, #tpu.memory_space<hbm>>
      %dma_wait3A_50 = tpu.memref_slice %arg5[%multiple_of3A_21] : memref<1600000xf32, #tpu.memory_space<hbm>> -> memref<800xf32, #tpu.memory_space<hbm>>
      tpu.wait_dma2 semaphore(%run_scoped3A : memref<!tpu.dma_semaphore, #tpu.memory_space<semaphore_mem>>) src(%dma_wait3A_50 : memref<800xf32, #tpu.memory_space<hbm>>) dst(%arg13 : memref<800xf32, #tpu.memory_space<vmem>>)
      tpu.yield
    }) : () -> ()
    %dma_start3A_22 = arith.constant 0 : i32
    %dma_start3A_23 = arith.constant 0 : i32
    %dma_start3A_24 = tpu.memref_slice %arg2[%dma_start3A_22, %dma_start3A_23] : memref<1600000x16xf32, #tpu.memory_space<hbm>> -> memref<1600000x16xf32, #tpu.memory_space<hbm>>
    tpu.enqueue_indirect_dma source(%dma_start3A_24 : memref<1600000x16xf32, #tpu.memory_space<hbm>>) target(%arg15 : memref<800x16xf32, #tpu.memory_space<vmem>>) offsets(%arg9 : memref<800xi32, #tpu.memory_space<vmem>>) semaphore(%arg17 : memref<!tpu.dma_semaphore, #tpu.memory_space<semaphore_mem>>)
    %scan3A_25 = arith.constant 0 : i32
    %scan3A_26 = arith.constant 0 : i32
    %scan3A_27 = arith.constant 62 : i32
    %scan3A_28 = arith.addi %scan3A_26, %scan3A_27 : i32
    %scan3A_29 = arith.constant 1 : i32
    %scan3A_30 = scf.for %scan3A_47 = %scan3A_26 to %scan3A_28 step %scan3A_29 iter_args(%scan3A_48 = %scan3A_25) -> (i32)  : i32 {
      %mul3A_49 = arith.constant 2 : i32
      %mul3A_50 = arith.muli %mul3A_49, %scan3A_47 : i32
      %add3A_51 = arith.constant 0 : i32
      %add3A_52 = arith.addi %mul3A_50, %add3A_51 : i32
      %dma_wait3A_53 = arith.constant 0 : i32
      %dma_wait3A_54 = arith.constant 0 : i32
      %dma_wait3A_55 = tpu.memref_slice %arg2[%dma_wait3A_53, %dma_wait3A_54] : memref<1600000x16xf32, #tpu.memory_space<hbm>> -> memref<1600000x16xf32, #tpu.memory_space<hbm>>
      tpu.wait_indirect_dma semaphore(%arg16 : memref<!tpu.dma_semaphore, #tpu.memory_space<semaphore_mem>>) src(%dma_wait3A_55 : memref<1600000x16xf32, #tpu.memory_space<hbm>>) dst(%arg14 : memref<800x16xf32, #tpu.memory_space<vmem>>)
      %parallel_loop3A_56 = arith.constant 0 : i32
      %parallel_loop3A_57 = arith.constant 800 : i32
      %parallel_loop3A_58 = arith.constant 1 : i32
      scf.for %parallel_loop3A_81 = %parallel_loop3A_56 to %parallel_loop3A_57 step %parallel_loop3A_58  : i32 {
        %parallel_loop3A_82 = vector.broadcast %parallel_loop3A_81 : i32 to vector<16xi32>
        %parallel_loop3A_83 = tpu.vector_load_idx %arg12[%parallel_loop3A_82] : memref<800xf32, #tpu.memory_space<vmem>>[vector<16xi32>], vector<16xf32>,
        %parallel_loop3A_84 = arith.index_cast %parallel_loop3A_81 : i32 to index
        %parallel_loop3A_85 = arith.constant 0 : index
        %parallel_loop3A_86 = tpu.vector_load %arg14[%parallel_loop3A_84, %parallel_loop3A_85] {strides = array<i32>} : memref<800x16xf32, #tpu.memory_space<vmem>>, vector<16xf32>,
        %parallel_loop3A_87 = arith.mulf %parallel_loop3A_86, %parallel_loop3A_83 : vector<16xf32>
        %parallel_loop3A_88 = arith.index_cast %parallel_loop3A_81 : i32 to index
        %parallel_loop3A_89 = arith.constant 0 : index
        %parallel_loop3A_90 = tpu.vector_load %arg14[%parallel_loop3A_88, %parallel_loop3A_89] {strides = array<i32>} : memref<800x16xf32, #tpu.memory_space<vmem>>, vector<16xf32>,
        tpu.vector_store %arg14[%parallel_loop3A_88, %parallel_loop3A_89], %parallel_loop3A_87 {strides = array<i32>} : memref<800x16xf32, #tpu.memory_space<vmem>>, vector<16xf32>,
      } {sc.loop_unroll_factor = 8 : i64, sc.parallel_access}
      "tpu.region"() ({
        %run_scoped3A = tpu.sem_alloc : memref<!tpu.dma_semaphore, #tpu.memory_space<semaphore_mem>>
        %dma_start3A_81 = arith.constant 0 : i32
        %dma_start3A_82 = arith.constant 0 : i32
        %dma_start3A_83 = tpu.memref_slice %arg7[%dma_start3A_81, %dma_start3A_82] : memref<100096x16xf32, #tpu.memory_space<vmem_shared>> -> memref<100096x16xf32, #tpu.memory_space<vmem_shared>>
        tpu.enqueue_indirect_dma source(%arg14 : memref<800x16xf32, #tpu.memory_space<vmem>>) target(%dma_start3A_83 : memref<100096x16xf32, #tpu.memory_space<vmem_shared>>) offsets(%arg10 : memref<800xi32, #tpu.memory_space<vmem>>) semaphore(%run_scoped3A : memref<!tpu.dma_semaphore, #tpu.memory_space<semaphore_mem>>) {add = true}
        %dma_wait3A_84 = arith.constant 0 : i32
        %dma_wait3A_85 = arith.constant 0 : i32
        %dma_wait3A_86 = tpu.memref_slice %arg7[%dma_wait3A_84, %dma_wait3A_85] : memref<100096x16xf32, #tpu.memory_space<vmem_shared>> -> memref<100096x16xf32, #tpu.memory_space<vmem_shared>>
        tpu.wait_indirect_dma semaphore(%run_scoped3A : memref<!tpu.dma_semaphore, #tpu.memory_space<semaphore_mem>>) src(%arg14 : memref<800x16xf32, #tpu.memory_space<vmem>>) dst(%dma_wait3A_86 : memref<100096x16xf32, #tpu.memory_space<vmem_shared>>)
        tpu.yield
      }) : () -> ()
      %add3A_59 = arith.constant 2 : i32
      %add3A_60 = arith.addi %add3A_52, %add3A_59 : i32
      %lt3A = arith.constant 125 : i32
      %lt3A_61 = arith.cmpi slt, %add3A_60, %lt3A : i32
      %convert_element_type3A = arith.extui %lt3A_61 : i1 to i32
      %cond3A = arith.constant 0 : i32
      %cond3A_62 = arith.cmpi ne, %convert_element_type3A, %cond3A : i32
      scf.if %cond3A_62 {
        %add3A_81 = arith.constant 2 : i32
        %add3A_82 = arith.addi %add3A_52, %add3A_81 : i32
        %mul3A_83 = arith.constant 100000 : i32
        %mul3A_84 = arith.muli %arg1, %mul3A_83 : i32
        %mul3A_85 = arith.constant 800 : i32
        %mul3A_86 = arith.muli %add3A_82, %mul3A_85 : i32
        %add3A_87 = arith.addi %mul3A_84, %mul3A_86 : i32
        %multiple_of3A_88 = tpu.assume_multiple %add3A_87, 8 : i32
        "tpu.region"() ({
          %run_scoped3A = tpu.sem_alloc : memref<!tpu.dma_semaphore, #tpu.memory_space<semaphore_mem>>
          %dma_start3A_92 = arith.constant 0 : i32
          %dma_start3A_93 = tpu.memref_slice %arg3[%arg0, %dma_start3A_92] : memref<2x1600000xi32, #tpu.memory_space<hbm>> -> memref<1x1600000xi32, #tpu.memory_space<hbm>>
          %dma_start3A_94 = tpu.memref_squeeze %dma_start3A_93 : memref<1x1600000xi32, #tpu.memory_space<hbm>> -> memref<1600000xi32, #tpu.memory_space<hbm>>
          %dma_start3A_95 = tpu.memref_slice %dma_start3A_94[%multiple_of3A_88] : memref<1600000xi32, #tpu.memory_space<hbm>> -> memref<800xi32, #tpu.memory_space<hbm>>
          %dma_start3A_96 = arith.constant 0 : i32
          %dma_start3A_97 = tpu.memref_slice %arg3[%arg0, %dma_start3A_96] : memref<2x1600000xi32, #tpu.memory_space<hbm>> -> memref<1x1600000xi32, #tpu.memory_space<hbm>>
          %dma_start3A_98 = tpu.memref_squeeze %dma_start3A_97 : memref<1x1600000xi32, #tpu.memory_space<hbm>> -> memref<1600000xi32, #tpu.memory_space<hbm>>
          %dma_start3A_99 = tpu.memref_slice %dma_start3A_98[%multiple_of3A_88] : memref<1600000xi32, #tpu.memory_space<hbm>> -> memref<800xi32, #tpu.memory_space<hbm>>
          tpu.enqueue_dma source(%dma_start3A_99 : memref<800xi32, #tpu.memory_space<hbm>>) target(%arg8 : memref<800xi32, #tpu.memory_space<vmem>>) target_semaphore(%run_scoped3A : memref<!tpu.dma_semaphore, #tpu.memory_space<semaphore_mem>>)
          %dma_wait3A_100 = arith.constant 0 : i32
          %dma_wait3A_101 = tpu.memref_slice %arg3[%arg0, %dma_wait3A_100] : memref<2x1600000xi32, #tpu.memory_space<hbm>> -> memref<1x1600000xi32, #tpu.memory_space<hbm>>
          %dma_wait3A_102 = tpu.memref_squeeze %dma_wait3A_101 : memref<1x1600000xi32, #tpu.memory_space<hbm>> -> memref<1600000xi32, #tpu.memory_space<hbm>>
          %dma_wait3A_103 = tpu.memref_slice %dma_wait3A_102[%multiple_of3A_88] : memref<1600000xi32, #tpu.memory_space<hbm>> -> memref<800xi32, #tpu.memory_space<hbm>>
          %dma_wait3A_104 = arith.constant 0 : i32
          %dma_wait3A_105 = tpu.memref_slice %arg3[%arg0, %dma_wait3A_104] : memref<2x1600000xi32, #tpu.memory_space<hbm>> -> memref<1x1600000xi32, #tpu.memory_space<hbm>>
          %dma_wait3A_106 = tpu.memref_squeeze %dma_wait3A_105 : memref<1x1600000xi32, #tpu.memory_space<hbm>> -> memref<1600000xi32, #tpu.memory_space<hbm>>
          %dma_wait3A_107 = tpu.memref_slice %dma_wait3A_106[%multiple_of3A_88] : memref<1600000xi32, #tpu.memory_space<hbm>> -> memref<800xi32, #tpu.memory_space<hbm>>
          tpu.wait_dma2 semaphore(%run_scoped3A : memref<!tpu.dma_semaphore, #tpu.memory_space<semaphore_mem>>) src(%dma_wait3A_107 : memref<800xi32, #tpu.memory_space<hbm>>) dst(%arg8 : memref<800xi32, #tpu.memory_space<vmem>>)
          tpu.yield
        }) : () -> ()
        "tpu.region"() ({
          %run_scoped3A = tpu.sem_alloc : memref<!tpu.dma_semaphore, #tpu.memory_space<semaphore_mem>>
          %dma_start3A_92 = tpu.memref_slice %arg4[%multiple_of3A_88] : memref<1600000xi32, #tpu.memory_space<hbm>> -> memref<800xi32, #tpu.memory_space<hbm>>
          %dma_start3A_93 = tpu.memref_slice %arg4[%multiple_of3A_88] : memref<1600000xi32, #tpu.memory_space<hbm>> -> memref<800xi32, #tpu.memory_space<hbm>>
          tpu.enqueue_dma source(%dma_start3A_93 : memref<800xi32, #tpu.memory_space<hbm>>) target(%arg10 : memref<800xi32, #tpu.memory_space<vmem>>) target_semaphore(%run_scoped3A : memref<!tpu.dma_semaphore, #tpu.memory_space<semaphore_mem>>)
          %dma_wait3A_94 = tpu.memref_slice %arg4[%multiple_of3A_88] : memref<1600000xi32, #tpu.memory_space<hbm>> -> memref<800xi32, #tpu.memory_space<hbm>>
          %dma_wait3A_95 = tpu.memref_slice %arg4[%multiple_of3A_88] : memref<1600000xi32, #tpu.memory_space<hbm>> -> memref<800xi32, #tpu.memory_space<hbm>>
          tpu.wait_dma2 semaphore(%run_scoped3A : memref<!tpu.dma_semaphore, #tpu.memory_space<semaphore_mem>>) src(%dma_wait3A_95 : memref<800xi32, #tpu.memory_space<hbm>>) dst(%arg10 : memref<800xi32, #tpu.memory_space<vmem>>)
          tpu.yield
        }) : () -> ()
        "tpu.region"() ({
          %run_scoped3A = tpu.sem_alloc : memref<!tpu.dma_semaphore, #tpu.memory_space<semaphore_mem>>
          %dma_start3A_92 = tpu.memref_slice %arg5[%multiple_of3A_88] : memref<1600000xf32, #tpu.memory_space<hbm>> -> memref<800xf32, #tpu.memory_space<hbm>>
          %dma_start3A_93 = tpu.memref_slice %arg5[%multiple_of3A_88] : memref<1600000xf32, #tpu.memory_space<hbm>> -> memref<800xf32, #tpu.memory_space<hbm>>
          tpu.enqueue_dma source(%dma_start3A_93 : memref<800xf32, #tpu.memory_space<hbm>>) target(%arg12 : memref<800xf32, #tpu.memory_space<vmem>>) target_semaphore(%run_scoped3A : memref<!tpu.dma_semaphore, #tpu.memory_space<semaphore_mem>>)
          %dma_wait3A_94 = tpu.memref_slice %arg5[%multiple_of3A_88] : memref<1600000xf32, #tpu.memory_space<hbm>> -> memref<800xf32, #tpu.memory_space<hbm>>
          %dma_wait3A_95 = tpu.memref_slice %arg5[%multiple_of3A_88] : memref<1600000xf32, #tpu.memory_space<hbm>> -> memref<800xf32, #tpu.memory_space<hbm>>
          tpu.wait_dma2 semaphore(%run_scoped3A : memref<!tpu.dma_semaphore, #tpu.memory_space<semaphore_mem>>) src(%dma_wait3A_95 : memref<800xf32, #tpu.memory_space<hbm>>) dst(%arg12 : memref<800xf32, #tpu.memory_space<vmem>>)
          tpu.yield
        }) : () -> ()
        %dma_start3A_89 = arith.constant 0 : i32
        %dma_start3A_90 = arith.constant 0 : i32
        %dma_start3A_91 = tpu.memref_slice %arg2[%dma_start3A_89, %dma_start3A_90] : memref<1600000x16xf32, #tpu.memory_space<hbm>> -> memref<1600000x16xf32, #tpu.memory_space<hbm>>
        tpu.enqueue_indirect_dma source(%dma_start3A_91 : memref<1600000x16xf32, #tpu.memory_space<hbm>>) target(%arg14 : memref<800x16xf32, #tpu.memory_space<vmem>>) offsets(%arg8 : memref<800xi32, #tpu.memory_space<vmem>>) semaphore(%arg16 : memref<!tpu.dma_semaphore, #tpu.memory_space<semaphore_mem>>)
      } else {
      }
      %mul3A_63 = arith.constant 2 : i32
      %mul3A_64 = arith.muli %mul3A_63, %scan3A_47 : i32
      %add3A_65 = arith.constant 1 : i32
      %add3A_66 = arith.addi %mul3A_64, %add3A_65 : i32
      %dma_wait3A_67 = arith.constant 0 : i32
      %dma_wait3A_68 = arith.constant 0 : i32
      %dma_wait3A_69 = tpu.memref_slice %arg2[%dma_wait3A_67, %dma_wait3A_68] : memref<1600000x16xf32, #tpu.memory_space<hbm>> -> memref<1600000x16xf32, #tpu.memory_space<hbm>>
      tpu.wait_indirect_dma semaphore(%arg17 : memref<!tpu.dma_semaphore, #tpu.memory_space<semaphore_mem>>) src(%dma_wait3A_69 : memref<1600000x16xf32, #tpu.memory_space<hbm>>) dst(%arg15 : memref<800x16xf32, #tpu.memory_space<vmem>>)
      %parallel_loop3A_70 = arith.constant 0 : i32
      %parallel_loop3A_71 = arith.constant 800 : i32
      %parallel_loop3A_72 = arith.constant 1 : i32
      scf.for %parallel_loop3A_81 = %parallel_loop3A_70 to %parallel_loop3A_71 step %parallel_loop3A_72  : i32 {
        %parallel_loop3A_82 = vector.broadcast %parallel_loop3A_81 : i32 to vector<16xi32>
        %parallel_loop3A_83 = tpu.vector_load_idx %arg13[%parallel_loop3A_82] : memref<800xf32, #tpu.memory_space<vmem>>[vector<16xi32>], vector<16xf32>,
        %parallel_loop3A_84 = arith.index_cast %parallel_loop3A_81 : i32 to index
        %parallel_loop3A_85 = arith.constant 0 : index
        %parallel_loop3A_86 = tpu.vector_load %arg15[%parallel_loop3A_84, %parallel_loop3A_85] {strides = array<i32>} : memref<800x16xf32, #tpu.memory_space<vmem>>, vector<16xf32>,
        %parallel_loop3A_87 = arith.mulf %parallel_loop3A_86, %parallel_loop3A_83 : vector<16xf32>
        %parallel_loop3A_88 = arith.index_cast %parallel_loop3A_81 : i32 to index
        %parallel_loop3A_89 = arith.constant 0 : index
        %parallel_loop3A_90 = tpu.vector_load %arg15[%parallel_loop3A_88, %parallel_loop3A_89] {strides = array<i32>} : memref<800x16xf32, #tpu.memory_space<vmem>>, vector<16xf32>,
        tpu.vector_store %arg15[%parallel_loop3A_88, %parallel_loop3A_89], %parallel_loop3A_87 {strides = array<i32>} : memref<800x16xf32, #tpu.memory_space<vmem>>, vector<16xf32>,
      } {sc.loop_unroll_factor = 8 : i64, sc.parallel_access}
      "tpu.region"() ({
        %run_scoped3A = tpu.sem_alloc : memref<!tpu.dma_semaphore, #tpu.memory_space<semaphore_mem>>
        %dma_start3A_81 = arith.constant 0 : i32
        %dma_start3A_82 = arith.constant 0 : i32
        %dma_start3A_83 = tpu.memref_slice %arg7[%dma_start3A_81, %dma_start3A_82] : memref<100096x16xf32, #tpu.memory_space<vmem_shared>> -> memref<100096x16xf32, #tpu.memory_space<vmem_shared>>
        tpu.enqueue_indirect_dma source(%arg15 : memref<800x16xf32, #tpu.memory_space<vmem>>) target(%dma_start3A_83 : memref<100096x16xf32, #tpu.memory_space<vmem_shared>>) offsets(%arg11 : memref<800xi32, #tpu.memory_space<vmem>>) semaphore(%run_scoped3A : memref<!tpu.dma_semaphore, #tpu.memory_space<semaphore_mem>>) {add = true}
        %dma_wait3A_84 = arith.constant 0 : i32
        %dma_wait3A_85 = arith.constant 0 : i32
        %dma_wait3A_86 = tpu.memref_slice %arg7[%dma_wait3A_84, %dma_wait3A_85] : memref<100096x16xf32, #tpu.memory_space<vmem_shared>> -> memref<100096x16xf32, #tpu.memory_space<vmem_shared>>
        tpu.wait_indirect_dma semaphore(%run_scoped3A : memref<!tpu.dma_semaphore, #tpu.memory_space<semaphore_mem>>) src(%arg15 : memref<800x16xf32, #tpu.memory_space<vmem>>) dst(%dma_wait3A_86 : memref<100096x16xf32, #tpu.memory_space<vmem_shared>>)
        tpu.yield
      }) : () -> ()
      %add3A_73 = arith.constant 2 : i32
      %add3A_74 = arith.addi %add3A_66, %add3A_73 : i32
      %lt3A_75 = arith.constant 125 : i32
      %lt3A_76 = arith.cmpi slt, %add3A_74, %lt3A_75 : i32
      %convert_element_type3A_77 = arith.extui %lt3A_76 : i1 to i32
      %cond3A_78 = arith.constant 0 : i32
      %cond3A_79 = arith.cmpi ne, %convert_element_type3A_77, %cond3A_78 : i32
      scf.if %cond3A_79 {
        %add3A_81 = arith.constant 2 : i32
        %add3A_82 = arith.addi %add3A_66, %add3A_81 : i32
        %mul3A_83 = arith.constant 100000 : i32
        %mul3A_84 = arith.muli %arg1, %mul3A_83 : i32
        %mul3A_85 = arith.constant 800 : i32
        %mul3A_86 = arith.muli %add3A_82, %mul3A_85 : i32
        %add3A_87 = arith.addi %mul3A_84, %mul3A_86 : i32
        %multiple_of3A_88 = tpu.assume_multiple %add3A_87, 8 : i32
        "tpu.region"() ({
          %run_scoped3A = tpu.sem_alloc : memref<!tpu.dma_semaphore, #tpu.memory_space<semaphore_mem>>
          %dma_start3A_92 = arith.constant 0 : i32
          %dma_start3A_93 = tpu.memref_slice %arg3[%arg0, %dma_start3A_92] : memref<2x1600000xi32, #tpu.memory_space<hbm>> -> memref<1x1600000xi32, #tpu.memory_space<hbm>>
          %dma_start3A_94 = tpu.memref_squeeze %dma_start3A_93 : memref<1x1600000xi32, #tpu.memory_space<hbm>> -> memref<1600000xi32, #tpu.memory_space<hbm>>
          %dma_start3A_95 = tpu.memref_slice %dma_start3A_94[%multiple_of3A_88] : memref<1600000xi32, #tpu.memory_space<hbm>> -> memref<800xi32, #tpu.memory_space<hbm>>
          %dma_start3A_96 = arith.constant 0 : i32
          %dma_start3A_97 = tpu.memref_slice %arg3[%arg0, %dma_start3A_96] : memref<2x1600000xi32, #tpu.memory_space<hbm>> -> memref<1x1600000xi32, #tpu.memory_space<hbm>>
          %dma_start3A_98 = tpu.memref_squeeze %dma_start3A_97 : memref<1x1600000xi32, #tpu.memory_space<hbm>> -> memref<1600000xi32, #tpu.memory_space<hbm>>
          %dma_start3A_99 = tpu.memref_slice %dma_start3A_98[%multiple_of3A_88] : memref<1600000xi32, #tpu.memory_space<hbm>> -> memref<800xi32, #tpu.memory_space<hbm>>
          tpu.enqueue_dma source(%dma_start3A_99 : memref<800xi32, #tpu.memory_space<hbm>>) target(%arg9 : memref<800xi32, #tpu.memory_space<vmem>>) target_semaphore(%run_scoped3A : memref<!tpu.dma_semaphore, #tpu.memory_space<semaphore_mem>>)
          %dma_wait3A_100 = arith.constant 0 : i32
          %dma_wait3A_101 = tpu.memref_slice %arg3[%arg0, %dma_wait3A_100] : memref<2x1600000xi32, #tpu.memory_space<hbm>> -> memref<1x1600000xi32, #tpu.memory_space<hbm>>
          %dma_wait3A_102 = tpu.memref_squeeze %dma_wait3A_101 : memref<1x1600000xi32, #tpu.memory_space<hbm>> -> memref<1600000xi32, #tpu.memory_space<hbm>>
          %dma_wait3A_103 = tpu.memref_slice %dma_wait3A_102[%multiple_of3A_88] : memref<1600000xi32, #tpu.memory_space<hbm>> -> memref<800xi32, #tpu.memory_space<hbm>>
          %dma_wait3A_104 = arith.constant 0 : i32
          %dma_wait3A_105 = tpu.memref_slice %arg3[%arg0, %dma_wait3A_104] : memref<2x1600000xi32, #tpu.memory_space<hbm>> -> memref<1x1600000xi32, #tpu.memory_space<hbm>>
          %dma_wait3A_106 = tpu.memref_squeeze %dma_wait3A_105 : memref<1x1600000xi32, #tpu.memory_space<hbm>> -> memref<1600000xi32, #tpu.memory_space<hbm>>
          %dma_wait3A_107 = tpu.memref_slice %dma_wait3A_106[%multiple_of3A_88] : memref<1600000xi32, #tpu.memory_space<hbm>> -> memref<800xi32, #tpu.memory_space<hbm>>
          tpu.wait_dma2 semaphore(%run_scoped3A : memref<!tpu.dma_semaphore, #tpu.memory_space<semaphore_mem>>) src(%dma_wait3A_107 : memref<800xi32, #tpu.memory_space<hbm>>) dst(%arg9 : memref<800xi32, #tpu.memory_space<vmem>>)
          tpu.yield
        }) : () -> ()
        "tpu.region"() ({
          %run_scoped3A = tpu.sem_alloc : memref<!tpu.dma_semaphore, #tpu.memory_space<semaphore_mem>>
          %dma_start3A_92 = tpu.memref_slice %arg4[%multiple_of3A_88] : memref<1600000xi32, #tpu.memory_space<hbm>> -> memref<800xi32, #tpu.memory_space<hbm>>
          %dma_start3A_93 = tpu.memref_slice %arg4[%multiple_of3A_88] : memref<1600000xi32, #tpu.memory_space<hbm>> -> memref<800xi32, #tpu.memory_space<hbm>>
          tpu.enqueue_dma source(%dma_start3A_93 : memref<800xi32, #tpu.memory_space<hbm>>) target(%arg11 : memref<800xi32, #tpu.memory_space<vmem>>) target_semaphore(%run_scoped3A : memref<!tpu.dma_semaphore, #tpu.memory_space<semaphore_mem>>)
          %dma_wait3A_94 = tpu.memref_slice %arg4[%multiple_of3A_88] : memref<1600000xi32, #tpu.memory_space<hbm>> -> memref<800xi32, #tpu.memory_space<hbm>>
          %dma_wait3A_95 = tpu.memref_slice %arg4[%multiple_of3A_88] : memref<1600000xi32, #tpu.memory_space<hbm>> -> memref<800xi32, #tpu.memory_space<hbm>>
          tpu.wait_dma2 semaphore(%run_scoped3A : memref<!tpu.dma_semaphore, #tpu.memory_space<semaphore_mem>>) src(%dma_wait3A_95 : memref<800xi32, #tpu.memory_space<hbm>>) dst(%arg11 : memref<800xi32, #tpu.memory_space<vmem>>)
          tpu.yield
        }) : () -> ()
        "tpu.region"() ({
          %run_scoped3A = tpu.sem_alloc : memref<!tpu.dma_semaphore, #tpu.memory_space<semaphore_mem>>
          %dma_start3A_92 = tpu.memref_slice %arg5[%multiple_of3A_88] : memref<1600000xf32, #tpu.memory_space<hbm>> -> memref<800xf32, #tpu.memory_space<hbm>>
          %dma_start3A_93 = tpu.memref_slice %arg5[%multiple_of3A_88] : memref<1600000xf32, #tpu.memory_space<hbm>> -> memref<800xf32, #tpu.memory_space<hbm>>
          tpu.enqueue_dma source(%dma_start3A_93 : memref<800xf32, #tpu.memory_space<hbm>>) target(%arg13 : memref<800xf32, #tpu.memory_space<vmem>>) target_semaphore(%run_scoped3A : memref<!tpu.dma_semaphore, #tpu.memory_space<semaphore_mem>>)
          %dma_wait3A_94 = tpu.memref_slice %arg5[%multiple_of3A_88] : memref<1600000xf32, #tpu.memory_space<hbm>> -> memref<800xf32, #tpu.memory_space<hbm>>
          %dma_wait3A_95 = tpu.memref_slice %arg5[%multiple_of3A_88] : memref<1600000xf32, #tpu.memory_space<hbm>> -> memref<800xf32, #tpu.memory_space<hbm>>
          tpu.wait_dma2 semaphore(%run_scoped3A : memref<!tpu.dma_semaphore, #tpu.memory_space<semaphore_mem>>) src(%dma_wait3A_95 : memref<800xf32, #tpu.memory_space<hbm>>) dst(%arg13 : memref<800xf32, #tpu.memory_space<vmem>>)
          tpu.yield
        }) : () -> ()
        %dma_start3A_89 = arith.constant 0 : i32
        %dma_start3A_90 = arith.constant 0 : i32
        %dma_start3A_91 = tpu.memref_slice %arg2[%dma_start3A_89, %dma_start3A_90] : memref<1600000x16xf32, #tpu.memory_space<hbm>> -> memref<1600000x16xf32, #tpu.memory_space<hbm>>
        tpu.enqueue_indirect_dma source(%dma_start3A_91 : memref<1600000x16xf32, #tpu.memory_space<hbm>>) target(%arg15 : memref<800x16xf32, #tpu.memory_space<vmem>>) offsets(%arg9 : memref<800xi32, #tpu.memory_space<vmem>>) semaphore(%arg17 : memref<!tpu.dma_semaphore, #tpu.memory_space<semaphore_mem>>)
      } else {
      }
      %scan3A_80 = arith.constant 0 : i32
      scf.yield %scan3A_80 : i32
    }
    %scan3A_31 = arith.constant 62 : i32
    %dma_wait3A = arith.constant 0 : i32
    %dma_wait3A_32 = arith.constant 0 : i32
    %dma_wait3A_33 = tpu.memref_slice %arg2[%dma_wait3A, %dma_wait3A_32] : memref<1600000x16xf32, #tpu.memory_space<hbm>> -> memref<1600000x16xf32, #tpu.memory_space<hbm>>
    tpu.wait_indirect_dma semaphore(%arg16 : memref<!tpu.dma_semaphore, #tpu.memory_space<semaphore_mem>>) src(%dma_wait3A_33 : memref<1600000x16xf32, #tpu.memory_space<hbm>>) dst(%arg14 : memref<800x16xf32, #tpu.memory_space<vmem>>)
    %parallel_loop3A_34 = arith.constant 0 : i32
    %parallel_loop3A_35 = arith.constant 800 : i32
    %parallel_loop3A_36 = arith.constant 1 : i32
    scf.for %parallel_loop3A_47 = %parallel_loop3A_34 to %parallel_loop3A_35 step %parallel_loop3A_36  : i32 {
      %parallel_loop3A_48 = vector.broadcast %parallel_loop3A_47 : i32 to vector<16xi32>
      %parallel_loop3A_49 = tpu.vector_load_idx %arg12[%parallel_loop3A_48] : memref<800xf32, #tpu.memory_space<vmem>>[vector<16xi32>], vector<16xf32>,
      %parallel_loop3A_50 = arith.index_cast %parallel_loop3A_47 : i32 to index
      %parallel_loop3A_51 = arith.constant 0 : index
      %parallel_loop3A_52 = tpu.vector_load %arg14[%parallel_loop3A_50, %parallel_loop3A_51] {strides = array<i32>} : memref<800x16xf32, #tpu.memory_space<vmem>>, vector<16xf32>,
      %parallel_loop3A_53 = arith.mulf %parallel_loop3A_52, %parallel_loop3A_49 : vector<16xf32>
      %parallel_loop3A_54 = arith.index_cast %parallel_loop3A_47 : i32 to index
      %parallel_loop3A_55 = arith.constant 0 : index
      %parallel_loop3A_56 = tpu.vector_load %arg14[%parallel_loop3A_54, %parallel_loop3A_55] {strides = array<i32>} : memref<800x16xf32, #tpu.memory_space<vmem>>, vector<16xf32>,
      tpu.vector_store %arg14[%parallel_loop3A_54, %parallel_loop3A_55], %parallel_loop3A_53 {strides = array<i32>} : memref<800x16xf32, #tpu.memory_space<vmem>>, vector<16xf32>,
    } {sc.loop_unroll_factor = 8 : i64, sc.parallel_access}
    "tpu.region"() ({
      %run_scoped3A = tpu.sem_alloc : memref<!tpu.dma_semaphore, #tpu.memory_space<semaphore_mem>>
      %dma_start3A_47 = arith.constant 0 : i32
      %dma_start3A_48 = arith.constant 0 : i32
      %dma_start3A_49 = tpu.memref_slice %arg7[%dma_start3A_47, %dma_start3A_48] : memref<100096x16xf32, #tpu.memory_space<vmem_shared>> -> memref<100096x16xf32, #tpu.memory_space<vmem_shared>>
      tpu.enqueue_indirect_dma source(%arg14 : memref<800x16xf32, #tpu.memory_space<vmem>>) target(%dma_start3A_49 : memref<100096x16xf32, #tpu.memory_space<vmem_shared>>) offsets(%arg10 : memref<800xi32, #tpu.memory_space<vmem>>) semaphore(%run_scoped3A : memref<!tpu.dma_semaphore, #tpu.memory_space<semaphore_mem>>) {add = true}
      %dma_wait3A_50 = arith.constant 0 : i32
      %dma_wait3A_51 = arith.constant 0 : i32
      %dma_wait3A_52 = tpu.memref_slice %arg7[%dma_wait3A_50, %dma_wait3A_51] : memref<100096x16xf32, #tpu.memory_space<vmem_shared>> -> memref<100096x16xf32, #tpu.memory_space<vmem_shared>>
      tpu.wait_indirect_dma semaphore(%run_scoped3A : memref<!tpu.dma_semaphore, #tpu.memory_space<semaphore_mem>>) src(%arg14 : memref<800x16xf32, #tpu.memory_space<vmem>>) dst(%dma_wait3A_52 : memref<100096x16xf32, #tpu.memory_space<vmem_shared>>)
      tpu.yield
    }) : () -> ()
    %barrier3A_37 = arith.constant 0 : index
    tpu.barrier barrier_id(%barrier3A_37)
    %scan3A_38 = arith.constant 0 : i32
    %scan3A_39 = arith.constant 0 : i32
    %scan3A_40 = arith.constant 7 : i32
    %scan3A_41 = arith.addi %scan3A_39, %scan3A_40 : i32
    %scan3A_42 = arith.constant 1 : i32
    %scan3A_43 = scf.for %scan3A_47 = %scan3A_39 to %scan3A_41 step %scan3A_42 iter_args(%scan3A_48 = %scan3A_38) -> (i32)  : i32 {
      %mul3A_49 = arith.constant 800 : i32
      %mul3A_50 = arith.muli %scan3A_47, %mul3A_49 : i32
      %add3A_51 = arith.addi %mul3A_3, %mul3A_50 : i32
      "tpu.region"() ({
        %run_scoped3A = tpu.sem_alloc : memref<!tpu.dma_semaphore, #tpu.memory_space<semaphore_mem>>
        %dma_start3A_56 = arith.constant 0 : i32
        %dma_start3A_57 = tpu.memref_slice %arg7[%add3A_51, %dma_start3A_56] : memref<100096x16xf32, #tpu.memory_space<vmem_shared>> -> memref<800x16xf32, #tpu.memory_space<vmem_shared>>
        %dma_start3A_58 = arith.constant 0 : i32
        %dma_start3A_59 = tpu.memref_slice %arg7[%add3A_51, %dma_start3A_58] : memref<100096x16xf32, #tpu.memory_space<vmem_shared>> -> memref<800x16xf32, #tpu.memory_space<vmem_shared>>
        tpu.enqueue_dma source(%dma_start3A_59 : memref<800x16xf32, #tpu.memory_space<vmem_shared>>) target(%arg14 : memref<800x16xf32, #tpu.memory_space<vmem>>) target_semaphore(%run_scoped3A : memref<!tpu.dma_semaphore, #tpu.memory_space<semaphore_mem>>)
        %dma_wait3A_60 = arith.constant 0 : i32
        %dma_wait3A_61 = tpu.memref_slice %arg7[%add3A_51, %dma_wait3A_60] : memref<100096x16xf32, #tpu.memory_space<vmem_shared>> -> memref<800x16xf32, #tpu.memory_space<vmem_shared>>
        %dma_wait3A_62 = arith.constant 0 : i32
        %dma_wait3A_63 = tpu.memref_slice %arg7[%add3A_51, %dma_wait3A_62] : memref<100096x16xf32, #tpu.memory_space<vmem_shared>> -> memref<800x16xf32, #tpu.memory_space<vmem_shared>>
        tpu.wait_dma2 semaphore(%run_scoped3A : memref<!tpu.dma_semaphore, #tpu.memory_space<semaphore_mem>>) src(%dma_wait3A_63 : memref<800x16xf32, #tpu.memory_space<vmem_shared>>) dst(%arg14 : memref<800x16xf32, #tpu.memory_space<vmem>>)
        tpu.yield
      }) : () -> ()
      %mul3A_52 = arith.constant 800 : i32
      %mul3A_53 = arith.muli %scan3A_47, %mul3A_52 : i32
      %add3A_54 = arith.addi %mul3A_3, %mul3A_53 : i32
      "tpu.region"() ({
        %run_scoped3A = tpu.sem_alloc : memref<!tpu.dma_semaphore, #tpu.memory_space<semaphore_mem>>
        %dma_start3A_56 = arith.constant 0 : i32
        %dma_start3A_57 = tpu.memref_slice %arg6[%arg0, %add3A_54, %dma_start3A_56] : memref<2x100096x16xf32, #tpu.memory_space<hbm>> -> memref<1x800x16xf32, #tpu.memory_space<hbm>>
        %dma_start3A_58 = tpu.memref_squeeze %dma_start3A_57 : memref<1x800x16xf32, #tpu.memory_space<hbm>> -> memref<800x16xf32, #tpu.memory_space<hbm>>
        %dma_start3A_59 = arith.constant 0 : i32
        %dma_start3A_60 = tpu.memref_slice %arg6[%arg0, %add3A_54, %dma_start3A_59] : memref<2x100096x16xf32, #tpu.memory_space<hbm>> -> memref<1x800x16xf32, #tpu.memory_space<hbm>>
        %dma_start3A_61 = tpu.memref_squeeze %dma_start3A_60 : memref<1x800x16xf32, #tpu.memory_space<hbm>> -> memref<800x16xf32, #tpu.memory_space<hbm>>
        tpu.enqueue_dma source(%arg14 : memref<800x16xf32, #tpu.memory_space<vmem>>) target(%dma_start3A_61 : memref<800x16xf32, #tpu.memory_space<hbm>>) target_semaphore(%run_scoped3A : memref<!tpu.dma_semaphore, #tpu.memory_space<semaphore_mem>>)
        %dma_wait3A_62 = arith.constant 0 : i32
        %dma_wait3A_63 = tpu.memref_slice %arg6[%arg0, %add3A_54, %dma_wait3A_62] : memref<2x100096x16xf32, #tpu.memory_space<hbm>> -> memref<1x800x16xf32, #tpu.memory_space<hbm>>
        %dma_wait3A_64 = tpu.memref_squeeze %dma_wait3A_63 : memref<1x800x16xf32, #tpu.memory_space<hbm>> -> memref<800x16xf32, #tpu.memory_space<hbm>>
        %dma_wait3A_65 = arith.constant 0 : i32
        %dma_wait3A_66 = tpu.memref_slice %arg6[%arg0, %add3A_54, %dma_wait3A_65] : memref<2x100096x16xf32, #tpu.memory_space<hbm>> -> memref<1x800x16xf32, #tpu.memory_space<hbm>>
        %dma_wait3A_67 = tpu.memref_squeeze %dma_wait3A_66 : memref<1x800x16xf32, #tpu.memory_space<hbm>> -> memref<800x16xf32, #tpu.memory_space<hbm>>
        tpu.wait_dma2 semaphore(%run_scoped3A : memref<!tpu.dma_semaphore, #tpu.memory_space<semaphore_mem>>) src(%arg14 : memref<800x16xf32, #tpu.memory_space<vmem>>) dst(%dma_wait3A_67 : memref<800x16xf32, #tpu.memory_space<hbm>>)
        tpu.yield
      }) : () -> ()
      %scan3A_55 = arith.constant 0 : i32
      scf.yield %scan3A_55 : i32
    }
    %scan3A_44 = arith.constant 7 : i32
    %add3A_45 = arith.constant 5600 : i32
    %add3A_46 = arith.addi %mul3A_3, %add3A_45 : i32
    "tpu.region"() ({
      %run_scoped3A = tpu.sem_alloc : memref<!tpu.dma_semaphore, #tpu.memory_space<semaphore_mem>>
      %dma_start3A_47 = arith.constant 0 : i32
      %dma_start3A_48 = arith.constant 0 : i32
      %dma_start3A_49 = tpu.memref_slice %arg14[%dma_start3A_47, %dma_start3A_48] : memref<800x16xf32, #tpu.memory_space<vmem>> -> memref<656x16xf32, #tpu.memory_space<vmem>>
      %dma_start3A_50 = arith.constant 0 : i32
      %dma_start3A_51 = tpu.memref_slice %arg7[%add3A_46, %dma_start3A_50] : memref<100096x16xf32, #tpu.memory_space<vmem_shared>> -> memref<656x16xf32, #tpu.memory_space<vmem_shared>>
      %dma_start3A_52 = arith.constant 0 : i32
      %dma_start3A_53 = arith.constant 0 : i32
      %dma_start3A_54 = tpu.memref_slice %arg14[%dma_start3A_52, %dma_start3A_53] : memref<800x16xf32, #tpu.memory_space<vmem>> -> memref<656x16xf32, #tpu.memory_space<vmem>>
      %dma_start3A_55 = arith.constant 0 : i32
      %dma_start3A_56 = tpu.memref_slice %arg7[%add3A_46, %dma_start3A_55] : memref<100096x16xf32, #tpu.memory_space<vmem_shared>> -> memref<656x16xf32, #tpu.memory_space<vmem_shared>>
      tpu.enqueue_dma source(%dma_start3A_56 : memref<656x16xf32, #tpu.memory_space<vmem_shared>>) target(%dma_start3A_54 : memref<656x16xf32, #tpu.memory_space<vmem>>) target_semaphore(%run_scoped3A : memref<!tpu.dma_semaphore, #tpu.memory_space<semaphore_mem>>)
      %dma_wait3A_57 = arith.constant 0 : i32
      %dma_wait3A_58 = arith.constant 0 : i32
      %dma_wait3A_59 = tpu.memref_slice %arg14[%dma_wait3A_57, %dma_wait3A_58] : memref<800x16xf32, #tpu.memory_space<vmem>> -> memref<656x16xf32, #tpu.memory_space<vmem>>
      %dma_wait3A_60 = arith.constant 0 : i32
      %dma_wait3A_61 = tpu.memref_slice %arg7[%add3A_46, %dma_wait3A_60] : memref<100096x16xf32, #tpu.memory_space<vmem_shared>> -> memref<656x16xf32, #tpu.memory_space<vmem_shared>>
      %dma_wait3A_62 = arith.constant 0 : i32
      %dma_wait3A_63 = arith.constant 0 : i32
      %dma_wait3A_64 = tpu.memref_slice %arg14[%dma_wait3A_62, %dma_wait3A_63] : memref<800x16xf32, #tpu.memory_space<vmem>> -> memref<656x16xf32, #tpu.memory_space<vmem>>
      %dma_wait3A_65 = arith.constant 0 : i32
      %dma_wait3A_66 = tpu.memref_slice %arg7[%add3A_46, %dma_wait3A_65] : memref<100096x16xf32, #tpu.memory_space<vmem_shared>> -> memref<656x16xf32, #tpu.memory_space<vmem_shared>>
      tpu.wait_dma2 semaphore(%run_scoped3A : memref<!tpu.dma_semaphore, #tpu.memory_space<semaphore_mem>>) src(%dma_wait3A_66 : memref<656x16xf32, #tpu.memory_space<vmem_shared>>) dst(%dma_wait3A_64 : memref<656x16xf32, #tpu.memory_space<vmem>>)
      tpu.yield
    }) : () -> ()
    "tpu.region"() ({
      %run_scoped3A = tpu.sem_alloc : memref<!tpu.dma_semaphore, #tpu.memory_space<semaphore_mem>>
      %dma_start3A_47 = arith.constant 0 : i32
      %dma_start3A_48 = arith.constant 0 : i32
      %dma_start3A_49 = tpu.memref_slice %arg14[%dma_start3A_47, %dma_start3A_48] : memref<800x16xf32, #tpu.memory_space<vmem>> -> memref<656x16xf32, #tpu.memory_space<vmem>>
      %dma_start3A_50 = arith.constant 0 : i32
      %dma_start3A_51 = tpu.memref_slice %arg6[%arg0, %add3A_46, %dma_start3A_50] : memref<2x100096x16xf32, #tpu.memory_space<hbm>> -> memref<1x656x16xf32, #tpu.memory_space<hbm>>
      %dma_start3A_52 = tpu.memref_squeeze %dma_start3A_51 : memref<1x656x16xf32, #tpu.memory_space<hbm>> -> memref<656x16xf32, #tpu.memory_space<hbm>>
      %dma_start3A_53 = arith.constant 0 : i32
      %dma_start3A_54 = tpu.memref_slice %arg6[%arg0, %add3A_46, %dma_start3A_53] : memref<2x100096x16xf32, #tpu.memory_space<hbm>> -> memref<1x656x16xf32, #tpu.memory_space<hbm>>
      %dma_start3A_55 = tpu.memref_squeeze %dma_start3A_54 : memref<1x656x16xf32, #tpu.memory_space<hbm>> -> memref<656x16xf32, #tpu.memory_space<hbm>>
      %dma_start3A_56 = arith.constant 0 : i32
      %dma_start3A_57 = arith.constant 0 : i32
      %dma_start3A_58 = tpu.memref_slice %arg14[%dma_start3A_56, %dma_start3A_57] : memref<800x16xf32, #tpu.memory_space<vmem>> -> memref<656x16xf32, #tpu.memory_space<vmem>>
      tpu.enqueue_dma source(%dma_start3A_58 : memref<656x16xf32, #tpu.memory_space<vmem>>) target(%dma_start3A_55 : memref<656x16xf32, #tpu.memory_space<hbm>>) target_semaphore(%run_scoped3A : memref<!tpu.dma_semaphore, #tpu.memory_space<semaphore_mem>>)
      %dma_wait3A_59 = arith.constant 0 : i32
      %dma_wait3A_60 = arith.constant 0 : i32
      %dma_wait3A_61 = tpu.memref_slice %arg14[%dma_wait3A_59, %dma_wait3A_60] : memref<800x16xf32, #tpu.memory_space<vmem>> -> memref<656x16xf32, #tpu.memory_space<vmem>>
      %dma_wait3A_62 = arith.constant 0 : i32
      %dma_wait3A_63 = tpu.memref_slice %arg6[%arg0, %add3A_46, %dma_wait3A_62] : memref<2x100096x16xf32, #tpu.memory_space<hbm>> -> memref<1x656x16xf32, #tpu.memory_space<hbm>>
      %dma_wait3A_64 = tpu.memref_squeeze %dma_wait3A_63 : memref<1x656x16xf32, #tpu.memory_space<hbm>> -> memref<656x16xf32, #tpu.memory_space<hbm>>
      %dma_wait3A_65 = arith.constant 0 : i32
      %dma_wait3A_66 = tpu.memref_slice %arg6[%arg0, %add3A_46, %dma_wait3A_65] : memref<2x100096x16xf32, #tpu.memory_space<hbm>> -> memref<1x656x16xf32, #tpu.memory_space<hbm>>
      %dma_wait3A_67 = tpu.memref_squeeze %dma_wait3A_66 : memref<1x656x16xf32, #tpu.memory_space<hbm>> -> memref<656x16xf32, #tpu.memory_space<hbm>>
      %dma_wait3A_68 = arith.constant 0 : i32
      %dma_wait3A_69 = arith.constant 0 : i32
      %dma_wait3A_70 = tpu.memref_slice %arg14[%dma_wait3A_68, %dma_wait3A_69] : memref<800x16xf32, #tpu.memory_space<vmem>> -> memref<656x16xf32, #tpu.memory_space<vmem>>
      tpu.wait_dma2 semaphore(%run_scoped3A : memref<!tpu.dma_semaphore, #tpu.memory_space<semaphore_mem>>) src(%dma_wait3A_70 : memref<656x16xf32, #tpu.memory_space<vmem>>) dst(%dma_wait3A_67 : memref<656x16xf32, #tpu.memory_space<hbm>>)
      tpu.yield
    }) : () -> ()
    return
  }
}

#map = affine_map<(d0, d1) -> (0, 0)>
#map1 = affine_map<(d0, d1) -> (0)>
#map2 = affine_map<(d0, d1) -> (0, 0, 0)>
module attributes {stable_mosaic.version = 14 : i64} {
  func.func @_conv_body(%arg0: i32, %arg1: i32, %arg2: memref<1600000x16xf32, #tpu.memory_space<hbm>>, %arg3: memref<2x1600000xi32, #tpu.memory_space<hbm>>, %arg4: memref<1600000xi32, #tpu.memory_space<hbm>>, %arg5: memref<1600000xf32, #tpu.memory_space<hbm>>, %arg6: memref<2x100096x16xf32, #tpu.memory_space<hbm>>, %arg7: memref<100096x16xf32, #tpu.memory_space<vmem_shared>>, %arg8: memref<800xi32, #tpu.memory_space<vmem>>, %arg9: memref<800xi32, #tpu.memory_space<vmem>>, %arg10: memref<800xi32, #tpu.memory_space<vmem>>, %arg11: memref<800xi32, #tpu.memory_space<vmem>>, %arg12: memref<800xf32, #tpu.memory_space<vmem>>, %arg13: memref<800xf32, #tpu.memory_space<vmem>>, %arg14: memref<800x16xf32, #tpu.memory_space<vmem>>, %arg15: memref<800x16xf32, #tpu.memory_space<vmem>>, %arg16: memref<!tpu.dma_semaphore, #tpu.memory_space<semaphore_mem>>, %arg17: memref<!tpu.dma_semaphore, #tpu.memory_space<semaphore_mem>>) attributes {dimension_semantics = [#tpu.dimension_semantics<core_parallel>, #tpu.dimension_semantics<subcore_parallel>], iteration_bounds = array<i64: 2, 16>, scalar_prefetch = 0 : i64, scratch_operands = 11 : i64, tpu.core_type = #tpu.core_type<sc_vector_subcore>, window_params = [{transform_indices = #map}, {transform_indices = #map}, {transform_indices = #map1}, {transform_indices = #map1}, {transform_indices = #map2}]} {
    %broadcast_in_dim3A = arith.constant 0.000000e+00 : f32
    %broadcast_in_dim3A_0 = vector.broadcast %broadcast_in_dim3A : f32 to vector<16xf32>
    %parallel_loop3A = arith.constant 0 : i32
    %parallel_loop3A_1 = arith.constant 800 : i32
    %parallel_loop3A_2 = arith.constant 1 : i32
    scf.for %parallel_loop3A_47 = %parallel_loop3A to %parallel_loop3A_1 step %parallel_loop3A_2  : i32 {
      %parallel_loop3A_48 = arith.index_cast %parallel_loop3A_47 : i32 to index
      %parallel_loop3A_49 = arith.constant 0 : index
      %parallel_loop3A_50 = tpu.vector_load %arg14[%parallel_loop3A_48, %parallel_loop3A_49] {strides = array<i32>} : memref<800x16xf32, #tpu.memory_space<vmem>>, vector<16xf32>,
      tpu.vector_store %arg14[%parallel_loop3A_48, %parallel_loop3A_49], %broadcast_in_dim3A_0 {strides = array<i32>} : memref<800x16xf32, #tpu.memory_space<vmem>>, vector<16xf32>,
    } {sc.loop_unroll_factor = 8 : i64, sc.parallel_access}
    %mul3A = arith.constant 6256 : i32
    %mul3A_3 = arith.muli %arg1, %mul3A : i32
    %scan3A = arith.constant 0 : i32
    %scan3A_4 = arith.constant 0 : i32
    %scan3A_5 = arith.constant 7 : i32
    %scan3A_6 = arith.addi %scan3A_4, %scan3A_5 : i32
    %scan3A_7 = arith.constant 1 : i32
    %scan3A_8 = scf.for %scan3A_47 = %scan3A_4 to %scan3A_6 step %scan3A_7 iter_args(%scan3A_48 = %scan3A) -> (i32)  : i32 {
      %mul3A_49 = arith.constant 800 : i32
      %mul3A_50 = arith.muli %scan3A_47, %mul3A_49 : i32
      %add3A_51 = arith.addi %mul3A_3, %mul3A_50 : i32
      "tpu.region"() ({
        %run_scoped3A = tpu.sem_alloc : memref<!tpu.dma_semaphore, #tpu.memory_space<semaphore_mem>>
        %dma_start3A_53 = arith.constant 0 : i32
        %dma_start3A_54 = tpu.memref_slice %arg7[%add3A_51, %dma_start3A_53] : memref<100096x16xf32, #tpu.memory_space<vmem_shared>> -> memref<800x16xf32, #tpu.memory_space<vmem_shared>>
        %dma_start3A_55 = arith.constant 0 : i32
        %dma_start3A_56 = tpu.memref_slice %arg7[%add3A_51, %dma_start3A_55] : memref<100096x16xf32, #tpu.memory_space<vmem_shared>> -> memref<800x16xf32, #tpu.memory_space<vmem_shared>>
        tpu.enqueue_dma source(%arg14 : memref<800x16xf32, #tpu.memory_space<vmem>>) target(%dma_start3A_56 : memref<800x16xf32, #tpu.memory_space<vmem_shared>>) target_semaphore(%run_scoped3A : memref<!tpu.dma_semaphore, #tpu.memory_space<semaphore_mem>>)
        %dma_wait3A_57 = arith.constant 0 : i32
        %dma_wait3A_58 = tpu.memref_slice %arg7[%add3A_51, %dma_wait3A_57] : memref<100096x16xf32, #tpu.memory_space<vmem_shared>> -> memref<800x16xf32, #tpu.memory_space<vmem_shared>>
        %dma_wait3A_59 = arith.constant 0 : i32
        %dma_wait3A_60 = tpu.memref_slice %arg7[%add3A_51, %dma_wait3A_59] : memref<100096x16xf32, #tpu.memory_space<vmem_shared>> -> memref<800x16xf32, #tpu.memory_space<vmem_shared>>
        tpu.wait_dma2 semaphore(%run_scoped3A : memref<!tpu.dma_semaphore, #tpu.memory_space<semaphore_mem>>) src(%arg14 : memref<800x16xf32, #tpu.memory_space<vmem>>) dst(%dma_wait3A_60 : memref<800x16xf32, #tpu.memory_space<vmem_shared>>)
        tpu.yield
      }) : () -> ()
      %scan3A_52 = arith.constant 0 : i32
      scf.yield %scan3A_52 : i32
    }
    %scan3A_9 = arith.constant 7 : i32
    %add3A = arith.constant 5600 : i32
    %add3A_10 = arith.addi %mul3A_3, %add3A : i32
    "tpu.region"() ({
      %run_scoped3A = tpu.sem_alloc : memref<!tpu.dma_semaphore, #tpu.memory_space<semaphore_mem>>
      %dma_start3A_47 = arith.constant 0 : i32
      %dma_start3A_48 = arith.constant 0 : i32
      %dma_start3A_49 = tpu.memref_slice %arg14[%dma_start3A_47, %dma_start3A_48] : memref<800x16xf32, #tpu.memory_space<vmem>> -> memref<656x16xf32, #tpu.memory_space<vmem>>
      %dma_start3A_50 = arith.constant 0 : i32
      %dma_start3A_51 = tpu.memref_slice %arg7[%add3A_10, %dma_start3A_50] : memref<100096x16xf32, #tpu.memory_space<vmem_shared>> -> memref<656x16xf32, #tpu.memory_space<vmem_shared>>
      %dma_start3A_52 = arith.constant 0 : i32
      %dma_start3A_53 = tpu.memref_slice %arg7[%add3A_10, %dma_start3A_52] : memref<100096x16xf32, #tpu.memory_space<vmem_shared>> -> memref<656x16xf32, #tpu.memory_space<vmem_shared>>
      %dma_start3A_54 = arith.constant 0 : i32
      %dma_start3A_55 = arith.constant 0 : i32
      %dma_start3A_56 = tpu.memref_slice %arg14[%dma_start3A_54, %dma_start3A_55] : memref<800x16xf32, #tpu.memory_space<vmem>> -> memref<656x16xf32, #tpu.memory_space<vmem>>
      tpu.enqueue_dma source(%dma_start3A_56 : memref<656x16xf32, #tpu.memory_space<vmem>>) target(%dma_start3A_53 : memref<656x16xf32, #tpu.memory_space<vmem_shared>>) target_semaphore(%run_scoped3A : memref<!tpu.dma_semaphore, #tpu.memory_space<semaphore_mem>>)
      %dma_wait3A_57 = arith.constant 0 : i32
      %dma_wait3A_58 = arith.constant 0 : i32
      %dma_wait3A_59 = tpu.memref_slice %arg14[%dma_wait3A_57, %dma_wait3A_58] : memref<800x16xf32, #tpu.memory_space<vmem>> -> memref<656x16xf32, #tpu.memory_space<vmem>>
      %dma_wait3A_60 = arith.constant 0 : i32
      %dma_wait3A_61 = tpu.memref_slice %arg7[%add3A_10, %dma_wait3A_60] : memref<100096x16xf32, #tpu.memory_space<vmem_shared>> -> memref<656x16xf32, #tpu.memory_space<vmem_shared>>
      %dma_wait3A_62 = arith.constant 0 : i32
      %dma_wait3A_63 = tpu.memref_slice %arg7[%add3A_10, %dma_wait3A_62] : memref<100096x16xf32, #tpu.memory_space<vmem_shared>> -> memref<656x16xf32, #tpu.memory_space<vmem_shared>>
      %dma_wait3A_64 = arith.constant 0 : i32
      %dma_wait3A_65 = arith.constant 0 : i32
      %dma_wait3A_66 = tpu.memref_slice %arg14[%dma_wait3A_64, %dma_wait3A_65] : memref<800x16xf32, #tpu.memory_space<vmem>> -> memref<656x16xf32, #tpu.memory_space<vmem>>
      tpu.wait_dma2 semaphore(%run_scoped3A : memref<!tpu.dma_semaphore, #tpu.memory_space<semaphore_mem>>) src(%dma_wait3A_66 : memref<656x16xf32, #tpu.memory_space<vmem>>) dst(%dma_wait3A_63 : memref<656x16xf32, #tpu.memory_space<vmem_shared>>)
      tpu.yield
    }) : () -> ()
    %barrier3A = arith.constant 0 : index
    tpu.barrier barrier_id(%barrier3A)
    %mul3A_11 = arith.constant 100000 : i32
    %mul3A_12 = arith.muli %arg1, %mul3A_11 : i32
    %add3A_13 = arith.constant 0 : i32
    %add3A_14 = arith.addi %mul3A_12, %add3A_13 : i32
    %multiple_of3A = tpu.assume_multiple %add3A_14, 8 : i32
    "tpu.region"() ({
      %run_scoped3A = tpu.sem_alloc : memref<!tpu.dma_semaphore, #tpu.memory_space<semaphore_mem>>
      %dma_start3A_47 = arith.constant 0 : i32
      %dma_start3A_48 = tpu.memref_slice %arg3[%arg0, %dma_start3A_47] : memref<2x1600000xi32, #tpu.memory_space<hbm>> -> memref<1x1600000xi32, #tpu.memory_space<hbm>>
      %dma_start3A_49 = tpu.memref_squeeze %dma_start3A_48 : memref<1x1600000xi32, #tpu.memory_space<hbm>> -> memref<1600000xi32, #tpu.memory_space<hbm>>
      %dma_start3A_50 = tpu.memref_slice %dma_start3A_49[%multiple_of3A] : memref<1600000xi32, #tpu.memory_space<hbm>> -> memref<800xi32, #tpu.memory_space<hbm>>
      %dma_start3A_51 = arith.constant 0 : i32
      %dma_start3A_52 = tpu.memref_slice %arg3[%arg0, %dma_start3A_51] : memref<2x1600000xi32, #tpu.memory_space<hbm>> -> memref<1x1600000xi32, #tpu.memory_space<hbm>>
      %dma_start3A_53 = tpu.memref_squeeze %dma_start3A_52 : memref<1x1600000xi32, #tpu.memory_space<hbm>> -> memref<1600000xi32, #tpu.memory_space<hbm>>
      %dma_start3A_54 = tpu.memref_slice %dma_start3A_53[%multiple_of3A] : memref<1600000xi32, #tpu.memory_space<hbm>> -> memref<800xi32, #tpu.memory_space<hbm>>
      tpu.enqueue_dma source(%dma_start3A_54 : memref<800xi32, #tpu.memory_space<hbm>>) target(%arg8 : memref<800xi32, #tpu.memory_space<vmem>>) target_semaphore(%run_scoped3A : memref<!tpu.dma_semaphore, #tpu.memory_space<semaphore_mem>>)
      %dma_wait3A_55 = arith.constant 0 : i32
      %dma_wait3A_56 = tpu.memref_slice %arg3[%arg0, %dma_wait3A_55] : memref<2x1600000xi32, #tpu.memory_space<hbm>> -> memref<1x1600000xi32, #tpu.memory_space<hbm>>
      %dma_wait3A_57 = tpu.memref_squeeze %dma_wait3A_56 : memref<1x1600000xi32, #tpu.memory_space<hbm>> -> memref<1600000xi32, #tpu.memory_space<hbm>>
      %dma_wait3A_58 = tpu.memref_slice %dma_wait3A_57[%multiple_of3A] : memref<1600000xi32, #tpu.memory_space<hbm>> -> memref<800xi32, #tpu.memory_space<hbm>>
      %dma_wait3A_59 = arith.constant 0 : i32
      %dma_wait3A_60 = tpu.memref_slice %arg3[%arg0, %dma_wait3A_59] : memref<2x1600000xi32, #tpu.memory_space<hbm>> -> memref<1x1600000xi32, #tpu.memory_space<hbm>>
      %dma_wait3A_61 = tpu.memref_squeeze %dma_wait3A_60 : memref<1x1600000xi32, #tpu.memory_space<hbm>> -> memref<1600000xi32, #tpu.memory_space<hbm>>
      %dma_wait3A_62 = tpu.memref_slice %dma_wait3A_61[%multiple_of3A] : memref<1600000xi32, #tpu.memory_space<hbm>> -> memref<800xi32, #tpu.memory_space<hbm>>
      tpu.wait_dma2 semaphore(%run_scoped3A : memref<!tpu.dma_semaphore, #tpu.memory_space<semaphore_mem>>) src(%dma_wait3A_62 : memref<800xi32, #tpu.memory_space<hbm>>) dst(%arg8 : memref<800xi32, #tpu.memory_space<vmem>>)
      tpu.yield
    }) : () -> ()
    "tpu.region"() ({
      %run_scoped3A = tpu.sem_alloc : memref<!tpu.dma_semaphore, #tpu.memory_space<semaphore_mem>>
      %dma_start3A_47 = tpu.memref_slice %arg4[%multiple_of3A] : memref<1600000xi32, #tpu.memory_space<hbm>> -> memref<800xi32, #tpu.memory_space<hbm>>
      %dma_start3A_48 = tpu.memref_slice %arg4[%multiple_of3A] : memref<1600000xi32, #tpu.memory_space<hbm>> -> memref<800xi32, #tpu.memory_space<hbm>>
      tpu.enqueue_dma source(%dma_start3A_48 : memref<800xi32, #tpu.memory_space<hbm>>) target(%arg10 : memref<800xi32, #tpu.memory_space<vmem>>) target_semaphore(%run_scoped3A : memref<!tpu.dma_semaphore, #tpu.memory_space<semaphore_mem>>)
      %dma_wait3A_49 = tpu.memref_slice %arg4[%multiple_of3A] : memref<1600000xi32, #tpu.memory_space<hbm>> -> memref<800xi32, #tpu.memory_space<hbm>>
      %dma_wait3A_50 = tpu.memref_slice %arg4[%multiple_of3A] : memref<1600000xi32, #tpu.memory_space<hbm>> -> memref<800xi32, #tpu.memory_space<hbm>>
      tpu.wait_dma2 semaphore(%run_scoped3A : memref<!tpu.dma_semaphore, #tpu.memory_space<semaphore_mem>>) src(%dma_wait3A_50 : memref<800xi32, #tpu.memory_space<hbm>>) dst(%arg10 : memref<800xi32, #tpu.memory_space<vmem>>)
      tpu.yield
    }) : () -> ()
    "tpu.region"() ({
      %run_scoped3A = tpu.sem_alloc : memref<!tpu.dma_semaphore, #tpu.memory_space<semaphore_mem>>
      %dma_start3A_47 = tpu.memref_slice %arg5[%multiple_of3A] : memref<1600000xf32, #tpu.memory_space<hbm>> -> memref<800xf32, #tpu.memory_space<hbm>>
      %dma_start3A_48 = tpu.memref_slice %arg5[%multiple_of3A] : memref<1600000xf32, #tpu.memory_space<hbm>> -> memref<800xf32, #tpu.memory_space<hbm>>
      tpu.enqueue_dma source(%dma_start3A_48 : memref<800xf32, #tpu.memory_space<hbm>>) target(%arg12 : memref<800xf32, #tpu.memory_space<vmem>>) target_semaphore(%run_scoped3A : memref<!tpu.dma_semaphore, #tpu.memory_space<semaphore_mem>>)
      %dma_wait3A_49 = tpu.memref_slice %arg5[%multiple_of3A] : memref<1600000xf32, #tpu.memory_space<hbm>> -> memref<800xf32, #tpu.memory_space<hbm>>
      %dma_wait3A_50 = tpu.memref_slice %arg5[%multiple_of3A] : memref<1600000xf32, #tpu.memory_space<hbm>> -> memref<800xf32, #tpu.memory_space<hbm>>
      tpu.wait_dma2 semaphore(%run_scoped3A : memref<!tpu.dma_semaphore, #tpu.memory_space<semaphore_mem>>) src(%dma_wait3A_50 : memref<800xf32, #tpu.memory_space<hbm>>) dst(%arg12 : memref<800xf32, #tpu.memory_space<vmem>>)
      tpu.yield
    }) : () -> ()
    %dma_start3A = arith.constant 0 : i32
    %dma_start3A_15 = arith.constant 0 : i32
    %dma_start3A_16 = tpu.memref_slice %arg2[%dma_start3A, %dma_start3A_15] : memref<1600000x16xf32, #tpu.memory_space<hbm>> -> memref<1600000x16xf32, #tpu.memory_space<hbm>>
    tpu.enqueue_indirect_dma source(%dma_start3A_16 : memref<1600000x16xf32, #tpu.memory_space<hbm>>) target(%arg14 : memref<800x16xf32, #tpu.memory_space<vmem>>) offsets(%arg8 : memref<800xi32, #tpu.memory_space<vmem>>) semaphore(%arg16 : memref<!tpu.dma_semaphore, #tpu.memory_space<semaphore_mem>>)
    %mul3A_17 = arith.constant 100000 : i32
    %mul3A_18 = arith.muli %arg1, %mul3A_17 : i32
    %add3A_19 = arith.constant 800 : i32
    %add3A_20 = arith.addi %mul3A_18, %add3A_19 : i32
    %multiple_of3A_21 = tpu.assume_multiple %add3A_20, 8 : i32
    "tpu.region"() ({
      %run_scoped3A = tpu.sem_alloc : memref<!tpu.dma_semaphore, #tpu.memory_space<semaphore_mem>>
      %dma_start3A_47 = arith.constant 0 : i32
      %dma_start3A_48 = tpu.memref_slice %arg3[%arg0, %dma_start3A_47] : memref<2x1600000xi32, #tpu.memory_space<hbm>> -> memref<1x1600000xi32, #tpu.memory_space<hbm>>
      %dma_start3A_49 = tpu.memref_squeeze %dma_start3A_48 : memref<1x1600000xi32, #tpu.memory_space<hbm>> -> memref<1600000xi32, #tpu.memory_space<hbm>>
      %dma_start3A_50 = tpu.memref_slice %dma_start3A_49[%multiple_of3A_21] : memref<1600000xi32, #tpu.memory_space<hbm>> -> memref<800xi32, #tpu.memory_space<hbm>>
      %dma_start3A_51 = arith.constant 0 : i32
      %dma_start3A_52 = tpu.memref_slice %arg3[%arg0, %dma_start3A_51] : memref<2x1600000xi32, #tpu.memory_space<hbm>> -> memref<1x1600000xi32, #tpu.memory_space<hbm>>
      %dma_start3A_53 = tpu.memref_squeeze %dma_start3A_52 : memref<1x1600000xi32, #tpu.memory_space<hbm>> -> memref<1600000xi32, #tpu.memory_space<hbm>>
      %dma_start3A_54 = tpu.memref_slice %dma_start3A_53[%multiple_of3A_21] : memref<1600000xi32, #tpu.memory_space<hbm>> -> memref<800xi32, #tpu.memory_space<hbm>>
      tpu.enqueue_dma source(%dma_start3A_54 : memref<800xi32, #tpu.memory_space<hbm>>) target(%arg9 : memref<800xi32, #tpu.memory_space<vmem>>) target_semaphore(%run_scoped3A : memref<!tpu.dma_semaphore, #tpu.memory_space<semaphore_mem>>)
      %dma_wait3A_55 = arith.constant 0 : i32
      %dma_wait3A_56 = tpu.memref_slice %arg3[%arg0, %dma_wait3A_55] : memref<2x1600000xi32, #tpu.memory_space<hbm>> -> memref<1x1600000xi32, #tpu.memory_space<hbm>>
      %dma_wait3A_57 = tpu.memref_squeeze %dma_wait3A_56 : memref<1x1600000xi32, #tpu.memory_space<hbm>> -> memref<1600000xi32, #tpu.memory_space<hbm>>
      %dma_wait3A_58 = tpu.memref_slice %dma_wait3A_57[%multiple_of3A_21] : memref<1600000xi32, #tpu.memory_space<hbm>> -> memref<800xi32, #tpu.memory_space<hbm>>
      %dma_wait3A_59 = arith.constant 0 : i32
      %dma_wait3A_60 = tpu.memref_slice %arg3[%arg0, %dma_wait3A_59] : memref<2x1600000xi32, #tpu.memory_space<hbm>> -> memref<1x1600000xi32, #tpu.memory_space<hbm>>
      %dma_wait3A_61 = tpu.memref_squeeze %dma_wait3A_60 : memref<1x1600000xi32, #tpu.memory_space<hbm>> -> memref<1600000xi32, #tpu.memory_space<hbm>>
      %dma_wait3A_62 = tpu.memref_slice %dma_wait3A_61[%multiple_of3A_21] : memref<1600000xi32, #tpu.memory_space<hbm>> -> memref<800xi32, #tpu.memory_space<hbm>>
      tpu.wait_dma2 semaphore(%run_scoped3A : memref<!tpu.dma_semaphore, #tpu.memory_space<semaphore_mem>>) src(%dma_wait3A_62 : memref<800xi32, #tpu.memory_space<hbm>>) dst(%arg9 : memref<800xi32, #tpu.memory_space<vmem>>)
      tpu.yield
    }) : () -> ()
    "tpu.region"() ({
      %run_scoped3A = tpu.sem_alloc : memref<!tpu.dma_semaphore, #tpu.memory_space<semaphore_mem>>
      %dma_start3A_47 = tpu.memref_slice %arg4[%multiple_of3A_21] : memref<1600000xi32, #tpu.memory_space<hbm>> -> memref<800xi32, #tpu.memory_space<hbm>>
      %dma_start3A_48 = tpu.memref_slice %arg4[%multiple_of3A_21] : memref<1600000xi32, #tpu.memory_space<hbm>> -> memref<800xi32, #tpu.memory_space<hbm>>
      tpu.enqueue_dma source(%dma_start3A_48 : memref<800xi32, #tpu.memory_space<hbm>>) target(%arg11 : memref<800xi32, #tpu.memory_space<vmem>>) target_semaphore(%run_scoped3A : memref<!tpu.dma_semaphore, #tpu.memory_space<semaphore_mem>>)
      %dma_wait3A_49 = tpu.memref_slice %arg4[%multiple_of3A_21] : memref<1600000xi32, #tpu.memory_space<hbm>> -> memref<800xi32, #tpu.memory_space<hbm>>
      %dma_wait3A_50 = tpu.memref_slice %arg4[%multiple_of3A_21] : memref<1600000xi32, #tpu.memory_space<hbm>> -> memref<800xi32, #tpu.memory_space<hbm>>
      tpu.wait_dma2 semaphore(%run_scoped3A : memref<!tpu.dma_semaphore, #tpu.memory_space<semaphore_mem>>) src(%dma_wait3A_50 : memref<800xi32, #tpu.memory_space<hbm>>) dst(%arg11 : memref<800xi32, #tpu.memory_space<vmem>>)
      tpu.yield
    }) : () -> ()
    "tpu.region"() ({
      %run_scoped3A = tpu.sem_alloc : memref<!tpu.dma_semaphore, #tpu.memory_space<semaphore_mem>>
      %dma_start3A_47 = tpu.memref_slice %arg5[%multiple_of3A_21] : memref<1600000xf32, #tpu.memory_space<hbm>> -> memref<800xf32, #tpu.memory_space<hbm>>
      %dma_start3A_48 = tpu.memref_slice %arg5[%multiple_of3A_21] : memref<1600000xf32, #tpu.memory_space<hbm>> -> memref<800xf32, #tpu.memory_space<hbm>>
      tpu.enqueue_dma source(%dma_start3A_48 : memref<800xf32, #tpu.memory_space<hbm>>) target(%arg13 : memref<800xf32, #tpu.memory_space<vmem>>) target_semaphore(%run_scoped3A : memref<!tpu.dma_semaphore, #tpu.memory_space<semaphore_mem>>)
      %dma_wait3A_49 = tpu.memref_slice %arg5[%multiple_of3A_21] : memref<1600000xf32, #tpu.memory_space<hbm>> -> memref<800xf32, #tpu.memory_space<hbm>>
      %dma_wait3A_50 = tpu.memref_slice %arg5[%multiple_of3A_21] : memref<1600000xf32, #tpu.memory_space<hbm>> -> memref<800xf32, #tpu.memory_space<hbm>>
      tpu.wait_dma2 semaphore(%run_scoped3A : memref<!tpu.dma_semaphore, #tpu.memory_space<semaphore_mem>>) src(%dma_wait3A_50 : memref<800xf32, #tpu.memory_space<hbm>>) dst(%arg13 : memref<800xf32, #tpu.memory_space<vmem>>)
      tpu.yield
    }) : () -> ()
    %dma_start3A_22 = arith.constant 0 : i32
    %dma_start3A_23 = arith.constant 0 : i32
    %dma_start3A_24 = tpu.memref_slice %arg2[%dma_start3A_22, %dma_start3A_23] : memref<1600000x16xf32, #tpu.memory_space<hbm>> -> memref<1600000x16xf32, #tpu.memory_space<hbm>>
    tpu.enqueue_indirect_dma source(%dma_start3A_24 : memref<1600000x16xf32, #tpu.memory_space<hbm>>) target(%arg15 : memref<800x16xf32, #tpu.memory_space<vmem>>) offsets(%arg9 : memref<800xi32, #tpu.memory_space<vmem>>) semaphore(%arg17 : memref<!tpu.dma_semaphore, #tpu.memory_space<semaphore_mem>>)
    %scan3A_25 = arith.constant 0 : i32
    %scan3A_26 = arith.constant 0 : i32
    %scan3A_27 = arith.constant 62 : i32
    %scan3A_28 = arith.addi %scan3A_26, %scan3A_27 : i32
    %scan3A_29 = arith.constant 1 : i32
    %scan3A_30 = scf.for %scan3A_47 = %scan3A_26 to %scan3A_28 step %scan3A_29 iter_args(%scan3A_48 = %scan3A_25) -> (i32)  : i32 {
      %mul3A_49 = arith.constant 2 : i32
      %mul3A_50 = arith.muli %mul3A_49, %scan3A_47 : i32
      %add3A_51 = arith.constant 0 : i32
      %add3A_52 = arith.addi %mul3A_50, %add3A_51 : i32
      %dma_wait3A_53 = arith.constant 0 : i32
      %dma_wait3A_54 = arith.constant 0 : i32
      %dma_wait3A_55 = tpu.memref_slice %arg2[%dma_wait3A_53, %dma_wait3A_54] : memref<1600000x16xf32, #tpu.memory_space<hbm>> -> memref<1600000x16xf32, #tpu.memory_space<hbm>>
      tpu.wait_indirect_dma semaphore(%arg16 : memref<!tpu.dma_semaphore, #tpu.memory_space<semaphore_mem>>) src(%dma_wait3A_55 : memref<1600000x16xf32, #tpu.memory_space<hbm>>) dst(%arg14 : memref<800x16xf32, #tpu.memory_space<vmem>>)
      %parallel_loop3A_56 = arith.constant 0 : i32
      %parallel_loop3A_57 = arith.constant 800 : i32
      %parallel_loop3A_58 = arith.constant 1 : i32
      scf.for %parallel_loop3A_81 = %parallel_loop3A_56 to %parallel_loop3A_57 step %parallel_loop3A_58  : i32 {
        %parallel_loop3A_82 = vector.broadcast %parallel_loop3A_81 : i32 to vector<16xi32>
        %parallel_loop3A_83 = tpu.vector_load_idx %arg12[%parallel_loop3A_82] : memref<800xf32, #tpu.memory_space<vmem>>[vector<16xi32>], vector<16xf32>,
        %parallel_loop3A_84 = arith.index_cast %parallel_loop3A_81 : i32 to index
        %parallel_loop3A_85 = arith.constant 0 : index
        %parallel_loop3A_86 = tpu.vector_load %arg14[%parallel_loop3A_84, %parallel_loop3A_85] {strides = array<i32>} : memref<800x16xf32, #tpu.memory_space<vmem>>, vector<16xf32>,
        %parallel_loop3A_87 = arith.mulf %parallel_loop3A_86, %parallel_loop3A_83 : vector<16xf32>
        %parallel_loop3A_88 = arith.index_cast %parallel_loop3A_81 : i32 to index
        %parallel_loop3A_89 = arith.constant 0 : index
        %parallel_loop3A_90 = tpu.vector_load %arg14[%parallel_loop3A_88, %parallel_loop3A_89] {strides = array<i32>} : memref<800x16xf32, #tpu.memory_space<vmem>>, vector<16xf32>,
        tpu.vector_store %arg14[%parallel_loop3A_88, %parallel_loop3A_89], %parallel_loop3A_87 {strides = array<i32>} : memref<800x16xf32, #tpu.memory_space<vmem>>, vector<16xf32>,
      } {sc.loop_unroll_factor = 8 : i64, sc.parallel_access}
      "tpu.region"() ({
        %run_scoped3A = tpu.sem_alloc : memref<!tpu.dma_semaphore, #tpu.memory_space<semaphore_mem>>
        %dma_start3A_81 = arith.constant 0 : i32
        %dma_start3A_82 = arith.constant 0 : i32
        %dma_start3A_83 = tpu.memref_slice %arg7[%dma_start3A_81, %dma_start3A_82] : memref<100096x16xf32, #tpu.memory_space<vmem_shared>> -> memref<100096x16xf32, #tpu.memory_space<vmem_shared>>
        tpu.enqueue_indirect_dma source(%arg14 : memref<800x16xf32, #tpu.memory_space<vmem>>) target(%dma_start3A_83 : memref<100096x16xf32, #tpu.memory_space<vmem_shared>>) offsets(%arg10 : memref<800xi32, #tpu.memory_space<vmem>>) semaphore(%run_scoped3A : memref<!tpu.dma_semaphore, #tpu.memory_space<semaphore_mem>>) {add = true}
        %dma_wait3A_84 = arith.constant 0 : i32
        %dma_wait3A_85 = arith.constant 0 : i32
        %dma_wait3A_86 = tpu.memref_slice %arg7[%dma_wait3A_84, %dma_wait3A_85] : memref<100096x16xf32, #tpu.memory_space<vmem_shared>> -> memref<100096x16xf32, #tpu.memory_space<vmem_shared>>
        tpu.wait_indirect_dma semaphore(%run_scoped3A : memref<!tpu.dma_semaphore, #tpu.memory_space<semaphore_mem>>) src(%arg14 : memref<800x16xf32, #tpu.memory_space<vmem>>) dst(%dma_wait3A_86 : memref<100096x16xf32, #tpu.memory_space<vmem_shared>>)
        tpu.yield
      }) : () -> ()
      %add3A_59 = arith.constant 2 : i32
      %add3A_60 = arith.addi %add3A_52, %add3A_59 : i32
      %lt3A = arith.constant 125 : i32
      %lt3A_61 = arith.cmpi slt, %add3A_60, %lt3A : i32
      %convert_element_type3A = arith.extui %lt3A_61 : i1 to i32
      %cond3A = arith.constant 0 : i32
      %cond3A_62 = arith.cmpi ne, %convert_element_type3A, %cond3A : i32
      scf.if %cond3A_62 {
        %add3A_81 = arith.constant 2 : i32
        %add3A_82 = arith.addi %add3A_52, %add3A_81 : i32
        %mul3A_83 = arith.constant 100000 : i32
        %mul3A_84 = arith.muli %arg1, %mul3A_83 : i32
        %mul3A_85 = arith.constant 800 : i32
        %mul3A_86 = arith.muli %add3A_82, %mul3A_85 : i32
        %add3A_87 = arith.addi %mul3A_84, %mul3A_86 : i32
        %multiple_of3A_88 = tpu.assume_multiple %add3A_87, 8 : i32
        "tpu.region"() ({
          %run_scoped3A = tpu.sem_alloc : memref<!tpu.dma_semaphore, #tpu.memory_space<semaphore_mem>>
          %dma_start3A_92 = arith.constant 0 : i32
          %dma_start3A_93 = tpu.memref_slice %arg3[%arg0, %dma_start3A_92] : memref<2x1600000xi32, #tpu.memory_space<hbm>> -> memref<1x1600000xi32, #tpu.memory_space<hbm>>
          %dma_start3A_94 = tpu.memref_squeeze %dma_start3A_93 : memref<1x1600000xi32, #tpu.memory_space<hbm>> -> memref<1600000xi32, #tpu.memory_space<hbm>>
          %dma_start3A_95 = tpu.memref_slice %dma_start3A_94[%multiple_of3A_88] : memref<1600000xi32, #tpu.memory_space<hbm>> -> memref<800xi32, #tpu.memory_space<hbm>>
          %dma_start3A_96 = arith.constant 0 : i32
          %dma_start3A_97 = tpu.memref_slice %arg3[%arg0, %dma_start3A_96] : memref<2x1600000xi32, #tpu.memory_space<hbm>> -> memref<1x1600000xi32, #tpu.memory_space<hbm>>
          %dma_start3A_98 = tpu.memref_squeeze %dma_start3A_97 : memref<1x1600000xi32, #tpu.memory_space<hbm>> -> memref<1600000xi32, #tpu.memory_space<hbm>>
          %dma_start3A_99 = tpu.memref_slice %dma_start3A_98[%multiple_of3A_88] : memref<1600000xi32, #tpu.memory_space<hbm>> -> memref<800xi32, #tpu.memory_space<hbm>>
          tpu.enqueue_dma source(%dma_start3A_99 : memref<800xi32, #tpu.memory_space<hbm>>) target(%arg8 : memref<800xi32, #tpu.memory_space<vmem>>) target_semaphore(%run_scoped3A : memref<!tpu.dma_semaphore, #tpu.memory_space<semaphore_mem>>)
          %dma_wait3A_100 = arith.constant 0 : i32
          %dma_wait3A_101 = tpu.memref_slice %arg3[%arg0, %dma_wait3A_100] : memref<2x1600000xi32, #tpu.memory_space<hbm>> -> memref<1x1600000xi32, #tpu.memory_space<hbm>>
          %dma_wait3A_102 = tpu.memref_squeeze %dma_wait3A_101 : memref<1x1600000xi32, #tpu.memory_space<hbm>> -> memref<1600000xi32, #tpu.memory_space<hbm>>
          %dma_wait3A_103 = tpu.memref_slice %dma_wait3A_102[%multiple_of3A_88] : memref<1600000xi32, #tpu.memory_space<hbm>> -> memref<800xi32, #tpu.memory_space<hbm>>
          %dma_wait3A_104 = arith.constant 0 : i32
          %dma_wait3A_105 = tpu.memref_slice %arg3[%arg0, %dma_wait3A_104] : memref<2x1600000xi32, #tpu.memory_space<hbm>> -> memref<1x1600000xi32, #tpu.memory_space<hbm>>
          %dma_wait3A_106 = tpu.memref_squeeze %dma_wait3A_105 : memref<1x1600000xi32, #tpu.memory_space<hbm>> -> memref<1600000xi32, #tpu.memory_space<hbm>>
          %dma_wait3A_107 = tpu.memref_slice %dma_wait3A_106[%multiple_of3A_88] : memref<1600000xi32, #tpu.memory_space<hbm>> -> memref<800xi32, #tpu.memory_space<hbm>>
          tpu.wait_dma2 semaphore(%run_scoped3A : memref<!tpu.dma_semaphore, #tpu.memory_space<semaphore_mem>>) src(%dma_wait3A_107 : memref<800xi32, #tpu.memory_space<hbm>>) dst(%arg8 : memref<800xi32, #tpu.memory_space<vmem>>)
          tpu.yield
        }) : () -> ()
        "tpu.region"() ({
          %run_scoped3A = tpu.sem_alloc : memref<!tpu.dma_semaphore, #tpu.memory_space<semaphore_mem>>
          %dma_start3A_92 = tpu.memref_slice %arg4[%multiple_of3A_88] : memref<1600000xi32, #tpu.memory_space<hbm>> -> memref<800xi32, #tpu.memory_space<hbm>>
          %dma_start3A_93 = tpu.memref_slice %arg4[%multiple_of3A_88] : memref<1600000xi32, #tpu.memory_space<hbm>> -> memref<800xi32, #tpu.memory_space<hbm>>
          tpu.enqueue_dma source(%dma_start3A_93 : memref<800xi32, #tpu.memory_space<hbm>>) target(%arg10 : memref<800xi32, #tpu.memory_space<vmem>>) target_semaphore(%run_scoped3A : memref<!tpu.dma_semaphore, #tpu.memory_space<semaphore_mem>>)
          %dma_wait3A_94 = tpu.memref_slice %arg4[%multiple_of3A_88] : memref<1600000xi32, #tpu.memory_space<hbm>> -> memref<800xi32, #tpu.memory_space<hbm>>
          %dma_wait3A_95 = tpu.memref_slice %arg4[%multiple_of3A_88] : memref<1600000xi32, #tpu.memory_space<hbm>> -> memref<800xi32, #tpu.memory_space<hbm>>
          tpu.wait_dma2 semaphore(%run_scoped3A : memref<!tpu.dma_semaphore, #tpu.memory_space<semaphore_mem>>) src(%dma_wait3A_95 : memref<800xi32, #tpu.memory_space<hbm>>) dst(%arg10 : memref<800xi32, #tpu.memory_space<vmem>>)
          tpu.yield
        }) : () -> ()
        "tpu.region"() ({
          %run_scoped3A = tpu.sem_alloc : memref<!tpu.dma_semaphore, #tpu.memory_space<semaphore_mem>>
          %dma_start3A_92 = tpu.memref_slice %arg5[%multiple_of3A_88] : memref<1600000xf32, #tpu.memory_space<hbm>> -> memref<800xf32, #tpu.memory_space<hbm>>
          %dma_start3A_93 = tpu.memref_slice %arg5[%multiple_of3A_88] : memref<1600000xf32, #tpu.memory_space<hbm>> -> memref<800xf32, #tpu.memory_space<hbm>>
          tpu.enqueue_dma source(%dma_start3A_93 : memref<800xf32, #tpu.memory_space<hbm>>) target(%arg12 : memref<800xf32, #tpu.memory_space<vmem>>) target_semaphore(%run_scoped3A : memref<!tpu.dma_semaphore, #tpu.memory_space<semaphore_mem>>)
          %dma_wait3A_94 = tpu.memref_slice %arg5[%multiple_of3A_88] : memref<1600000xf32, #tpu.memory_space<hbm>> -> memref<800xf32, #tpu.memory_space<hbm>>
          %dma_wait3A_95 = tpu.memref_slice %arg5[%multiple_of3A_88] : memref<1600000xf32, #tpu.memory_space<hbm>> -> memref<800xf32, #tpu.memory_space<hbm>>
          tpu.wait_dma2 semaphore(%run_scoped3A : memref<!tpu.dma_semaphore, #tpu.memory_space<semaphore_mem>>) src(%dma_wait3A_95 : memref<800xf32, #tpu.memory_space<hbm>>) dst(%arg12 : memref<800xf32, #tpu.memory_space<vmem>>)
          tpu.yield
        }) : () -> ()
        %dma_start3A_89 = arith.constant 0 : i32
        %dma_start3A_90 = arith.constant 0 : i32
        %dma_start3A_91 = tpu.memref_slice %arg2[%dma_start3A_89, %dma_start3A_90] : memref<1600000x16xf32, #tpu.memory_space<hbm>> -> memref<1600000x16xf32, #tpu.memory_space<hbm>>
        tpu.enqueue_indirect_dma source(%dma_start3A_91 : memref<1600000x16xf32, #tpu.memory_space<hbm>>) target(%arg14 : memref<800x16xf32, #tpu.memory_space<vmem>>) offsets(%arg8 : memref<800xi32, #tpu.memory_space<vmem>>) semaphore(%arg16 : memref<!tpu.dma_semaphore, #tpu.memory_space<semaphore_mem>>)
      } else {
      }
      %mul3A_63 = arith.constant 2 : i32
      %mul3A_64 = arith.muli %mul3A_63, %scan3A_47 : i32
      %add3A_65 = arith.constant 1 : i32
      %add3A_66 = arith.addi %mul3A_64, %add3A_65 : i32
      %dma_wait3A_67 = arith.constant 0 : i32
      %dma_wait3A_68 = arith.constant 0 : i32
      %dma_wait3A_69 = tpu.memref_slice %arg2[%dma_wait3A_67, %dma_wait3A_68] : memref<1600000x16xf32, #tpu.memory_space<hbm>> -> memref<1600000x16xf32, #tpu.memory_space<hbm>>
      tpu.wait_indirect_dma semaphore(%arg17 : memref<!tpu.dma_semaphore, #tpu.memory_space<semaphore_mem>>) src(%dma_wait3A_69 : memref<1600000x16xf32, #tpu.memory_space<hbm>>) dst(%arg15 : memref<800x16xf32, #tpu.memory_space<vmem>>)
      %parallel_loop3A_70 = arith.constant 0 : i32
      %parallel_loop3A_71 = arith.constant 800 : i32
      %parallel_loop3A_72 = arith.constant 1 : i32
      scf.for %parallel_loop3A_81 = %parallel_loop3A_70 to %parallel_loop3A_71 step %parallel_loop3A_72  : i32 {
        %parallel_loop3A_82 = vector.broadcast %parallel_loop3A_81 : i32 to vector<16xi32>
        %parallel_loop3A_83 = tpu.vector_load_idx %arg13[%parallel_loop3A_82] : memref<800xf32, #tpu.memory_space<vmem>>[vector<16xi32>], vector<16xf32>,
        %parallel_loop3A_84 = arith.index_cast %parallel_loop3A_81 : i32 to index
        %parallel_loop3A_85 = arith.constant 0 : index
        %parallel_loop3A_86 = tpu.vector_load %arg15[%parallel_loop3A_84, %parallel_loop3A_85] {strides = array<i32>} : memref<800x16xf32, #tpu.memory_space<vmem>>, vector<16xf32>,
        %parallel_loop3A_87 = arith.mulf %parallel_loop3A_86, %parallel_loop3A_83 : vector<16xf32>
        %parallel_loop3A_88 = arith.index_cast %parallel_loop3A_81 : i32 to index
        %parallel_loop3A_89 = arith.constant 0 : index
        %parallel_loop3A_90 = tpu.vector_load %arg15[%parallel_loop3A_88, %parallel_loop3A_89] {strides = array<i32>} : memref<800x16xf32, #tpu.memory_space<vmem>>, vector<16xf32>,
        tpu.vector_store %arg15[%parallel_loop3A_88, %parallel_loop3A_89], %parallel_loop3A_87 {strides = array<i32>} : memref<800x16xf32, #tpu.memory_space<vmem>>, vector<16xf32>,
      } {sc.loop_unroll_factor = 8 : i64, sc.parallel_access}
      "tpu.region"() ({
        %run_scoped3A = tpu.sem_alloc : memref<!tpu.dma_semaphore, #tpu.memory_space<semaphore_mem>>
        %dma_start3A_81 = arith.constant 0 : i32
        %dma_start3A_82 = arith.constant 0 : i32
        %dma_start3A_83 = tpu.memref_slice %arg7[%dma_start3A_81, %dma_start3A_82] : memref<100096x16xf32, #tpu.memory_space<vmem_shared>> -> memref<100096x16xf32, #tpu.memory_space<vmem_shared>>
        tpu.enqueue_indirect_dma source(%arg15 : memref<800x16xf32, #tpu.memory_space<vmem>>) target(%dma_start3A_83 : memref<100096x16xf32, #tpu.memory_space<vmem_shared>>) offsets(%arg11 : memref<800xi32, #tpu.memory_space<vmem>>) semaphore(%run_scoped3A : memref<!tpu.dma_semaphore, #tpu.memory_space<semaphore_mem>>) {add = true}
        %dma_wait3A_84 = arith.constant 0 : i32
        %dma_wait3A_85 = arith.constant 0 : i32
        %dma_wait3A_86 = tpu.memref_slice %arg7[%dma_wait3A_84, %dma_wait3A_85] : memref<100096x16xf32, #tpu.memory_space<vmem_shared>> -> memref<100096x16xf32, #tpu.memory_space<vmem_shared>>
        tpu.wait_indirect_dma semaphore(%run_scoped3A : memref<!tpu.dma_semaphore, #tpu.memory_space<semaphore_mem>>) src(%arg15 : memref<800x16xf32, #tpu.memory_space<vmem>>) dst(%dma_wait3A_86 : memref<100096x16xf32, #tpu.memory_space<vmem_shared>>)
        tpu.yield
      }) : () -> ()
      %add3A_73 = arith.constant 2 : i32
      %add3A_74 = arith.addi %add3A_66, %add3A_73 : i32
      %lt3A_75 = arith.constant 125 : i32
      %lt3A_76 = arith.cmpi slt, %add3A_74, %lt3A_75 : i32
      %convert_element_type3A_77 = arith.extui %lt3A_76 : i1 to i32
      %cond3A_78 = arith.constant 0 : i32
      %cond3A_79 = arith.cmpi ne, %convert_element_type3A_77, %cond3A_78 : i32
      scf.if %cond3A_79 {
        %add3A_81 = arith.constant 2 : i32
        %add3A_82 = arith.addi %add3A_66, %add3A_81 : i32
        %mul3A_83 = arith.constant 100000 : i32
        %mul3A_84 = arith.muli %arg1, %mul3A_83 : i32
        %mul3A_85 = arith.constant 800 : i32
        %mul3A_86 = arith.muli %add3A_82, %mul3A_85 : i32
        %add3A_87 = arith.addi %mul3A_84, %mul3A_86 : i32
        %multiple_of3A_88 = tpu.assume_multiple %add3A_87, 8 : i32
        "tpu.region"() ({
          %run_scoped3A = tpu.sem_alloc : memref<!tpu.dma_semaphore, #tpu.memory_space<semaphore_mem>>
          %dma_start3A_92 = arith.constant 0 : i32
          %dma_start3A_93 = tpu.memref_slice %arg3[%arg0, %dma_start3A_92] : memref<2x1600000xi32, #tpu.memory_space<hbm>> -> memref<1x1600000xi32, #tpu.memory_space<hbm>>
          %dma_start3A_94 = tpu.memref_squeeze %dma_start3A_93 : memref<1x1600000xi32, #tpu.memory_space<hbm>> -> memref<1600000xi32, #tpu.memory_space<hbm>>
          %dma_start3A_95 = tpu.memref_slice %dma_start3A_94[%multiple_of3A_88] : memref<1600000xi32, #tpu.memory_space<hbm>> -> memref<800xi32, #tpu.memory_space<hbm>>
          %dma_start3A_96 = arith.constant 0 : i32
          %dma_start3A_97 = tpu.memref_slice %arg3[%arg0, %dma_start3A_96] : memref<2x1600000xi32, #tpu.memory_space<hbm>> -> memref<1x1600000xi32, #tpu.memory_space<hbm>>
          %dma_start3A_98 = tpu.memref_squeeze %dma_start3A_97 : memref<1x1600000xi32, #tpu.memory_space<hbm>> -> memref<1600000xi32, #tpu.memory_space<hbm>>
          %dma_start3A_99 = tpu.memref_slice %dma_start3A_98[%multiple_of3A_88] : memref<1600000xi32, #tpu.memory_space<hbm>> -> memref<800xi32, #tpu.memory_space<hbm>>
          tpu.enqueue_dma source(%dma_start3A_99 : memref<800xi32, #tpu.memory_space<hbm>>) target(%arg9 : memref<800xi32, #tpu.memory_space<vmem>>) target_semaphore(%run_scoped3A : memref<!tpu.dma_semaphore, #tpu.memory_space<semaphore_mem>>)
          %dma_wait3A_100 = arith.constant 0 : i32
          %dma_wait3A_101 = tpu.memref_slice %arg3[%arg0, %dma_wait3A_100] : memref<2x1600000xi32, #tpu.memory_space<hbm>> -> memref<1x1600000xi32, #tpu.memory_space<hbm>>
          %dma_wait3A_102 = tpu.memref_squeeze %dma_wait3A_101 : memref<1x1600000xi32, #tpu.memory_space<hbm>> -> memref<1600000xi32, #tpu.memory_space<hbm>>
          %dma_wait3A_103 = tpu.memref_slice %dma_wait3A_102[%multiple_of3A_88] : memref<1600000xi32, #tpu.memory_space<hbm>> -> memref<800xi32, #tpu.memory_space<hbm>>
          %dma_wait3A_104 = arith.constant 0 : i32
          %dma_wait3A_105 = tpu.memref_slice %arg3[%arg0, %dma_wait3A_104] : memref<2x1600000xi32, #tpu.memory_space<hbm>> -> memref<1x1600000xi32, #tpu.memory_space<hbm>>
          %dma_wait3A_106 = tpu.memref_squeeze %dma_wait3A_105 : memref<1x1600000xi32, #tpu.memory_space<hbm>> -> memref<1600000xi32, #tpu.memory_space<hbm>>
          %dma_wait3A_107 = tpu.memref_slice %dma_wait3A_106[%multiple_of3A_88] : memref<1600000xi32, #tpu.memory_space<hbm>> -> memref<800xi32, #tpu.memory_space<hbm>>
          tpu.wait_dma2 semaphore(%run_scoped3A : memref<!tpu.dma_semaphore, #tpu.memory_space<semaphore_mem>>) src(%dma_wait3A_107 : memref<800xi32, #tpu.memory_space<hbm>>) dst(%arg9 : memref<800xi32, #tpu.memory_space<vmem>>)
          tpu.yield
        }) : () -> ()
        "tpu.region"() ({
          %run_scoped3A = tpu.sem_alloc : memref<!tpu.dma_semaphore, #tpu.memory_space<semaphore_mem>>
          %dma_start3A_92 = tpu.memref_slice %arg4[%multiple_of3A_88] : memref<1600000xi32, #tpu.memory_space<hbm>> -> memref<800xi32, #tpu.memory_space<hbm>>
          %dma_start3A_93 = tpu.memref_slice %arg4[%multiple_of3A_88] : memref<1600000xi32, #tpu.memory_space<hbm>> -> memref<800xi32, #tpu.memory_space<hbm>>
          tpu.enqueue_dma source(%dma_start3A_93 : memref<800xi32, #tpu.memory_space<hbm>>) target(%arg11 : memref<800xi32, #tpu.memory_space<vmem>>) target_semaphore(%run_scoped3A : memref<!tpu.dma_semaphore, #tpu.memory_space<semaphore_mem>>)
          %dma_wait3A_94 = tpu.memref_slice %arg4[%multiple_of3A_88] : memref<1600000xi32, #tpu.memory_space<hbm>> -> memref<800xi32, #tpu.memory_space<hbm>>
          %dma_wait3A_95 = tpu.memref_slice %arg4[%multiple_of3A_88] : memref<1600000xi32, #tpu.memory_space<hbm>> -> memref<800xi32, #tpu.memory_space<hbm>>
          tpu.wait_dma2 semaphore(%run_scoped3A : memref<!tpu.dma_semaphore, #tpu.memory_space<semaphore_mem>>) src(%dma_wait3A_95 : memref<800xi32, #tpu.memory_space<hbm>>) dst(%arg11 : memref<800xi32, #tpu.memory_space<vmem>>)
          tpu.yield
        }) : () -> ()
        "tpu.region"() ({
          %run_scoped3A = tpu.sem_alloc : memref<!tpu.dma_semaphore, #tpu.memory_space<semaphore_mem>>
          %dma_start3A_92 = tpu.memref_slice %arg5[%multiple_of3A_88] : memref<1600000xf32, #tpu.memory_space<hbm>> -> memref<800xf32, #tpu.memory_space<hbm>>
          %dma_start3A_93 = tpu.memref_slice %arg5[%multiple_of3A_88] : memref<1600000xf32, #tpu.memory_space<hbm>> -> memref<800xf32, #tpu.memory_space<hbm>>
          tpu.enqueue_dma source(%dma_start3A_93 : memref<800xf32, #tpu.memory_space<hbm>>) target(%arg13 : memref<800xf32, #tpu.memory_space<vmem>>) target_semaphore(%run_scoped3A : memref<!tpu.dma_semaphore, #tpu.memory_space<semaphore_mem>>)
          %dma_wait3A_94 = tpu.memref_slice %arg5[%multiple_of3A_88] : memref<1600000xf32, #tpu.memory_space<hbm>> -> memref<800xf32, #tpu.memory_space<hbm>>
          %dma_wait3A_95 = tpu.memref_slice %arg5[%multiple_of3A_88] : memref<1600000xf32, #tpu.memory_space<hbm>> -> memref<800xf32, #tpu.memory_space<hbm>>
          tpu.wait_dma2 semaphore(%run_scoped3A : memref<!tpu.dma_semaphore, #tpu.memory_space<semaphore_mem>>) src(%dma_wait3A_95 : memref<800xf32, #tpu.memory_space<hbm>>) dst(%arg13 : memref<800xf32, #tpu.memory_space<vmem>>)
          tpu.yield
        }) : () -> ()
        %dma_start3A_89 = arith.constant 0 : i32
        %dma_start3A_90 = arith.constant 0 : i32
        %dma_start3A_91 = tpu.memref_slice %arg2[%dma_start3A_89, %dma_start3A_90] : memref<1600000x16xf32, #tpu.memory_space<hbm>> -> memref<1600000x16xf32, #tpu.memory_space<hbm>>
        tpu.enqueue_indirect_dma source(%dma_start3A_91 : memref<1600000x16xf32, #tpu.memory_space<hbm>>) target(%arg15 : memref<800x16xf32, #tpu.memory_space<vmem>>) offsets(%arg9 : memref<800xi32, #tpu.memory_space<vmem>>) semaphore(%arg17 : memref<!tpu.dma_semaphore, #tpu.memory_space<semaphore_mem>>)
      } else {
      }
      %scan3A_80 = arith.constant 0 : i32
      scf.yield %scan3A_80 : i32
    }
    %scan3A_31 = arith.constant 62 : i32
    %dma_wait3A = arith.constant 0 : i32
    %dma_wait3A_32 = arith.constant 0 : i32
    %dma_wait3A_33 = tpu.memref_slice %arg2[%dma_wait3A, %dma_wait3A_32] : memref<1600000x16xf32, #tpu.memory_space<hbm>> -> memref<1600000x16xf32, #tpu.memory_space<hbm>>
    tpu.wait_indirect_dma semaphore(%arg16 : memref<!tpu.dma_semaphore, #tpu.memory_space<semaphore_mem>>) src(%dma_wait3A_33 : memref<1600000x16xf32, #tpu.memory_space<hbm>>) dst(%arg14 : memref<800x16xf32, #tpu.memory_space<vmem>>)
    %parallel_loop3A_34 = arith.constant 0 : i32
    %parallel_loop3A_35 = arith.constant 800 : i32
    %parallel_loop3A_36 = arith.constant 1 : i32
    scf.for %parallel_loop3A_47 = %parallel_loop3A_34 to %parallel_loop3A_35 step %parallel_loop3A_36  : i32 {
      %parallel_loop3A_48 = vector.broadcast %parallel_loop3A_47 : i32 to vector<16xi32>
      %parallel_loop3A_49 = tpu.vector_load_idx %arg12[%parallel_loop3A_48] : memref<800xf32, #tpu.memory_space<vmem>>[vector<16xi32>], vector<16xf32>,
      %parallel_loop3A_50 = arith.index_cast %parallel_loop3A_47 : i32 to index
      %parallel_loop3A_51 = arith.constant 0 : index
      %parallel_loop3A_52 = tpu.vector_load %arg14[%parallel_loop3A_50, %parallel_loop3A_51] {strides = array<i32>} : memref<800x16xf32, #tpu.memory_space<vmem>>, vector<16xf32>,
      %parallel_loop3A_53 = arith.mulf %parallel_loop3A_52, %parallel_loop3A_49 : vector<16xf32>
      %parallel_loop3A_54 = arith.index_cast %parallel_loop3A_47 : i32 to index
      %parallel_loop3A_55 = arith.constant 0 : index
      %parallel_loop3A_56 = tpu.vector_load %arg14[%parallel_loop3A_54, %parallel_loop3A_55] {strides = array<i32>} : memref<800x16xf32, #tpu.memory_space<vmem>>, vector<16xf32>,
      tpu.vector_store %arg14[%parallel_loop3A_54, %parallel_loop3A_55], %parallel_loop3A_53 {strides = array<i32>} : memref<800x16xf32, #tpu.memory_space<vmem>>, vector<16xf32>,
    } {sc.loop_unroll_factor = 8 : i64, sc.parallel_access}
    "tpu.region"() ({
      %run_scoped3A = tpu.sem_alloc : memref<!tpu.dma_semaphore, #tpu.memory_space<semaphore_mem>>
      %dma_start3A_47 = arith.constant 0 : i32
      %dma_start3A_48 = arith.constant 0 : i32
      %dma_start3A_49 = tpu.memref_slice %arg7[%dma_start3A_47, %dma_start3A_48] : memref<100096x16xf32, #tpu.memory_space<vmem_shared>> -> memref<100096x16xf32, #tpu.memory_space<vmem_shared>>
      tpu.enqueue_indirect_dma source(%arg14 : memref<800x16xf32, #tpu.memory_space<vmem>>) target(%dma_start3A_49 : memref<100096x16xf32, #tpu.memory_space<vmem_shared>>) offsets(%arg10 : memref<800xi32, #tpu.memory_space<vmem>>) semaphore(%run_scoped3A : memref<!tpu.dma_semaphore, #tpu.memory_space<semaphore_mem>>) {add = true}
      %dma_wait3A_50 = arith.constant 0 : i32
      %dma_wait3A_51 = arith.constant 0 : i32
      %dma_wait3A_52 = tpu.memref_slice %arg7[%dma_wait3A_50, %dma_wait3A_51] : memref<100096x16xf32, #tpu.memory_space<vmem_shared>> -> memref<100096x16xf32, #tpu.memory_space<vmem_shared>>
      tpu.wait_indirect_dma semaphore(%run_scoped3A : memref<!tpu.dma_semaphore, #tpu.memory_space<semaphore_mem>>) src(%arg14 : memref<800x16xf32, #tpu.memory_space<vmem>>) dst(%dma_wait3A_52 : memref<100096x16xf32, #tpu.memory_space<vmem_shared>>)
      tpu.yield
    }) : () -> ()
    %barrier3A_37 = arith.constant 0 : index
    tpu.barrier barrier_id(%barrier3A_37)
    %scan3A_38 = arith.constant 0 : i32
    %scan3A_39 = arith.constant 0 : i32
    %scan3A_40 = arith.constant 7 : i32
    %scan3A_41 = arith.addi %scan3A_39, %scan3A_40 : i32
    %scan3A_42 = arith.constant 1 : i32
    %scan3A_43 = scf.for %scan3A_47 = %scan3A_39 to %scan3A_41 step %scan3A_42 iter_args(%scan3A_48 = %scan3A_38) -> (i32)  : i32 {
      %mul3A_49 = arith.constant 800 : i32
      %mul3A_50 = arith.muli %scan3A_47, %mul3A_49 : i32
      %add3A_51 = arith.addi %mul3A_3, %mul3A_50 : i32
      "tpu.region"() ({
        %run_scoped3A = tpu.sem_alloc : memref<!tpu.dma_semaphore, #tpu.memory_space<semaphore_mem>>
        %dma_start3A_56 = arith.constant 0 : i32
        %dma_start3A_57 = tpu.memref_slice %arg7[%add3A_51, %dma_start3A_56] : memref<100096x16xf32, #tpu.memory_space<vmem_shared>> -> memref<800x16xf32, #tpu.memory_space<vmem_shared>>
        %dma_start3A_58 = arith.constant 0 : i32
        %dma_start3A_59 = tpu.memref_slice %arg7[%add3A_51, %dma_start3A_58] : memref<100096x16xf32, #tpu.memory_space<vmem_shared>> -> memref<800x16xf32, #tpu.memory_space<vmem_shared>>
        tpu.enqueue_dma source(%dma_start3A_59 : memref<800x16xf32, #tpu.memory_space<vmem_shared>>) target(%arg14 : memref<800x16xf32, #tpu.memory_space<vmem>>) target_semaphore(%run_scoped3A : memref<!tpu.dma_semaphore, #tpu.memory_space<semaphore_mem>>)
        %dma_wait3A_60 = arith.constant 0 : i32
        %dma_wait3A_61 = tpu.memref_slice %arg7[%add3A_51, %dma_wait3A_60] : memref<100096x16xf32, #tpu.memory_space<vmem_shared>> -> memref<800x16xf32, #tpu.memory_space<vmem_shared>>
        %dma_wait3A_62 = arith.constant 0 : i32
        %dma_wait3A_63 = tpu.memref_slice %arg7[%add3A_51, %dma_wait3A_62] : memref<100096x16xf32, #tpu.memory_space<vmem_shared>> -> memref<800x16xf32, #tpu.memory_space<vmem_shared>>
        tpu.wait_dma2 semaphore(%run_scoped3A : memref<!tpu.dma_semaphore, #tpu.memory_space<semaphore_mem>>) src(%dma_wait3A_63 : memref<800x16xf32, #tpu.memory_space<vmem_shared>>) dst(%arg14 : memref<800x16xf32, #tpu.memory_space<vmem>>)
        tpu.yield
      }) : () -> ()
      %mul3A_52 = arith.constant 800 : i32
      %mul3A_53 = arith.muli %scan3A_47, %mul3A_52 : i32
      %add3A_54 = arith.addi %mul3A_3, %mul3A_53 : i32
      "tpu.region"() ({
        %run_scoped3A = tpu.sem_alloc : memref<!tpu.dma_semaphore, #tpu.memory_space<semaphore_mem>>
        %dma_start3A_56 = arith.constant 0 : i32
        %dma_start3A_57 = tpu.memref_slice %arg6[%arg0, %add3A_54, %dma_start3A_56] : memref<2x100096x16xf32, #tpu.memory_space<hbm>> -> memref<1x800x16xf32, #tpu.memory_space<hbm>>
        %dma_start3A_58 = tpu.memref_squeeze %dma_start3A_57 : memref<1x800x16xf32, #tpu.memory_space<hbm>> -> memref<800x16xf32, #tpu.memory_space<hbm>>
        %dma_start3A_59 = arith.constant 0 : i32
        %dma_start3A_60 = tpu.memref_slice %arg6[%arg0, %add3A_54, %dma_start3A_59] : memref<2x100096x16xf32, #tpu.memory_space<hbm>> -> memref<1x800x16xf32, #tpu.memory_space<hbm>>
        %dma_start3A_61 = tpu.memref_squeeze %dma_start3A_60 : memref<1x800x16xf32, #tpu.memory_space<hbm>> -> memref<800x16xf32, #tpu.memory_space<hbm>>
        tpu.enqueue_dma source(%arg14 : memref<800x16xf32, #tpu.memory_space<vmem>>) target(%dma_start3A_61 : memref<800x16xf32, #tpu.memory_space<hbm>>) target_semaphore(%run_scoped3A : memref<!tpu.dma_semaphore, #tpu.memory_space<semaphore_mem>>)
        %dma_wait3A_62 = arith.constant 0 : i32
        %dma_wait3A_63 = tpu.memref_slice %arg6[%arg0, %add3A_54, %dma_wait3A_62] : memref<2x100096x16xf32, #tpu.memory_space<hbm>> -> memref<1x800x16xf32, #tpu.memory_space<hbm>>
        %dma_wait3A_64 = tpu.memref_squeeze %dma_wait3A_63 : memref<1x800x16xf32, #tpu.memory_space<hbm>> -> memref<800x16xf32, #tpu.memory_space<hbm>>
        %dma_wait3A_65 = arith.constant 0 : i32
        %dma_wait3A_66 = tpu.memref_slice %arg6[%arg0, %add3A_54, %dma_wait3A_65] : memref<2x100096x16xf32, #tpu.memory_space<hbm>> -> memref<1x800x16xf32, #tpu.memory_space<hbm>>
        %dma_wait3A_67 = tpu.memref_squeeze %dma_wait3A_66 : memref<1x800x16xf32, #tpu.memory_space<hbm>> -> memref<800x16xf32, #tpu.memory_space<hbm>>
        tpu.wait_dma2 semaphore(%run_scoped3A : memref<!tpu.dma_semaphore, #tpu.memory_space<semaphore_mem>>) src(%arg14 : memref<800x16xf32, #tpu.memory_space<vmem>>) dst(%dma_wait3A_67 : memref<800x16xf32, #tpu.memory_space<hbm>>)
        tpu.yield
      }) : () -> ()
      %scan3A_55 = arith.constant 0 : i32
      scf.yield %scan3A_55 : i32
    }
    %scan3A_44 = arith.constant 7 : i32
    %add3A_45 = arith.constant 5600 : i32
    %add3A_46 = arith.addi %mul3A_3, %add3A_45 : i32
    "tpu.region"() ({
      %run_scoped3A = tpu.sem_alloc : memref<!tpu.dma_semaphore, #tpu.memory_space<semaphore_mem>>
      %dma_start3A_47 = arith.constant 0 : i32
      %dma_start3A_48 = arith.constant 0 : i32
      %dma_start3A_49 = tpu.memref_slice %arg14[%dma_start3A_47, %dma_start3A_48] : memref<800x16xf32, #tpu.memory_space<vmem>> -> memref<656x16xf32, #tpu.memory_space<vmem>>
      %dma_start3A_50 = arith.constant 0 : i32
      %dma_start3A_51 = tpu.memref_slice %arg7[%add3A_46, %dma_start3A_50] : memref<100096x16xf32, #tpu.memory_space<vmem_shared>> -> memref<656x16xf32, #tpu.memory_space<vmem_shared>>
      %dma_start3A_52 = arith.constant 0 : i32
      %dma_start3A_53 = arith.constant 0 : i32
      %dma_start3A_54 = tpu.memref_slice %arg14[%dma_start3A_52, %dma_start3A_53] : memref<800x16xf32, #tpu.memory_space<vmem>> -> memref<656x16xf32, #tpu.memory_space<vmem>>
      %dma_start3A_55 = arith.constant 0 : i32
      %dma_start3A_56 = tpu.memref_slice %arg7[%add3A_46, %dma_start3A_55] : memref<100096x16xf32, #tpu.memory_space<vmem_shared>> -> memref<656x16xf32, #tpu.memory_space<vmem_shared>>
      tpu.enqueue_dma source(%dma_start3A_56 : memref<656x16xf32, #tpu.memory_space<vmem_shared>>) target(%dma_start3A_54 : memref<656x16xf32, #tpu.memory_space<vmem>>) target_semaphore(%run_scoped3A : memref<!tpu.dma_semaphore, #tpu.memory_space<semaphore_mem>>)
      %dma_wait3A_57 = arith.constant 0 : i32
      %dma_wait3A_58 = arith.constant 0 : i32
      %dma_wait3A_59 = tpu.memref_slice %arg14[%dma_wait3A_57, %dma_wait3A_58] : memref<800x16xf32, #tpu.memory_space<vmem>> -> memref<656x16xf32, #tpu.memory_space<vmem>>
      %dma_wait3A_60 = arith.constant 0 : i32
      %dma_wait3A_61 = tpu.memref_slice %arg7[%add3A_46, %dma_wait3A_60] : memref<100096x16xf32, #tpu.memory_space<vmem_shared>> -> memref<656x16xf32, #tpu.memory_space<vmem_shared>>
      %dma_wait3A_62 = arith.constant 0 : i32
      %dma_wait3A_63 = arith.constant 0 : i32
      %dma_wait3A_64 = tpu.memref_slice %arg14[%dma_wait3A_62, %dma_wait3A_63] : memref<800x16xf32, #tpu.memory_space<vmem>> -> memref<656x16xf32, #tpu.memory_space<vmem>>
      %dma_wait3A_65 = arith.constant 0 : i32
      %dma_wait3A_66 = tpu.memref_slice %arg7[%add3A_46, %dma_wait3A_65] : memref<100096x16xf32, #tpu.memory_space<vmem_shared>> -> memref<656x16xf32, #tpu.memory_space<vmem_shared>>
      tpu.wait_dma2 semaphore(%run_scoped3A : memref<!tpu.dma_semaphore, #tpu.memory_space<semaphore_mem>>) src(%dma_wait3A_66 : memref<656x16xf32, #tpu.memory_space<vmem_shared>>) dst(%dma_wait3A_64 : memref<656x16xf32, #tpu.memory_space<vmem>>)
      tpu.yield
    }) : () -> ()
    "tpu.region"() ({
      %run_scoped3A = tpu.sem_alloc : memref<!tpu.dma_semaphore, #tpu.memory_space<semaphore_mem>>
      %dma_start3A_47 = arith.constant 0 : i32
      %dma_start3A_48 = arith.constant 0 : i32
      %dma_start3A_49 = tpu.memref_slice %arg14[%dma_start3A_47, %dma_start3A_48] : memref<800x16xf32, #tpu.memory_space<vmem>> -> memref<656x16xf32, #tpu.memory_space<vmem>>
      %dma_start3A_50 = arith.constant 0 : i32
      %dma_start3A_51 = tpu.memref_slice %arg6[%arg0, %add3A_46, %dma_start3A_50] : memref<2x100096x16xf32, #tpu.memory_space<hbm>> -> memref<1x656x16xf32, #tpu.memory_space<hbm>>
      %dma_start3A_52 = tpu.memref_squeeze %dma_start3A_51 : memref<1x656x16xf32, #tpu.memory_space<hbm>> -> memref<656x16xf32, #tpu.memory_space<hbm>>
      %dma_start3A_53 = arith.constant 0 : i32
      %dma_start3A_54 = tpu.memref_slice %arg6[%arg0, %add3A_46, %dma_start3A_53] : memref<2x100096x16xf32, #tpu.memory_space<hbm>> -> memref<1x656x16xf32, #tpu.memory_space<hbm>>
      %dma_start3A_55 = tpu.memref_squeeze %dma_start3A_54 : memref<1x656x16xf32, #tpu.memory_space<hbm>> -> memref<656x16xf32, #tpu.memory_space<hbm>>
      %dma_start3A_56 = arith.constant 0 : i32
      %dma_start3A_57 = arith.constant 0 : i32
      %dma_start3A_58 = tpu.memref_slice %arg14[%dma_start3A_56, %dma_start3A_57] : memref<800x16xf32, #tpu.memory_space<vmem>> -> memref<656x16xf32, #tpu.memory_space<vmem>>
      tpu.enqueue_dma source(%dma_start3A_58 : memref<656x16xf32, #tpu.memory_space<vmem>>) target(%dma_start3A_55 : memref<656x16xf32, #tpu.memory_space<hbm>>) target_semaphore(%run_scoped3A : memref<!tpu.dma_semaphore, #tpu.memory_space<semaphore_mem>>)
      %dma_wait3A_59 = arith.constant 0 : i32
      %dma_wait3A_60 = arith.constant 0 : i32
      %dma_wait3A_61 = tpu.memref_slice %arg14[%dma_wait3A_59, %dma_wait3A_60] : memref<800x16xf32, #tpu.memory_space<vmem>> -> memref<656x16xf32, #tpu.memory_space<vmem>>
      %dma_wait3A_62 = arith.constant 0 : i32
      %dma_wait3A_63 = tpu.memref_slice %arg6[%arg0, %add3A_46, %dma_wait3A_62] : memref<2x100096x16xf32, #tpu.memory_space<hbm>> -> memref<1x656x16xf32, #tpu.memory_space<hbm>>
      %dma_wait3A_64 = tpu.memref_squeeze %dma_wait3A_63 : memref<1x656x16xf32, #tpu.memory_space<hbm>> -> memref<656x16xf32, #tpu.memory_space<hbm>>
      %dma_wait3A_65 = arith.constant 0 : i32
      %dma_wait3A_66 = tpu.memref_slice %arg6[%arg0, %add3A_46, %dma_wait3A_65] : memref<2x100096x16xf32, #tpu.memory_space<hbm>> -> memref<1x656x16xf32, #tpu.memory_space<hbm>>
      %dma_wait3A_67 = tpu.memref_squeeze %dma_wait3A_66 : memref<1x656x16xf32, #tpu.memory_space<hbm>> -> memref<656x16xf32, #tpu.memory_space<hbm>>
      %dma_wait3A_68 = arith.constant 0 : i32
      %dma_wait3A_69 = arith.constant 0 : i32
      %dma_wait3A_70 = tpu.memref_slice %arg14[%dma_wait3A_68, %dma_wait3A_69] : memref<800x16xf32, #tpu.memory_space<vmem>> -> memref<656x16xf32, #tpu.memory_space<vmem>>
      tpu.wait_dma2 semaphore(%run_scoped3A : memref<!tpu.dma_semaphore, #tpu.memory_space<semaphore_mem>>) src(%dma_wait3A_70 : memref<656x16xf32, #tpu.memory_space<vmem>>) dst(%dma_wait3A_67 : memref<656x16xf32, #tpu.memory_space<hbm>>)
      tpu.yield
    }) : () -> ()
    return
  }
}

#map = affine_map<(d0, d1) -> (0)>
module attributes {stable_mosaic.version = 14 : i64} {
  func.func @_hist_body(%arg0: i32, %arg1: i32, %arg2: memref<1600000xi32, #tpu.memory_space<hbm>>, %arg3: memref<1600000xf32, #tpu.memory_space<hbm>>, %arg4: memref<800000xf32, #tpu.memory_space<vmem_shared>>, %arg5: memref<2000xi32, #tpu.memory_space<vmem>>, %arg6: memref<2000xi32, #tpu.memory_space<vmem>>, %arg7: memref<2000xf32, #tpu.memory_space<vmem>>, %arg8: memref<2000xf32, #tpu.memory_space<vmem>>, %arg9: memref<10000xf32, #tpu.memory_space<vmem>>, %arg10: memref<!tpu.dma_semaphore, #tpu.memory_space<semaphore_mem>>, %arg11: memref<!tpu.dma_semaphore, #tpu.memory_space<semaphore_mem>>) attributes {dimension_semantics = [#tpu.dimension_semantics<core_parallel>, #tpu.dimension_semantics<subcore_parallel>], iteration_bounds = array<i64: 2, 16>, scalar_prefetch = 0 : i64, scratch_operands = 8 : i64, tpu.core_type = #tpu.core_type<sc_vector_subcore>, window_params = [{transform_indices = #map}, {transform_indices = #map}]} {
    %broadcast_in_dim3A = arith.constant 0.000000e+00 : f32
    %broadcast_in_dim3A_0 = vector.broadcast %broadcast_in_dim3A : f32 to vector<16xf32>
    %scan3A = arith.constant 0 : i32
    %scan3A_1 = arith.constant 0 : i32
    %scan3A_2 = arith.constant 625 : i32
    %scan3A_3 = arith.addi %scan3A_1, %scan3A_2 : i32
    %scan3A_4 = arith.constant 1 : i32
    %scan3A_5 = scf.for %scan3A_48 = %scan3A_1 to %scan3A_3 step %scan3A_4 iter_args(%scan3A_49 = %scan3A) -> (i32)  : i32 {
      %mul3A_50 = arith.constant 16 : i32
      %mul3A_51 = arith.muli %scan3A_48, %mul3A_50 : i32
      %swap3A = arith.index_cast %mul3A_51 : i32 to index
      %swap3A_52 = tpu.vector_load %arg9[%swap3A] {strides = array<i32>} : memref<10000xf32, #tpu.memory_space<vmem>>, vector<16xf32>,
      %swap3A_53 = vector.shape_cast %swap3A_52 : vector<16xf32> to vector<16xf32>
      %swap3A_54 = vector.shape_cast %broadcast_in_dim3A_0 : vector<16xf32> to vector<16xf32>
      tpu.vector_store %arg9[%swap3A], %swap3A_54 {strides = array<i32>} : memref<10000xf32, #tpu.memory_space<vmem>>, vector<16xf32>,
      %scan3A_55 = arith.constant 0 : i32
      scf.yield %scan3A_55 : i32
    }
    %scan3A_6 = arith.constant 625 : i32
    %scan3A_7 = arith.constant 0 : i32
    %scan3A_8 = arith.constant 0 : i32
    %scan3A_9 = arith.constant 5 : i32
    %scan3A_10 = arith.addi %scan3A_8, %scan3A_9 : i32
    %scan3A_11 = arith.constant 1 : i32
    %scan3A_12 = scf.for %scan3A_48 = %scan3A_8 to %scan3A_10 step %scan3A_11 iter_args(%scan3A_49 = %scan3A_7) -> (i32)  : i32 {
      %mul3A_50 = arith.constant 50000 : i32
      %mul3A_51 = arith.muli %arg1, %mul3A_50 : i32
      %mul3A_52 = arith.constant 10000 : i32
      %mul3A_53 = arith.muli %scan3A_48, %mul3A_52 : i32
      %add3A_54 = arith.addi %mul3A_51, %mul3A_53 : i32
      "tpu.region"() ({
        %run_scoped3A = tpu.sem_alloc : memref<!tpu.dma_semaphore, #tpu.memory_space<semaphore_mem>>
        %dma_start3A_56 = tpu.memref_slice %arg4[%add3A_54] : memref<800000xf32, #tpu.memory_space<vmem_shared>> -> memref<10000xf32, #tpu.memory_space<vmem_shared>>
        %dma_start3A_57 = tpu.memref_slice %arg4[%add3A_54] : memref<800000xf32, #tpu.memory_space<vmem_shared>> -> memref<10000xf32, #tpu.memory_space<vmem_shared>>
        tpu.enqueue_dma source(%arg9 : memref<10000xf32, #tpu.memory_space<vmem>>) target(%dma_start3A_57 : memref<10000xf32, #tpu.memory_space<vmem_shared>>) target_semaphore(%run_scoped3A : memref<!tpu.dma_semaphore, #tpu.memory_space<semaphore_mem>>)
        %dma_wait3A = tpu.memref_slice %arg4[%add3A_54] : memref<800000xf32, #tpu.memory_space<vmem_shared>> -> memref<10000xf32, #tpu.memory_space<vmem_shared>>
        %dma_wait3A_58 = tpu.memref_slice %arg4[%add3A_54] : memref<800000xf32, #tpu.memory_space<vmem_shared>> -> memref<10000xf32, #tpu.memory_space<vmem_shared>>
        tpu.wait_dma2 semaphore(%run_scoped3A : memref<!tpu.dma_semaphore, #tpu.memory_space<semaphore_mem>>) src(%arg9 : memref<10000xf32, #tpu.memory_space<vmem>>) dst(%dma_wait3A_58 : memref<10000xf32, #tpu.memory_space<vmem_shared>>)
        tpu.yield
      }) : () -> ()
      %scan3A_55 = arith.constant 0 : i32
      scf.yield %scan3A_55 : i32
    }
    %scan3A_13 = arith.constant 5 : i32
    %broadcast_in_dim3A_14 = arith.constant 1.000000e+00 : f32
    %broadcast_in_dim3A_15 = vector.broadcast %broadcast_in_dim3A_14 : f32 to vector<16xf32>
    %scan3A_16 = arith.constant 0 : i32
    %scan3A_17 = arith.constant 0 : i32
    %scan3A_18 = arith.constant 125 : i32
    %scan3A_19 = arith.addi %scan3A_17, %scan3A_18 : i32
    %scan3A_20 = arith.constant 1 : i32
    %scan3A_21 = scf.for %scan3A_48 = %scan3A_17 to %scan3A_19 step %scan3A_20 iter_args(%scan3A_49 = %scan3A_16) -> (i32)  : i32 {
      %mul3A_50 = arith.constant 16 : i32
      %mul3A_51 = arith.muli %scan3A_48, %mul3A_50 : i32
      %swap3A = arith.index_cast %mul3A_51 : i32 to index
      %swap3A_52 = tpu.vector_load %arg7[%swap3A] {strides = array<i32>} : memref<2000xf32, #tpu.memory_space<vmem>>, vector<16xf32>,
      %swap3A_53 = vector.shape_cast %swap3A_52 : vector<16xf32> to vector<16xf32>
      %swap3A_54 = vector.shape_cast %broadcast_in_dim3A_15 : vector<16xf32> to vector<16xf32>
      tpu.vector_store %arg7[%swap3A], %swap3A_54 {strides = array<i32>} : memref<2000xf32, #tpu.memory_space<vmem>>, vector<16xf32>,
      %scan3A_55 = arith.constant 0 : i32
      scf.yield %scan3A_55 : i32
    }
    %scan3A_22 = arith.constant 125 : i32
    %barrier3A = arith.constant 0 : index
    tpu.barrier barrier_id(%barrier3A)
    %mul3A = arith.constant 100000 : i32
    %mul3A_23 = arith.muli %arg1, %mul3A : i32
    %add3A = arith.constant 0 : i32
    %add3A_24 = arith.addi %mul3A_23, %add3A : i32
    %multiple_of3A = tpu.assume_multiple %add3A_24, 8 : i32
    %dma_start3A = tpu.memref_slice %arg2[%multiple_of3A] : memref<1600000xi32, #tpu.memory_space<hbm>> -> memref<2000xi32, #tpu.memory_space<hbm>>
    %dma_start3A_25 = tpu.memref_slice %arg2[%multiple_of3A] : memref<1600000xi32, #tpu.memory_space<hbm>> -> memref<2000xi32, #tpu.memory_space<hbm>>
    tpu.enqueue_dma source(%dma_start3A_25 : memref<2000xi32, #tpu.memory_space<hbm>>) target(%arg5 : memref<2000xi32, #tpu.memory_space<vmem>>) target_semaphore(%arg10 : memref<!tpu.dma_semaphore, #tpu.memory_space<semaphore_mem>>)
    %mul3A_26 = arith.constant 100000 : i32
    %mul3A_27 = arith.muli %arg1, %mul3A_26 : i32
    %add3A_28 = arith.constant 2000 : i32
    %add3A_29 = arith.addi %mul3A_27, %add3A_28 : i32
    %multiple_of3A_30 = tpu.assume_multiple %add3A_29, 8 : i32
    %dma_start3A_31 = tpu.memref_slice %arg2[%multiple_of3A_30] : memref<1600000xi32, #tpu.memory_space<hbm>> -> memref<2000xi32, #tpu.memory_space<hbm>>
    %dma_start3A_32 = tpu.memref_slice %arg2[%multiple_of3A_30] : memref<1600000xi32, #tpu.memory_space<hbm>> -> memref<2000xi32, #tpu.memory_space<hbm>>
    tpu.enqueue_dma source(%dma_start3A_32 : memref<2000xi32, #tpu.memory_space<hbm>>) target(%arg6 : memref<2000xi32, #tpu.memory_space<vmem>>) target_semaphore(%arg11 : memref<!tpu.dma_semaphore, #tpu.memory_space<semaphore_mem>>)
    %scan3A_33 = arith.constant 0 : i32
    %scan3A_34 = arith.constant 0 : i32
    %scan3A_35 = arith.constant 25 : i32
    %scan3A_36 = arith.addi %scan3A_34, %scan3A_35 : i32
    %scan3A_37 = arith.constant 1 : i32
    %scan3A_38 = scf.for %scan3A_48 = %scan3A_34 to %scan3A_36 step %scan3A_37 iter_args(%scan3A_49 = %scan3A_33) -> (i32)  : i32 {
      %mul3A_50 = arith.constant 2 : i32
      %mul3A_51 = arith.muli %mul3A_50, %scan3A_48 : i32
      %add3A_52 = arith.constant 0 : i32
      %add3A_53 = arith.addi %mul3A_51, %add3A_52 : i32
      %mul3A_54 = arith.constant 100000 : i32
      %mul3A_55 = arith.muli %arg1, %mul3A_54 : i32
      %mul3A_56 = arith.constant 2000 : i32
      %mul3A_57 = arith.muli %add3A_53, %mul3A_56 : i32
      %add3A_58 = arith.addi %mul3A_55, %mul3A_57 : i32
      %multiple_of3A_59 = tpu.assume_multiple %add3A_58, 8 : i32
      %dma_wait3A = tpu.memref_slice %arg2[%multiple_of3A_59] : memref<1600000xi32, #tpu.memory_space<hbm>> -> memref<2000xi32, #tpu.memory_space<hbm>>
      %dma_wait3A_60 = tpu.memref_slice %arg2[%multiple_of3A_59] : memref<1600000xi32, #tpu.memory_space<hbm>> -> memref<2000xi32, #tpu.memory_space<hbm>>
      tpu.wait_dma2 semaphore(%arg10 : memref<!tpu.dma_semaphore, #tpu.memory_space<semaphore_mem>>) src(%dma_wait3A_60 : memref<2000xi32, #tpu.memory_space<hbm>>) dst(%arg5 : memref<2000xi32, #tpu.memory_space<vmem>>)
      "tpu.region"() ({
        %run_scoped3A = tpu.sem_alloc : memref<!tpu.dma_semaphore, #tpu.memory_space<semaphore_mem>>
        %dma_start3A_85 = arith.constant 0 : i32
        %dma_start3A_86 = tpu.memref_slice %arg4[%dma_start3A_85] : memref<800000xf32, #tpu.memory_space<vmem_shared>> -> memref<800000xf32, #tpu.memory_space<vmem_shared>>
        tpu.enqueue_indirect_dma source(%arg7 : memref<2000xf32, #tpu.memory_space<vmem>>) target(%dma_start3A_86 : memref<800000xf32, #tpu.memory_space<vmem_shared>>) offsets(%arg5 : memref<2000xi32, #tpu.memory_space<vmem>>) semaphore(%run_scoped3A : memref<!tpu.dma_semaphore, #tpu.memory_space<semaphore_mem>>) {add = true}
        %dma_wait3A_87 = arith.constant 0 : i32
        %dma_wait3A_88 = tpu.memref_slice %arg4[%dma_wait3A_87] : memref<800000xf32, #tpu.memory_space<vmem_shared>> -> memref<800000xf32, #tpu.memory_space<vmem_shared>>
        tpu.wait_indirect_dma semaphore(%run_scoped3A : memref<!tpu.dma_semaphore, #tpu.memory_space<semaphore_mem>>) src(%arg7 : memref<2000xf32, #tpu.memory_space<vmem>>) dst(%dma_wait3A_88 : memref<800000xf32, #tpu.memory_space<vmem_shared>>)
        tpu.yield
      }) : () -> ()
      %add3A_61 = arith.constant 2 : i32
      %add3A_62 = arith.addi %add3A_53, %add3A_61 : i32
      %lt3A = arith.constant 50 : i32
      %lt3A_63 = arith.cmpi slt, %add3A_62, %lt3A : i32
      %convert_element_type3A = arith.extui %lt3A_63 : i1 to i32
      %cond3A = arith.constant 0 : i32
      %cond3A_64 = arith.cmpi ne, %convert_element_type3A, %cond3A : i32
      scf.if %cond3A_64 {
        %add3A_85 = arith.constant 2 : i32
        %add3A_86 = arith.addi %add3A_53, %add3A_85 : i32
        %mul3A_87 = arith.constant 100000 : i32
        %mul3A_88 = arith.muli %arg1, %mul3A_87 : i32
        %mul3A_89 = arith.constant 2000 : i32
        %mul3A_90 = arith.muli %add3A_86, %mul3A_89 : i32
        %add3A_91 = arith.addi %mul3A_88, %mul3A_90 : i32
        %multiple_of3A_92 = tpu.assume_multiple %add3A_91, 8 : i32
        %dma_start3A_93 = tpu.memref_slice %arg2[%multiple_of3A_92] : memref<1600000xi32, #tpu.memory_space<hbm>> -> memref<2000xi32, #tpu.memory_space<hbm>>
        %dma_start3A_94 = tpu.memref_slice %arg2[%multiple_of3A_92] : memref<1600000xi32, #tpu.memory_space<hbm>> -> memref<2000xi32, #tpu.memory_space<hbm>>
        tpu.enqueue_dma source(%dma_start3A_94 : memref<2000xi32, #tpu.memory_space<hbm>>) target(%arg5 : memref<2000xi32, #tpu.memory_space<vmem>>) target_semaphore(%arg10 : memref<!tpu.dma_semaphore, #tpu.memory_space<semaphore_mem>>)
      } else {
      }
      %mul3A_65 = arith.constant 2 : i32
      %mul3A_66 = arith.muli %mul3A_65, %scan3A_48 : i32
      %add3A_67 = arith.constant 1 : i32
      %add3A_68 = arith.addi %mul3A_66, %add3A_67 : i32
      %mul3A_69 = arith.constant 100000 : i32
      %mul3A_70 = arith.muli %arg1, %mul3A_69 : i32
      %mul3A_71 = arith.constant 2000 : i32
      %mul3A_72 = arith.muli %add3A_68, %mul3A_71 : i32
      %add3A_73 = arith.addi %mul3A_70, %mul3A_72 : i32
      %multiple_of3A_74 = tpu.assume_multiple %add3A_73, 8 : i32
      %dma_wait3A_75 = tpu.memref_slice %arg2[%multiple_of3A_74] : memref<1600000xi32, #tpu.memory_space<hbm>> -> memref<2000xi32, #tpu.memory_space<hbm>>
      %dma_wait3A_76 = tpu.memref_slice %arg2[%multiple_of3A_74] : memref<1600000xi32, #tpu.memory_space<hbm>> -> memref<2000xi32, #tpu.memory_space<hbm>>
      tpu.wait_dma2 semaphore(%arg11 : memref<!tpu.dma_semaphore, #tpu.memory_space<semaphore_mem>>) src(%dma_wait3A_76 : memref<2000xi32, #tpu.memory_space<hbm>>) dst(%arg6 : memref<2000xi32, #tpu.memory_space<vmem>>)
      "tpu.region"() ({
        %run_scoped3A = tpu.sem_alloc : memref<!tpu.dma_semaphore, #tpu.memory_space<semaphore_mem>>
        %dma_start3A_85 = arith.constant 0 : i32
        %dma_start3A_86 = tpu.memref_slice %arg4[%dma_start3A_85] : memref<800000xf32, #tpu.memory_space<vmem_shared>> -> memref<800000xf32, #tpu.memory_space<vmem_shared>>
        tpu.enqueue_indirect_dma source(%arg7 : memref<2000xf32, #tpu.memory_space<vmem>>) target(%dma_start3A_86 : memref<800000xf32, #tpu.memory_space<vmem_shared>>) offsets(%arg6 : memref<2000xi32, #tpu.memory_space<vmem>>) semaphore(%run_scoped3A : memref<!tpu.dma_semaphore, #tpu.memory_space<semaphore_mem>>) {add = true}
        %dma_wait3A_87 = arith.constant 0 : i32
        %dma_wait3A_88 = tpu.memref_slice %arg4[%dma_wait3A_87] : memref<800000xf32, #tpu.memory_space<vmem_shared>> -> memref<800000xf32, #tpu.memory_space<vmem_shared>>
        tpu.wait_indirect_dma semaphore(%run_scoped3A : memref<!tpu.dma_semaphore, #tpu.memory_space<semaphore_mem>>) src(%arg7 : memref<2000xf32, #tpu.memory_space<vmem>>) dst(%dma_wait3A_88 : memref<800000xf32, #tpu.memory_space<vmem_shared>>)
        tpu.yield
      }) : () -> ()
      %add3A_77 = arith.constant 2 : i32
      %add3A_78 = arith.addi %add3A_68, %add3A_77 : i32
      %lt3A_79 = arith.constant 50 : i32
      %lt3A_80 = arith.cmpi slt, %add3A_78, %lt3A_79 : i32
      %convert_element_type3A_81 = arith.extui %lt3A_80 : i1 to i32
      %cond3A_82 = arith.constant 0 : i32
      %cond3A_83 = arith.cmpi ne, %convert_element_type3A_81, %cond3A_82 : i32
      scf.if %cond3A_83 {
        %add3A_85 = arith.constant 2 : i32
        %add3A_86 = arith.addi %add3A_68, %add3A_85 : i32
        %mul3A_87 = arith.constant 100000 : i32
        %mul3A_88 = arith.muli %arg1, %mul3A_87 : i32
        %mul3A_89 = arith.constant 2000 : i32
        %mul3A_90 = arith.muli %add3A_86, %mul3A_89 : i32
        %add3A_91 = arith.addi %mul3A_88, %mul3A_90 : i32
        %multiple_of3A_92 = tpu.assume_multiple %add3A_91, 8 : i32
        %dma_start3A_93 = tpu.memref_slice %arg2[%multiple_of3A_92] : memref<1600000xi32, #tpu.memory_space<hbm>> -> memref<2000xi32, #tpu.memory_space<hbm>>
        %dma_start3A_94 = tpu.memref_slice %arg2[%multiple_of3A_92] : memref<1600000xi32, #tpu.memory_space<hbm>> -> memref<2000xi32, #tpu.memory_space<hbm>>
        tpu.enqueue_dma source(%dma_start3A_94 : memref<2000xi32, #tpu.memory_space<hbm>>) target(%arg6 : memref<2000xi32, #tpu.memory_space<vmem>>) target_semaphore(%arg11 : memref<!tpu.dma_semaphore, #tpu.memory_space<semaphore_mem>>)
      } else {
      }
      %scan3A_84 = arith.constant 0 : i32
      scf.yield %scan3A_84 : i32
    }
    %scan3A_39 = arith.constant 25 : i32
    %barrier3A_40 = arith.constant 0 : index
    tpu.barrier barrier_id(%barrier3A_40)
    %scan3A_41 = arith.constant 0 : i32
    %scan3A_42 = arith.constant 0 : i32
    %scan3A_43 = arith.constant 25 : i32
    %scan3A_44 = arith.addi %scan3A_42, %scan3A_43 : i32
    %scan3A_45 = arith.constant 1 : i32
    %scan3A_46 = scf.for %scan3A_48 = %scan3A_42 to %scan3A_44 step %scan3A_45 iter_args(%scan3A_49 = %scan3A_41) -> (i32)  : i32 {
      %mul3A_50 = arith.constant 16 : i32
      %mul3A_51 = arith.muli %arg0, %mul3A_50 : i32
      %add3A_52 = arith.addi %mul3A_51, %arg1 : i32
      %mul3A_53 = arith.constant 50000 : i32
      %mul3A_54 = arith.muli %add3A_52, %mul3A_53 : i32
      %mul3A_55 = arith.constant 2000 : i32
      %mul3A_56 = arith.muli %scan3A_48, %mul3A_55 : i32
      %add3A_57 = arith.addi %mul3A_54, %mul3A_56 : i32
      %multiple_of3A_58 = tpu.assume_multiple %add3A_57, 8 : i32
      "tpu.region"() ({
        %run_scoped3A = tpu.sem_alloc : memref<!tpu.dma_semaphore, #tpu.memory_space<semaphore_mem>>
        %dma_start3A_67 = tpu.memref_slice %arg2[%multiple_of3A_58] : memref<1600000xi32, #tpu.memory_space<hbm>> -> memref<2000xi32, #tpu.memory_space<hbm>>
        %dma_start3A_68 = tpu.memref_slice %arg2[%multiple_of3A_58] : memref<1600000xi32, #tpu.memory_space<hbm>> -> memref<2000xi32, #tpu.memory_space<hbm>>
        tpu.enqueue_dma source(%dma_start3A_68 : memref<2000xi32, #tpu.memory_space<hbm>>) target(%arg5 : memref<2000xi32, #tpu.memory_space<vmem>>) target_semaphore(%run_scoped3A : memref<!tpu.dma_semaphore, #tpu.memory_space<semaphore_mem>>)
        %dma_wait3A = tpu.memref_slice %arg2[%multiple_of3A_58] : memref<1600000xi32, #tpu.memory_space<hbm>> -> memref<2000xi32, #tpu.memory_space<hbm>>
        %dma_wait3A_69 = tpu.memref_slice %arg2[%multiple_of3A_58] : memref<1600000xi32, #tpu.memory_space<hbm>> -> memref<2000xi32, #tpu.memory_space<hbm>>
        tpu.wait_dma2 semaphore(%run_scoped3A : memref<!tpu.dma_semaphore, #tpu.memory_space<semaphore_mem>>) src(%dma_wait3A_69 : memref<2000xi32, #tpu.memory_space<hbm>>) dst(%arg5 : memref<2000xi32, #tpu.memory_space<vmem>>)
        tpu.yield
      }) : () -> ()
      "tpu.region"() ({
        %run_scoped3A = tpu.sem_alloc : memref<!tpu.dma_semaphore, #tpu.memory_space<semaphore_mem>>
        %dma_start3A_67 = arith.constant 0 : i32
        %dma_start3A_68 = tpu.memref_slice %arg4[%dma_start3A_67] : memref<800000xf32, #tpu.memory_space<vmem_shared>> -> memref<800000xf32, #tpu.memory_space<vmem_shared>>
        tpu.enqueue_indirect_dma source(%dma_start3A_68 : memref<800000xf32, #tpu.memory_space<vmem_shared>>) target(%arg8 : memref<2000xf32, #tpu.memory_space<vmem>>) offsets(%arg5 : memref<2000xi32, #tpu.memory_space<vmem>>) semaphore(%run_scoped3A : memref<!tpu.dma_semaphore, #tpu.memory_space<semaphore_mem>>)
        %dma_wait3A = arith.constant 0 : i32
        %dma_wait3A_69 = tpu.memref_slice %arg4[%dma_wait3A] : memref<800000xf32, #tpu.memory_space<vmem_shared>> -> memref<800000xf32, #tpu.memory_space<vmem_shared>>
        tpu.wait_indirect_dma semaphore(%run_scoped3A : memref<!tpu.dma_semaphore, #tpu.memory_space<semaphore_mem>>) src(%dma_wait3A_69 : memref<800000xf32, #tpu.memory_space<vmem_shared>>) dst(%arg8 : memref<2000xf32, #tpu.memory_space<vmem>>)
        tpu.yield
      }) : () -> ()
      %scan3A_59 = arith.constant 0 : i32
      %scan3A_60 = arith.constant 0 : i32
      %scan3A_61 = arith.constant 125 : i32
      %scan3A_62 = arith.addi %scan3A_60, %scan3A_61 : i32
      %scan3A_63 = arith.constant 1 : i32
      %scan3A_64 = scf.for %scan3A_67 = %scan3A_60 to %scan3A_62 step %scan3A_63 iter_args(%scan3A_68 = %scan3A_59) -> (i32)  : i32 {
        %mul3A_69 = arith.constant 16 : i32
        %mul3A_70 = arith.muli %scan3A_67, %mul3A_69 : i32
        %get3A = arith.index_cast %mul3A_70 : i32 to index
        %get3A_71 = tpu.vector_load %arg8[%get3A] {strides = array<i32>} : memref<2000xf32, #tpu.memory_space<vmem>>, vector<16xf32>,
        %get3A_72 = vector.shape_cast %get3A_71 : vector<16xf32> to vector<16xf32>
        %div3A = arith.constant 1.000000e+00 : f32
        %div3A_73 = vector.broadcast %div3A : f32 to vector<16xf32>
        %div3A_74 = arith.divf %div3A_73, %get3A_72 : vector<16xf32>
        %swap3A = arith.index_cast %mul3A_70 : i32 to index
        %swap3A_75 = tpu.vector_load %arg8[%swap3A] {strides = array<i32>} : memref<2000xf32, #tpu.memory_space<vmem>>, vector<16xf32>,
        %swap3A_76 = vector.shape_cast %swap3A_75 : vector<16xf32> to vector<16xf32>
        %swap3A_77 = vector.shape_cast %div3A_74 : vector<16xf32> to vector<16xf32>
        tpu.vector_store %arg8[%swap3A], %swap3A_77 {strides = array<i32>} : memref<2000xf32, #tpu.memory_space<vmem>>, vector<16xf32>,
        %scan3A_78 = arith.constant 0 : i32
        scf.yield %scan3A_78 : i32
      }
      %scan3A_65 = arith.constant 125 : i32
      "tpu.region"() ({
        %run_scoped3A = tpu.sem_alloc : memref<!tpu.dma_semaphore, #tpu.memory_space<semaphore_mem>>
        %dma_start3A_67 = tpu.memref_slice %arg3[%multiple_of3A_58] : memref<1600000xf32, #tpu.memory_space<hbm>> -> memref<2000xf32, #tpu.memory_space<hbm>>
        %dma_start3A_68 = tpu.memref_slice %arg3[%multiple_of3A_58] : memref<1600000xf32, #tpu.memory_space<hbm>> -> memref<2000xf32, #tpu.memory_space<hbm>>
        tpu.enqueue_dma source(%arg8 : memref<2000xf32, #tpu.memory_space<vmem>>) target(%dma_start3A_68 : memref<2000xf32, #tpu.memory_space<hbm>>) target_semaphore(%run_scoped3A : memref<!tpu.dma_semaphore, #tpu.memory_space<semaphore_mem>>)
        %dma_wait3A = tpu.memref_slice %arg3[%multiple_of3A_58] : memref<1600000xf32, #tpu.memory_space<hbm>> -> memref<2000xf32, #tpu.memory_space<hbm>>
        %dma_wait3A_69 = tpu.memref_slice %arg3[%multiple_of3A_58] : memref<1600000xf32, #tpu.memory_space<hbm>> -> memref<2000xf32, #tpu.memory_space<hbm>>
        tpu.wait_dma2 semaphore(%run_scoped3A : memref<!tpu.dma_semaphore, #tpu.memory_space<semaphore_mem>>) src(%arg8 : memref<2000xf32, #tpu.memory_space<vmem>>) dst(%dma_wait3A_69 : memref<2000xf32, #tpu.memory_space<hbm>>)
        tpu.yield
      }) : () -> ()
      %scan3A_66 = arith.constant 0 : i32
      scf.yield %scan3A_66 : i32
    }
    %scan3A_47 = arith.constant 25 : i32
    return
  }
}

module attributes {stable_mosaic.version = 14 : i64} {
  func.func @_prep_body(%arg0: i32, %arg1: memref<2500x128xi32, #tpu.memory_space<vmem>>, %arg2: memref<2500x128xi32, #tpu.memory_space<vmem>>, %arg3: memref<2500x128xi32, #tpu.memory_space<vmem>>, %arg4: memref<2x2500x128xi32, #tpu.memory_space<vmem>>, %arg5: memref<2x2500x128xi32, #tpu.memory_space<vmem>>, %arg6: memref<2500x128xi32, #tpu.memory_space<vmem>>) attributes {dimension_semantics = [#tpu.dimension_semantics<arbitrary>], iteration_bounds = array<i64: 5>, scalar_prefetch = 0 : i64, scratch_operands = 0 : i64, tpu.core_type = #tpu.core_type<tc>, window_params = [{transform_indices = @transform_0, window_bounds = array<i64: 2500, 128>}, {transform_indices = @transform_1, window_bounds = array<i64: 2500, 128>}, {transform_indices = @transform_2, window_bounds = array<i64: 2500, 128>}, {transform_indices = @transform_3, window_bounds = array<i64: 2, 2500, 128>}, {transform_indices = @transform_4, window_bounds = array<i64: 2, 2500, 128>}, {transform_indices = @transform_5, window_bounds = array<i64: 2500, 128>}]} {
    %get3A = arith.constant 0 : index
    %get3A_0 = arith.constant 0 : index
    %get3A_1 = vector.load %arg1[%get3A, %get3A_0] : memref<2500x128xi32, #tpu.memory_space<vmem>>, vector<2500x128xi32>
    %get3A_2 = arith.constant 0 : index
    %get3A_3 = arith.constant 0 : index
    %get3A_4 = vector.load %arg2[%get3A_2, %get3A_3] : memref<2500x128xi32, #tpu.memory_space<vmem>>, vector<2500x128xi32>
    %get3A_5 = arith.constant 0 : index
    %get3A_6 = arith.constant 0 : index
    %get3A_7 = vector.load %arg3[%get3A_5, %get3A_6] : memref<2500x128xi32, #tpu.memory_space<vmem>>, vector<2500x128xi32>
    %mul3A = arith.constant 100000 : i32
    %mul3A_8 = vector.broadcast %mul3A : i32 to vector<2500x128xi32>
    %mul3A_9 = arith.muli %get3A_7, %mul3A_8 : vector<2500x128xi32>
    %add3A = arith.addi %mul3A_9, %get3A_1 : vector<2500x128xi32>
    %mul3A_10 = arith.constant 2 : i32
    %mul3A_11 = vector.broadcast %mul3A_10 : i32 to vector<2500x128xi32>
    %mul3A_12 = arith.muli %add3A, %mul3A_11 : vector<2500x128xi32>
    %swap3A = arith.constant 0 : index
    %swap3A_13 = arith.constant 0 : index
    %swap3A_14 = arith.constant 0 : index
    %swap3A_15 = vector.load %arg4[%swap3A, %swap3A_13, %swap3A_14] : memref<2x2500x128xi32, #tpu.memory_space<vmem>>, vector<1x2500x128xi32>
    %swap3A_16 = vector.shape_cast %swap3A_15 : vector<1x2500x128xi32> to vector<2500x128xi32>
    %swap3A_17 = vector.shape_cast %mul3A_12 : vector<2500x128xi32> to vector<1x2500x128xi32>
    tpu.vector_store %arg4[%swap3A, %swap3A_13, %swap3A_14], %swap3A_17 {strides = array<i32>} : memref<2x2500x128xi32, #tpu.memory_space<vmem>>, vector<1x2500x128xi32>,
    %add3A_18 = arith.constant 1 : i32
    %add3A_19 = vector.broadcast %add3A_18 : i32 to vector<2500x128xi32>
    %add3A_20 = arith.addi %mul3A_12, %add3A_19 : vector<2500x128xi32>
    %swap3A_21 = arith.constant 1 : index
    %swap3A_22 = arith.constant 0 : index
    %swap3A_23 = arith.constant 0 : index
    %swap3A_24 = vector.load %arg4[%swap3A_21, %swap3A_22, %swap3A_23] : memref<2x2500x128xi32, #tpu.memory_space<vmem>>, vector<1x2500x128xi32>
    %swap3A_25 = vector.shape_cast %swap3A_24 : vector<1x2500x128xi32> to vector<2500x128xi32>
    %swap3A_26 = vector.shape_cast %add3A_20 : vector<2500x128xi32> to vector<1x2500x128xi32>
    tpu.vector_store %arg4[%swap3A_21, %swap3A_22, %swap3A_23], %swap3A_26 {strides = array<i32>} : memref<2x2500x128xi32, #tpu.memory_space<vmem>>, vector<1x2500x128xi32>,
    %mul3A_27 = arith.constant 8 : i32
    %mul3A_28 = vector.broadcast %mul3A_27 : i32 to vector<2500x128xi32>
    %mul3A_29 = arith.muli %get3A_1, %mul3A_28 : vector<2500x128xi32>
    %add3A_30 = arith.addi %mul3A_29, %get3A_7 : vector<2500x128xi32>
    %swap3A_31 = arith.constant 0 : index
    %swap3A_32 = arith.constant 0 : index
    %swap3A_33 = arith.constant 0 : index
    %swap3A_34 = vector.load %arg5[%swap3A_31, %swap3A_32, %swap3A_33] : memref<2x2500x128xi32, #tpu.memory_space<vmem>>, vector<1x2500x128xi32>
    %swap3A_35 = vector.shape_cast %swap3A_34 : vector<1x2500x128xi32> to vector<2500x128xi32>
    %swap3A_36 = vector.shape_cast %add3A_30 : vector<2500x128xi32> to vector<1x2500x128xi32>
    tpu.vector_store %arg5[%swap3A_31, %swap3A_32, %swap3A_33], %swap3A_36 {strides = array<i32>} : memref<2x2500x128xi32, #tpu.memory_space<vmem>>, vector<1x2500x128xi32>,
    %add3A_37 = arith.constant 800000 : i32
    %add3A_38 = vector.broadcast %add3A_37 : i32 to vector<2500x128xi32>
    %add3A_39 = arith.addi %add3A_30, %add3A_38 : vector<2500x128xi32>
    %swap3A_40 = arith.constant 1 : index
    %swap3A_41 = arith.constant 0 : index
    %swap3A_42 = arith.constant 0 : index
    %swap3A_43 = vector.load %arg5[%swap3A_40, %swap3A_41, %swap3A_42] : memref<2x2500x128xi32, #tpu.memory_space<vmem>>, vector<1x2500x128xi32>
    %swap3A_44 = vector.shape_cast %swap3A_43 : vector<1x2500x128xi32> to vector<2500x128xi32>
    %swap3A_45 = vector.shape_cast %add3A_39 : vector<2500x128xi32> to vector<1x2500x128xi32>
    tpu.vector_store %arg5[%swap3A_40, %swap3A_41, %swap3A_42], %swap3A_45 {strides = array<i32>} : memref<2x2500x128xi32, #tpu.memory_space<vmem>>, vector<1x2500x128xi32>,
    %mul3A_46 = arith.constant 8 : i32
    %mul3A_47 = vector.broadcast %mul3A_46 : i32 to vector<2500x128xi32>
    %mul3A_48 = arith.muli %get3A_4, %mul3A_47 : vector<2500x128xi32>
    %add3A_49 = arith.addi %mul3A_48, %get3A_7 : vector<2500x128xi32>
    %swap3A_50 = arith.constant 0 : index
    %swap3A_51 = arith.constant 0 : index
    %swap3A_52 = vector.load %arg6[%swap3A_50, %swap3A_51] : memref<2500x128xi32, #tpu.memory_space<vmem>>, vector<2500x128xi32>
    tpu.vector_store %arg6[%swap3A_50, %swap3A_51], %add3A_49 {strides = array<i32>} : memref<2500x128xi32, #tpu.memory_space<vmem>>, vector<2500x128xi32>,
    return
  }
  func.func @transform_0(%arg0: i32) -> (i32, i32) {
    %c0_i32 = arith.constant 0 : i32
    %c0_i32_0 = arith.constant 0 : i32
    return %c0_i32, %arg0 : i32, i32
  }
  func.func @transform_1(%arg0: i32) -> (i32, i32) {
    %c0_i32 = arith.constant 0 : i32
    %c0_i32_0 = arith.constant 0 : i32
    return %c0_i32, %arg0 : i32, i32
  }
  func.func @transform_2(%arg0: i32) -> (i32, i32) {
    %c0_i32 = arith.constant 0 : i32
    %c0_i32_0 = arith.constant 0 : i32
    return %c0_i32, %arg0 : i32, i32
  }
  func.func @transform_3(%arg0: i32) -> (i32, i32, i32) {
    %c0_i32 = arith.constant 0 : i32
    %c0_i32_0 = arith.constant 0 : i32
    %c0_i32_1 = arith.constant 0 : i32
    return %c0_i32, %c0_i32_0, %arg0 : i32, i32, i32
  }
  func.func @transform_4(%arg0: i32) -> (i32, i32, i32) {
    %c0_i32 = arith.constant 0 : i32
    %c0_i32_0 = arith.constant 0 : i32
    %c0_i32_1 = arith.constant 0 : i32
    return %c0_i32, %c0_i32_0, %arg0 : i32, i32, i32
  }
  func.func @transform_5(%arg0: i32) -> (i32, i32) {
    %c0_i32 = arith.constant 0 : i32
    %c0_i32_0 = arith.constant 0 : i32
    return %c0_i32, %arg0 : i32, i32
  }
}

module attributes {stable_mosaic.version = 14 : i64} {
  func.func @_packw1_body(%arg0: i32, %arg1: memref<8000x32xf32, #tpu.memory_space<vmem>>, %arg2: memref<2000x128xf32, #tpu.memory_space<vmem>>) attributes {dimension_semantics = [#tpu.dimension_semantics<arbitrary>], iteration_bounds = array<i64: 100>, scalar_prefetch = 0 : i64, scratch_operands = 0 : i64, tpu.core_type = #tpu.core_type<tc>, window_params = [{transform_indices = @transform_0, window_bounds = array<i64: 8000, 32>}, {transform_indices = @transform_1, window_bounds = array<i64: 2000, 128>}]} {
    %get3A = arith.constant 0 : index
    %get3A_0 = arith.constant 0 : index
    %get3A_1 = vector.load %arg1[%get3A, %get3A_0] : memref<8000x32xf32, #tpu.memory_space<vmem>>, vector<8000x32xf32>
    %reshape3A = vector.shape_cast %get3A_1 : vector<8000x32xf32> to vector<2000x4x32xf32>
    %slice3A = vector.extract_strided_slice %reshape3A {offsets = [0, 0, 0], sizes = [2000, 1, 32], strides = [1, 1, 1]} : vector<2000x4x32xf32> to vector<2000x1x32xf32>
    %squeeze3A = vector.shape_cast %slice3A : vector<2000x1x32xf32> to vector<2000x32xf32>
    %swap3A = arith.constant 0 : index
    %swap3A_2 = arith.constant 0 : index
    %swap3A_3 = vector.load %arg2[%swap3A, %swap3A_2] : memref<2000x128xf32, #tpu.memory_space<vmem>>, vector<2000x32xf32>
    tpu.vector_store %arg2[%swap3A, %swap3A_2], %squeeze3A {strides = array<i32>} : memref<2000x128xf32, #tpu.memory_space<vmem>>, vector<2000x32xf32>,
    %slice3A_4 = vector.extract_strided_slice %reshape3A {offsets = [0, 1, 0], sizes = [2000, 1, 32], strides = [1, 1, 1]} : vector<2000x4x32xf32> to vector<2000x1x32xf32>
    %squeeze3A_5 = vector.shape_cast %slice3A_4 : vector<2000x1x32xf32> to vector<2000x32xf32>
    %swap3A_6 = arith.constant 0 : index
    %swap3A_7 = arith.constant 32 : index
    %swap3A_8 = vector.load %arg2[%swap3A_6, %swap3A_7] : memref<2000x128xf32, #tpu.memory_space<vmem>>, vector<2000x32xf32>
    tpu.vector_store %arg2[%swap3A_6, %swap3A_7], %squeeze3A_5 {strides = array<i32>} : memref<2000x128xf32, #tpu.memory_space<vmem>>, vector<2000x32xf32>,
    %slice3A_9 = vector.extract_strided_slice %reshape3A {offsets = [0, 2, 0], sizes = [2000, 1, 32], strides = [1, 1, 1]} : vector<2000x4x32xf32> to vector<2000x1x32xf32>
    %squeeze3A_10 = vector.shape_cast %slice3A_9 : vector<2000x1x32xf32> to vector<2000x32xf32>
    %swap3A_11 = arith.constant 0 : index
    %swap3A_12 = arith.constant 64 : index
    %swap3A_13 = vector.load %arg2[%swap3A_11, %swap3A_12] : memref<2000x128xf32, #tpu.memory_space<vmem>>, vector<2000x32xf32>
    tpu.vector_store %arg2[%swap3A_11, %swap3A_12], %squeeze3A_10 {strides = array<i32>} : memref<2000x128xf32, #tpu.memory_space<vmem>>, vector<2000x32xf32>,
    %slice3A_14 = vector.extract_strided_slice %reshape3A {offsets = [0, 3, 0], sizes = [2000, 1, 32], strides = [1, 1, 1]} : vector<2000x4x32xf32> to vector<2000x1x32xf32>
    %squeeze3A_15 = vector.shape_cast %slice3A_14 : vector<2000x1x32xf32> to vector<2000x32xf32>
    %swap3A_16 = arith.constant 0 : index
    %swap3A_17 = arith.constant 96 : index
    %swap3A_18 = vector.load %arg2[%swap3A_16, %swap3A_17] : memref<2000x128xf32, #tpu.memory_space<vmem>>, vector<2000x32xf32>
    tpu.vector_store %arg2[%swap3A_16, %swap3A_17], %squeeze3A_15 {strides = array<i32>} : memref<2000x128xf32, #tpu.memory_space<vmem>>, vector<2000x32xf32>,
    return
  }
  func.func @transform_0(%arg0: i32) -> (i32, i32) {
    %c0_i32 = arith.constant 0 : i32
    %c0_i32_0 = arith.constant 0 : i32
    return %arg0, %c0_i32 : i32, i32
  }
  func.func @transform_1(%arg0: i32) -> (i32, i32) {
    %c0_i32 = arith.constant 0 : i32
    %c0_i32_0 = arith.constant 0 : i32
    return %arg0, %c0_i32 : i32, i32
  }
}

module attributes {stable_mosaic.version = 14 : i64} {
  func.func @_w2cat_body(%arg0: memref<8x32x32xf32, #tpu.memory_space<vmem>>, %arg1: memref<2x32x128xf32, #tpu.memory_space<vmem>>) attributes {dimension_semantics = [], scalar_prefetch = 0 : i64, scratch_operands = 0 : i64, tpu.core_type = #tpu.core_type<tc>} {
    %get3A = arith.constant 0 : index
    %get3A_0 = arith.constant 0 : index
    %get3A_1 = arith.constant 0 : index
    %get3A_2 = vector.load %arg0[%get3A, %get3A_0, %get3A_1] : memref<8x32x32xf32, #tpu.memory_space<vmem>>, vector<8x32x32xf32>
    %slice3A = vector.extract_strided_slice %get3A_2 {offsets = [0, 0, 0], sizes = [1, 32, 32], strides = [1, 1, 1]} : vector<8x32x32xf32> to vector<1x32x32xf32>
    %squeeze3A = vector.shape_cast %slice3A : vector<1x32x32xf32> to vector<32x32xf32>
    %slice3A_3 = vector.extract_strided_slice %squeeze3A {offsets = [0, 0], sizes = [32, 16], strides = [1, 1]} : vector<32x32xf32> to vector<32x16xf32>
    %slice3A_4 = vector.extract_strided_slice %get3A_2 {offsets = [1, 0, 0], sizes = [1, 32, 32], strides = [1, 1, 1]} : vector<8x32x32xf32> to vector<1x32x32xf32>
    %squeeze3A_5 = vector.shape_cast %slice3A_4 : vector<1x32x32xf32> to vector<32x32xf32>
    %slice3A_6 = vector.extract_strided_slice %squeeze3A_5 {offsets = [0, 0], sizes = [32, 16], strides = [1, 1]} : vector<32x32xf32> to vector<32x16xf32>
    %slice3A_7 = vector.extract_strided_slice %get3A_2 {offsets = [2, 0, 0], sizes = [1, 32, 32], strides = [1, 1, 1]} : vector<8x32x32xf32> to vector<1x32x32xf32>
    %squeeze3A_8 = vector.shape_cast %slice3A_7 : vector<1x32x32xf32> to vector<32x32xf32>
    %slice3A_9 = vector.extract_strided_slice %squeeze3A_8 {offsets = [0, 0], sizes = [32, 16], strides = [1, 1]} : vector<32x32xf32> to vector<32x16xf32>
    %slice3A_10 = vector.extract_strided_slice %get3A_2 {offsets = [3, 0, 0], sizes = [1, 32, 32], strides = [1, 1, 1]} : vector<8x32x32xf32> to vector<1x32x32xf32>
    %squeeze3A_11 = vector.shape_cast %slice3A_10 : vector<1x32x32xf32> to vector<32x32xf32>
    %slice3A_12 = vector.extract_strided_slice %squeeze3A_11 {offsets = [0, 0], sizes = [32, 16], strides = [1, 1]} : vector<32x32xf32> to vector<32x16xf32>
    %slice3A_13 = vector.extract_strided_slice %get3A_2 {offsets = [4, 0, 0], sizes = [1, 32, 32], strides = [1, 1, 1]} : vector<8x32x32xf32> to vector<1x32x32xf32>
    %squeeze3A_14 = vector.shape_cast %slice3A_13 : vector<1x32x32xf32> to vector<32x32xf32>
    %slice3A_15 = vector.extract_strided_slice %squeeze3A_14 {offsets = [0, 0], sizes = [32, 16], strides = [1, 1]} : vector<32x32xf32> to vector<32x16xf32>
    %slice3A_16 = vector.extract_strided_slice %get3A_2 {offsets = [5, 0, 0], sizes = [1, 32, 32], strides = [1, 1, 1]} : vector<8x32x32xf32> to vector<1x32x32xf32>
    %squeeze3A_17 = vector.shape_cast %slice3A_16 : vector<1x32x32xf32> to vector<32x32xf32>
    %slice3A_18 = vector.extract_strided_slice %squeeze3A_17 {offsets = [0, 0], sizes = [32, 16], strides = [1, 1]} : vector<32x32xf32> to vector<32x16xf32>
    %slice3A_19 = vector.extract_strided_slice %get3A_2 {offsets = [6, 0, 0], sizes = [1, 32, 32], strides = [1, 1, 1]} : vector<8x32x32xf32> to vector<1x32x32xf32>
    %squeeze3A_20 = vector.shape_cast %slice3A_19 : vector<1x32x32xf32> to vector<32x32xf32>
    %slice3A_21 = vector.extract_strided_slice %squeeze3A_20 {offsets = [0, 0], sizes = [32, 16], strides = [1, 1]} : vector<32x32xf32> to vector<32x16xf32>
    %slice3A_22 = vector.extract_strided_slice %get3A_2 {offsets = [7, 0, 0], sizes = [1, 32, 32], strides = [1, 1, 1]} : vector<8x32x32xf32> to vector<1x32x32xf32>
    %squeeze3A_23 = vector.shape_cast %slice3A_22 : vector<1x32x32xf32> to vector<32x32xf32>
    %slice3A_24 = vector.extract_strided_slice %squeeze3A_23 {offsets = [0, 0], sizes = [32, 16], strides = [1, 1]} : vector<32x32xf32> to vector<32x16xf32>
    %concatenate3A = tpu.concatenate %slice3A_3, %slice3A_6, %slice3A_9, %slice3A_12, %slice3A_15, %slice3A_18, %slice3A_21, %slice3A_24 in 1 : vector<32x16xf32>, vector<32x16xf32>, vector<32x16xf32>, vector<32x16xf32>, vector<32x16xf32>, vector<32x16xf32>, vector<32x16xf32>, vector<32x16xf32> -> vector<32x128xf32>
    %swap3A = arith.constant 0 : index
    %swap3A_25 = arith.constant 0 : index
    %swap3A_26 = arith.constant 0 : index
    %swap3A_27 = vector.load %arg1[%swap3A, %swap3A_25, %swap3A_26] : memref<2x32x128xf32, #tpu.memory_space<vmem>>, vector<1x32x128xf32>
    %swap3A_28 = vector.shape_cast %swap3A_27 : vector<1x32x128xf32> to vector<32x128xf32>
    %swap3A_29 = vector.shape_cast %concatenate3A : vector<32x128xf32> to vector<1x32x128xf32>
    tpu.vector_store %arg1[%swap3A, %swap3A_25, %swap3A_26], %swap3A_29 {strides = array<i32>} : memref<2x32x128xf32, #tpu.memory_space<vmem>>, vector<1x32x128xf32>,
    %slice3A_30 = vector.extract_strided_slice %get3A_2 {offsets = [0, 0, 0], sizes = [1, 32, 32], strides = [1, 1, 1]} : vector<8x32x32xf32> to vector<1x32x32xf32>
    %squeeze3A_31 = vector.shape_cast %slice3A_30 : vector<1x32x32xf32> to vector<32x32xf32>
    %slice3A_32 = vector.extract_strided_slice %squeeze3A_31 {offsets = [0, 16], sizes = [32, 16], strides = [1, 1]} : vector<32x32xf32> to vector<32x16xf32>
    %slice3A_33 = vector.extract_strided_slice %get3A_2 {offsets = [1, 0, 0], sizes = [1, 32, 32], strides = [1, 1, 1]} : vector<8x32x32xf32> to vector<1x32x32xf32>
    %squeeze3A_34 = vector.shape_cast %slice3A_33 : vector<1x32x32xf32> to vector<32x32xf32>
    %slice3A_35 = vector.extract_strided_slice %squeeze3A_34 {offsets = [0, 16], sizes = [32, 16], strides = [1, 1]} : vector<32x32xf32> to vector<32x16xf32>
    %slice3A_36 = vector.extract_strided_slice %get3A_2 {offsets = [2, 0, 0], sizes = [1, 32, 32], strides = [1, 1, 1]} : vector<8x32x32xf32> to vector<1x32x32xf32>
    %squeeze3A_37 = vector.shape_cast %slice3A_36 : vector<1x32x32xf32> to vector<32x32xf32>
    %slice3A_38 = vector.extract_strided_slice %squeeze3A_37 {offsets = [0, 16], sizes = [32, 16], strides = [1, 1]} : vector<32x32xf32> to vector<32x16xf32>
    %slice3A_39 = vector.extract_strided_slice %get3A_2 {offsets = [3, 0, 0], sizes = [1, 32, 32], strides = [1, 1, 1]} : vector<8x32x32xf32> to vector<1x32x32xf32>
    %squeeze3A_40 = vector.shape_cast %slice3A_39 : vector<1x32x32xf32> to vector<32x32xf32>
    %slice3A_41 = vector.extract_strided_slice %squeeze3A_40 {offsets = [0, 16], sizes = [32, 16], strides = [1, 1]} : vector<32x32xf32> to vector<32x16xf32>
    %slice3A_42 = vector.extract_strided_slice %get3A_2 {offsets = [4, 0, 0], sizes = [1, 32, 32], strides = [1, 1, 1]} : vector<8x32x32xf32> to vector<1x32x32xf32>
    %squeeze3A_43 = vector.shape_cast %slice3A_42 : vector<1x32x32xf32> to vector<32x32xf32>
    %slice3A_44 = vector.extract_strided_slice %squeeze3A_43 {offsets = [0, 16], sizes = [32, 16], strides = [1, 1]} : vector<32x32xf32> to vector<32x16xf32>
    %slice3A_45 = vector.extract_strided_slice %get3A_2 {offsets = [5, 0, 0], sizes = [1, 32, 32], strides = [1, 1, 1]} : vector<8x32x32xf32> to vector<1x32x32xf32>
    %squeeze3A_46 = vector.shape_cast %slice3A_45 : vector<1x32x32xf32> to vector<32x32xf32>
    %slice3A_47 = vector.extract_strided_slice %squeeze3A_46 {offsets = [0, 16], sizes = [32, 16], strides = [1, 1]} : vector<32x32xf32> to vector<32x16xf32>
    %slice3A_48 = vector.extract_strided_slice %get3A_2 {offsets = [6, 0, 0], sizes = [1, 32, 32], strides = [1, 1, 1]} : vector<8x32x32xf32> to vector<1x32x32xf32>
    %squeeze3A_49 = vector.shape_cast %slice3A_48 : vector<1x32x32xf32> to vector<32x32xf32>
    %slice3A_50 = vector.extract_strided_slice %squeeze3A_49 {offsets = [0, 16], sizes = [32, 16], strides = [1, 1]} : vector<32x32xf32> to vector<32x16xf32>
    %slice3A_51 = vector.extract_strided_slice %get3A_2 {offsets = [7, 0, 0], sizes = [1, 32, 32], strides = [1, 1, 1]} : vector<8x32x32xf32> to vector<1x32x32xf32>
    %squeeze3A_52 = vector.shape_cast %slice3A_51 : vector<1x32x32xf32> to vector<32x32xf32>
    %slice3A_53 = vector.extract_strided_slice %squeeze3A_52 {offsets = [0, 16], sizes = [32, 16], strides = [1, 1]} : vector<32x32xf32> to vector<32x16xf32>
    %concatenate3A_54 = tpu.concatenate %slice3A_32, %slice3A_35, %slice3A_38, %slice3A_41, %slice3A_44, %slice3A_47, %slice3A_50, %slice3A_53 in 1 : vector<32x16xf32>, vector<32x16xf32>, vector<32x16xf32>, vector<32x16xf32>, vector<32x16xf32>, vector<32x16xf32>, vector<32x16xf32>, vector<32x16xf32> -> vector<32x128xf32>
    %swap3A_55 = arith.constant 1 : index
    %swap3A_56 = arith.constant 0 : index
    %swap3A_57 = arith.constant 0 : index
    %swap3A_58 = vector.load %arg1[%swap3A_55, %swap3A_56, %swap3A_57] : memref<2x32x128xf32, #tpu.memory_space<vmem>>, vector<1x32x128xf32>
    %swap3A_59 = vector.shape_cast %swap3A_58 : vector<1x32x128xf32> to vector<32x128xf32>
    %swap3A_60 = vector.shape_cast %concatenate3A_54 : vector<32x128xf32> to vector<1x32x128xf32>
    tpu.vector_store %arg1[%swap3A_55, %swap3A_56, %swap3A_57], %swap3A_60 {strides = array<i32>} : memref<2x32x128xf32, #tpu.memory_space<vmem>>, vector<1x32x128xf32>,
    return
  }
}

module attributes {stable_mosaic.version = 14 : i64} {
  func.func @_dense1_body(%arg0: i32, %arg1: memref<2x1000x16xf32, #tpu.memory_space<vmem>>, %arg2: memref<1000x32xf32, #tpu.memory_space<vmem>>, %arg3: memref<1x32xf32, #tpu.memory_space<vmem>>, %arg4: memref<2x32x128xf32, #tpu.memory_space<vmem>>, %arg5: memref<32x32xf32, #tpu.memory_space<vmem>>, %arg6: memref<1x32xf32, #tpu.memory_space<vmem>>, %arg7: memref<2x1000x128xf32, #tpu.memory_space<vmem>>, %arg8: memref<1000x32xf32, #tpu.memory_space<vmem>>) attributes {dimension_semantics = [#tpu.dimension_semantics<arbitrary>], iteration_bounds = array<i64: 100>, scalar_prefetch = 0 : i64, scratch_operands = 0 : i64, tpu.core_type = #tpu.core_type<tc>, window_params = [{transform_indices = @transform_0, window_bounds = array<i64: 2, 1000, 16>}, {transform_indices = @transform_1, window_bounds = array<i64: 1000, 32>}, {pipeline_mode = #tpu.pipeline_mode<synchronous>, transform_indices = @transform_2, window_bounds = array<i64: 1, 32>}, {pipeline_mode = #tpu.pipeline_mode<synchronous>, transform_indices = @transform_3, window_bounds = array<i64: 2, 32, 128>}, {pipeline_mode = #tpu.pipeline_mode<synchronous>, transform_indices = @transform_4, window_bounds = array<i64: 32, 32>}, {pipeline_mode = #tpu.pipeline_mode<synchronous>, transform_indices = @transform_5, window_bounds = array<i64: 1, 32>}, {transform_indices = @transform_6, window_bounds = array<i64: 2, 1000, 128>}, {transform_indices = @transform_7, window_bounds = array<i64: 1000, 32>}]} {
    %get3A = arith.constant 0 : index
    %get3A_0 = arith.constant 0 : index
    %get3A_1 = arith.constant 0 : index
    %get3A_2 = vector.load %arg1[%get3A, %get3A_0, %get3A_1] : memref<2x1000x16xf32, #tpu.memory_space<vmem>>, vector<2x1000x16xf32>
    %slice3A = vector.extract_strided_slice %get3A_2 {offsets = [0, 0, 0], sizes = [1, 1000, 16], strides = [1, 1, 1]} : vector<2x1000x16xf32> to vector<1x1000x16xf32>
    %squeeze3A = vector.shape_cast %slice3A : vector<1x1000x16xf32> to vector<1000x16xf32>
    %slice3A_3 = vector.extract_strided_slice %get3A_2 {offsets = [1, 0, 0], sizes = [1, 1000, 16], strides = [1, 1, 1]} : vector<2x1000x16xf32> to vector<1x1000x16xf32>
    %squeeze3A_4 = vector.shape_cast %slice3A_3 : vector<1x1000x16xf32> to vector<1000x16xf32>
    %concatenate3A = tpu.concatenate %squeeze3A, %squeeze3A_4 in 1 : vector<1000x16xf32>, vector<1000x16xf32> -> vector<1000x32xf32>
    %get3A_5 = arith.constant 0 : index
    %get3A_6 = arith.constant 0 : index
    %get3A_7 = vector.load %arg2[%get3A_5, %get3A_6] : memref<1000x32xf32, #tpu.memory_space<vmem>>, vector<1000x32xf32>
    %add3A = arith.addf %concatenate3A, %get3A_7 : vector<1000x32xf32>
    %get3A_8 = arith.constant 0 : index
    %get3A_9 = arith.constant 0 : index
    %get3A_10 = vector.load %arg3[%get3A_8, %get3A_9] : memref<1x32xf32, #tpu.memory_space<vmem>>, vector<1x32xf32>
    %add3A_11 = vector.broadcast %get3A_10 : vector<1x32xf32> to vector<1000x32xf32>
    %add3A_12 = arith.addf %add3A, %add3A_11 : vector<1000x32xf32>
    %max3A = arith.constant 0.000000e+00 : f32
    %max3A_13 = vector.broadcast %max3A : f32 to vector<1000x32xf32>
    %max3A_14 = arith.maximumf %add3A_12, %max3A_13 : vector<1000x32xf32>
    %get3A_15 = arith.constant 0 : index
    %get3A_16 = arith.constant 0 : index
    %get3A_17 = arith.constant 0 : index
    %get3A_18 = vector.load %arg4[%get3A_15, %get3A_16, %get3A_17] : memref<2x32x128xf32, #tpu.memory_space<vmem>>, vector<2x32x128xf32>
    %slice3A_19 = vector.extract_strided_slice %get3A_18 {offsets = [0, 0, 0], sizes = [1, 32, 128], strides = [1, 1, 1]} : vector<2x32x128xf32> to vector<1x32x128xf32>
    %squeeze3A_20 = vector.shape_cast %slice3A_19 : vector<1x32x128xf32> to vector<32x128xf32>
    %dot_general3A = arith.constant dense<0.000000e+00> : vector<1000x128xf32>
    %dot_general3A_21 = tpu.matmul %max3A_14, %squeeze3A_20, %dot_general3A {dimension_numbers = #tpu.dot_dimension_numbers<[1], [0], [0], [1], [0, 0, 1, 1], [], []>, transpose_lhs_hint = false} : vector<1000x32xf32>, vector<32x128xf32>, vector<1000x128xf32> -> vector<1000x128xf32>
    %swap3A = arith.constant 0 : index
    %swap3A_22 = arith.constant 0 : index
    %swap3A_23 = arith.constant 0 : index
    %swap3A_24 = vector.load %arg7[%swap3A, %swap3A_22, %swap3A_23] : memref<2x1000x128xf32, #tpu.memory_space<vmem>>, vector<1x1000x128xf32>
    %swap3A_25 = vector.shape_cast %swap3A_24 : vector<1x1000x128xf32> to vector<1000x128xf32>
    %swap3A_26 = vector.shape_cast %dot_general3A_21 : vector<1000x128xf32> to vector<1x1000x128xf32>
    tpu.vector_store %arg7[%swap3A, %swap3A_22, %swap3A_23], %swap3A_26 {strides = array<i32>} : memref<2x1000x128xf32, #tpu.memory_space<vmem>>, vector<1x1000x128xf32>,
    %slice3A_27 = vector.extract_strided_slice %get3A_18 {offsets = [1, 0, 0], sizes = [1, 32, 128], strides = [1, 1, 1]} : vector<2x32x128xf32> to vector<1x32x128xf32>
    %squeeze3A_28 = vector.shape_cast %slice3A_27 : vector<1x32x128xf32> to vector<32x128xf32>
    %dot_general3A_29 = arith.constant dense<0.000000e+00> : vector<1000x128xf32>
    %dot_general3A_30 = tpu.matmul %max3A_14, %squeeze3A_28, %dot_general3A_29 {dimension_numbers = #tpu.dot_dimension_numbers<[1], [0], [0], [1], [0, 0, 1, 1], [], []>, transpose_lhs_hint = false} : vector<1000x32xf32>, vector<32x128xf32>, vector<1000x128xf32> -> vector<1000x128xf32>
    %swap3A_31 = arith.constant 1 : index
    %swap3A_32 = arith.constant 0 : index
    %swap3A_33 = arith.constant 0 : index
    %swap3A_34 = vector.load %arg7[%swap3A_31, %swap3A_32, %swap3A_33] : memref<2x1000x128xf32, #tpu.memory_space<vmem>>, vector<1x1000x128xf32>
    %swap3A_35 = vector.shape_cast %swap3A_34 : vector<1x1000x128xf32> to vector<1000x128xf32>
    %swap3A_36 = vector.shape_cast %dot_general3A_30 : vector<1000x128xf32> to vector<1x1000x128xf32>
    tpu.vector_store %arg7[%swap3A_31, %swap3A_32, %swap3A_33], %swap3A_36 {strides = array<i32>} : memref<2x1000x128xf32, #tpu.memory_space<vmem>>, vector<1x1000x128xf32>,
    %get3A_37 = arith.constant 0 : index
    %get3A_38 = arith.constant 0 : index
    %get3A_39 = vector.load %arg5[%get3A_37, %get3A_38] : memref<32x32xf32, #tpu.memory_space<vmem>>, vector<32x32xf32>
    %dot_general3A_40 = arith.constant dense<0.000000e+00> : vector<1000x32xf32>
    %dot_general3A_41 = tpu.matmul %max3A_14, %get3A_39, %dot_general3A_40 {dimension_numbers = #tpu.dot_dimension_numbers<[1], [0], [0], [1], [0, 0, 1, 1], [], []>, transpose_lhs_hint = false} : vector<1000x32xf32>, vector<32x32xf32>, vector<1000x32xf32> -> vector<1000x32xf32>
    %get3A_42 = arith.constant 0 : index
    %get3A_43 = arith.constant 0 : index
    %get3A_44 = vector.load %arg6[%get3A_42, %get3A_43] : memref<1x32xf32, #tpu.memory_space<vmem>>, vector<1x32xf32>
    %add3A_45 = vector.broadcast %get3A_44 : vector<1x32xf32> to vector<1000x32xf32>
    %add3A_46 = arith.addf %dot_general3A_41, %add3A_45 : vector<1000x32xf32>
    %swap3A_47 = arith.constant 0 : index
    %swap3A_48 = arith.constant 0 : index
    %swap3A_49 = vector.load %arg8[%swap3A_47, %swap3A_48] : memref<1000x32xf32, #tpu.memory_space<vmem>>, vector<1000x32xf32>
    tpu.vector_store %arg8[%swap3A_47, %swap3A_48], %add3A_46 {strides = array<i32>} : memref<1000x32xf32, #tpu.memory_space<vmem>>, vector<1000x32xf32>,
    return
  }
  func.func @transform_0(%arg0: i32) -> (i32, i32, i32) {
    %c0_i32 = arith.constant 0 : i32
    %c0_i32_0 = arith.constant 0 : i32
    %c0_i32_1 = arith.constant 0 : i32
    return %c0_i32, %arg0, %c0_i32_0 : i32, i32, i32
  }
  func.func @transform_1(%arg0: i32) -> (i32, i32) {
    %c0_i32 = arith.constant 0 : i32
    %c0_i32_0 = arith.constant 0 : i32
    return %arg0, %c0_i32 : i32, i32
  }
  func.func @transform_2(%arg0: i32) -> (i32, i32) {
    %c0_i32 = arith.constant 0 : i32
    %c0_i32_0 = arith.constant 0 : i32
    %c0_i32_1 = arith.constant 0 : i32
    return %c0_i32, %c0_i32_0 : i32, i32
  }
  func.func @transform_3(%arg0: i32) -> (i32, i32, i32) {
    %c0_i32 = arith.constant 0 : i32
    %c0_i32_0 = arith.constant 0 : i32
    %c0_i32_1 = arith.constant 0 : i32
    %c0_i32_2 = arith.constant 0 : i32
    return %c0_i32, %c0_i32_0, %c0_i32_1 : i32, i32, i32
  }
  func.func @transform_4(%arg0: i32) -> (i32, i32) {
    %c0_i32 = arith.constant 0 : i32
    %c0_i32_0 = arith.constant 0 : i32
    %c0_i32_1 = arith.constant 0 : i32
    return %c0_i32, %c0_i32_0 : i32, i32
  }
  func.func @transform_5(%arg0: i32) -> (i32, i32) {
    %c0_i32 = arith.constant 0 : i32
    %c0_i32_0 = arith.constant 0 : i32
    %c0_i32_1 = arith.constant 0 : i32
    return %c0_i32, %c0_i32_0 : i32, i32
  }
  func.func @transform_6(%arg0: i32) -> (i32, i32, i32) {
    %c0_i32 = arith.constant 0 : i32
    %c0_i32_0 = arith.constant 0 : i32
    %c0_i32_1 = arith.constant 0 : i32
    return %c0_i32, %arg0, %c0_i32_0 : i32, i32, i32
  }
  func.func @transform_7(%arg0: i32) -> (i32, i32) {
    %c0_i32 = arith.constant 0 : i32
    %c0_i32_0 = arith.constant 0 : i32
    return %arg0, %c0_i32 : i32, i32
  }
}

module attributes {stable_mosaic.version = 14 : i64} {
  func.func @_final_body(%arg0: i32, %arg1: memref<2x1000x16xf32, #tpu.memory_space<vmem>>, %arg2: memref<1000x32xf32, #tpu.memory_space<vmem>>, %arg3: memref<32x16xf32, #tpu.memory_space<vmem>>, %arg4: memref<1x16xf32, #tpu.memory_space<vmem>>, %arg5: memref<1000x16xf32, #tpu.memory_space<vmem>>) attributes {dimension_semantics = [#tpu.dimension_semantics<arbitrary>], iteration_bounds = array<i64: 100>, scalar_prefetch = 0 : i64, scratch_operands = 0 : i64, tpu.core_type = #tpu.core_type<tc>, window_params = [{transform_indices = @transform_0, window_bounds = array<i64: 2, 1000, 16>}, {transform_indices = @transform_1, window_bounds = array<i64: 1000, 32>}, {pipeline_mode = #tpu.pipeline_mode<synchronous>, transform_indices = @transform_2, window_bounds = array<i64: 32, 16>}, {pipeline_mode = #tpu.pipeline_mode<synchronous>, transform_indices = @transform_3, window_bounds = array<i64: 1, 16>}, {transform_indices = @transform_4, window_bounds = array<i64: 1000, 16>}]} {
    %get3A = arith.constant 0 : index
    %get3A_0 = arith.constant 0 : index
    %get3A_1 = arith.constant 0 : index
    %get3A_2 = vector.load %arg1[%get3A, %get3A_0, %get3A_1] : memref<2x1000x16xf32, #tpu.memory_space<vmem>>, vector<2x1000x16xf32>
    %slice3A = vector.extract_strided_slice %get3A_2 {offsets = [0, 0, 0], sizes = [1, 1000, 16], strides = [1, 1, 1]} : vector<2x1000x16xf32> to vector<1x1000x16xf32>
    %squeeze3A = vector.shape_cast %slice3A : vector<1x1000x16xf32> to vector<1000x16xf32>
    %slice3A_3 = vector.extract_strided_slice %get3A_2 {offsets = [1, 0, 0], sizes = [1, 1000, 16], strides = [1, 1, 1]} : vector<2x1000x16xf32> to vector<1x1000x16xf32>
    %squeeze3A_4 = vector.shape_cast %slice3A_3 : vector<1x1000x16xf32> to vector<1000x16xf32>
    %concatenate3A = tpu.concatenate %squeeze3A, %squeeze3A_4 in 1 : vector<1000x16xf32>, vector<1000x16xf32> -> vector<1000x32xf32>
    %get3A_5 = arith.constant 0 : index
    %get3A_6 = arith.constant 0 : index
    %get3A_7 = vector.load %arg2[%get3A_5, %get3A_6] : memref<1000x32xf32, #tpu.memory_space<vmem>>, vector<1000x32xf32>
    %add3A = arith.addf %concatenate3A, %get3A_7 : vector<1000x32xf32>
    %max3A = arith.constant 0.000000e+00 : f32
    %max3A_8 = vector.broadcast %max3A : f32 to vector<1000x32xf32>
    %max3A_9 = arith.maximumf %add3A, %max3A_8 : vector<1000x32xf32>
    %get3A_10 = arith.constant 0 : index
    %get3A_11 = arith.constant 0 : index
    %get3A_12 = vector.load %arg3[%get3A_10, %get3A_11] : memref<32x16xf32, #tpu.memory_space<vmem>>, vector<32x16xf32>
    %dot_general3A = arith.constant dense<0.000000e+00> : vector<1000x16xf32>
    %dot_general3A_13 = tpu.matmul %max3A_9, %get3A_12, %dot_general3A {dimension_numbers = #tpu.dot_dimension_numbers<[1], [0], [0], [1], [0, 0, 1, 1], [], []>, transpose_lhs_hint = false} : vector<1000x32xf32>, vector<32x16xf32>, vector<1000x16xf32> -> vector<1000x16xf32>
    %get3A_14 = arith.constant 0 : index
    %get3A_15 = arith.constant 0 : index
    %get3A_16 = vector.load %arg4[%get3A_14, %get3A_15] : memref<1x16xf32, #tpu.memory_space<vmem>>, vector<1x16xf32>
    %add3A_17 = vector.broadcast %get3A_16 : vector<1x16xf32> to vector<1000x16xf32>
    %add3A_18 = arith.addf %dot_general3A_13, %add3A_17 : vector<1000x16xf32>
    %swap3A = arith.constant 0 : index
    %swap3A_19 = arith.constant 0 : index
    %swap3A_20 = vector.load %arg5[%swap3A, %swap3A_19] : memref<1000x16xf32, #tpu.memory_space<vmem>>, vector<1000x16xf32>
    tpu.vector_store %arg5[%swap3A, %swap3A_19], %add3A_18 {strides = array<i32>} : memref<1000x16xf32, #tpu.memory_space<vmem>>, vector<1000x16xf32>,
    return
  }
  func.func @transform_0(%arg0: i32) -> (i32, i32, i32) {
    %c0_i32 = arith.constant 0 : i32
    %c0_i32_0 = arith.constant 0 : i32
    %c0_i32_1 = arith.constant 0 : i32
    return %c0_i32, %arg0, %c0_i32_0 : i32, i32, i32
  }
  func.func @transform_1(%arg0: i32) -> (i32, i32) {
    %c0_i32 = arith.constant 0 : i32
    %c0_i32_0 = arith.constant 0 : i32
    return %arg0, %c0_i32 : i32, i32
  }
  func.func @transform_2(%arg0: i32) -> (i32, i32) {
    %c0_i32 = arith.constant 0 : i32
    %c0_i32_0 = arith.constant 0 : i32
    %c0_i32_1 = arith.constant 0 : i32
    return %c0_i32, %c0_i32_0 : i32, i32
  }
  func.func @transform_3(%arg0: i32) -> (i32, i32) {
    %c0_i32 = arith.constant 0 : i32
    %c0_i32_0 = arith.constant 0 : i32
    %c0_i32_1 = arith.constant 0 : i32
    return %c0_i32, %c0_i32_0 : i32, i32
  }
  func.func @transform_4(%arg0: i32) -> (i32, i32) {
    %c0_i32 = arith.constant 0 : i32
    %c0_i32_0 = arith.constant 0 : i32
    return %arg0, %c0_i32 : i32, i32
  }
}

</mosaic_0001>

<sc_bundles>
// kernel: kernel.10.cloned.1.call-start
scs
__scs_entry_jumppad:
0x0: {  	(pc) =	sbr.rel $0x88, $3  }
0x1: {  	(tag) =	ssettag $0x0;
	lr =	simm.s32 $0x1  }
0x2: {  	[smem:$0x3F97] =	sst lr;
	_ =	strace $0xD0000000  }
0x3: {  	_ = 	snop  }
0x4: {  	_ = 	snop  }
0x5: {  	_ = 	snop  }
0x6: {  	_ = 	snop  }
0x7: {  	_ = 	snop  }
__scs_overlays_trampoline_lowered:
0x8: {  	[smem:$0x3FA6] =	sst s0  }
0x9: {  	[smem:$0x3FA7] =	sst s1  }
0xa: {  	[smem:$0x3FA8] =	sst s2  }
0xb: {  	[smem:$0x3FA9] =	sst s3  }
0xc: {  	[smem:$0x3FAA] =	sst s4  }
0xd: {  	[smem:$0x3FAB] =	sst s5  }
0xe: {  	[smem:$0x3FAC] =	sst s6  }
0xf: {  	[smem:$0x3FAD] =	sst s7  }
0x10: {  	[smem:$0x3FAE] =	sst s8  }
0x11: {  	[smem:$0x3FAF] =	sst s9;
	s0 =	simm.s32 @!p0 $0x0  }
0x12: {  	s1 =	sld [smem:$0x3F95];
	s0 =	simm.s32 @p0 $0x1  }
0x13: {  	[smem:$0x3FB0] =	sst s0;
	s0 =	simm.s32 @!p1 $0x0  }
0x14: {  	s2 =	sld [smem:$0x3F94];
	s0 =	simm.s32 @p1 $0x1  }
0x15: {  	[smem:$0x3FB1] =	sst s0;
	s0 =	simm.s32 @!p2 $0x0  }
0x16: {  	s3 =	sld [smem:$0x3FDB];
	s0 =	simm.s32 @p2 $0x1  }
0x17: {  	s4 =	simm.s32 $0x1BF5;
	[smem:$0x3FB3] =	sst s0  }
0x18: {  	s0 =	sld [smem:$0x3F96];
	_ =	swait.ge [sflag:s4], $0x0  }
0x19: {  	s7 =	sld [smem:$0x3F97]  }
0x1a: {  	s8 =	sadd.s32 $0xFFFFE003, lr  }
0x1b: {  	s9 =	sadd.s32 $0xFFFFFEF7, lr;
	s5 =	simm.s32 $0xFFFFFFFF;
	p2 =	slt.u32 s8, $0xFFFFF086  }
0x1c: {  	p1 =	slt.u32 s9, $0xF7A;
	s5 =	simm.s32 @!p2 $0x0  }
0x1d: {  	s5 =	simm.s32 @p1 $0x1;
	p0 =	seq.s32 s7, s2  }
0x1e: {  	s7 =	smul.u32 @!p0 $0xF7A, s2;
	p2 =	seq.s32 @!p0 s5, $0x0  }
0x1f: {  	s9 =	smul.u32 $0xF7A, s1;
	s8 =	simm.s32 @!p0 $0x1BF5;
	p2 =	por !p2, p0  }
0x20: {  	[sflag:s8] =	ssyncset.s32 @!p0 $0xFFFFF086;
	s6 =	sadd.s32 @!p0 s3, s7;
	s7 =	simm.s32 @!p0 $0x108  }
0x21: {  	s3 =	sadd.s32 s3, s9;
	s6 =	sadd.s32 @!p0 $0x88, s6;
	s7 =	simm.s32 @p2 $0x1082  }
0x22: {  	[simem:s7], [sflag:s8] =	dma.local @!p0 [hbm:s6], $0xF7A  }
0x23: {  	s9 =	sor.u32 $0xD0000000, s2;
	s6 =	simm.s32 $0x108;
	_ =	swait.ge @!p0 [sflag:s8], $0x0  }
0x24: {  	s3 =	sadd.s32 $0x88, s3;
	s6 =	simm.s32 @!p1 $0x1082;
	[sflag:s4] =	ssyncset.s32 $0xFFFFF086  }
0x25: {  	[simem:s6], [sflag:s4] =	dma.local [hbm:s3], $0xF7A  }
0x26: {  	[smem:$0x3F97] =	sst s1;
	(tag) =	ssettag s2;
	_ =	strace s9  }
0x27: {  	s1 =	sld [smem:$0x3FA7]  }
0x28: {  	s2 =	sld [smem:$0x3FA8]  }
0x29: {  	s4 =	sld [smem:$0x3FAA]  }
0x2a: {  	p0 =	seq.s32 s5, $0x0;
	s5 =	sld [smem:$0x3FAB]  }
0x2b: {  	s6 =	sld [smem:$0x3FAC]  }
0x2c: {  	s7 =	sld [smem:$0x3FAD]  }
0x2d: {  	s3 =	simm.s32 $0x108;
	s8 =	sld [smem:$0x3FAE]  }
0x2e: {  	s3 =	simm.s32 @!p0 $0x1082;
	s9 =	sld [smem:$0x3FAF]  }
0x2f: {  	lr =	sadd.s32 s0, s3;
	s0 =	sld [smem:$0x3FA6]  }
0x30: {  	s3 =	sld [smem:$0x3FA9]  }
0x31: {  	[smem:$0x3FB2] =	sst s10  }
0x32: {  	s10 =	sld [smem:$0x3FB0];
	_ =	sdelay $0x3  }
0x33: {  	p0 =	seq.s32 s10, $0x1;
	s10 =	sld [smem:$0x3FB2];
	_ =	sdelay $0x3  }
0x34: {  	[smem:$0x3FB2] =	sst s10  }
0x35: {  	s10 =	sld [smem:$0x3FB1];
	_ =	sdelay $0x3  }
0x36: {  	p1 =	seq.s32 s10, $0x1;
	s10 =	sld [smem:$0x3FB2];
	_ =	sdelay $0x3  }
0x37: {  	[smem:$0x3FB2] =	sst s10  }
0x38: {  	s10 =	sld [smem:$0x3FB3]  }
0x39: {  	_ = 	snop;
	(pc) =	sbr.ind lr, $3  }
0x3a: {  	_ = 	snop  }
0x3b: {  	_ = 	snop  }
0x3c: {  	p2 =	seq.s32 s10, $0x1;
	s10 =	sld [smem:$0x3FB2]  }
0x3d: {  	_ =	shalt  }
0x3e: {  	_ =	shalt  }
0x3f: {  	_ =	shalt  }
0x40: {  	_ =	shalt  }
0x41: {  	_ =	shalt  }
0x42: {  	_ =	shalt  }
0x43: {  	_ =	shalt  }
0x44: {  	_ =	shalt  }
0x45: {  	_ =	shalt  }
0x46: {  	_ =	shalt  }
0x47: {  	_ =	shalt  }
0x48: {  	_ =	shalt  }
0x49: {  	_ =	shalt  }
0x4a: {  	_ =	shalt  }
0x4b: {  	_ =	shalt  }
0x4c: {  	_ =	shalt  }
0x4d: {  	_ =	shalt  }
0x4e: {  	_ =	shalt  }
0x4f: {  	_ =	shalt  }
0x50: {  	_ =	shalt  }
0x51: {  	_ =	shalt  }
0x52: {  	_ =	shalt  }
0x53: {  	_ =	shalt  }
0x54: {  	_ =	shalt  }
0x55: {  	_ =	shalt  }
0x56: {  	_ =	shalt  }
0x57: {  	_ =	shalt  }
0x58: {  	_ =	shalt  }
0x59: {  	_ =	shalt  }
0x5a: {  	_ =	shalt  }
0x5b: {  	_ =	shalt  }
0x5c: {  	_ =	shalt  }
0x5d: {  	_ =	shalt  }
0x5e: {  	_ =	shalt  }
0x5f: {  	_ =	shalt  }
0x60: {  	_ =	shalt  }
0x61: {  	_ =	shalt  }
0x62: {  	_ =	shalt  }
0x63: {  	_ =	shalt  }
0x64: {  	_ =	shalt  }
0x65: {  	_ =	shalt  }
0x66: {  	_ =	shalt  }
0x67: {  	_ =	shalt  }
0x68: {  	_ =	shalt  }
0x69: {  	_ =	shalt  }
0x6a: {  	_ =	shalt  }
0x6b: {  	_ =	shalt  }
0x6c: {  	_ =	shalt  }
0x6d: {  	_ =	shalt  }
0x6e: {  	_ =	shalt  }
0x6f: {  	_ =	shalt  }
0x70: {  	_ =	shalt  }
0x71: {  	_ =	shalt  }
0x72: {  	_ =	shalt  }
0x73: {  	_ =	shalt  }
0x74: {  	_ =	shalt  }
0x75: {  	_ =	shalt  }
0x76: {  	_ =	shalt  }
0x77: {  	_ =	shalt  }
0x78: {  	_ =	shalt  }
0x79: {  	_ =	shalt  }
0x7a: {  	_ =	shalt  }
0x7b: {  	_ =	shalt  }
0x7c: {  	_ =	shalt  }
0x7d: {  	_ =	shalt  }
0x7e: {  	_ =	shalt  }
0x7f: {  	_ =	shalt  }
0x80: {  	_ =	shalt  }
0x81: {  	_ =	shalt  }
0x82: {  	_ =	shalt  }
0x83: {  	_ =	shalt  }
0x84: {  	_ =	shalt  }
0x85: {  	_ =	shalt  }
0x86: {  	_ =	shalt  }
0x87: {  	_ =	shalt  }
.Lfunc_end0:
.L_simem_size_0:
called_computation_lowered:
.L_overlay_start_0:
0x88: {  	s2 =	sld [smem:$0x3FD9]  }
0x89: {  	s3 =	sld [smem:$0x3FFE];
	_ =	sdelay $0x1  }
0x8a: {  	s1 =	srdreg.scid  }
0x8b: {  	s0 =	sand.u32 $0x1, s1  }
0x8c: {  	s16 =	sshll.u32 s0, $0xA;
	s2 =	sadd.s32 s3, s2  }
0x8d: {  	s2 =	sadd.s32 s2, s16  }
0x8e: {  	[smem:$0x3FBE] =	sst s2  }
0x8f: {  	_ = 	snop  }
0x90: {  	(tm) =	ssettm $0x1  }
0x91: {  	s17 =	sld [smem:$0x3FFB];
	_ =	sdelay $0x3  }
0x92: {  	_ =	strace s17  }
0x93: {  	s2 =	sld [smem:$0x3FFC];
	_ =	sdelay $0x3  }
0x94: {  	_ =	strace s2  }
0x95: {  	s2 =	sld [smem:$0x3FFD];
	_ =	sdelay $0x3  }
0x96: {  	_ =	strace s2  }
0x97: {  	_ =	strace $0x8FFFFFFF  }
0x98: {  	s18 =	sld [smem:$0x3FDB];
	_ =	sdelay $0x1  }
0x99: {  	s19 =	simm.s32 $_scs_section_size  }
0x9a: {  	s4 =	simm.s32 $_size__tile_overlayer_lowered;
	s5 =	simm.s32 $_tile_overlayer_lowered  }
0x9b: {  	s22 =	simm.s32 $0x1BFF;
	s21 =	sshll.u32 s5, $0x1;
	s2 =	sadd.s32 s19, s18  }
0x9c: {  	s6 =	simm.s32 $0x0;
	s20 =	sshll.u32 s4, $0x1;
	s4 =	sadd.s32 s21, s2  }
0x9d: {  	[timem:s6], [sflag:s22] =	dma.local [hbm:s4], s20  }
0x9e: {  	_ =	swait.ge [sflag:s22], s20  }
0x9f: {  	s3 =	ssub.s32 $0x0, s20;
	[sflag:s22] =	ssyncset.done $0x0  }
0xa0: {  	[sflag:s22] =	ssyncadd.s32 s3;
	_ =	sdelay $0x1  }
0xa1: {  	s23 =	simm.s32 $0x1B8B  }
0xa2: {  	_ =	swait.ge [sflag:s23], $0x1  }
0xa3: {  	[sflag:s23] =	ssyncset.done $0x0  }
0xa4: {  	s25 =	simm.s32 $0x1B8E;
	s24 =	sld [smem:$0x3FFE];
	[sflag:s23] =	ssyncadd.s32 $0xFFFFFFFF  }
0xa5: {  	s26 =	simm.s32 $execute0_lowered;
	[smem:$0x3FD2] =	sst s25  }
0xa6: {  	s4 =	sshll.u32 s26, $0x1;
	_ =	strace $0x80000046;
	[dreg:$0x1] =	wrdreg $0xFFFFFFFF  }
0xa7: {  	s28 =	simm.s32 $_size_execute0_lowered;
	s2 =	sadd.s32 s2, s4;
	[dreg:$0x0] =	wrdreg $0x0  }
0xa8: {  	s4 =	sshll.u32 s28, $0x1;
	[dreg:$0x2] =	wrdreg s2  }
0xa9: {  	[dreg:$0x3] =	wrdreg s4  }
0xaa: {  	[dreg:$0x4] =	wrdreg $0xC0  }
0xab: {  	_ =	task [dreg:s6], $0x5FFFF  }
0xac: {  	[dreg:$0x1] =	wrdreg $0xFFFFFFFF  }
0xad: {  	[dreg:$0x0] =	wrdreg $0x60  }
0xae: {  	[dreg:$0x2] =	wrdreg s24  }
0xaf: {  	[dreg:$0x3] =	wrdreg $0x0  }
0xb0: {  	[dreg:$0x4] =	wrdreg $0x9  }
0xb1: {  	_ =	task.clear_ibuf [dreg:s6], $0x5FFFF;
	_ =	strace $0x90000046  }
0xb2: {  	s29 =	simm.s32 $0x9;
	_ =	strace $0x80000048  }
0xb3: {  	_ =	swait.ge [sflag:s29], $0x1  }
0xb4: {  	[sflag:s29] =	ssyncadd.s32 $0xFFFFFFFF  }
0xb5: {  	_ =	strace $0x90000048  }
0xb6: {  	_ =	sfence  }
0xb7: {  	s30 =	sld [smem:$0x0];
	_ =	sdelay $0x2  }
0xb8: {  	s31 =	sshll.u32 s1, $0xD;
	s1 =	sshrl.u32 s1, $0x2  }
0xb9: {  	s3 =	sand.u32 $0x4000, s31;
	s1 =	sadd.s32 s1, s30  }
0xba: {  	s0 =	sor.u32 s3, s0;
	s1 =	sshll.u32 s1, $0x11  }
0xbb: {  	s0 =	sor.u32 s1, s0  }
0xbc: {  	s0 =	sadd.s32 $0x8F2B, s0  }
0xbd: {  	[sflag:s0] =	ssyncadd.remote.s32 $0x1  }
0xbe: {  	_ =	sfence.sel $0xFFFF  }
0xbf: {  	[dreg:$0x0] =	wrdreg $0xFFFFFFFF;
	(pc) =	sbr.abs _section_cstart, $3  }
0xc0: {  	[dreg:$0x1] =	wrdreg $0xFFFFFFFF  }
0xc1: {  	_ =	task.clear_ibuf [dreg:s6], $0x2FFFF;
	_ =	strace $0x9FFFFFFF  }
0xc2: {  	(tm) =	ssettm $0x7FFFFFFF  }
0xc3: {  	_ =	shalt  }
tec
execute0_lowered:
.L_overlay_start_1:
0x0: {  	(tag) =	ssettag $0x1  }
0x1: {  	s5 =	rddreg [dreg:$0x0]  }
0x2: {  	s1 =	rddreg [dreg:$0x1]  }
0x3: {  	s0 =	rddreg [dreg:$0x2];
	s3 =	simm.s32 $0x0;
	s4 =	srdreg.scid  }
0x4: {  	s2 =	stileid.u32;
	s16 =	simm.s32 $0xE350;
	s17 =	simm.s32 $0x3  }
0x5: {  	s18 =	simm.s32 $0xC350;
	s19 =	simm.s32 $0xCB50;
	s20 =	simm.s32 $0x1  }
0x6: {  	s21 =	simm.s32 $0x7D0;
	s22 =	simm.s32 $0xD350;
	s23 =	simm.s32 $0x2  }
0x7: {  	s24 =	simm.s32 $0xDB50;
	s25 =	simm.s32 $0x0;
	s8 =	smul.u32 $0x30D40, s2  }
0x8: {  	[smem:$0x7FF] =	sst s3;
	s6 =	sand.u32 $0x1, s4;
	s10 =	smul.u32 $0x186A0, s2  }
0x9: {  	s4 =	sadd.s32 $0x4000, s5;
	s5 =	sadd.s32 $0xF8C00, s5;
	s15 =	smul.u32 $0x30D4, s2  }
0xa: {  	_ =	strace $0x80000047;
	s7 =	ssub.s32 $0x2, s6;
	s6 =	sshll.u32 s6, $0x4  }
0xb: {  	s9 =	sshrl.u32 s7, $0x1;
	s29 =	sshrl.u32 s8, $0x2;
	s30 =	sshrl.u32 s10, $0x3  }
0xc: {  	s31 =	sor.u32 s2, s6;
	s15 =	sadd.s32 s15, s4;
	s11 =	ssub.s32 s7, s9  }
0xd: {  	s6 =	sadd.s32 s29, s1;
	s7 =	sadd.s32 s4, s30;
	s8 =	smul.u32 $0xC350, s31  }
0xe: {  	s9 =	sadd.s32 $0xFA, s7;
	s10 =	smax.u32 s11, $0x1;
	s11 =	sadd.s32 $0x2710, s6  }
0xf: {  	v0 =	vimm.f32 $0.0e+00;
	v1 =	vimm.f32 $1.000000000e+00;
	s12 =	sadd.s32 $0x4E20, s6;
	s13 =	sadd.s32 $0x7530, s6;
	s14 =	sadd.s32 $0x9C40, s6  }
.LBB2_1:
0x10: {  	s26 =	simm.s32 $0x40;
	s28 =	simm.s32 $0x0  }
.LBB2_2:
0x11: {  	p0 =	sne.s32 s26, $0x9C00;
	[tilespmem:s28+$0xE350] =	vst v0;
	s28 =	smov.u32 s26;
	s26 =	sadd.s32 $0x40, s26  }
.Ltmp0:
0x12: {  	(pc) =	sbr.rel @p0 .LBB2_2-.Ltmp0, $2  }
0x13: {  	_ =	sdelay $0x2  }
0x14: {  	s28 =	sshra.s32 s28, $0x2  }
0x15: {  	[tilespmem:s28+$0xE350] =	vst v0  }
0x16: {  	[spmem:s6] =	stream.linear.scatter [tilespmem:s16], [sflag:$0x3], $0x2710, $0x38;
	[tilespmem:$0x10AD0] =	vst v63  }
0x17: {  	_ =	swait.ge [sflag:s17], $0x2710  }
0x18: {  	[sflag:s17] =	ssyncset.done $0x0  }
0x19: {  	[sflag:s17] =	ssyncadd.s32 $0xFFFFD8F0  }
0x1a: {  	[spmem:s11] =	stream.linear.scatter [tilespmem:s16], [sflag:$0x3], $0x2710, $0x38;
	[tilespmem:$0x10AD0] =	vst v63  }
0x1b: {  	_ =	swait.ge [sflag:s17], $0x2710  }
0x1c: {  	[sflag:s17] =	ssyncset.done $0x0  }
0x1d: {  	[sflag:s17] =	ssyncadd.s32 $0xFFFFD8F0  }
0x1e: {  	[spmem:s12] =	stream.linear.scatter [tilespmem:s16], [sflag:$0x3], $0x2710, $0x38;
	[tilespmem:$0x10AD0] =	vst v63  }
0x1f: {  	_ =	swait.ge [sflag:s17], $0x2710  }
0x20: {  	[sflag:s17] =	ssyncset.done $0x0  }
0x21: {  	[sflag:s17] =	ssyncadd.s32 $0xFFFFD8F0  }
0x22: {  	[spmem:s13] =	stream.linear.scatter [tilespmem:s16], [sflag:$0x3], $0x2710, $0x38;
	[tilespmem:$0x10AD0] =	vst v63  }
0x23: {  	_ =	swait.ge [sflag:s17], $0x2710  }
0x24: {  	[sflag:s17] =	ssyncset.done $0x0  }
0x25: {  	[sflag:s17] =	ssyncadd.s32 $0xFFFFD8F0  }
0x26: {  	[spmem:s14] =	stream.linear.scatter [tilespmem:s16], [sflag:$0x3], $0x2710, $0x38;
	[tilespmem:$0x10AD0] =	vst v63  }
0x27: {  	_ =	swait.ge [sflag:s17], $0x2710  }
0x28: {  	[sflag:s17] =	ssyncset.done $0x0  }
0x29: {  	s26 =	simm.s32 $0x40;
	s28 =	simm.s32 $0x0;
	[sflag:s17] =	ssyncadd.s32 $0xFFFFD8F0  }
.LBB2_4:
0x2a: {  	p0 =	sne.s32 s26, $0x1F00;
	[tilespmem:s28+$0xD350] =	vst v1;
	s28 =	smov.u32 s26;
	s26 =	sadd.s32 $0x40, s26  }
.Ltmp1:
0x2b: {  	(pc) =	sbr.rel @p0 .LBB2_4-.Ltmp1, $2  }
0x2c: {  	_ =	sdelay $0x2  }
0x2d: {  	s28 =	sshra.s32 s28, $0x2  }
0x2e: {  	[tilespmem:s28+$0xD350] =	vst v1  }
0x2f: {  	[bflag:$0x0] =	sbarrier.arrive $0xFFFF  }
0x30: {  	[tilespmem:s18], [sflag:$0x1] =	stream.linear.gather [hbm4b:s7+s3], $0x7D0, $0x38;
	[tilespmem:$0x10AD0] =	vst v63  }
0x31: {  	_ = 	snop  }
0x32: {  	[tilespmem:s19], [sflag:$0x2] =	stream.linear.gather [hbm4b:s9+s3], $0x7D0, $0x38;
	[tilespmem:$0x10AD0] =	vst v63  }
0x33: {  	_ =	swait.ge [sflag:s20], $0x7D0  }
0x34: {  	[sflag:s20] =	ssyncset.done $0x0  }
0x35: {  	[sflag:s20] =	ssyncadd.s32 $0xFFFFF830  }
0x36: {  	[spmem:s1] =	stream.indirect.scatter.add.f32 [tilespmem:s22], [sflag:$0x3], $0x1, s18, s21, $0xb8;
	[tilespmem:$0x10AD0] =	vst v63  }
0x37: {  	_ =	swait.ge [sflag:s17], $0x7D0  }
0x38: {  	s28 =	sadd.s32 $0xFFFFD120, s15;
	[sflag:s17] =	ssyncset.done $0x0  }
0x39: {  	s26 =	sadd.s32 $0x30D4, s28;
	[sflag:s17] =	ssyncadd.s32 $0xFFFFF830  }
0x3a: {  	[tilespmem:s18], [sflag:$0x1] =	stream.linear.gather [hbm4b:s26+s3], $0x7D0, $0x38;
	[tilespmem:$0x10AD0] =	vst v63  }
0x3b: {  	_ =	swait.ge [sflag:s23], $0x7D0  }
0x3c: {  	[sflag:s23] =	ssyncset.done $0x0  }
0x3d: {  	[sflag:s23] =	ssyncadd.s32 $0xFFFFF830  }
0x3e: {  	[spmem:s1] =	stream.indirect.scatter.add.f32 [tilespmem:s22], [sflag:$0x3], $0x1, s19, s21, $0xb8;
	[tilespmem:$0x10AD0] =	vst v63  }
0x3f: {  	_ =	swait.ge [sflag:s17], $0x7D0  }
0x40: {  	[sflag:s17] =	ssyncset.done $0x0  }
0x41: {  	s28 =	sadd.s32 $0x31CE, s28;
	s26 =	simm.s32 $0xFFFFD314;
	[sflag:s17] =	ssyncadd.s32 $0xFFFFF830  }
.LBB2_6:
0x42: {  	[tilespmem:s19], [sflag:$0x2] =	stream.linear.gather [hbm4b:s28+s3], $0x7D0, $0x38;
	[tilespmem:$0x10AD0] =	vst v63  }
0x43: {  	s28 =	smov.u32 s26  }
0x44: {  	p0 =	sne.s32 s26, $0xFFFFFE0C;
	s26 =	sadd.s32 $0x1F4, s26;
	_ =	swait.ge [sflag:s20], $0x7D0  }
0x45: {  	[sflag:s20] =	ssyncset.done $0x0  }
0x46: {  	[sflag:s20] =	ssyncadd.s32 $0xFFFFF830  }
0x47: {  	[spmem:s1] =	stream.indirect.scatter.add.f32 [tilespmem:s22], [sflag:$0x3], $0x1, s18, s21, $0xb8;
	[tilespmem:$0x10AD0] =	vst v63  }
0x48: {  	_ =	swait.ge [sflag:s17], $0x7D0  }
0x49: {  	s28 =	sadd.s32 s28, s15;
	[sflag:s17] =	ssyncset.done $0x0  }
0x4a: {  	s29 =	sadd.s32 $0x30D4, s28;
	[sflag:s17] =	ssyncadd.s32 $0xFFFFF830  }
0x4b: {  	[tilespmem:s18], [sflag:$0x1] =	stream.linear.gather [hbm4b:s29+s3], $0x7D0, $0x38;
	[tilespmem:$0x10AD0] =	vst v63  }
0x4c: {  	_ =	swait.ge [sflag:s23], $0x7D0  }
0x4d: {  	[sflag:s23] =	ssyncset.done $0x0  }
.Ltmp2:
0x4e: {  	[sflag:s23] =	ssyncadd.s32 $0xFFFFF830;
	(pc) =	sbr.rel @p0 .LBB2_6-.Ltmp2, $4  }
0x4f: {  	[spmem:s1] =	stream.indirect.scatter.add.f32 [tilespmem:s22], [sflag:$0x3], $0x1, s19, s21, $0xb8;
	[tilespmem:$0x10AD0] =	vst v63  }
0x50: {  	_ =	swait.ge [sflag:s17], $0x7D0  }
0x51: {  	[sflag:s17] =	ssyncset.done $0x0  }
0x52: {  	s28 =	sadd.s32 $0x31CE, s28;
	[sflag:s17] =	ssyncadd.s32 $0xFFFFF830  }
0x53: {  	[tilespmem:s19], [sflag:$0x2] =	stream.linear.gather [hbm4b:s28+s3], $0x7D0, $0x38;
	[tilespmem:$0x10AD0] =	vst v63  }
0x54: {  	_ =	swait.ge [sflag:s20], $0x7D0  }
0x55: {  	[sflag:s20] =	ssyncset.done $0x0  }
0x56: {  	[sflag:s20] =	ssyncadd.s32 $0xFFFFF830  }
0x57: {  	[spmem:s1] =	stream.indirect.scatter.add.f32 [tilespmem:s22], [sflag:$0x3], $0x1, s18, s21, $0xb8;
	[tilespmem:$0x10AD0] =	vst v63  }
0x58: {  	_ =	swait.ge [sflag:s17], $0x7D0  }
0x59: {  	[sflag:s17] =	ssyncset.done $0x0  }
0x5a: {  	[sflag:s17] =	ssyncadd.s32 $0xFFFFF830  }
0x5b: {  	_ =	swait.ge [sflag:s23], $0x7D0  }
0x5c: {  	[sflag:s23] =	ssyncset.done $0x0  }
0x5d: {  	[sflag:s23] =	ssyncadd.s32 $0xFFFFF830  }
0x5e: {  	[spmem:s1] =	stream.indirect.scatter.add.f32 [tilespmem:s22], [sflag:$0x3], $0x1, s19, s21, $0xb8;
	[tilespmem:$0x10AD0] =	vst v63  }
0x5f: {  	_ =	swait.ge [sflag:s17], $0x7D0  }
0x60: {  	[sflag:s17] =	ssyncset.done $0x0  }
0x61: {  	[sflag:s17] =	ssyncadd.s32 $0xFFFFF830  }
0x62: {  	s26 =	simm.s32 $0x0;
	s28 =	simm.s32 $0x0;
	[bflag:$0x0] =	sbarrier.arrive $0xFFFF  }
.LBB2_8:
0x63: {  	s29 =	smul.u32 $0x7D0, s28;
	_ =	sdelay $0x1  }
0x64: {  	s29 =	sadd.s32 s8, s29  }
0x65: {  	s29 =	sshrl.u32 s29, $0x3  }
0x66: {  	s30 =	sadd.s32 s4, s29  }
0x67: {  	[tilespmem:s18], [sflag:$0x3] =	stream.linear.gather [hbm4b:s30+s26], $0x7D0, $0x38;
	[tilespmem:$0x10AD0] =	vst v63  }
0x68: {  	_ =	swait.ge [sflag:s17], $0x7D0  }
0x69: {  	[sflag:s17] =	ssyncset.done $0x0  }
0x6a: {  	[sflag:s17] =	ssyncadd.s32 $0xFFFFF830  }
0x6b: {  	[tilespmem:s24], [sflag:$0x3] =	stream.indirect.gather [spmem:s1], $0x1, s18, s21, $0xb8;
	[tilespmem:$0x10AD0] =	vst v63  }
0x6c: {  	_ =	swait.ge [sflag:s17], $0x7D0  }
0x6d: {  	[sflag:s17] =	ssyncset.done $0x0  }
0x6e: {  	s31 =	simm.s32 $0x40;
	s30 =	simm.s32 $0x0;
	[sflag:s17] =	ssyncadd.s32 $0xFFFFF830  }
.LBB2_9:
0x6f: {  	p0 =	sne.s32 s31, $0x1F00;
	v2 =	vld [tilespmem:s30+$0xDB50];
	_ =	sdelay $0x4  }
0x70: {  	(erf) = vrcp.f32 v2;
	_ =	sdelay $0x5  }
.Ltmp3:
0x71: {  	(pc) =	sbr.rel @p0 .LBB2_9-.Ltmp3, $3  }
0x72: {  	_ =	sdelay $0x1  }
0x73: {  	v2 =	vpop (erf)  }
0x74: {  	[tilespmem:s30+$0xDB50] =	vst v2;
	s30 =	sshra.s32 s31, $0x2;
	s31 =	sadd.s32 $0x40, s31  }
0x75: {  	v2 =	vld [tilespmem:s30+$0xDB50];
	_ =	sdelay $0x4  }
0x76: {  	(erf) = vrcp.f32 v2;
	_ =	sdelay $0x7  }
0x77: {  	s28 =	sadd.s32 $0x1, s28  }
0x78: {  	p0 =	sne.s32 s28, $0x19;
	v2 =	vpop (erf)  }
.Ltmp4:
0x79: {  	s29 =	sadd.s32 s5, s29;
	[tilespmem:s30+$0xDB50] =	vst v2;
	(pc) =	sbr.rel @p0 .LBB2_8-.Ltmp4, $4  }
0x7a: {  	[hbm4b:s29+s3] =	stream.linear.scatter [tilespmem:s24], [sflag:$0x3], $0x7D0, $0x38;
	[tilespmem:$0x10AD0] =	vst v63  }
0x7b: {  	_ =	swait.ge [sflag:s17], $0x7D0  }
0x7c: {  	[sflag:s17] =	ssyncset.done $0x0  }
0x7d: {  	[sflag:s17] =	ssyncadd.s32 $0xFFFFF830  }
0x7e: {  	s25 =	sadd.s32 $0x1, s25  }
0x7f: {  	p0 =	sne.s32 s25, s10  }
.Ltmp5:
0x80: {  	_ = 	snop;
	(pc) =	sbr.rel @p0 .LBB2_1-.Ltmp5, $1  }
0x81: {  	_ =	sdelay $0x3  }
0x82: {  	_ =	sfence.sel $0x180000  }
0x83: {  	[bflag:$0x0] =	sbarrier.arrive $0xFFFF  }
0x84: {  	p0 =	sne.s32 s2, $0x0;
	_ =	strace $0x90000047  }
0x85: {  	s0 =	sadd.s32 @!p0 $0x100000, s0;
	[bflag:$0x2] =	sbarrier.arrive $0xFFFF  }
0x86: {  	[sflag:s0] =	ssyncadd.tile.s32 @!p0 $0x1;
	_ =	shalt  }
.Lfunc_end2:
_tile_overlayer_lowered:
.L_overlay_start_2:
0x87: {  	(tag) =	ssettag $0x2  }
0x88: {  	s0 =	rddreg [dreg:$0x0];
	s2 =	stileid.u32  }
0x89: {  	s1 =	rddreg [dreg:$0x1];
	p0 =	sne.s32 s2, $0x0  }
0x8a: {  	s3 =	rddreg [dreg:$0x2];
	[bflag:$0x3] =	sbarrier.arrive $0xFFFF;
	s2 =	simm.s32 @!p0 $0x1C03  }
0x8b: {  	[timem:s3], [sflag:s2] =	dma.local @!p0 [hbm:s0], s1  }
0x8c: {  	s0 =	simm.s32 @!p0 $0x3  }
0x8d: {  	_ =	swait.ge @!p0 [sflag:s0], s1  }
0x8e: {  	s1 =	ssub.s32 @!p0 $0x0, s1;
	[sflag:s0] =	ssyncset.done @!p0 $0x0  }
0x8f: {  	[sflag:s0] =	ssyncadd.s32 @!p0 s1  }
0x90: {  	[bflag:$0x3] =	sbarrier.arrive $0xFFFF  }
0x91: {  	_ =	shalt  }

// kernel: kernel.13.cloned.1.call-start
scs
__scs_entry_jumppad:
0x0: {  	(pc) =	sbr.rel $0x88, $3  }
0x1: {  	(tag) =	ssettag $0x0;
	lr =	simm.s32 $0x1  }
0x2: {  	[smem:$0x3F97] =	sst lr;
	_ =	strace $0xD0000000  }
0x3: {  	_ = 	snop  }
0x4: {  	_ = 	snop  }
0x5: {  	_ = 	snop  }
0x6: {  	_ = 	snop  }
0x7: {  	_ = 	snop  }
__scs_overlays_trampoline_lowered:
0x8: {  	[smem:$0x3FA6] =	sst s0  }
0x9: {  	[smem:$0x3FA7] =	sst s1  }
0xa: {  	[smem:$0x3FA8] =	sst s2  }
0xb: {  	[smem:$0x3FA9] =	sst s3  }
0xc: {  	[smem:$0x3FAA] =	sst s4  }
0xd: {  	[smem:$0x3FAB] =	sst s5  }
0xe: {  	[smem:$0x3FAC] =	sst s6  }
0xf: {  	[smem:$0x3FAD] =	sst s7  }
0x10: {  	[smem:$0x3FAE] =	sst s8  }
0x11: {  	[smem:$0x3FAF] =	sst s9;
	s0 =	simm.s32 @!p0 $0x0  }
0x12: {  	s1 =	sld [smem:$0x3F95];
	s0 =	simm.s32 @p0 $0x1  }
0x13: {  	[smem:$0x3FB0] =	sst s0;
	s0 =	simm.s32 @!p1 $0x0  }
0x14: {  	s2 =	sld [smem:$0x3F94];
	s0 =	simm.s32 @p1 $0x1  }
0x15: {  	[smem:$0x3FB1] =	sst s0;
	s0 =	simm.s32 @!p2 $0x0  }
0x16: {  	s3 =	sld [smem:$0x3FDB];
	s0 =	simm.s32 @p2 $0x1  }
0x17: {  	s4 =	simm.s32 $0x1BF5;
	[smem:$0x3FB3] =	sst s0  }
0x18: {  	s0 =	sld [smem:$0x3F96];
	_ =	swait.ge [sflag:s4], $0x0  }
0x19: {  	s7 =	sld [smem:$0x3F97]  }
0x1a: {  	s8 =	sadd.s32 $0xFFFFE003, lr  }
0x1b: {  	s9 =	sadd.s32 $0xFFFFFEF7, lr;
	s5 =	simm.s32 $0xFFFFFFFF;
	p2 =	slt.u32 s8, $0xFFFFF086  }
0x1c: {  	p1 =	slt.u32 s9, $0xF7A;
	s5 =	simm.s32 @!p2 $0x0  }
0x1d: {  	s5 =	simm.s32 @p1 $0x1;
	p0 =	seq.s32 s7, s2  }
0x1e: {  	s7 =	smul.u32 @!p0 $0xF7A, s2;
	p2 =	seq.s32 @!p0 s5, $0x0  }
0x1f: {  	s9 =	smul.u32 $0xF7A, s1;
	s8 =	simm.s32 @!p0 $0x1BF5;
	p2 =	por !p2, p0  }
0x20: {  	[sflag:s8] =	ssyncset.s32 @!p0 $0xFFFFF086;
	s6 =	sadd.s32 @!p0 s3, s7;
	s7 =	simm.s32 @!p0 $0x108  }
0x21: {  	s3 =	sadd.s32 s3, s9;
	s6 =	sadd.s32 @!p0 $0x88, s6;
	s7 =	simm.s32 @p2 $0x1082  }
0x22: {  	[simem:s7], [sflag:s8] =	dma.local @!p0 [hbm:s6], $0xF7A  }
0x23: {  	s9 =	sor.u32 $0xD0000000, s2;
	s6 =	simm.s32 $0x108;
	_ =	swait.ge @!p0 [sflag:s8], $0x0  }
0x24: {  	s3 =	sadd.s32 $0x88, s3;
	s6 =	simm.s32 @!p1 $0x1082;
	[sflag:s4] =	ssyncset.s32 $0xFFFFF086  }
0x25: {  	[simem:s6], [sflag:s4] =	dma.local [hbm:s3], $0xF7A  }
0x26: {  	[smem:$0x3F97] =	sst s1;
	(tag) =	ssettag s2;
	_ =	strace s9  }
0x27: {  	s1 =	sld [smem:$0x3FA7]  }
0x28: {  	s2 =	sld [smem:$0x3FA8]  }
0x29: {  	s4 =	sld [smem:$0x3FAA]  }
0x2a: {  	p0 =	seq.s32 s5, $0x0;
	s5 =	sld [smem:$0x3FAB]  }
0x2b: {  	s6 =	sld [smem:$0x3FAC]  }
0x2c: {  	s7 =	sld [smem:$0x3FAD]  }
0x2d: {  	s3 =	simm.s32 $0x108;
	s8 =	sld [smem:$0x3FAE]  }
0x2e: {  	s3 =	simm.s32 @!p0 $0x1082;
	s9 =	sld [smem:$0x3FAF]  }
0x2f: {  	lr =	sadd.s32 s0, s3;
	s0 =	sld [smem:$0x3FA6]  }
0x30: {  	s3 =	sld [smem:$0x3FA9]  }
0x31: {  	[smem:$0x3FB2] =	sst s10  }
0x32: {  	s10 =	sld [smem:$0x3FB0];
	_ =	sdelay $0x3  }
0x33: {  	p0 =	seq.s32 s10, $0x1;
	s10 =	sld [smem:$0x3FB2];
	_ =	sdelay $0x3  }
0x34: {  	[smem:$0x3FB2] =	sst s10  }
0x35: {  	s10 =	sld [smem:$0x3FB1];
	_ =	sdelay $0x3  }
0x36: {  	p1 =	seq.s32 s10, $0x1;
	s10 =	sld [smem:$0x3FB2];
	_ =	sdelay $0x3  }
0x37: {  	[smem:$0x3FB2] =	sst s10  }
0x38: {  	s10 =	sld [smem:$0x3FB3]  }
0x39: {  	_ = 	snop;
	(pc) =	sbr.ind lr, $3  }
0x3a: {  	_ = 	snop  }
0x3b: {  	_ = 	snop  }
0x3c: {  	p2 =	seq.s32 s10, $0x1;
	s10 =	sld [smem:$0x3FB2]  }
0x3d: {  	_ =	shalt  }
0x3e: {  	_ =	shalt  }
0x3f: {  	_ =	shalt  }
0x40: {  	_ =	shalt  }
0x41: {  	_ =	shalt  }
0x42: {  	_ =	shalt  }
0x43: {  	_ =	shalt  }
0x44: {  	_ =	shalt  }
0x45: {  	_ =	shalt  }
0x46: {  	_ =	shalt  }
0x47: {  	_ =	shalt  }
0x48: {  	_ =	shalt  }
0x49: {  	_ =	shalt  }
0x4a: {  	_ =	shalt  }
0x4b: {  	_ =	shalt  }
0x4c: {  	_ =	shalt  }
0x4d: {  	_ =	shalt  }
0x4e: {  	_ =	shalt  }
0x4f: {  	_ =	shalt  }
0x50: {  	_ =	shalt  }
0x51: {  	_ =	shalt  }
0x52: {  	_ =	shalt  }
0x53: {  	_ =	shalt  }
0x54: {  	_ =	shalt  }
0x55: {  	_ =	shalt  }
0x56: {  	_ =	shalt  }
0x57: {  	_ =	shalt  }
0x58: {  	_ =	shalt  }
0x59: {  	_ =	shalt  }
0x5a: {  	_ =	shalt  }
0x5b: {  	_ =	shalt  }
0x5c: {  	_ =	shalt  }
0x5d: {  	_ =	shalt  }
0x5e: {  	_ =	shalt  }
0x5f: {  	_ =	shalt  }
0x60: {  	_ =	shalt  }
0x61: {  	_ =	shalt  }
0x62: {  	_ =	shalt  }
0x63: {  	_ =	shalt  }
0x64: {  	_ =	shalt  }
0x65: {  	_ =	shalt  }
0x66: {  	_ =	shalt  }
0x67: {  	_ =	shalt  }
0x68: {  	_ =	shalt  }
0x69: {  	_ =	shalt  }
0x6a: {  	_ =	shalt  }
0x6b: {  	_ =	shalt  }
0x6c: {  	_ =	shalt  }
0x6d: {  	_ =	shalt  }
0x6e: {  	_ =	shalt  }
0x6f: {  	_ =	shalt  }
0x70: {  	_ =	shalt  }
0x71: {  	_ =	shalt  }
0x72: {  	_ =	shalt  }
0x73: {  	_ =	shalt  }
0x74: {  	_ =	shalt  }
0x75: {  	_ =	shalt  }
0x76: {  	_ =	shalt  }
0x77: {  	_ =	shalt  }
0x78: {  	_ =	shalt  }
0x79: {  	_ =	shalt  }
0x7a: {  	_ =	shalt  }
0x7b: {  	_ =	shalt  }
0x7c: {  	_ =	shalt  }
0x7d: {  	_ =	shalt  }
0x7e: {  	_ =	shalt  }
0x7f: {  	_ =	shalt  }
0x80: {  	_ =	shalt  }
0x81: {  	_ =	shalt  }
0x82: {  	_ =	shalt  }
0x83: {  	_ =	shalt  }
0x84: {  	_ =	shalt  }
0x85: {  	_ =	shalt  }
0x86: {  	_ =	shalt  }
0x87: {  	_ =	shalt  }
.Lfunc_end0:
.L_simem_size_0:
called_computation.1_lowered:
.L_overlay_start_0:
0x88: {  	s2 =	sld [smem:$0x3FD9]  }
0x89: {  	s3 =	sld [smem:$0x3FFE];
	_ =	sdelay $0x1  }
0x8a: {  	s1 =	srdreg.scid  }
0x8b: {  	s0 =	sand.u32 $0x1, s1  }
0x8c: {  	s17 =	sshll.u32 s0, $0xA;
	s2 =	sadd.s32 s3, s2  }
0x8d: {  	s2 =	sadd.s32 s2, s17  }
0x8e: {  	[smem:$0x3FBE] =	sst s2  }
0x8f: {  	_ = 	snop  }
0x90: {  	s2 =	sld [smem:$0x3FD0];
	(tm) =	ssettm $0x1  }
0x91: {  	s18 =	sld [smem:$0x3FFB];
	_ =	sdelay $0x3  }
0x92: {  	_ =	strace s18  }
0x93: {  	s3 =	sld [smem:$0x3FFC];
	_ =	sdelay $0x3  }
0x94: {  	_ =	strace s3  }
0x95: {  	s3 =	sld [smem:$0x3FFD];
	_ =	sdelay $0x3  }
0x96: {  	_ =	strace s3  }
0x97: {  	_ =	strace $0x8FFFFFFF  }
0x98: {  	s19 =	sld [smem:$0x3FDB];
	_ =	sdelay $0x1  }
0x99: {  	s4 =	simm.s32 $_scs_section_size  }
0x9a: {  	s5 =	simm.s32 $_size__tile_overlayer_lowered;
	s6 =	simm.s32 $_tile_overlayer_lowered  }
0x9b: {  	s22 =	simm.s32 $0x1BFF;
	s21 =	sshll.u32 s6, $0x1;
	s3 =	sadd.s32 s4, s19  }
0x9c: {  	s7 =	simm.s32 $0x0;
	s20 =	sshll.u32 s5, $0x1;
	s5 =	sadd.s32 s21, s3  }
0x9d: {  	[timem:s7], [sflag:s22] =	dma.local [hbm:s5], s20  }
0x9e: {  	_ =	swait.ge [sflag:s22], s20  }
0x9f: {  	s4 =	ssub.s32 $0x0, s20;
	[sflag:s22] =	ssyncset.done $0x0  }
0xa0: {  	[sflag:s22] =	ssyncadd.s32 s4;
	_ =	sdelay $0x1  }
0xa1: {  	s23 =	simm.s32 $0x1B8B  }
0xa2: {  	_ =	swait.ge [sflag:s23], $0x1  }
0xa3: {  	[sflag:s23] =	ssyncset.done $0x0  }
0xa4: {  	s25 =	simm.s32 $0x1B8E;
	s24 =	sld [smem:$0x3FFE];
	[sflag:s23] =	ssyncadd.s32 $0xFFFFFFFF  }
0xa5: {  	s26 =	simm.s32 $execute0_lowered;
	[smem:$0x3FD2] =	sst s25  }
0xa6: {  	s5 =	sshll.u32 s26, $0x1;
	_ =	strace $0x80000049;
	[dreg:$0x1] =	wrdreg $0xFFFFFFFF  }
0xa7: {  	s28 =	simm.s32 $_size_execute0_lowered;
	s3 =	sadd.s32 s3, s5;
	[dreg:$0x0] =	wrdreg $0x0  }
0xa8: {  	s5 =	sshll.u32 s28, $0x1;
	[dreg:$0x2] =	wrdreg s3  }
0xa9: {  	[dreg:$0x3] =	wrdreg s5  }
0xaa: {  	[dreg:$0x4] =	wrdreg $0xC0  }
0xab: {  	_ =	task [dreg:s7], $0x5FFFF  }
0xac: {  	[dreg:$0x1] =	wrdreg $0xFFFFFFFF  }
0xad: {  	[dreg:$0x0] =	wrdreg $0x60  }
0xae: {  	[dreg:$0x2] =	wrdreg s24  }
0xaf: {  	[dreg:$0x3] =	wrdreg s2  }
0xb0: {  	[dreg:$0x4] =	wrdreg $0x0  }
0xb1: {  	[dreg:$0x5] =	wrdreg $0x9  }
0xb2: {  	_ =	task.clear_ibuf [dreg:s7], $0x6FFFF;
	_ =	strace $0x90000049  }
0xb3: {  	s29 =	simm.s32 $0x9;
	_ =	strace $0x8000004B  }
0xb4: {  	_ =	swait.ge [sflag:s29], $0x1  }
0xb5: {  	[sflag:s29] =	ssyncadd.s32 $0xFFFFFFFF  }
0xb6: {  	_ =	strace $0x9000004B  }
0xb7: {  	_ =	sfence  }
0xb8: {  	s30 =	sld [smem:$0x0];
	_ =	sdelay $0x2  }
0xb9: {  	s31 =	sshll.u32 s1, $0xD;
	s1 =	sshrl.u32 s1, $0x2  }
0xba: {  	s3 =	sand.u32 $0x4000, s31;
	s1 =	sadd.s32 s1, s30  }
0xbb: {  	s0 =	sor.u32 s3, s0;
	s1 =	sshll.u32 s1, $0x11  }
0xbc: {  	s0 =	sor.u32 s1, s0  }
0xbd: {  	s0 =	sadd.s32 $0x8F2B, s0  }
0xbe: {  	[sflag:s0] =	ssyncadd.remote.s32 $0x1  }
0xbf: {  	_ =	sfence.sel $0xFFFF  }
0xc0: {  	[dreg:$0x0] =	wrdreg $0xFFFFFFFF;
	(pc) =	sbr.abs _section_cstart, $3  }
0xc1: {  	[dreg:$0x1] =	wrdreg $0xFFFFFFFF  }
0xc2: {  	_ =	task.clear_ibuf [dreg:s7], $0x2FFFF;
	_ =	strace $0x9FFFFFFF  }
0xc3: {  	(tm) =	ssettm $0x7FFFFFFF  }
tec
execute0_lowered:
.L_overlay_start_1:
0x0: {  	(tag) =	ssettag $0x1  }
0x1: {  	s0 =	rddreg [dreg:$0x0]  }
0x2: {  	s1 =	rddreg [dreg:$0x1]  }
0x3: {  	s3 =	rddreg [dreg:$0x2];
	s19 =	stileid.u32  }
0x4: {  	s4 =	simm.s32 $0x0;
	s2 =	srdreg.scid;
	s6 =	smul.u32 $0x18700, s19  }
0x5: {  	s30 =	simm.s32 $0x1;
	s31 =	simm.s32 $0x2;
	s28 =	smul.u32 $0x186A0, s19  }
0x6: {  	s2 =	sand.u32 $0x1, s2;
	s5 =	sadd.s32 $0xD5EA00, s0;
	s29 =	smul.u32 $0x61C00, s19  }
0x7: {  	[smem:$0x7FF] =	sst s4;
	s11 =	sadd.s32 $0x129A00, s0;
	s7 =	smul.u32 $0x187000, s2  }
0x8: {  	_ =	strace $0x8000004A;
	s9 =	smul.u32 $0x30D40, s2;
	s2 =	ssub.s32 $0x2, s2  }
0x9: {  	s8 =	sadd.s32 $0x15E00, s6;
	s12 =	sshrl.u32 s2, $0x1;
	s13 =	sadd.s32 $0x9600, s6  }
0xa: {  	s15 =	sadd.s32 $0xC800, s6;
	s17 =	sadd.s32 $0xFA00, s6;
	s20 =	sadd.s32 $0x12C00, s6  }
0xb: {  	s19 =	sadd.s32 $0x960, s28;
	s10 =	sadd.s32 s7, s8;
	s2 =	ssub.s32 s2, s12  }
0xc: {  	s12 =	sadd.s32 $0x6400, s6;
	s14 =	sadd.s32 s7, s6;
	s24 =	sadd.s32 s7, s15  }
0xd: {  	s25 =	sadd.s32 s7, s17;
	s9 =	sadd.s32 s9, s0;
	s15 =	sadd.s32 s15, s3  }
0xe: {  	s17 =	sadd.s32 s17, s3;
	s10 =	sshrl.u32 s10, $0x3;
	s14 =	sshrl.u32 s14, $0x3  }
0xf: {  	s16 =	sadd.s32 s7, s12;
	s26 =	sshrl.u32 s25, $0x3;
	s2 =	smax.u32 s2, $0x1  }
0x10: {  	s12 =	sadd.s32 s12, s3;
	s10 =	sadd.s32 s11, s10;
	[dreg:$0xe] =	wrdreg s2  }
0x11: {  	s14 =	sadd.s32 s11, s14;
	s21 =	sshrl.u32 s16, $0x3;
	[dreg:$0x10] =	wrdreg s12  }
0x12: {  	s16 =	sadd.s32 $0x34E00, s9;
	[dreg:$0x4] =	wrdreg s10;
	s10 =	sadd.s32 $0x3200, s6  }
0x13: {  	[dreg:$0x5] =	wrdreg s14;
	s6 =	sadd.s32 s6, s3;
	s18 =	sadd.s32 s7, s10  }
0x14: {  	s9 =	simm.s32 $0x18700;
	[dreg:$0xd] =	wrdreg s6;
	s14 =	sshrl.u32 s18, $0x3  }
0x15: {  	s18 =	sadd.s32 s7, s13;
	s7 =	sadd.s32 s7, s20;
	s14 =	sadd.s32 s11, s14  }
0x16: {  	s22 =	sshrl.u32 s18, $0x3;
	[dreg:$0x6] =	wrdreg s14;
	s14 =	sadd.s32 s11, s21  }
0x17: {  	s7 =	sshrl.u32 s7, $0x3;
	s23 =	sadd.s32 s11, s22;
	[dreg:$0x7] =	wrdreg s14  }
0x18: {  	s12 =	simm.s32 $0x320;
	s7 =	sadd.s32 s11, s7;
	[dreg:$0x8] =	wrdreg s23  }
0x19: {  	s2 =	simm.s32 $0x0;
	s21 =	sadd.s32 s13, s3;
	[dreg:$0xb] =	wrdreg s7  }
0x1a: {  	s18 =	sadd.s32 $0x640, s28;
	s22 =	sadd.s32 s20, s3;
	[dreg:$0x11] =	wrdreg s21  }
0x1b: {  	s14 =	sshrl.u32 s24, $0x3;
	s23 =	sadd.s32 s8, s3;
	[dreg:$0x13] =	wrdreg s22  }
0x1c: {  	s13 =	simm.s32 $0x18A20;
	s14 =	sadd.s32 s11, s14;
	[dreg:$0x12] =	wrdreg s23  }
0x1d: {  	s20 =	simm.s32 $0x19060;
	[dreg:$0x9] =	wrdreg s14;
	s14 =	sadd.s32 s11, s26  }
0x1e: {  	s24 =	sadd.s32 s10, s3;
	s11 =	sshrl.u32 s28, $0x3;
	[dreg:$0xa] =	wrdreg s14  }
0x1f: {  	s14 =	sadd.s32 $0xF8C00, s0;
	s25 =	sadd.s32 s1, s11;
	[dreg:$0xc] =	wrdreg s11  }
0x20: {  	s0 =	sshrl.u32 s29, $0x2;
	s28 =	sadd.s32 $0x64, s11;
	[dreg:$0x14] =	wrdreg s25  }
0x21: {  	s7 =	simm.s32 $0x199C0;
	s0 =	sadd.s32 s0, s3;
	[dreg:$0x16] =	wrdreg s28  }
0x22: {  	s8 =	simm.s32 $0x3;
	s26 =	sadd.s32 s14, s11;
	[dreg:$0xf] =	wrdreg s0  }
0x23: {  	s10 =	simm.s32 $0x18D40;
	s29 =	sadd.s32 s1, s28;
	[dreg:$0x15] =	wrdreg s26  }
0x24: {  	v1 =	vimm.s32 $0x0;
	vm0 =	vcmask $0x300;
	s21 =	simm.s32 $0x196A0;
	[dreg:$0x17] =	wrdreg s29;
	s0 =	sadd.s32 s14, s28  }
0x25: {  	v0 =	vimm.f32 $0.0e+00;
	v1 =	vsel vm0, $0x3, v1;
	s22 =	simm.s32 $0x1CBC0;
	s11 =	simm.s32 $0x19380;
	[dreg:$0x18] =	wrdreg s0  }
.LBB2_1:
0x26: {  	s0 =	simm.s32 $0x19A00  }
0x27: {  	[tilespmem:s0+$0xFFFFFFC0] =	vst v0  }
0x28: {  	[tilespmem:s0+$0x30] =	vst v0  }
0x29: {  	[tilespmem:s0+$0x20] =	vst v0  }
0x2a: {  	[tilespmem:s0+$0x10] =	vst v0  }
0x2b: {  	[tilespmem:s0+$0x0] =	vst v0  }
0x2c: {  	[tilespmem:s0+$0xFFFFFFF0] =	vst v0  }
0x2d: {  	s6 =	simm.s32 $0x0;
	[tilespmem:s0+$0xFFFFFFE0] =	vst v0  }
.LBB2_2:
0x2e: {  	s6 =	sadd.s32 $0x8, s6;
	[tilespmem:s0+$0xFFFFFFD0] =	vst v0;
	s0 =	sadd.s32 $0x80, s0  }
0x2f: {  	[tilespmem:s0+$0xFFFFFFC0] =	vst v0;
	p0 =	slt.u32 s6, $0x318  }
0x30: {  	[tilespmem:s0+$0x30] =	vst v0  }
.Ltmp0:
0x31: {  	[tilespmem:s0+$0x20] =	vst v0;
	(pc) =	sbr.rel @p0 .LBB2_2-.Ltmp0, $4  }
0x32: {  	[tilespmem:s0+$0x10] =	vst v0  }
0x33: {  	[tilespmem:s0+$0x0] =	vst v0  }
0x34: {  	[tilespmem:s0+$0xFFFFFFF0] =	vst v0  }
0x35: {  	[tilespmem:s0+$0xFFFFFFE0] =	vst v0  }
0x36: {  	[tilespmem:s0+$0xFFFFFFD0] =	vst v0  }
0x37: {  	s0 =	rddreg [dreg:$0xf]  }
0x38: {  	[spmem:s0] =	stream.linear.scatter [tilespmem:s7], [sflag:$0x3], $0x3200, $0x38;
	[tilespmem:$0x1FDC0] =	vst v63  }
0x39: {  	_ =	swait.ge [sflag:s8], $0x3200  }
0x3a: {  	[sflag:s8] =	ssyncset.done $0x0  }
0x3b: {  	[sflag:s8] =	ssyncadd.s32 $0xFFFFCE00  }
0x3c: {  	[spmem:s24] =	stream.linear.scatter [tilespmem:s7], [sflag:$0x3], $0x3200, $0x38;
	[tilespmem:$0x1FDC0] =	vst v63  }
0x3d: {  	_ =	swait.ge [sflag:s8], $0x3200  }
0x3e: {  	[sflag:s8] =	ssyncset.done $0x0  }
0x3f: {  	s6 =	rddreg [dreg:$0x10];
	[sflag:s8] =	ssyncadd.s32 $0xFFFFCE00  }
0x40: {  	[spmem:s6] =	stream.linear.scatter [tilespmem:s7], [sflag:$0x3], $0x3200, $0x38;
	[tilespmem:$0x1FDC0] =	vst v63  }
0x41: {  	_ =	swait.ge [sflag:s8], $0x3200  }
0x42: {  	[sflag:s8] =	ssyncset.done $0x0  }
0x43: {  	s28 =	smov.u32 s24;
	s24 =	rddreg [dreg:$0x11];
	[sflag:s8] =	ssyncadd.s32 $0xFFFFCE00  }
0x44: {  	[spmem:s24] =	stream.linear.scatter [tilespmem:s7], [sflag:$0x3], $0x3200, $0x38;
	[tilespmem:$0x1FDC0] =	vst v63  }
0x45: {  	_ =	swait.ge [sflag:s8], $0x3200  }
0x46: {  	[sflag:s8] =	ssyncset.done $0x0  }
0x47: {  	[sflag:s8] =	ssyncadd.s32 $0xFFFFCE00  }
0x48: {  	[spmem:s15] =	stream.linear.scatter [tilespmem:s7], [sflag:$0x3], $0x3200, $0x38;
	[tilespmem:$0x1FDC0] =	vst v63  }
0x49: {  	_ =	swait.ge [sflag:s8], $0x3200  }
0x4a: {  	[sflag:s8] =	ssyncset.done $0x0  }
0x4b: {  	[sflag:s8] =	ssyncadd.s32 $0xFFFFCE00  }
0x4c: {  	[spmem:s17] =	stream.linear.scatter [tilespmem:s7], [sflag:$0x3], $0x3200, $0x38;
	[tilespmem:$0x1FDC0] =	vst v63  }
0x4d: {  	_ =	swait.ge [sflag:s8], $0x3200  }
0x4e: {  	[sflag:s8] =	ssyncset.done $0x0  }
0x4f: {  	s25 =	rddreg [dreg:$0x13];
	[sflag:s8] =	ssyncadd.s32 $0xFFFFCE00  }
0x50: {  	[spmem:s25] =	stream.linear.scatter [tilespmem:s7], [sflag:$0x3], $0x3200, $0x38;
	[tilespmem:$0x1FDC0] =	vst v63  }
0x51: {  	_ =	swait.ge [sflag:s8], $0x3200  }
0x52: {  	[sflag:s8] =	ssyncset.done $0x0  }
0x53: {  	[sflag:s8] =	ssyncadd.s32 $0xFFFFCE00  }
0x54: {  	[spmem:s23] =	stream.linear.scatter [tilespmem:s7], [sflag:$0x3], $0x2900, $0x38;
	[tilespmem:$0x1FDC0] =	vst v63  }
0x55: {  	_ =	swait.ge [sflag:s8], $0x2900  }
0x56: {  	[sflag:s8] =	ssyncset.done $0x0  }
0x57: {  	[sflag:s8] =	ssyncadd.s32 $0xFFFFD700  }
0x58: {  	[bflag:$0x0] =	sbarrier.arrive $0xFFFF  }
0x59: {  	s6 =	rddreg [dreg:$0xc]  }
0x5a: {  	s0 =	sadd.s32 s6, s16;
	s6 =	simm.s32 $0x0  }
0x5b: {  	[tilespmem:s9], [sflag:$0x3] =	stream.linear.gather [hbm4b:s0+s6], $0x320, $0x38;
	[tilespmem:$0x1FDC0] =	vst v63  }
0x5c: {  	_ =	swait.ge [sflag:s8], $0x320  }
0x5d: {  	[sflag:s8] =	ssyncset.done $0x0  }
0x5e: {  	s29 =	smov.u32 s15;
	s15 =	rddreg [dreg:$0x14];
	[sflag:s8] =	ssyncadd.s32 $0xFFFFFCE0  }
0x5f: {  	[tilespmem:s10], [sflag:$0x3] =	stream.linear.gather [hbm4b:s15+s6], $0x320, $0x38;
	[tilespmem:$0x1FDC0] =	vst v63  }
0x60: {  	_ =	swait.ge [sflag:s8], $0x320  }
0x61: {  	[sflag:s8] =	ssyncset.done $0x0  }
0x62: {  	s26 =	smov.u32 s17;
	s17 =	rddreg [dreg:$0x15];
	[sflag:s8] =	ssyncadd.s32 $0xFFFFFCE0  }
0x63: {  	[tilespmem:s11], [sflag:$0x3] =	stream.linear.gather [hbm4b:s17+s6], $0x320, $0x38;
	[tilespmem:$0x1FDC0] =	vst v63  }
0x64: {  	_ =	swait.ge [sflag:s8], $0x320  }
0x65: {  	[sflag:s8] =	ssyncset.done $0x0  }
0x66: {  	s23 =	rddreg [dreg:$0x16];
	[sflag:s8] =	ssyncadd.s32 $0xFFFFFCE0  }
0x67: {  	[tilespmem:s7], [sflag:$0x1] =	stream.indirect.gather [hbm4b:s5+s12], $0x10, s9, s12, $0xb8;
	[tilespmem:$0x1FDC0] =	vst v63  }
0x68: {  	s0 =	sadd.s32 s23, s16  }
0x69: {  	[tilespmem:s13], [sflag:$0x3] =	stream.linear.gather [hbm4b:s0+s6], $0x320, $0x38;
	[tilespmem:$0x1FDC0] =	vst v63  }
0x6a: {  	_ =	swait.ge [sflag:s8], $0x320  }
0x6b: {  	[sflag:s8] =	ssyncset.done $0x0  }
0x6c: {  	s24 =	rddreg [dreg:$0x17];
	[sflag:s8] =	ssyncadd.s32 $0xFFFFFCE0  }
0x6d: {  	[tilespmem:s20], [sflag:$0x3] =	stream.linear.gather [hbm4b:s24+s6], $0x320, $0x38;
	[tilespmem:$0x1FDC0] =	vst v63  }
0x6e: {  	_ =	swait.ge [sflag:s8], $0x320  }
0x6f: {  	[sflag:s8] =	ssyncset.done $0x0  }
0x70: {  	s25 =	rddreg [dreg:$0x18];
	[sflag:s8] =	ssyncadd.s32 $0xFFFFFCE0  }
0x71: {  	[tilespmem:s21], [sflag:$0x3] =	stream.linear.gather [hbm4b:s25+s6], $0x320, $0x38;
	[tilespmem:$0x1FDC0] =	vst v63  }
0x72: {  	_ =	swait.ge [sflag:s8], $0x320  }
0x73: {  	[sflag:s8] =	ssyncset.done $0x0  }
0x74: {  	s0 =	simm.s32 $0x0;
	[sflag:s8] =	ssyncadd.s32 $0xFFFFFCE0  }
0x75: {  	[tilespmem:s22], [sflag:$0x2] =	stream.indirect.gather [hbm4b:s5+s12], $0x10, s13, s12, $0xb8;
	[tilespmem:$0x1FDC0] =	vst v63  }
.LBB2_4:
0x76: {  	v2 =	vmov s6;
	s15 =	simm.s32 $0x1;
	s17 =	simm.s32 $0x2  }
0x77: {  	s25 =	simm.s32 $0x3;
	s23 =	simm.s32 $0x4;
	v2 =	vshrl.u32 v2, $0x3;
	v3 =	vmov s15;
	v4 =	vmov s17  }
0x78: {  	v5 =	vmov s25;
	v6 =	vmov s23;
	s17 =	simm.s32 $0x5;
	s23 =	simm.s32 $0x6;
	v2 =	vshll.u32 v2, v1  }
0x79: {  	v7 =	vmov s17;
	v8 =	vmov s23;
	v3 =	vshrl.u32 v3, $0x3  }
0x7a: {  	v4 =	vshrl.u32 v4, $0x3;
	v5 =	vshrl.u32 v5, $0x3;
	v6 =	vshrl.u32 v6, $0x3  }
0x7b: {  	v7 =	vshrl.u32 v7, $0x3;
	v8 =	vshrl.u32 v8, $0x3;
	v2 =	vbroadcast v2, $0x0  }
0x7c: {  	s17 =	simm.s32 $0x9;
	s23 =	simm.s32 $0xA;
	v3 =	vshll.u32 v3, v1;
	v4 =	vshll.u32 v4, v1;
	v5 =	vshll.u32 v5, v1  }
0x7d: {  	v6 =	vshll.u32 v6, v1;
	v12 =	vmov s17;
	v13 =	vmov s23  }
0x7e: {  	v3 =	vadd.s32 $0x1, v3;
	v7 =	vshll.u32 v7, v1;
	v4 =	vadd.s32 $0x2, v4  }
0x7f: {  	v8 =	vshll.u32 v8, v1;
	v5 =	vadd.s32 $0x3, v5;
	v13 =	vshrl.u32 v13, $0x3  }
0x80: {  	s24 =	simm.s32 $0x7;
	v3 =	vbroadcast v3, $0x0;
	v9 =	vbroadcast v4, $0x0;
	v4 =	vadd.s32 $0x4, v6  }
0x81: {  	_ =	swait.ge [sflag:s30], $0x3200;
	v5 =	vbroadcast v5, $0x0;
	v6 =	vmov s24;
	v7 =	vadd.s32 $0x5, v7  }
0x82: {  	[sflag:s30] =	ssyncset.done $0x0;
	s24 =	simm.s32 $0xB;
	v18 =	vshll.u32 v13, v1;
	v10 =	vbroadcast v4, $0x0;
	v4 =	vshrl.u32 v6, $0x3  }
0x83: {  	[sflag:s30] =	ssyncadd.s32 $0xFFFFCE00;
	s17 =	simm.s32 $0x19A00;
	v6 =	vadd.s32 $0x6, v8;
	v14 =	vmov s24;
	v4 =	vshll.u32 v4, v1  }
0x84: {  	v13 =	vld [tilespmem:s17+$0xFFFFFFC0];
	v8 =	vbroadcast v7, $0x0;
	v14 =	vshrl.u32 v14, $0x3;
	v7 =	vadd.s32 $0x7, v4  }
0x85: {  	v19 =	vshll.u32 v14, v1;
	v14 =	vld [tilespmem:s17+$0xFFFFFFD0];
	v11 =	vbroadcast v7, $0x0  }
0x86: {  	v2 =	vld.idx.msk [tilespmem:v2+s11+$0x0], $0xffff  }
0x87: {  	v4 =	vld.idx.msk [tilespmem:v3+s11+$0x0], $0xffff  }
0x88: {  	s25 =	simm.s32 $0x8;
	v6 =	vbroadcast v6, $0x0;
	v3 =	vld.idx.msk [tilespmem:v9+s11+$0x0], $0xffff  }
0x89: {  	v12 =	vshrl.u32 v12, $0x3;
	s24 =	simm.s32 $0xD;
	v7 =	vmov s25;
	v5 =	vld.idx.msk [tilespmem:v5+s11+$0x0], $0xffff  }
0x8a: {  	v12 =	vshll.u32 v12, v1;
	s25 =	simm.s32 $0xC;
	v9 =	vshrl.u32 v7, $0x3;
	v7 =	vld.idx.msk [tilespmem:v10+s11+$0x0], $0xffff;
	v10 =	vmov s24  }
0x8b: {  	v12 =	vadd.s32 $0x1, v12;
	v15 =	vmov s25;
	s25 =	simm.s32 $0xE;
	v17 =	vshrl.u32 v10, $0x3;
	v10 =	vld.idx.msk [tilespmem:v11+s11+$0x0], $0xffff  }
0x8c: {  	v18 =	vadd.s32 $0x2, v18;
	v21 =	vadd.s32 $0x3, v19;
	v16 =	vmov s25;
	v11 =	vld [tilespmem:s17+$0x30]  }
0x8d: {  	v15 =	vshrl.u32 v15, $0x3;
	v9 =	vshll.u32 v9, v1;
	v8 =	vld.idx.msk [tilespmem:v8+s11+$0x0], $0xffff;
	v16 =	vshrl.u32 v16, $0x3  }
0x8e: {  	v15 =	vshll.u32 v15, v1;
	v6 =	vld.idx.msk [tilespmem:v6+s11+$0x0], $0xffff;
	v9 =	vbroadcast v9, $0x0;
	v23 =	vshll.u32 v16, v1  }
0x8f: {  	v20 =	vadd.s32 $0x4, v15;
	v22 =	vshll.u32 v17, v1;
	v17 =	vbroadcast v12, $0x0;
	v12 =	vld [tilespmem:s17+$0xFFFFFFE0]  }
0x90: {  	s15 =	simm.s32 $0x10;
	s23 =	simm.s32 $0xF;
	v16 =	vbroadcast v18, $0x0;
	v15 =	vld [tilespmem:s17+$0xFFFFFFF0];
	v18 =	vadd.s32 $0x6, v23;
	v19 =	vadd.s32 $0x5, v22  }
.LBB2_5:
0x91: {  	p0 =	slt.u32 s15, $0x318;
	v21 =	vbroadcast v21, $0x0;
	v22 =	vmov s23;
	v23 =	vld [tilespmem:s17+$0x0];
	v10 =	vmul.f32 v11, v10  }
0x92: {  	v11 =	vbroadcast v20, $0x0;
	v20 =	vshrl.u32 v22, $0x3;
	v13 =	vmul.f32 v13, v2;
	v22 =	vld [tilespmem:s17+$0x10]  }
0x93: {  	v19 =	vbroadcast v19, $0x0;
	v20 =	vshll.u32 v20, v1;
	v14 =	vmul.f32 v14, v4;
	v24 =	vld [tilespmem:s17+$0x20];
	[tilespmem:s17+$0x30] =	vst v10  }
0x94: {  	v2 =	vld.idx.msk [tilespmem:v9+s11+$0x0], $0xffff;
	v9 =	vbroadcast v18, $0x0;
	v10 =	vadd.s32 $0x7, v20;
	[tilespmem:s17+$0xFFFFFFC0] =	vst v13;
	v12 =	vmul.f32 v12, v3  }
0x95: {  	v3 =	vmov s15;
	v4 =	vld.idx.msk [tilespmem:v17+s11+$0x0], $0xffff;
	v10 =	vbroadcast v10, $0x0;
	[tilespmem:s17+$0xFFFFFFD0] =	vst v14;
	v13 =	vmul.f32 v15, v5  }
0x96: {  	s23 =	sadd.s32 $0x1, s15;
	s24 =	sadd.s32 $0x2, s15;
	v14 =	vshrl.u32 v3, $0x3;
	v3 =	vld.idx.msk [tilespmem:v16+s11+$0x0], $0xffff;
	[tilespmem:s17+$0xFFFFFFE0] =	vst v12;
	v12 =	vmul.f32 v23, v7  }
0x97: {  	v15 =	vmov s23;
	s23 =	sadd.s32 $0x3, s15;
	v16 =	vmov s24;
	s24 =	sadd.s32 $0x4, s15;
	v5 =	vld.idx.msk [tilespmem:v21+s11+$0x0], $0xffff;
	[tilespmem:s17+$0xFFFFFFF0] =	vst v13;
	v13 =	vmul.f32 v22, v8  }
0x98: {  	v17 =	vmov s23;
	s23 =	sadd.s32 $0x5, s15;
	v18 =	vmov s24;
	s24 =	sadd.s32 $0x6, s15;
	v7 =	vld.idx.msk [tilespmem:v11+s11+$0x0], $0xffff;
	[tilespmem:s17+$0x0] =	vst v12;
	v11 =	vmul.f32 v24, v6  }
0x99: {  	v12 =	vshll.u32 v14, v1;
	v14 =	vmov s23;
	v20 =	vmov s24;
	v8 =	vld.idx.msk [tilespmem:v19+s11+$0x0], $0xffff;
	[tilespmem:s17+$0x10] =	vst v13  }
0x9a: {  	v13 =	vshrl.u32 v15, $0x3;
	v15 =	vshrl.u32 v16, $0x3;
	v16 =	vshrl.u32 v17, $0x3;
	v6 =	vld.idx.msk [tilespmem:v9+s11+$0x0], $0xffff;
	[tilespmem:s17+$0x20] =	vst v11  }
0x9b: {  	v17 =	vshrl.u32 v18, $0x3;
	v14 =	vshrl.u32 v14, $0x3;
	v18 =	vshrl.u32 v20, $0x3;
	s17 =	sadd.s32 $0x80, s17;
	v10 =	vld.idx.msk [tilespmem:v10+s11+$0x0], $0xffff  }
.Ltmp1:
0x9c: {  	v9 =	vbroadcast v12, $0x0;
	v12 =	vshll.u32 v13, v1;
	v15 =	vshll.u32 v15, v1;
	v11 =	vld [tilespmem:s17+$0x30];
	(pc) =	sbr.rel @p0 .LBB2_5-.Ltmp1, $4  }
0x9d: {  	v16 =	vshll.u32 v16, v1;
	v19 =	vshll.u32 v17, v1;
	v22 =	vshll.u32 v14, v1;
	v13 =	vld [tilespmem:s17+$0xFFFFFFC0]  }
0x9e: {  	v18 =	vshll.u32 v18, v1;
	v12 =	vadd.s32 $0x1, v12;
	v15 =	vadd.s32 $0x2, v15;
	v14 =	vld [tilespmem:s17+$0xFFFFFFD0]  }
0x9f: {  	v21 =	vadd.s32 $0x3, v16;
	v20 =	vadd.s32 $0x4, v19;
	v17 =	vbroadcast v12, $0x0;
	v12 =	vld [tilespmem:s17+$0xFFFFFFE0]  }
0xa0: {  	s23 =	sadd.s32 $0x7, s15;
	s15 =	sadd.s32 $0x8, s15;
	v19 =	vadd.s32 $0x5, v22;
	v18 =	vadd.s32 $0x6, v18;
	v16 =	vbroadcast v15, $0x0;
	v15 =	vld [tilespmem:s17+$0xFFFFFFF0]  }
0xa1: {  	_ = 	snop  }
0xa2: {  	v23 =	vld [tilespmem:s17+$0x0]  }
0xa3: {  	v24 =	vld [tilespmem:s17+$0x10]  }
0xa4: {  	v25 =	vld [tilespmem:s17+$0x20]  }
0xa5: {  	v21 =	vbroadcast v21, $0x0;
	v9 =	vld.idx.msk [tilespmem:v9+s11+$0x0], $0xffff  }
0xa6: {  	v22 =	vmov s23;
	v20 =	vbroadcast v20, $0x0;
	v17 =	vld.idx.msk [tilespmem:v17+s11+$0x0], $0xffff;
	v2 =	vmul.f32 v13, v2  }
0xa7: {  	v19 =	vbroadcast v19, $0x0;
	s15 =	sadd.s32 $0x80, s17;
	v22 =	vshrl.u32 v22, $0x3;
	v16 =	vld.idx.msk [tilespmem:v16+s11+$0x0], $0xffff;
	v4 =	vmul.f32 v14, v4  }
0xa8: {  	v18 =	vbroadcast v18, $0x0;
	v22 =	vshll.u32 v22, v1;
	[tilespmem:s17+$0xFFFFFFC0] =	vst v2;
	v2 =	vmul.f32 v12, v3;
	v3 =	vld [tilespmem:s15+$0x30]  }
0xa9: {  	v22 =	vadd.s32 $0x7, v22;
	[tilespmem:s17+$0xFFFFFFD0] =	vst v4;
	v4 =	vmul.f32 v15, v5;
	v5 =	vld [tilespmem:s15+$0xFFFFFFC0]  }
0xaa: {  	v22 =	vbroadcast v22, $0x0;
	[tilespmem:s17+$0xFFFFFFE0] =	vst v2;
	v2 =	vmul.f32 v23, v7;
	v7 =	vld [tilespmem:s15+$0xFFFFFFD0]  }
0xab: {  	v21 =	vld.idx.msk [tilespmem:v21+s11+$0x0], $0xffff  }
0xac: {  	v10 =	vmul.f32 v11, v10;
	v20 =	vld.idx.msk [tilespmem:v20+s11+$0x0], $0xffff  }
0xad: {  	v11 =	vld.idx.msk [tilespmem:v19+s11+$0x0], $0xffff  }
0xae: {  	[tilespmem:s17+$0x30] =	vst v10;
	v13 =	vld.idx.msk [tilespmem:v18+s11+$0x0], $0xffff  }
0xaf: {  	[tilespmem:s17+$0xFFFFFFF0] =	vst v4;
	v4 =	vmul.f32 v24, v8;
	v8 =	vld [tilespmem:s15+$0xFFFFFFE0]  }
0xb0: {  	[tilespmem:s17+$0x0] =	vst v2;
	v2 =	vmul.f32 v25, v6;
	v10 =	vld.idx.msk [tilespmem:v22+s11+$0x0], $0xffff  }
0xb1: {  	[tilespmem:s17+$0x10] =	vst v4;
	v4 =	vld [tilespmem:s15+$0x0]  }
0xb2: {  	v6 =	vld [tilespmem:s15+$0xFFFFFFF0];
	[tilespmem:s17+$0x20] =	vst v2;
	v2 =	vmul.f32 v5, v9  }
0xb3: {  	v9 =	vld [tilespmem:s15+$0x20];
	v7 =	vmul.f32 v7, v17  }
0xb4: {  	v5 =	vld [tilespmem:s15+$0x10];
	[tilespmem:s15+$0xFFFFFFC0] =	vst v2;
	v2 =	vmul.f32 v8, v16  }
0xb5: {  	[tilespmem:s15+$0xFFFFFFD0] =	vst v7;
	v3 =	vmul.f32 v3, v10  }
0xb6: {  	[tilespmem:s15+$0xFFFFFFE0] =	vst v2;
	v2 =	vmul.f32 v4, v20  }
0xb7: {  	[tilespmem:s15+$0x30] =	vst v3;
	v3 =	vmul.f32 v6, v21  }
0xb8: {  	[tilespmem:s15+$0x0] =	vst v2;
	v2 =	vmul.f32 v9, v13  }
0xb9: {  	[tilespmem:s15+$0xFFFFFFF0] =	vst v3;
	v3 =	vmul.f32 v5, v11  }
0xba: {  	[tilespmem:s15+$0x20] =	vst v2  }
0xbb: {  	s17 =	smul.u32 $0x640, s0;
	[tilespmem:s15+$0x10] =	vst v3  }
0xbc: {  	[spmem:s3] =	stream.indirect.scatter.add.f32 [tilespmem:s7], [sflag:$0x3], $0x10, s10, s12, $0xb8;
	[tilespmem:$0x1FDC0] =	vst v63  }
0xbd: {  	s24 =	sadd.s32 s17, s18;
	_ =	swait.ge [sflag:s8], $0x3200  }
0xbe: {  	s15 =	sshrl.u32 s24, $0x3;
	[sflag:s8] =	ssyncset.done $0x0  }
0xbf: {  	s24 =	simm.s32 $0x0;
	s25 =	sadd.s32 s16, s15;
	[sflag:s8] =	ssyncadd.s32 $0xFFFFCE00  }
0xc0: {  	[tilespmem:s9], [sflag:$0x3] =	stream.linear.gather [hbm4b:s25+s24], $0x320, $0x38;
	[tilespmem:$0x1FDC0] =	vst v63  }
0xc1: {  	s23 =	simm.s32 $0x1;
	_ =	swait.ge [sflag:s8], $0x320  }
0xc2: {  	v3 =	vmov s23;
	s23 =	simm.s32 $0x3;
	[sflag:s8] =	ssyncset.done $0x0  }
0xc3: {  	v5 =	vmov s23;
	s23 =	simm.s32 $0x5;
	s25 =	sadd.s32 s1, s15;
	[sflag:s8] =	ssyncadd.s32 $0xFFFFFCE0  }
0xc4: {  	v2 =	vmov s24;
	[tilespmem:s10], [sflag:$0x3] =	stream.linear.gather [hbm4b:s25+s24], $0x320, $0x38;
	[tilespmem:$0x1FDC0] =	vst v63  }
0xc5: {  	v3 =	vshrl.u32 v3, $0x3;
	v2 =	vshrl.u32 v2, $0x3;
	v7 =	vmov s23;
	_ =	swait.ge [sflag:s8], $0x320  }
0xc6: {  	v5 =	vshrl.u32 v5, $0x3;
	v3 =	vshll.u32 v3, v1;
	v2 =	vshll.u32 v2, v1;
	[sflag:s8] =	ssyncset.done $0x0  }
0xc7: {  	v7 =	vshrl.u32 v7, $0x3;
	v5 =	vshll.u32 v5, v1;
	v3 =	vadd.s32 $0x1, v3;
	s15 =	sadd.s32 s14, s15;
	s25 =	simm.s32 $0x2;
	[sflag:s8] =	ssyncadd.s32 $0xFFFFFCE0  }
0xc8: {  	v2 =	vbroadcast v2, $0x0;
	v7 =	vshll.u32 v7, v1;
	v4 =	vmov s25;
	[tilespmem:s11], [sflag:$0x3] =	stream.linear.gather [hbm4b:s15+s24], $0x320, $0x38;
	[tilespmem:$0x1FDC0] =	vst v63  }
0xc9: {  	v3 =	vbroadcast v3, $0x0;
	v5 =	vadd.s32 $0x3, v5;
	s25 =	simm.s32 $0x4;
	v4 =	vshrl.u32 v4, $0x3;
	_ =	swait.ge [sflag:s8], $0x320  }
0xca: {  	v5 =	vbroadcast v5, $0x0;
	v6 =	vmov s25;
	v4 =	vshll.u32 v4, v1;
	[sflag:s8] =	ssyncset.done $0x0  }
0xcb: {  	s23 =	simm.s32 $0x7;
	v7 =	vadd.s32 $0x5, v7;
	s25 =	simm.s32 $0x6;
	v6 =	vshrl.u32 v6, $0x3;
	v4 =	vadd.s32 $0x2, v4;
	[sflag:s8] =	ssyncadd.s32 $0xFFFFFCE0  }
0xcc: {  	v8 =	vmov s25;
	v6 =	vshll.u32 v6, v1;
	v9 =	vbroadcast v4, $0x0;
	[tilespmem:s7], [sflag:$0x1] =	stream.indirect.gather [hbm4b:s5+s12], $0x10, s9, s12, $0xb8;
	[tilespmem:$0x1FDC0] =	vst v63  }
0xcd: {  	v8 =	vshrl.u32 v8, $0x3;
	v4 =	vadd.s32 $0x4, v6;
	v6 =	vmov s23;
	_ =	swait.ge [sflag:s31], $0x3200  }
0xce: {  	v8 =	vshll.u32 v8, v1;
	v10 =	vbroadcast v4, $0x0;
	v4 =	vshrl.u32 v6, $0x3;
	[sflag:s31] =	ssyncset.done $0x0  }
0xcf: {  	v6 =	vadd.s32 $0x6, v8;
	v8 =	vbroadcast v7, $0x0;
	v4 =	vshll.u32 v4, v1;
	[sflag:s31] =	ssyncadd.s32 $0xFFFFCE00  }
0xd0: {  	v7 =	vadd.s32 $0x7, v4;
	v2 =	vld.idx.msk [tilespmem:v2+s21+$0x0], $0xffff  }
0xd1: {  	s25 =	simm.s32 $0x9;
	v11 =	vbroadcast v7, $0x0;
	v4 =	vld.idx.msk [tilespmem:v3+s21+$0x0], $0xffff  }
0xd2: {  	s24 =	simm.s32 $0x8;
	v12 =	vmov s25;
	s25 =	simm.s32 $0xC;
	v3 =	vld.idx.msk [tilespmem:v9+s21+$0x0], $0xffff  }
0xd3: {  	s23 =	simm.s32 $0xA;
	v15 =	vmov s25;
	s25 =	simm.s32 $0xE;
	v12 =	vshrl.u32 v12, $0x3;
	v7 =	vmov s24;
	v5 =	vld.idx.msk [tilespmem:v5+s21+$0x0], $0xffff  }
0xd4: {  	v13 =	vmov s23;
	v16 =	vmov s25;
	s24 =	simm.s32 $0xB;
	v9 =	vshrl.u32 v7, $0x3;
	v7 =	vld.idx.msk [tilespmem:v10+s21+$0x0], $0xffff  }
0xd5: {  	s15 =	simm.s32 $0x1CC00;
	v15 =	vshrl.u32 v15, $0x3;
	v13 =	vshrl.u32 v13, $0x3;
	v14 =	vmov s24;
	s24 =	simm.s32 $0xD;
	v8 =	vld.idx.msk [tilespmem:v8+s21+$0x0], $0xffff  }
0xd6: {  	v6 =	vbroadcast v6, $0x0;
	v18 =	vshll.u32 v13, v1;
	v10 =	vmov s24;
	v13 =	vld [tilespmem:s15+$0xFFFFFFC0]  }
0xd7: {  	v12 =	vshll.u32 v12, v1;
	v16 =	vshrl.u32 v16, $0x3;
	v17 =	vshrl.u32 v10, $0x3;
	v10 =	vld.idx.msk [tilespmem:v11+s21+$0x0], $0xffff  }
0xd8: {  	v15 =	vshll.u32 v15, v1;
	v12 =	vadd.s32 $0x1, v12;
	v14 =	vshrl.u32 v14, $0x3;
	v11 =	vld [tilespmem:s15+$0x30]  }
0xd9: {  	v23 =	vshll.u32 v16, v1;
	v19 =	vshll.u32 v14, v1;
	v14 =	vld [tilespmem:s15+$0xFFFFFFD0];
	v9 =	vshll.u32 v9, v1  }
0xda: {  	v20 =	vadd.s32 $0x4, v15;
	v18 =	vadd.s32 $0x2, v18;
	v15 =	vld [tilespmem:s15+$0xFFFFFFF0];
	v9 =	vbroadcast v9, $0x0  }
0xdb: {  	v16 =	vbroadcast v18, $0x0;
	v22 =	vshll.u32 v17, v1;
	v17 =	vbroadcast v12, $0x0;
	v12 =	vld [tilespmem:s15+$0xFFFFFFE0]  }
0xdc: {  	s23 =	simm.s32 $0x10;
	v18 =	vadd.s32 $0x6, v23;
	s24 =	simm.s32 $0xF;
	v6 =	vld.idx.msk [tilespmem:v6+s21+$0x0], $0xffff;
	v21 =	vadd.s32 $0x3, v19;
	v19 =	vadd.s32 $0x5, v22  }
.LBB2_7:
0xdd: {  	p0 =	slt.u32 s23, $0x318;
	v21 =	vbroadcast v21, $0x0;
	v22 =	vmov s24;
	v23 =	vld [tilespmem:s15+$0x0];
	v10 =	vmul.f32 v11, v10  }
0xde: {  	v11 =	vbroadcast v20, $0x0;
	v20 =	vshrl.u32 v22, $0x3;
	v13 =	vmul.f32 v13, v2;
	v22 =	vld [tilespmem:s15+$0x10]  }
0xdf: {  	v19 =	vbroadcast v19, $0x0;
	v20 =	vshll.u32 v20, v1;
	v14 =	vmul.f32 v14, v4;
	v24 =	vld [tilespmem:s15+$0x20];
	[tilespmem:s15+$0x30] =	vst v10  }
0xe0: {  	v2 =	vld.idx.msk [tilespmem:v9+s21+$0x0], $0xffff;
	v9 =	vbroadcast v18, $0x0;
	v10 =	vadd.s32 $0x7, v20;
	[tilespmem:s15+$0xFFFFFFC0] =	vst v13;
	v12 =	vmul.f32 v12, v3  }
0xe1: {  	v3 =	vmov s23;
	v4 =	vld.idx.msk [tilespmem:v17+s21+$0x0], $0xffff;
	v10 =	vbroadcast v10, $0x0;
	[tilespmem:s15+$0xFFFFFFD0] =	vst v14;
	v13 =	vmul.f32 v15, v5  }
0xe2: {  	s24 =	sadd.s32 $0x1, s23;
	s25 =	sadd.s32 $0x2, s23;
	v14 =	vshrl.u32 v3, $0x3;
	v3 =	vld.idx.msk [tilespmem:v16+s21+$0x0], $0xffff;
	[tilespmem:s15+$0xFFFFFFE0] =	vst v12;
	v12 =	vmul.f32 v23, v7  }
0xe3: {  	v15 =	vmov s24;
	s24 =	sadd.s32 $0x3, s23;
	v16 =	vmov s25;
	s25 =	sadd.s32 $0x4, s23;
	v5 =	vld.idx.msk [tilespmem:v21+s21+$0x0], $0xffff;
	[tilespmem:s15+$0xFFFFFFF0] =	vst v13;
	v13 =	vmul.f32 v22, v8  }
0xe4: {  	v17 =	vmov s24;
	s24 =	sadd.s32 $0x5, s23;
	v18 =	vmov s25;
	s25 =	sadd.s32 $0x6, s23;
	v7 =	vld.idx.msk [tilespmem:v11+s21+$0x0], $0xffff;
	[tilespmem:s15+$0x0] =	vst v12;
	v11 =	vmul.f32 v24, v6  }
0xe5: {  	v12 =	vshll.u32 v14, v1;
	v14 =	vmov s24;
	v20 =	vmov s25;
	v8 =	vld.idx.msk [tilespmem:v19+s21+$0x0], $0xffff;
	[tilespmem:s15+$0x10] =	vst v13  }
0xe6: {  	v13 =	vshrl.u32 v15, $0x3;
	v15 =	vshrl.u32 v16, $0x3;
	v16 =	vshrl.u32 v17, $0x3;
	v6 =	vld.idx.msk [tilespmem:v9+s21+$0x0], $0xffff;
	[tilespmem:s15+$0x20] =	vst v11  }
0xe7: {  	v17 =	vshrl.u32 v18, $0x3;
	v14 =	vshrl.u32 v14, $0x3;
	v18 =	vshrl.u32 v20, $0x3;
	s15 =	sadd.s32 $0x80, s15;
	v10 =	vld.idx.msk [tilespmem:v10+s21+$0x0], $0xffff  }
.Ltmp2:
0xe8: {  	v9 =	vbroadcast v12, $0x0;
	v12 =	vshll.u32 v13, v1;
	v15 =	vshll.u32 v15, v1;
	v11 =	vld [tilespmem:s15+$0x30];
	(pc) =	sbr.rel @p0 .LBB2_7-.Ltmp2, $4  }
0xe9: {  	v16 =	vshll.u32 v16, v1;
	v19 =	vshll.u32 v17, v1;
	v22 =	vshll.u32 v14, v1;
	v13 =	vld [tilespmem:s15+$0xFFFFFFC0]  }
0xea: {  	v18 =	vshll.u32 v18, v1;
	v12 =	vadd.s32 $0x1, v12;
	v15 =	vadd.s32 $0x2, v15;
	v14 =	vld [tilespmem:s15+$0xFFFFFFD0]  }
0xeb: {  	v21 =	vadd.s32 $0x3, v16;
	v20 =	vadd.s32 $0x4, v19;
	v17 =	vbroadcast v12, $0x0;
	v12 =	vld [tilespmem:s15+$0xFFFFFFE0]  }
0xec: {  	s24 =	sadd.s32 $0x7, s23;
	s23 =	sadd.s32 $0x8, s23;
	v19 =	vadd.s32 $0x5, v22;
	v18 =	vadd.s32 $0x6, v18;
	v16 =	vbroadcast v15, $0x0;
	v15 =	vld [tilespmem:s15+$0xFFFFFFF0]  }
0xed: {  	_ = 	snop  }
0xee: {  	v23 =	vld [tilespmem:s15+$0x0]  }
0xef: {  	v24 =	vld [tilespmem:s15+$0x10]  }
0xf0: {  	v25 =	vld [tilespmem:s15+$0x20]  }
0xf1: {  	v9 =	vld.idx.msk [tilespmem:v9+s21+$0x0], $0xffff  }
0xf2: {  	v22 =	vmov s24;
	v17 =	vld.idx.msk [tilespmem:v17+s21+$0x0], $0xffff  }
0xf3: {  	s23 =	sadd.s32 $0x80, s15;
	v22 =	vshrl.u32 v22, $0x3;
	v16 =	vld.idx.msk [tilespmem:v16+s21+$0x0], $0xffff  }
0xf4: {  	v56 =	vld [tilespmem:s23+$0xFFFFFFC0];
	v22 =	vshll.u32 v22, v1  }
0xf5: {  	v57 =	vld [tilespmem:s23+$0xFFFFFFD0];
	v22 =	vadd.s32 $0x7, v22  }
0xf6: {  	v2 =	vmul.f32 v13, v2;
	v59 =	vld [tilespmem:s23+$0xFFFFFFE0];
	v22 =	vbroadcast v22, $0x0  }
0xf7: {  	v20 =	vbroadcast v20, $0x0;
	v10 =	vmul.f32 v11, v10;
	v60 =	vld [tilespmem:s23+$0xFFFFFFF0]  }
0xf8: {  	v21 =	vbroadcast v21, $0x0;
	v61 =	vld [tilespmem:s23+$0x0];
	[tilespmem:s15+$0xFFFFFFC0] =	vst v2;
	v2 =	vmul.f32 v12, v3  }
0xf9: {  	v18 =	vbroadcast v18, $0x0;
	v62 =	vld [tilespmem:s23+$0x10];
	v4 =	vmul.f32 v14, v4;
	[tilespmem:s15+$0x30] =	vst v10  }
0xfa: {  	v19 =	vbroadcast v19, $0x0;
	v63 =	vld [tilespmem:s23+$0x20];
	[tilespmem:s15+$0xFFFFFFE0] =	vst v2;
	v2 =	vmul.f32 v23, v7  }
0xfb: {  	v3 =	vld [tilespmem:s23+$0x30];
	[tilespmem:s15+$0xFFFFFFD0] =	vst v4;
	v55 =	vmul.f32 v15, v5  }
0xfc: {  	[tilespmem:s15+$0x0] =	vst v2;
	v2 =	vmul.f32 v25, v6;
	v54 =	vld.idx.msk [tilespmem:v22+s21+$0x0], $0xffff  }
0xfd: {  	v58 =	vmul.f32 v24, v8;
	v20 =	vld.idx.msk [tilespmem:v20+s21+$0x0], $0xffff;
	[tilespmem:s15+$0xFFFFFFF0] =	vst v55  }
0xfe: {  	v21 =	vld.idx.msk [tilespmem:v21+s21+$0x0], $0xffff;
	[tilespmem:s15+$0x20] =	vst v2;
	v2 =	vmul.f32 v56, v9  }
0xff: {  	v53 =	vld.idx.msk [tilespmem:v18+s21+$0x0], $0xffff;
	v7 =	vmul.f32 v57, v17;
	[tilespmem:s15+$0x10] =	vst v58  }
0x100: {  	v52 =	vld.idx.msk [tilespmem:v19+s21+$0x0], $0xffff;
	[tilespmem:s23+$0xFFFFFFC0] =	vst v2;
	v2 =	vmul.f32 v59, v16  }
0x101: {  	[tilespmem:s23+$0xFFFFFFD0] =	vst v7;
	v3 =	vmul.f32 v3, v54  }
0x102: {  	[tilespmem:s23+$0xFFFFFFE0] =	vst v2;
	v2 =	vmul.f32 v61, v20  }
0x103: {  	[tilespmem:s23+$0x30] =	vst v3;
	v3 =	vmul.f32 v60, v21  }
0x104: {  	[tilespmem:s23+$0x0] =	vst v2;
	v2 =	vmul.f32 v63, v53  }
0x105: {  	[tilespmem:s23+$0xFFFFFFF0] =	vst v3;
	v3 =	vmul.f32 v62, v52  }
0x106: {  	p0 =	seq.s32 s0, $0x3D;
	[tilespmem:s23+$0x20] =	vst v2  }
.Ltmp3:
0x107: {  	[tilespmem:s23+$0x10] =	vst v3;
	(pc) =	sbr.rel @p0 .LBB2_10-.Ltmp3, $4  }
0x108: {  	[spmem:s3] =	stream.indirect.scatter.add.f32 [tilespmem:s22], [sflag:$0x3], $0x10, s20, s12, $0xb8;
	[tilespmem:$0x1FDC0] =	vst v63  }
0x109: {  	_ =	swait.ge [sflag:s8], $0x3200  }
0x10a: {  	[sflag:s8] =	ssyncset.done $0x0  }
0x10b: {  	[sflag:s8] =	ssyncadd.s32 $0xFFFFCE00  }
0x10c: {  	s15 =	sadd.s32 s17, s19  }
0x10d: {  	s15 =	sshrl.u32 s15, $0x3  }
0x10e: {  	s24 =	sadd.s32 s16, s15  }
0x10f: {  	[tilespmem:s13], [sflag:$0x3] =	stream.linear.gather [hbm4b:s24+s4], $0x320, $0x38;
	[tilespmem:$0x1FDC0] =	vst v63  }
0x110: {  	_ =	swait.ge [sflag:s8], $0x320  }
0x111: {  	[sflag:s8] =	ssyncset.done $0x0  }
0x112: {  	s25 =	sadd.s32 s1, s15;
	[sflag:s8] =	ssyncadd.s32 $0xFFFFFCE0  }
0x113: {  	[tilespmem:s20], [sflag:$0x3] =	stream.linear.gather [hbm4b:s25+s4], $0x320, $0x38;
	[tilespmem:$0x1FDC0] =	vst v63  }
0x114: {  	_ =	swait.ge [sflag:s8], $0x320  }
0x115: {  	[sflag:s8] =	ssyncset.done $0x0  }
0x116: {  	s15 =	sadd.s32 s14, s15;
	[sflag:s8] =	ssyncadd.s32 $0xFFFFFCE0  }
0x117: {  	[tilespmem:s21], [sflag:$0x3] =	stream.linear.gather [hbm4b:s15+s4], $0x320, $0x38;
	[tilespmem:$0x1FDC0] =	vst v63  }
.Ltmp4:
0x118: {  	_ = 	snop;
	(pc) =	sbr.rel .LBB2_4-.Ltmp4, $4  }
0x119: {  	_ =	swait.ge [sflag:s8], $0x320  }
0x11a: {  	[sflag:s8] =	ssyncset.done $0x0  }
0x11b: {  	s0 =	sadd.s32 $0x1, s0;
	[sflag:s8] =	ssyncadd.s32 $0xFFFFFCE0  }
0x11c: {  	[tilespmem:s22], [sflag:$0x2] =	stream.indirect.gather [hbm4b:s5+s12], $0x10, s13, s12, $0xb8;
	[tilespmem:$0x1FDC0] =	vst v63  }
.LBB2_10:
0x11d: {  	s0 =	simm.s32 $0x0;
	s24 =	simm.s32 $0x1;
	s6 =	simm.s32 $0x2  }
0x11e: {  	s25 =	simm.s32 $0x3;
	s15 =	simm.s32 $0x4;
	s17 =	simm.s32 $0x5;
	v2 =	vmov s0;
	v3 =	vmov s24;
	v4 =	vmov s6  }
0x11f: {  	s23 =	simm.s32 $0x6;
	v5 =	vmov s25;
	v6 =	vmov s15;
	v7 =	vmov s17  }
0x120: {  	v8 =	vmov s23;
	v2 =	vshrl.u32 v2, $0x3;
	v3 =	vshrl.u32 v3, $0x3  }
0x121: {  	s15 =	simm.s32 $0xA;
	v4 =	vshrl.u32 v4, $0x3;
	v5 =	vshrl.u32 v5, $0x3;
	v6 =	vshrl.u32 v6, $0x3  }
0x122: {  	s17 =	simm.s32 $0xB;
	s23 =	simm.s32 $0xC;
	v7 =	vshrl.u32 v7, $0x3;
	v8 =	vshrl.u32 v8, $0x3;
	v13 =	vmov s15  }
0x123: {  	v14 =	vmov s17;
	v15 =	vmov s23;
	v2 =	vshll.u32 v2, v1  }
0x124: {  	v3 =	vshll.u32 v3, v1;
	v4 =	vshll.u32 v4, v1;
	v5 =	vshll.u32 v5, v1  }
0x125: {  	v6 =	vshll.u32 v6, v1;
	v7 =	vshll.u32 v7, v1;
	v8 =	vshll.u32 v8, v1  }
0x126: {  	v13 =	vshrl.u32 v13, $0x3;
	v14 =	vshrl.u32 v14, $0x3;
	v15 =	vshrl.u32 v15, $0x3  }
0x127: {  	s24 =	simm.s32 $0x7;
	v2 =	vbroadcast v2, $0x0;
	v3 =	vadd.s32 $0x1, v3;
	v4 =	vadd.s32 $0x2, v4  }
0x128: {  	_ =	swait.ge [sflag:s30], $0x3200;
	v9 =	vbroadcast v4, $0x0;
	v4 =	vadd.s32 $0x4, v6;
	v6 =	vmov s24  }
0x129: {  	[sflag:s30] =	ssyncset.done $0x0;
	v3 =	vbroadcast v3, $0x0;
	v10 =	vbroadcast v4, $0x0;
	v4 =	vshrl.u32 v6, $0x3  }
0x12a: {  	s0 =	simm.s32 $0x19A00;
	[sflag:s30] =	ssyncadd.s32 $0xFFFFCE00;
	v7 =	vadd.s32 $0x5, v7;
	v18 =	vshll.u32 v13, v1;
	v4 =	vshll.u32 v4, v1  }
0x12b: {  	v13 =	vld [tilespmem:s0+$0xFFFFFFC0];
	v6 =	vadd.s32 $0x6, v8;
	v8 =	vbroadcast v7, $0x0;
	v7 =	vadd.s32 $0x7, v4  }
0x12c: {  	v19 =	vshll.u32 v14, v1;
	v15 =	vshll.u32 v15, v1;
	v14 =	vld [tilespmem:s0+$0xFFFFFFD0];
	v11 =	vbroadcast v7, $0x0  }
0x12d: {  	v5 =	vadd.s32 $0x3, v5;
	v20 =	vadd.s32 $0x4, v15;
	v15 =	vld [tilespmem:s0+$0xFFFFFFF0]  }
0x12e: {  	s6 =	simm.s32 $0x9;
	v5 =	vbroadcast v5, $0x0;
	v2 =	vld.idx.msk [tilespmem:v2+s11+$0x0], $0xffff  }
0x12f: {  	s25 =	simm.s32 $0x8;
	v12 =	vmov s6;
	v4 =	vld.idx.msk [tilespmem:v3+s11+$0x0], $0xffff  }
0x130: {  	v12 =	vshrl.u32 v12, $0x3;
	s24 =	simm.s32 $0xD;
	v7 =	vmov s25;
	v3 =	vld.idx.msk [tilespmem:v9+s11+$0x0], $0xffff  }
0x131: {  	v6 =	vbroadcast v6, $0x0;
	v9 =	vshrl.u32 v7, $0x3;
	v7 =	vld.idx.msk [tilespmem:v10+s11+$0x0], $0xffff;
	v10 =	vmov s24  }
0x132: {  	v12 =	vshll.u32 v12, v1;
	v17 =	vshrl.u32 v10, $0x3;
	v10 =	vld.idx.msk [tilespmem:v11+s11+$0x0], $0xffff  }
0x133: {  	v12 =	vadd.s32 $0x1, v12;
	s25 =	simm.s32 $0xE;
	v11 =	vld [tilespmem:s0+$0x30]  }
0x134: {  	v18 =	vadd.s32 $0x2, v18;
	v16 =	vmov s25;
	v5 =	vld.idx.msk [tilespmem:v5+s11+$0x0], $0xffff;
	v9 =	vshll.u32 v9, v1  }
0x135: {  	v21 =	vadd.s32 $0x3, v19;
	v16 =	vshrl.u32 v16, $0x3;
	v8 =	vld.idx.msk [tilespmem:v8+s11+$0x0], $0xffff;
	v9 =	vbroadcast v9, $0x0  }
0x136: {  	v23 =	vshll.u32 v16, v1;
	v22 =	vshll.u32 v17, v1;
	v17 =	vbroadcast v12, $0x0;
	v12 =	vld [tilespmem:s0+$0xFFFFFFE0]  }
0x137: {  	s15 =	simm.s32 $0xF;
	s6 =	simm.s32 $0x10;
	v16 =	vbroadcast v18, $0x0;
	v6 =	vld.idx.msk [tilespmem:v6+s11+$0x0], $0xffff;
	v18 =	vadd.s32 $0x6, v23;
	v19 =	vadd.s32 $0x5, v22  }
.LBB2_11:
0x138: {  	p0 =	slt.u32 s6, $0x318;
	v21 =	vbroadcast v21, $0x0;
	v22 =	vmov s15;
	v23 =	vld [tilespmem:s0+$0x0];
	v10 =	vmul.f32 v11, v10  }
0x139: {  	v11 =	vbroadcast v20, $0x0;
	v20 =	vshrl.u32 v22, $0x3;
	v13 =	vmul.f32 v13, v2;
	v22 =	vld [tilespmem:s0+$0x10]  }
0x13a: {  	v19 =	vbroadcast v19, $0x0;
	v20 =	vshll.u32 v20, v1;
	v14 =	vmul.f32 v14, v4;
	v24 =	vld [tilespmem:s0+$0x20];
	[tilespmem:s0+$0x30] =	vst v10  }
0x13b: {  	v2 =	vld.idx.msk [tilespmem:v9+s11+$0x0], $0xffff;
	v9 =	vbroadcast v18, $0x0;
	v10 =	vadd.s32 $0x7, v20;
	[tilespmem:s0+$0xFFFFFFC0] =	vst v13;
	v12 =	vmul.f32 v12, v3  }
0x13c: {  	v3 =	vmov s6;
	v4 =	vld.idx.msk [tilespmem:v17+s11+$0x0], $0xffff;
	v10 =	vbroadcast v10, $0x0;
	[tilespmem:s0+$0xFFFFFFD0] =	vst v14;
	v13 =	vmul.f32 v15, v5  }
0x13d: {  	s15 =	sadd.s32 $0x1, s6;
	s17 =	sadd.s32 $0x2, s6;
	v14 =	vshrl.u32 v3, $0x3;
	v3 =	vld.idx.msk [tilespmem:v16+s11+$0x0], $0xffff;
	[tilespmem:s0+$0xFFFFFFE0] =	vst v12;
	v12 =	vmul.f32 v23, v7  }
0x13e: {  	v15 =	vmov s15;
	s15 =	sadd.s32 $0x3, s6;
	v16 =	vmov s17;
	s17 =	sadd.s32 $0x4, s6;
	v5 =	vld.idx.msk [tilespmem:v21+s11+$0x0], $0xffff;
	[tilespmem:s0+$0xFFFFFFF0] =	vst v13;
	v13 =	vmul.f32 v22, v8  }
0x13f: {  	v17 =	vmov s15;
	s15 =	sadd.s32 $0x5, s6;
	v18 =	vmov s17;
	s17 =	sadd.s32 $0x6, s6;
	v7 =	vld.idx.msk [tilespmem:v11+s11+$0x0], $0xffff;
	[tilespmem:s0+$0x0] =	vst v12;
	v11 =	vmul.f32 v24, v6  }
0x140: {  	v12 =	vshll.u32 v14, v1;
	v14 =	vmov s15;
	v20 =	vmov s17;
	v8 =	vld.idx.msk [tilespmem:v19+s11+$0x0], $0xffff;
	[tilespmem:s0+$0x10] =	vst v13  }
0x141: {  	v13 =	vshrl.u32 v15, $0x3;
	v15 =	vshrl.u32 v16, $0x3;
	v16 =	vshrl.u32 v17, $0x3;
	v6 =	vld.idx.msk [tilespmem:v9+s11+$0x0], $0xffff;
	[tilespmem:s0+$0x20] =	vst v11  }
0x142: {  	v17 =	vshrl.u32 v18, $0x3;
	v14 =	vshrl.u32 v14, $0x3;
	v18 =	vshrl.u32 v20, $0x3;
	s0 =	sadd.s32 $0x80, s0;
	v10 =	vld.idx.msk [tilespmem:v10+s11+$0x0], $0xffff  }
.Ltmp5:
0x143: {  	v9 =	vbroadcast v12, $0x0;
	v12 =	vshll.u32 v13, v1;
	v15 =	vshll.u32 v15, v1;
	v11 =	vld [tilespmem:s0+$0x30];
	(pc) =	sbr.rel @p0 .LBB2_11-.Ltmp5, $4  }
0x144: {  	v16 =	vshll.u32 v16, v1;
	v19 =	vshll.u32 v17, v1;
	v22 =	vshll.u32 v14, v1;
	v13 =	vld [tilespmem:s0+$0xFFFFFFC0]  }
0x145: {  	v18 =	vshll.u32 v18, v1;
	v12 =	vadd.s32 $0x1, v12;
	v15 =	vadd.s32 $0x2, v15;
	v14 =	vld [tilespmem:s0+$0xFFFFFFD0]  }
0x146: {  	v21 =	vadd.s32 $0x3, v16;
	v20 =	vadd.s32 $0x4, v19;
	v17 =	vbroadcast v12, $0x0;
	v12 =	vld [tilespmem:s0+$0xFFFFFFE0]  }
0x147: {  	s15 =	sadd.s32 $0x7, s6;
	s6 =	sadd.s32 $0x8, s6;
	v19 =	vadd.s32 $0x5, v22;
	v18 =	vadd.s32 $0x6, v18;
	v16 =	vbroadcast v15, $0x0;
	v15 =	vld [tilespmem:s0+$0xFFFFFFF0]  }
0x148: {  	_ = 	snop  }
0x149: {  	v23 =	vld [tilespmem:s0+$0x0]  }
0x14a: {  	v24 =	vld [tilespmem:s0+$0x10]  }
0x14b: {  	v25 =	vld [tilespmem:s0+$0x20]  }
0x14c: {  	v9 =	vld.idx.msk [tilespmem:v9+s11+$0x0], $0xffff  }
0x14d: {  	v22 =	vmov s15;
	v17 =	vld.idx.msk [tilespmem:v17+s11+$0x0], $0xffff  }
0x14e: {  	s6 =	sadd.s32 $0x80, s0;
	v22 =	vshrl.u32 v22, $0x3;
	v16 =	vld.idx.msk [tilespmem:v16+s11+$0x0], $0xffff  }
0x14f: {  	v56 =	vld [tilespmem:s6+$0xFFFFFFC0];
	v22 =	vshll.u32 v22, v1  }
0x150: {  	v57 =	vld [tilespmem:s6+$0xFFFFFFD0];
	v22 =	vadd.s32 $0x7, v22  }
0x151: {  	v2 =	vmul.f32 v13, v2;
	v59 =	vld [tilespmem:s6+$0xFFFFFFE0];
	v22 =	vbroadcast v22, $0x0  }
0x152: {  	v20 =	vbroadcast v20, $0x0;
	v10 =	vmul.f32 v11, v10;
	v60 =	vld [tilespmem:s6+$0xFFFFFFF0]  }
0x153: {  	v21 =	vbroadcast v21, $0x0;
	v61 =	vld [tilespmem:s6+$0x0];
	[tilespmem:s0+$0xFFFFFFC0] =	vst v2;
	v2 =	vmul.f32 v12, v3  }
0x154: {  	v18 =	vbroadcast v18, $0x0;
	v62 =	vld [tilespmem:s6+$0x10];
	v4 =	vmul.f32 v14, v4;
	[tilespmem:s0+$0x30] =	vst v10  }
0x155: {  	v19 =	vbroadcast v19, $0x0;
	v63 =	vld [tilespmem:s6+$0x20];
	[tilespmem:s0+$0xFFFFFFE0] =	vst v2;
	v2 =	vmul.f32 v23, v7  }
0x156: {  	v3 =	vld [tilespmem:s6+$0x30];
	[tilespmem:s0+$0xFFFFFFD0] =	vst v4;
	v55 =	vmul.f32 v15, v5  }
0x157: {  	[tilespmem:s0+$0x0] =	vst v2;
	v2 =	vmul.f32 v25, v6;
	v54 =	vld.idx.msk [tilespmem:v22+s11+$0x0], $0xffff  }
0x158: {  	v58 =	vmul.f32 v24, v8;
	v20 =	vld.idx.msk [tilespmem:v20+s11+$0x0], $0xffff;
	[tilespmem:s0+$0xFFFFFFF0] =	vst v55  }
0x159: {  	v21 =	vld.idx.msk [tilespmem:v21+s11+$0x0], $0xffff;
	[tilespmem:s0+$0x20] =	vst v2;
	v2 =	vmul.f32 v56, v9  }
0x15a: {  	v53 =	vld.idx.msk [tilespmem:v18+s11+$0x0], $0xffff;
	v7 =	vmul.f32 v57, v17;
	[tilespmem:s0+$0x10] =	vst v58  }
0x15b: {  	v52 =	vld.idx.msk [tilespmem:v19+s11+$0x0], $0xffff;
	[tilespmem:s6+$0xFFFFFFC0] =	vst v2;
	v2 =	vmul.f32 v59, v16  }
0x15c: {  	[tilespmem:s6+$0xFFFFFFD0] =	vst v7;
	v3 =	vmul.f32 v3, v54  }
0x15d: {  	[tilespmem:s6+$0xFFFFFFE0] =	vst v2;
	v2 =	vmul.f32 v61, v20  }
0x15e: {  	[tilespmem:s6+$0x30] =	vst v3;
	v3 =	vmul.f32 v60, v21  }
0x15f: {  	[tilespmem:s6+$0x0] =	vst v2;
	v2 =	vmul.f32 v63, v53  }
0x160: {  	[tilespmem:s6+$0xFFFFFFF0] =	vst v3;
	v3 =	vmul.f32 v62, v52  }
0x161: {  	[tilespmem:s6+$0x20] =	vst v2  }
0x162: {  	[tilespmem:s6+$0x10] =	vst v3  }
0x163: {  	[spmem:s3] =	stream.indirect.scatter.add.f32 [tilespmem:s7], [sflag:$0x3], $0x10, s10, s12, $0xb8;
	[tilespmem:$0x1FDC0] =	vst v63  }
0x164: {  	_ =	swait.ge [sflag:s8], $0x3200  }
0x165: {  	[sflag:s8] =	ssyncset.done $0x0  }
0x166: {  	[sflag:s8] =	ssyncadd.s32 $0xFFFFCE00  }
0x167: {  	[bflag:$0x0] =	sbarrier.arrive $0xFFFF  }
0x168: {  	s15 =	rddreg [dreg:$0xd]  }
0x169: {  	[tilespmem:s7], [sflag:$0x3] =	stream.linear.gather [spmem:s15], $0x3200, $0x38;
	[tilespmem:$0x1FDC0] =	vst v63  }
0x16a: {  	_ =	swait.ge [sflag:s8], $0x3200  }
0x16b: {  	[sflag:s8] =	ssyncset.done $0x0  }
0x16c: {  	s17 =	rddreg [dreg:$0x5];
	[sflag:s8] =	ssyncadd.s32 $0xFFFFCE00  }
0x16d: {  	[hbm4b:s17+s4] =	stream.linear.scatter [tilespmem:s7], [sflag:$0x3], $0x3200, $0x38;
	[tilespmem:$0x1FDC0] =	vst v63  }
0x16e: {  	_ =	swait.ge [sflag:s8], $0x3200  }
0x16f: {  	[sflag:s8] =	ssyncset.done $0x0  }
0x170: {  	[sflag:s8] =	ssyncadd.s32 $0xFFFFCE00  }
0x171: {  	[tilespmem:s7], [sflag:$0x3] =	stream.linear.gather [spmem:s28], $0x3200, $0x38;
	[tilespmem:$0x1FDC0] =	vst v63  }
0x172: {  	_ =	swait.ge [sflag:s8], $0x3200  }
0x173: {  	[sflag:s8] =	ssyncset.done $0x0  }
0x174: {  	s23 =	rddreg [dreg:$0x6];
	[sflag:s8] =	ssyncadd.s32 $0xFFFFCE00  }
0x175: {  	[hbm4b:s23+s4] =	stream.linear.scatter [tilespmem:s7], [sflag:$0x3], $0x3200, $0x38;
	[tilespmem:$0x1FDC0] =	vst v63  }
0x176: {  	_ =	swait.ge [sflag:s8], $0x3200  }
0x177: {  	[sflag:s8] =	ssyncset.done $0x0  }
0x178: {  	s25 =	rddreg [dreg:$0x10];
	[sflag:s8] =	ssyncadd.s32 $0xFFFFCE00  }
0x179: {  	[tilespmem:s7], [sflag:$0x3] =	stream.linear.gather [spmem:s25], $0x3200, $0x38;
	[tilespmem:$0x1FDC0] =	vst v63  }
0x17a: {  	_ =	swait.ge [sflag:s8], $0x3200  }
0x17b: {  	[sflag:s8] =	ssyncset.done $0x0  }
0x17c: {  	s24 =	smov.u32 s28;
	s28 =	rddreg [dreg:$0x7];
	[sflag:s8] =	ssyncadd.s32 $0xFFFFCE00  }
0x17d: {  	[hbm4b:s28+s4] =	stream.linear.scatter [tilespmem:s7], [sflag:$0x3], $0x3200, $0x38;
	[tilespmem:$0x1FDC0] =	vst v63  }
0x17e: {  	_ =	swait.ge [sflag:s8], $0x3200  }
0x17f: {  	[sflag:s8] =	ssyncset.done $0x0  }
0x180: {  	s6 =	rddreg [dreg:$0x11];
	[sflag:s8] =	ssyncadd.s32 $0xFFFFCE00  }
0x181: {  	[tilespmem:s7], [sflag:$0x3] =	stream.linear.gather [spmem:s6], $0x3200, $0x38;
	[tilespmem:$0x1FDC0] =	vst v63  }
0x182: {  	_ =	swait.ge [sflag:s8], $0x3200  }
0x183: {  	[sflag:s8] =	ssyncset.done $0x0  }
0x184: {  	s15 =	rddreg [dreg:$0x8];
	[sflag:s8] =	ssyncadd.s32 $0xFFFFCE00  }
0x185: {  	[hbm4b:s15+s4] =	stream.linear.scatter [tilespmem:s7], [sflag:$0x3], $0x3200, $0x38;
	[tilespmem:$0x1FDC0] =	vst v63  }
0x186: {  	_ =	swait.ge [sflag:s8], $0x3200  }
0x187: {  	[sflag:s8] =	ssyncset.done $0x0  }
0x188: {  	[sflag:s8] =	ssyncadd.s32 $0xFFFFCE00  }
0x189: {  	[tilespmem:s7], [sflag:$0x3] =	stream.linear.gather [spmem:s29], $0x3200, $0x38;
	[tilespmem:$0x1FDC0] =	vst v63  }
0x18a: {  	_ =	swait.ge [sflag:s8], $0x3200  }
0x18b: {  	[sflag:s8] =	ssyncset.done $0x0  }
0x18c: {  	s17 =	rddreg [dreg:$0x9];
	[sflag:s8] =	ssyncadd.s32 $0xFFFFCE00  }
0x18d: {  	[hbm4b:s17+s4] =	stream.linear.scatter [tilespmem:s7], [sflag:$0x3], $0x3200, $0x38;
	[tilespmem:$0x1FDC0] =	vst v63  }
0x18e: {  	_ =	swait.ge [sflag:s8], $0x3200  }
0x18f: {  	[sflag:s8] =	ssyncset.done $0x0  }
0x190: {  	[sflag:s8] =	ssyncadd.s32 $0xFFFFCE00  }
0x191: {  	[tilespmem:s7], [sflag:$0x3] =	stream.linear.gather [spmem:s26], $0x3200, $0x38;
	[tilespmem:$0x1FDC0] =	vst v63  }
0x192: {  	_ =	swait.ge [sflag:s8], $0x3200  }
0x193: {  	[sflag:s8] =	ssyncset.done $0x0  }
0x194: {  	s23 =	rddreg [dreg:$0xa];
	[sflag:s8] =	ssyncadd.s32 $0xFFFFCE00  }
0x195: {  	[hbm4b:s23+s4] =	stream.linear.scatter [tilespmem:s7], [sflag:$0x3], $0x3200, $0x38;
	[tilespmem:$0x1FDC0] =	vst v63  }
0x196: {  	_ =	swait.ge [sflag:s8], $0x3200  }
0x197: {  	[sflag:s8] =	ssyncset.done $0x0  }
0x198: {  	s25 =	rddreg [dreg:$0x13];
	[sflag:s8] =	ssyncadd.s32 $0xFFFFCE00  }
0x199: {  	[tilespmem:s7], [sflag:$0x3] =	stream.linear.gather [spmem:s25], $0x3200, $0x38;
	[tilespmem:$0x1FDC0] =	vst v63  }
0x19a: {  	_ =	swait.ge [sflag:s8], $0x3200  }
0x19b: {  	[sflag:s8] =	ssyncset.done $0x0  }
0x19c: {  	s17 =	smov.u32 s26;
	s26 =	rddreg [dreg:$0xb];
	[sflag:s8] =	ssyncadd.s32 $0xFFFFCE00  }
0x19d: {  	[hbm4b:s26+s4] =	stream.linear.scatter [tilespmem:s7], [sflag:$0x3], $0x3200, $0x38;
	[tilespmem:$0x1FDC0] =	vst v63  }
0x19e: {  	_ =	swait.ge [sflag:s8], $0x3200  }
0x19f: {  	[sflag:s8] =	ssyncset.done $0x0  }
0x1a0: {  	s23 =	rddreg [dreg:$0x12];
	[sflag:s8] =	ssyncadd.s32 $0xFFFFCE00  }
0x1a1: {  	[tilespmem:s7], [sflag:$0x3] =	stream.linear.gather [spmem:s23], $0x2900, $0x38;
	[tilespmem:$0x1FDC0] =	vst v63  }
0x1a2: {  	_ =	swait.ge [sflag:s8], $0x2900  }
0x1a3: {  	[sflag:s8] =	ssyncset.done $0x0  }
0x1a4: {  	s28 =	rddreg [dreg:$0x4];
	[sflag:s8] =	ssyncadd.s32 $0xFFFFD700  }
0x1a5: {  	[hbm4b:s28+s4] =	stream.linear.scatter [tilespmem:s7], [sflag:$0x3], $0x2900, $0x38;
	[tilespmem:$0x1FDC0] =	vst v63  }
0x1a6: {  	_ =	swait.ge [sflag:s8], $0x2900  }
0x1a7: {  	s2 =	sadd.s32 $0x1, s2;
	s15 =	smov.u32 s29;
	s29 =	rddreg [dreg:$0xe]  }
0x1a8: {  	p0 =	sne.s32 s2, s29  }
.Ltmp6:
0x1a9: {  	_ = 	snop;
	(pc) =	sbr.rel @p0 .LBB2_1-.Ltmp6, $3  }
0x1aa: {  	_ =	sdelay $0x1  }
0x1ab: {  	[sflag:s8] =	ssyncset.done $0x0  }
0x1ac: {  	[sflag:s8] =	ssyncadd.s32 $0xFFFFD700  }
0x1ad: {  	_ =	sfence.sel $0x180000  }
0x1ae: {  	[bflag:$0x0] =	sbarrier.arrive $0xFFFF  }
0x1af: {  	_ =	strace $0x9000004A  }
0x1b0: {  	s0 =	stileid.u32;
	[bflag:$0x2] =	sbarrier.arrive $0xFFFF  }
0x1b1: {  	p0 =	sne.s32 s0, $0x0;
	s0 =	rddreg [dreg:$0x3]  }
0x1b2: {  	s0 =	sadd.s32 @!p0 $0x100000, s0  }
0x1b3: {  	[sflag:s0] =	ssyncadd.tile.s32 @!p0 $0x1;
	_ =	shalt  }
.Lfunc_end2:
_tile_overlayer_lowered:
.L_overlay_start_2:
0x1b4: {  	(tag) =	ssettag $0x2  }
0x1b5: {  	s0 =	rddreg [dreg:$0x0];
	s2 =	stileid.u32  }
0x1b6: {  	s1 =	rddreg [dreg:$0x1];
	p0 =	sne.s32 s2, $0x0  }
0x1b7: {  	s3 =	rddreg [dreg:$0x2];
	[bflag:$0x3] =	sbarrier.arrive $0xFFFF;
	s2 =	simm.s32 @!p0 $0x1C03  }
0x1b8: {  	[timem:s3], [sflag:s2] =	dma.local @!p0 [hbm:s0], s1  }
0x1b9: {  	s0 =	simm.s32 @!p0 $0x3  }
0x1ba: {  	_ =	swait.ge @!p0 [sflag:s0], s1  }
0x1bb: {  	s1 =	ssub.s32 @!p0 $0x0, s1;
	[sflag:s0] =	ssyncset.done @!p0 $0x0  }
0x1bc: {  	[sflag:s0] =	ssyncadd.s32 @!p0 s1  }
0x1bd: {  	[bflag:$0x3] =	sbarrier.arrive $0xFFFF  }
0x1be: {  	_ =	shalt  }

// kernel: kernel.16.cloned.1.call-start
scs
__scs_entry_jumppad:
0x0: {  	(pc) =	sbr.rel $0x88, $3  }
0x1: {  	(tag) =	ssettag $0x0;
	lr =	simm.s32 $0x1  }
0x2: {  	[smem:$0x3F97] =	sst lr;
	_ =	strace $0xD0000000  }
0x3: {  	_ = 	snop  }
0x4: {  	_ = 	snop  }
0x5: {  	_ = 	snop  }
0x6: {  	_ = 	snop  }
0x7: {  	_ = 	snop  }
__scs_overlays_trampoline_lowered:
0x8: {  	[smem:$0x3FA6] =	sst s0  }
0x9: {  	[smem:$0x3FA7] =	sst s1  }
0xa: {  	[smem:$0x3FA8] =	sst s2  }
0xb: {  	[smem:$0x3FA9] =	sst s3  }
0xc: {  	[smem:$0x3FAA] =	sst s4  }
0xd: {  	[smem:$0x3FAB] =	sst s5  }
0xe: {  	[smem:$0x3FAC] =	sst s6  }
0xf: {  	[smem:$0x3FAD] =	sst s7  }
0x10: {  	[smem:$0x3FAE] =	sst s8  }
0x11: {  	[smem:$0x3FAF] =	sst s9;
	s0 =	simm.s32 @!p0 $0x0  }
0x12: {  	s1 =	sld [smem:$0x3F95];
	s0 =	simm.s32 @p0 $0x1  }
0x13: {  	[smem:$0x3FB0] =	sst s0;
	s0 =	simm.s32 @!p1 $0x0  }
0x14: {  	s2 =	sld [smem:$0x3F94];
	s0 =	simm.s32 @p1 $0x1  }
0x15: {  	[smem:$0x3FB1] =	sst s0;
	s0 =	simm.s32 @!p2 $0x0  }
0x16: {  	s3 =	sld [smem:$0x3FDB];
	s0 =	simm.s32 @p2 $0x1  }
0x17: {  	s4 =	simm.s32 $0x1BF5;
	[smem:$0x3FB3] =	sst s0  }
0x18: {  	s0 =	sld [smem:$0x3F96];
	_ =	swait.ge [sflag:s4], $0x0  }
0x19: {  	s7 =	sld [smem:$0x3F97]  }
0x1a: {  	s8 =	sadd.s32 $0xFFFFE003, lr  }
0x1b: {  	s9 =	sadd.s32 $0xFFFFFEF7, lr;
	s5 =	simm.s32 $0xFFFFFFFF;
	p2 =	slt.u32 s8, $0xFFFFF086  }
0x1c: {  	p1 =	slt.u32 s9, $0xF7A;
	s5 =	simm.s32 @!p2 $0x0  }
0x1d: {  	s5 =	simm.s32 @p1 $0x1;
	p0 =	seq.s32 s7, s2  }
0x1e: {  	s7 =	smul.u32 @!p0 $0xF7A, s2;
	p2 =	seq.s32 @!p0 s5, $0x0  }
0x1f: {  	s9 =	smul.u32 $0xF7A, s1;
	s8 =	simm.s32 @!p0 $0x1BF5;
	p2 =	por !p2, p0  }
0x20: {  	[sflag:s8] =	ssyncset.s32 @!p0 $0xFFFFF086;
	s6 =	sadd.s32 @!p0 s3, s7;
	s7 =	simm.s32 @!p0 $0x108  }
0x21: {  	s3 =	sadd.s32 s3, s9;
	s6 =	sadd.s32 @!p0 $0x88, s6;
	s7 =	simm.s32 @p2 $0x1082  }
0x22: {  	[simem:s7], [sflag:s8] =	dma.local @!p0 [hbm:s6], $0xF7A  }
0x23: {  	s9 =	sor.u32 $0xD0000000, s2;
	s6 =	simm.s32 $0x108;
	_ =	swait.ge @!p0 [sflag:s8], $0x0  }
0x24: {  	s3 =	sadd.s32 $0x88, s3;
	s6 =	simm.s32 @!p1 $0x1082;
	[sflag:s4] =	ssyncset.s32 $0xFFFFF086  }
0x25: {  	[simem:s6], [sflag:s4] =	dma.local [hbm:s3], $0xF7A  }
0x26: {  	[smem:$0x3F97] =	sst s1;
	(tag) =	ssettag s2;
	_ =	strace s9  }
0x27: {  	s1 =	sld [smem:$0x3FA7]  }
0x28: {  	s2 =	sld [smem:$0x3FA8]  }
0x29: {  	s4 =	sld [smem:$0x3FAA]  }
0x2a: {  	p0 =	seq.s32 s5, $0x0;
	s5 =	sld [smem:$0x3FAB]  }
0x2b: {  	s6 =	sld [smem:$0x3FAC]  }
0x2c: {  	s7 =	sld [smem:$0x3FAD]  }
0x2d: {  	s3 =	simm.s32 $0x108;
	s8 =	sld [smem:$0x3FAE]  }
0x2e: {  	s3 =	simm.s32 @!p0 $0x1082;
	s9 =	sld [smem:$0x3FAF]  }
0x2f: {  	lr =	sadd.s32 s0, s3;
	s0 =	sld [smem:$0x3FA6]  }
0x30: {  	s3 =	sld [smem:$0x3FA9]  }
0x31: {  	[smem:$0x3FB2] =	sst s10  }
0x32: {  	s10 =	sld [smem:$0x3FB0];
	_ =	sdelay $0x3  }
0x33: {  	p0 =	seq.s32 s10, $0x1;
	s10 =	sld [smem:$0x3FB2];
	_ =	sdelay $0x3  }
0x34: {  	[smem:$0x3FB2] =	sst s10  }
0x35: {  	s10 =	sld [smem:$0x3FB1];
	_ =	sdelay $0x3  }
0x36: {  	p1 =	seq.s32 s10, $0x1;
	s10 =	sld [smem:$0x3FB2];
	_ =	sdelay $0x3  }
0x37: {  	[smem:$0x3FB2] =	sst s10  }
0x38: {  	s10 =	sld [smem:$0x3FB3]  }
0x39: {  	_ = 	snop;
	(pc) =	sbr.ind lr, $3  }
0x3a: {  	_ = 	snop  }
0x3b: {  	_ = 	snop  }
0x3c: {  	p2 =	seq.s32 s10, $0x1;
	s10 =	sld [smem:$0x3FB2]  }
0x3d: {  	_ =	shalt  }
0x3e: {  	_ =	shalt  }
0x3f: {  	_ =	shalt  }
0x40: {  	_ =	shalt  }
0x41: {  	_ =	shalt  }
0x42: {  	_ =	shalt  }
0x43: {  	_ =	shalt  }
0x44: {  	_ =	shalt  }
0x45: {  	_ =	shalt  }
0x46: {  	_ =	shalt  }
0x47: {  	_ =	shalt  }
0x48: {  	_ =	shalt  }
0x49: {  	_ =	shalt  }
0x4a: {  	_ =	shalt  }
0x4b: {  	_ =	shalt  }
0x4c: {  	_ =	shalt  }
0x4d: {  	_ =	shalt  }
0x4e: {  	_ =	shalt  }
0x4f: {  	_ =	shalt  }
0x50: {  	_ =	shalt  }
0x51: {  	_ =	shalt  }
0x52: {  	_ =	shalt  }
0x53: {  	_ =	shalt  }
0x54: {  	_ =	shalt  }
0x55: {  	_ =	shalt  }
0x56: {  	_ =	shalt  }
0x57: {  	_ =	shalt  }
0x58: {  	_ =	shalt  }
0x59: {  	_ =	shalt  }
0x5a: {  	_ =	shalt  }
0x5b: {  	_ =	shalt  }
0x5c: {  	_ =	shalt  }
0x5d: {  	_ =	shalt  }
0x5e: {  	_ =	shalt  }
0x5f: {  	_ =	shalt  }
0x60: {  	_ =	shalt  }
0x61: {  	_ =	shalt  }
0x62: {  	_ =	shalt  }
0x63: {  	_ =	shalt  }
0x64: {  	_ =	shalt  }
0x65: {  	_ =	shalt  }
0x66: {  	_ =	shalt  }
0x67: {  	_ =	shalt  }
0x68: {  	_ =	shalt  }
0x69: {  	_ =	shalt  }
0x6a: {  	_ =	shalt  }
0x6b: {  	_ =	shalt  }
0x6c: {  	_ =	shalt  }
0x6d: {  	_ =	shalt  }
0x6e: {  	_ =	shalt  }
0x6f: {  	_ =	shalt  }
0x70: {  	_ =	shalt  }
0x71: {  	_ =	shalt  }
0x72: {  	_ =	shalt  }
0x73: {  	_ =	shalt  }
0x74: {  	_ =	shalt  }
0x75: {  	_ =	shalt  }
0x76: {  	_ =	shalt  }
0x77: {  	_ =	shalt  }
0x78: {  	_ =	shalt  }
0x79: {  	_ =	shalt  }
0x7a: {  	_ =	shalt  }
0x7b: {  	_ =	shalt  }
0x7c: {  	_ =	shalt  }
0x7d: {  	_ =	shalt  }
0x7e: {  	_ =	shalt  }
0x7f: {  	_ =	shalt  }
0x80: {  	_ =	shalt  }
0x81: {  	_ =	shalt  }
0x82: {  	_ =	shalt  }
0x83: {  	_ =	shalt  }
0x84: {  	_ =	shalt  }
0x85: {  	_ =	shalt  }
0x86: {  	_ =	shalt  }
0x87: {  	_ =	shalt  }
.Lfunc_end0:
.L_simem_size_0:
called_computation.2_lowered:
.L_overlay_start_0:
0x88: {  	s2 =	sld [smem:$0x3FD9]  }
0x89: {  	s3 =	sld [smem:$0x3FFE];
	_ =	sdelay $0x1  }
0x8a: {  	s1 =	srdreg.scid  }
0x8b: {  	s0 =	sand.u32 $0x1, s1  }
0x8c: {  	s17 =	sshll.u32 s0, $0xA;
	s2 =	sadd.s32 s3, s2  }
0x8d: {  	s2 =	sadd.s32 s2, s17  }
0x8e: {  	[smem:$0x3FBE] =	sst s2  }
0x8f: {  	_ = 	snop  }
0x90: {  	s2 =	sld [smem:$0x3FD0];
	(tm) =	ssettm $0x1  }
0x91: {  	s18 =	sld [smem:$0x3FFB];
	_ =	sdelay $0x3  }
0x92: {  	_ =	strace s18  }
0x93: {  	s3 =	sld [smem:$0x3FFC];
	_ =	sdelay $0x3  }
0x94: {  	_ =	strace s3  }
0x95: {  	s3 =	sld [smem:$0x3FFD];
	_ =	sdelay $0x3  }
0x96: {  	_ =	strace s3  }
0x97: {  	_ =	strace $0x8FFFFFFF  }
0x98: {  	s19 =	sld [smem:$0x3FDB];
	_ =	sdelay $0x1  }
0x99: {  	s4 =	simm.s32 $_scs_section_size  }
0x9a: {  	s5 =	simm.s32 $_size__tile_overlayer_lowered;
	s6 =	simm.s32 $_tile_overlayer_lowered  }
0x9b: {  	s22 =	simm.s32 $0x1BFF;
	s21 =	sshll.u32 s6, $0x1;
	s3 =	sadd.s32 s4, s19  }
0x9c: {  	s7 =	simm.s32 $0x0;
	s20 =	sshll.u32 s5, $0x1;
	s5 =	sadd.s32 s21, s3  }
0x9d: {  	[timem:s7], [sflag:s22] =	dma.local [hbm:s5], s20  }
0x9e: {  	_ =	swait.ge [sflag:s22], s20  }
0x9f: {  	s4 =	ssub.s32 $0x0, s20;
	[sflag:s22] =	ssyncset.done $0x0  }
0xa0: {  	[sflag:s22] =	ssyncadd.s32 s4;
	_ =	sdelay $0x1  }
0xa1: {  	s23 =	simm.s32 $0x1B8B  }
0xa2: {  	_ =	swait.ge [sflag:s23], $0x1  }
0xa3: {  	[sflag:s23] =	ssyncset.done $0x0  }
0xa4: {  	s25 =	simm.s32 $0x1B8E;
	s24 =	sld [smem:$0x3FFE];
	[sflag:s23] =	ssyncadd.s32 $0xFFFFFFFF  }
0xa5: {  	s26 =	simm.s32 $execute0_lowered;
	[smem:$0x3FD2] =	sst s25  }
0xa6: {  	s5 =	sshll.u32 s26, $0x1;
	_ =	strace $0x8000004C;
	[dreg:$0x1] =	wrdreg $0xFFFFFFFF  }
0xa7: {  	s28 =	simm.s32 $_size_execute0_lowered;
	s3 =	sadd.s32 s3, s5;
	[dreg:$0x0] =	wrdreg $0x0  }
0xa8: {  	s5 =	sshll.u32 s28, $0x1;
	[dreg:$0x2] =	wrdreg s3  }
0xa9: {  	[dreg:$0x3] =	wrdreg s5  }
0xaa: {  	[dreg:$0x4] =	wrdreg $0xC0  }
0xab: {  	_ =	task [dreg:s7], $0x5FFFF  }
0xac: {  	[dreg:$0x1] =	wrdreg $0xFFFFFFFF  }
0xad: {  	[dreg:$0x0] =	wrdreg $0x60  }
0xae: {  	[dreg:$0x2] =	wrdreg s24  }
0xaf: {  	[dreg:$0x3] =	wrdreg s2  }
0xb0: {  	[dreg:$0x4] =	wrdreg $0x0  }
0xb1: {  	[dreg:$0x5] =	wrdreg $0x9  }
0xb2: {  	_ =	task.clear_ibuf [dreg:s7], $0x6FFFF;
	_ =	strace $0x9000004C  }
0xb3: {  	s29 =	simm.s32 $0x9;
	_ =	strace $0x8000004E  }
0xb4: {  	_ =	swait.ge [sflag:s29], $0x1  }
0xb5: {  	[sflag:s29] =	ssyncadd.s32 $0xFFFFFFFF  }
0xb6: {  	_ =	strace $0x9000004E  }
0xb7: {  	_ =	sfence  }
0xb8: {  	s30 =	sld [smem:$0x0];
	_ =	sdelay $0x2  }
0xb9: {  	s31 =	sshll.u32 s1, $0xD;
	s1 =	sshrl.u32 s1, $0x2  }
0xba: {  	s3 =	sand.u32 $0x4000, s31;
	s1 =	sadd.s32 s1, s30  }
0xbb: {  	s0 =	sor.u32 s3, s0;
	s1 =	sshll.u32 s1, $0x11  }
0xbc: {  	s0 =	sor.u32 s1, s0  }
0xbd: {  	s0 =	sadd.s32 $0x8F2B, s0  }
0xbe: {  	[sflag:s0] =	ssyncadd.remote.s32 $0x1  }
0xbf: {  	_ =	sfence.sel $0xFFFF  }
0xc0: {  	[dreg:$0x0] =	wrdreg $0xFFFFFFFF;
	(pc) =	sbr.abs _section_cstart, $3  }
0xc1: {  	[dreg:$0x1] =	wrdreg $0xFFFFFFFF  }
0xc2: {  	_ =	task.clear_ibuf [dreg:s7], $0x2FFFF;
	_ =	strace $0x9FFFFFFF  }
0xc3: {  	(tm) =	ssettm $0x7FFFFFFF  }
tec
execute0_lowered:
.L_overlay_start_1:
0x0: {  	(tag) =	ssettag $0x1  }
0x1: {  	s0 =	rddreg [dreg:$0x0]  }
0x2: {  	s2 =	rddreg [dreg:$0x1]  }
0x3: {  	s3 =	rddreg [dreg:$0x2];
	s19 =	stileid.u32  }
0x4: {  	s1 =	srdreg.scid;
	s4 =	simm.s32 $0x0;
	s6 =	smul.u32 $0x18700, s19  }
0x5: {  	s30 =	simm.s32 $0x1;
	s31 =	simm.s32 $0x2;
	s28 =	smul.u32 $0x186A0, s19  }
0x6: {  	s1 =	sand.u32 $0x1, s1;
	[smem:$0x7FF] =	sst s4;
	s29 =	smul.u32 $0x61C00, s19  }
0x7: {  	s5 =	sadd.s32 $0x620000, s0;
	s11 =	sadd.s32 $0x4000, s0;
	s7 =	smul.u32 $0x187000, s1  }
0x8: {  	_ =	strace $0x8000004D;
	s9 =	smul.u32 $0x30D40, s1;
	s1 =	ssub.s32 $0x2, s1  }
0x9: {  	s8 =	sadd.s32 $0x15E00, s6;
	s12 =	sshrl.u32 s1, $0x1;
	s13 =	sadd.s32 $0x9600, s6  }
0xa: {  	s15 =	sadd.s32 $0xC800, s6;
	s17 =	sadd.s32 $0xFA00, s6;
	s20 =	sadd.s32 $0x12C00, s6  }
0xb: {  	s19 =	sadd.s32 $0x960, s28;
	s10 =	sadd.s32 s7, s8;
	s1 =	ssub.s32 s1, s12  }
0xc: {  	s12 =	sadd.s32 $0x6400, s6;
	s14 =	sadd.s32 s7, s6;
	s24 =	sadd.s32 s7, s15  }
0xd: {  	s25 =	sadd.s32 s7, s17;
	s9 =	sadd.s32 s9, s0;
	s15 =	sadd.s32 s15, s3  }
0xe: {  	s17 =	sadd.s32 s17, s3;
	s10 =	sshrl.u32 s10, $0x3;
	s14 =	sshrl.u32 s14, $0x3  }
0xf: {  	s16 =	sadd.s32 s7, s12;
	s26 =	sshrl.u32 s25, $0x3;
	s1 =	smax.u32 s1, $0x1  }
0x10: {  	s12 =	sadd.s32 s12, s3;
	s10 =	sadd.s32 s11, s10;
	[dreg:$0xe] =	wrdreg s1  }
0x11: {  	s14 =	sadd.s32 s11, s14;
	s21 =	sshrl.u32 s16, $0x3;
	[dreg:$0x10] =	wrdreg s12  }
0x12: {  	s16 =	sadd.s32 $0x96A00, s9;
	[dreg:$0x4] =	wrdreg s10;
	s10 =	sadd.s32 $0x3200, s6  }
0x13: {  	[dreg:$0x5] =	wrdreg s14;
	s6 =	sadd.s32 s6, s3;
	s18 =	sadd.s32 s7, s10  }
0x14: {  	s9 =	simm.s32 $0x18700;
	[dreg:$0xd] =	wrdreg s6;
	s14 =	sshrl.u32 s18, $0x3  }
0x15: {  	s18 =	sadd.s32 s7, s13;
	s7 =	sadd.s32 s7, s20;
	s14 =	sadd.s32 s11, s14  }
0x16: {  	s22 =	sshrl.u32 s18, $0x3;
	[dreg:$0x6] =	wrdreg s14;
	s14 =	sadd.s32 s11, s21  }
0x17: {  	s7 =	sshrl.u32 s7, $0x3;
	s23 =	sadd.s32 s11, s22;
	[dreg:$0x7] =	wrdreg s14  }
0x18: {  	s12 =	simm.s32 $0x320;
	s7 =	sadd.s32 s11, s7;
	[dreg:$0x8] =	wrdreg s23  }
0x19: {  	s1 =	simm.s32 $0x0;
	s21 =	sadd.s32 s13, s3;
	[dreg:$0xb] =	wrdreg s7  }
0x1a: {  	s18 =	sadd.s32 $0x640, s28;
	s22 =	sadd.s32 s20, s3;
	[dreg:$0x11] =	wrdreg s21  }
0x1b: {  	s14 =	sshrl.u32 s24, $0x3;
	s23 =	sadd.s32 s8, s3;
	[dreg:$0x13] =	wrdreg s22  }
0x1c: {  	s13 =	simm.s32 $0x18A20;
	s14 =	sadd.s32 s11, s14;
	[dreg:$0x12] =	wrdreg s23  }
0x1d: {  	s20 =	simm.s32 $0x19060;
	[dreg:$0x9] =	wrdreg s14;
	s14 =	sadd.s32 s11, s26  }
0x1e: {  	s24 =	sadd.s32 s10, s3;
	s11 =	sshrl.u32 s28, $0x3;
	[dreg:$0xa] =	wrdreg s14  }
0x1f: {  	s14 =	sadd.s32 $0xF8C00, s0;
	s25 =	sadd.s32 s2, s11;
	[dreg:$0xc] =	wrdreg s11  }
0x20: {  	s0 =	sshrl.u32 s29, $0x2;
	s28 =	sadd.s32 $0x64, s11;
	[dreg:$0x14] =	wrdreg s25  }
0x21: {  	s7 =	simm.s32 $0x199C0;
	s0 =	sadd.s32 s0, s3;
	[dreg:$0x16] =	wrdreg s28  }
0x22: {  	s8 =	simm.s32 $0x3;
	s26 =	sadd.s32 s14, s11;
	[dreg:$0xf] =	wrdreg s0  }
0x23: {  	s10 =	simm.s32 $0x18D40;
	s29 =	sadd.s32 s2, s28;
	[dreg:$0x15] =	wrdreg s26  }
0x24: {  	v1 =	vimm.s32 $0x0;
	vm0 =	vcmask $0x300;
	s21 =	simm.s32 $0x196A0;
	[dreg:$0x17] =	wrdreg s29;
	s0 =	sadd.s32 s14, s28  }
0x25: {  	v0 =	vimm.f32 $0.0e+00;
	v1 =	vsel vm0, $0x3, v1;
	s22 =	simm.s32 $0x1CBC0;
	s11 =	simm.s32 $0x19380;
	[dreg:$0x18] =	wrdreg s0  }
.LBB2_1:
0x26: {  	s0 =	simm.s32 $0x19A00  }
0x27: {  	[tilespmem:s0+$0xFFFFFFC0] =	vst v0  }
0x28: {  	[tilespmem:s0+$0x30] =	vst v0  }
0x29: {  	[tilespmem:s0+$0x20] =	vst v0  }
0x2a: {  	[tilespmem:s0+$0x10] =	vst v0  }
0x2b: {  	[tilespmem:s0+$0x0] =	vst v0  }
0x2c: {  	[tilespmem:s0+$0xFFFFFFF0] =	vst v0  }
0x2d: {  	s6 =	simm.s32 $0x0;
	[tilespmem:s0+$0xFFFFFFE0] =	vst v0  }
.LBB2_2:
0x2e: {  	s6 =	sadd.s32 $0x8, s6;
	[tilespmem:s0+$0xFFFFFFD0] =	vst v0;
	s0 =	sadd.s32 $0x80, s0  }
0x2f: {  	[tilespmem:s0+$0xFFFFFFC0] =	vst v0;
	p0 =	slt.u32 s6, $0x318  }
0x30: {  	[tilespmem:s0+$0x30] =	vst v0  }
.Ltmp0:
0x31: {  	[tilespmem:s0+$0x20] =	vst v0;
	(pc) =	sbr.rel @p0 .LBB2_2-.Ltmp0, $4  }
0x32: {  	[tilespmem:s0+$0x10] =	vst v0  }
0x33: {  	[tilespmem:s0+$0x0] =	vst v0  }
0x34: {  	[tilespmem:s0+$0xFFFFFFF0] =	vst v0  }
0x35: {  	[tilespmem:s0+$0xFFFFFFE0] =	vst v0  }
0x36: {  	[tilespmem:s0+$0xFFFFFFD0] =	vst v0  }
0x37: {  	s0 =	rddreg [dreg:$0xf]  }
0x38: {  	[spmem:s0] =	stream.linear.scatter [tilespmem:s7], [sflag:$0x3], $0x3200, $0x38;
	[tilespmem:$0x1FDC0] =	vst v63  }
0x39: {  	_ =	swait.ge [sflag:s8], $0x3200  }
0x3a: {  	[sflag:s8] =	ssyncset.done $0x0  }
0x3b: {  	[sflag:s8] =	ssyncadd.s32 $0xFFFFCE00  }
0x3c: {  	[spmem:s24] =	stream.linear.scatter [tilespmem:s7], [sflag:$0x3], $0x3200, $0x38;
	[tilespmem:$0x1FDC0] =	vst v63  }
0x3d: {  	_ =	swait.ge [sflag:s8], $0x3200  }
0x3e: {  	[sflag:s8] =	ssyncset.done $0x0  }
0x3f: {  	s6 =	rddreg [dreg:$0x10];
	[sflag:s8] =	ssyncadd.s32 $0xFFFFCE00  }
0x40: {  	[spmem:s6] =	stream.linear.scatter [tilespmem:s7], [sflag:$0x3], $0x3200, $0x38;
	[tilespmem:$0x1FDC0] =	vst v63  }
0x41: {  	_ =	swait.ge [sflag:s8], $0x3200  }
0x42: {  	[sflag:s8] =	ssyncset.done $0x0  }
0x43: {  	s28 =	smov.u32 s24;
	s24 =	rddreg [dreg:$0x11];
	[sflag:s8] =	ssyncadd.s32 $0xFFFFCE00  }
0x44: {  	[spmem:s24] =	stream.linear.scatter [tilespmem:s7], [sflag:$0x3], $0x3200, $0x38;
	[tilespmem:$0x1FDC0] =	vst v63  }
0x45: {  	_ =	swait.ge [sflag:s8], $0x3200  }
0x46: {  	[sflag:s8] =	ssyncset.done $0x0  }
0x47: {  	[sflag:s8] =	ssyncadd.s32 $0xFFFFCE00  }
0x48: {  	[spmem:s15] =	stream.linear.scatter [tilespmem:s7], [sflag:$0x3], $0x3200, $0x38;
	[tilespmem:$0x1FDC0] =	vst v63  }
0x49: {  	_ =	swait.ge [sflag:s8], $0x3200  }
0x4a: {  	[sflag:s8] =	ssyncset.done $0x0  }
0x4b: {  	[sflag:s8] =	ssyncadd.s32 $0xFFFFCE00  }
0x4c: {  	[spmem:s17] =	stream.linear.scatter [tilespmem:s7], [sflag:$0x3], $0x3200, $0x38;
	[tilespmem:$0x1FDC0] =	vst v63  }
0x4d: {  	_ =	swait.ge [sflag:s8], $0x3200  }
0x4e: {  	[sflag:s8] =	ssyncset.done $0x0  }
0x4f: {  	s25 =	rddreg [dreg:$0x13];
	[sflag:s8] =	ssyncadd.s32 $0xFFFFCE00  }
0x50: {  	[spmem:s25] =	stream.linear.scatter [tilespmem:s7], [sflag:$0x3], $0x3200, $0x38;
	[tilespmem:$0x1FDC0] =	vst v63  }
0x51: {  	_ =	swait.ge [sflag:s8], $0x3200  }
0x52: {  	[sflag:s8] =	ssyncset.done $0x0  }
0x53: {  	[sflag:s8] =	ssyncadd.s32 $0xFFFFCE00  }
0x54: {  	[spmem:s23] =	stream.linear.scatter [tilespmem:s7], [sflag:$0x3], $0x2900, $0x38;
	[tilespmem:$0x1FDC0] =	vst v63  }
0x55: {  	_ =	swait.ge [sflag:s8], $0x2900  }
0x56: {  	[sflag:s8] =	ssyncset.done $0x0  }
0x57: {  	[sflag:s8] =	ssyncadd.s32 $0xFFFFD700  }
0x58: {  	[bflag:$0x0] =	sbarrier.arrive $0xFFFF  }
0x59: {  	s6 =	rddreg [dreg:$0xc]  }
0x5a: {  	s0 =	sadd.s32 s6, s16;
	s6 =	simm.s32 $0x0  }
0x5b: {  	[tilespmem:s9], [sflag:$0x3] =	stream.linear.gather [hbm4b:s0+s6], $0x320, $0x38;
	[tilespmem:$0x1FDC0] =	vst v63  }
0x5c: {  	_ =	swait.ge [sflag:s8], $0x320  }
0x5d: {  	[sflag:s8] =	ssyncset.done $0x0  }
0x5e: {  	s29 =	smov.u32 s15;
	s15 =	rddreg [dreg:$0x14];
	[sflag:s8] =	ssyncadd.s32 $0xFFFFFCE0  }
0x5f: {  	[tilespmem:s10], [sflag:$0x3] =	stream.linear.gather [hbm4b:s15+s6], $0x320, $0x38;
	[tilespmem:$0x1FDC0] =	vst v63  }
0x60: {  	_ =	swait.ge [sflag:s8], $0x320  }
0x61: {  	[sflag:s8] =	ssyncset.done $0x0  }
0x62: {  	s26 =	smov.u32 s17;
	s17 =	rddreg [dreg:$0x15];
	[sflag:s8] =	ssyncadd.s32 $0xFFFFFCE0  }
0x63: {  	[tilespmem:s11], [sflag:$0x3] =	stream.linear.gather [hbm4b:s17+s6], $0x320, $0x38;
	[tilespmem:$0x1FDC0] =	vst v63  }
0x64: {  	_ =	swait.ge [sflag:s8], $0x320  }
0x65: {  	[sflag:s8] =	ssyncset.done $0x0  }
0x66: {  	s23 =	rddreg [dreg:$0x16];
	[sflag:s8] =	ssyncadd.s32 $0xFFFFFCE0  }
0x67: {  	[tilespmem:s7], [sflag:$0x1] =	stream.indirect.gather [hbm4b:s5+s12], $0x10, s9, s12, $0xb8;
	[tilespmem:$0x1FDC0] =	vst v63  }
0x68: {  	s0 =	sadd.s32 s23, s16  }
0x69: {  	[tilespmem:s13], [sflag:$0x3] =	stream.linear.gather [hbm4b:s0+s6], $0x320, $0x38;
	[tilespmem:$0x1FDC0] =	vst v63  }
0x6a: {  	_ =	swait.ge [sflag:s8], $0x320  }
0x6b: {  	[sflag:s8] =	ssyncset.done $0x0  }
0x6c: {  	s24 =	rddreg [dreg:$0x17];
	[sflag:s8] =	ssyncadd.s32 $0xFFFFFCE0  }
0x6d: {  	[tilespmem:s20], [sflag:$0x3] =	stream.linear.gather [hbm4b:s24+s6], $0x320, $0x38;
	[tilespmem:$0x1FDC0] =	vst v63  }
0x6e: {  	_ =	swait.ge [sflag:s8], $0x320  }
0x6f: {  	[sflag:s8] =	ssyncset.done $0x0  }
0x70: {  	s25 =	rddreg [dreg:$0x18];
	[sflag:s8] =	ssyncadd.s32 $0xFFFFFCE0  }
0x71: {  	[tilespmem:s21], [sflag:$0x3] =	stream.linear.gather [hbm4b:s25+s6], $0x320, $0x38;
	[tilespmem:$0x1FDC0] =	vst v63  }
0x72: {  	_ =	swait.ge [sflag:s8], $0x320  }
0x73: {  	[sflag:s8] =	ssyncset.done $0x0  }
0x74: {  	s0 =	simm.s32 $0x0;
	[sflag:s8] =	ssyncadd.s32 $0xFFFFFCE0  }
0x75: {  	[tilespmem:s22], [sflag:$0x2] =	stream.indirect.gather [hbm4b:s5+s12], $0x10, s13, s12, $0xb8;
	[tilespmem:$0x1FDC0] =	vst v63  }
.LBB2_4:
0x76: {  	v2 =	vmov s6;
	s15 =	simm.s32 $0x1;
	s17 =	simm.s32 $0x2  }
0x77: {  	s25 =	simm.s32 $0x3;
	s23 =	simm.s32 $0x4;
	v2 =	vshrl.u32 v2, $0x3;
	v3 =	vmov s15;
	v4 =	vmov s17  }
0x78: {  	v5 =	vmov s25;
	v6 =	vmov s23;
	s17 =	simm.s32 $0x5;
	s23 =	simm.s32 $0x6;
	v2 =	vshll.u32 v2, v1  }
0x79: {  	v7 =	vmov s17;
	v8 =	vmov s23;
	v3 =	vshrl.u32 v3, $0x3  }
0x7a: {  	v4 =	vshrl.u32 v4, $0x3;
	v5 =	vshrl.u32 v5, $0x3;
	v6 =	vshrl.u32 v6, $0x3  }
0x7b: {  	v7 =	vshrl.u32 v7, $0x3;
	v8 =	vshrl.u32 v8, $0x3;
	v2 =	vbroadcast v2, $0x0  }
0x7c: {  	s17 =	simm.s32 $0x9;
	s23 =	simm.s32 $0xA;
	v3 =	vshll.u32 v3, v1;
	v4 =	vshll.u32 v4, v1;
	v5 =	vshll.u32 v5, v1  }
0x7d: {  	v6 =	vshll.u32 v6, v1;
	v12 =	vmov s17;
	v13 =	vmov s23  }
0x7e: {  	v3 =	vadd.s32 $0x1, v3;
	v7 =	vshll.u32 v7, v1;
	v4 =	vadd.s32 $0x2, v4  }
0x7f: {  	v8 =	vshll.u32 v8, v1;
	v5 =	vadd.s32 $0x3, v5;
	v13 =	vshrl.u32 v13, $0x3  }
0x80: {  	s24 =	simm.s32 $0x7;
	v3 =	vbroadcast v3, $0x0;
	v9 =	vbroadcast v4, $0x0;
	v4 =	vadd.s32 $0x4, v6  }
0x81: {  	_ =	swait.ge [sflag:s30], $0x3200;
	v5 =	vbroadcast v5, $0x0;
	v6 =	vmov s24;
	v7 =	vadd.s32 $0x5, v7  }
0x82: {  	[sflag:s30] =	ssyncset.done $0x0;
	s24 =	simm.s32 $0xB;
	v18 =	vshll.u32 v13, v1;
	v10 =	vbroadcast v4, $0x0;
	v4 =	vshrl.u32 v6, $0x3  }
0x83: {  	[sflag:s30] =	ssyncadd.s32 $0xFFFFCE00;
	s17 =	simm.s32 $0x19A00;
	v6 =	vadd.s32 $0x6, v8;
	v14 =	vmov s24;
	v4 =	vshll.u32 v4, v1  }
0x84: {  	v13 =	vld [tilespmem:s17+$0xFFFFFFC0];
	v8 =	vbroadcast v7, $0x0;
	v14 =	vshrl.u32 v14, $0x3;
	v7 =	vadd.s32 $0x7, v4  }
0x85: {  	v19 =	vshll.u32 v14, v1;
	v14 =	vld [tilespmem:s17+$0xFFFFFFD0];
	v11 =	vbroadcast v7, $0x0  }
0x86: {  	v2 =	vld.idx.msk [tilespmem:v2+s11+$0x0], $0xffff  }
0x87: {  	v4 =	vld.idx.msk [tilespmem:v3+s11+$0x0], $0xffff  }
0x88: {  	s25 =	simm.s32 $0x8;
	v6 =	vbroadcast v6, $0x0;
	v3 =	vld.idx.msk [tilespmem:v9+s11+$0x0], $0xffff  }
0x89: {  	v12 =	vshrl.u32 v12, $0x3;
	s24 =	simm.s32 $0xD;
	v7 =	vmov s25;
	v5 =	vld.idx.msk [tilespmem:v5+s11+$0x0], $0xffff  }
0x8a: {  	v12 =	vshll.u32 v12, v1;
	s25 =	simm.s32 $0xC;
	v9 =	vshrl.u32 v7, $0x3;
	v7 =	vld.idx.msk [tilespmem:v10+s11+$0x0], $0xffff;
	v10 =	vmov s24  }
0x8b: {  	v12 =	vadd.s32 $0x1, v12;
	v15 =	vmov s25;
	s25 =	simm.s32 $0xE;
	v17 =	vshrl.u32 v10, $0x3;
	v10 =	vld.idx.msk [tilespmem:v11+s11+$0x0], $0xffff  }
0x8c: {  	v18 =	vadd.s32 $0x2, v18;
	v21 =	vadd.s32 $0x3, v19;
	v16 =	vmov s25;
	v11 =	vld [tilespmem:s17+$0x30]  }
0x8d: {  	v15 =	vshrl.u32 v15, $0x3;
	v9 =	vshll.u32 v9, v1;
	v8 =	vld.idx.msk [tilespmem:v8+s11+$0x0], $0xffff;
	v16 =	vshrl.u32 v16, $0x3  }
0x8e: {  	v15 =	vshll.u32 v15, v1;
	v6 =	vld.idx.msk [tilespmem:v6+s11+$0x0], $0xffff;
	v9 =	vbroadcast v9, $0x0;
	v23 =	vshll.u32 v16, v1  }
0x8f: {  	v20 =	vadd.s32 $0x4, v15;
	v22 =	vshll.u32 v17, v1;
	v17 =	vbroadcast v12, $0x0;
	v12 =	vld [tilespmem:s17+$0xFFFFFFE0]  }
0x90: {  	s15 =	simm.s32 $0x10;
	s23 =	simm.s32 $0xF;
	v16 =	vbroadcast v18, $0x0;
	v15 =	vld [tilespmem:s17+$0xFFFFFFF0];
	v18 =	vadd.s32 $0x6, v23;
	v19 =	vadd.s32 $0x5, v22  }
.LBB2_5:
0x91: {  	p0 =	slt.u32 s15, $0x318;
	v21 =	vbroadcast v21, $0x0;
	v22 =	vmov s23;
	v23 =	vld [tilespmem:s17+$0x0];
	v10 =	vmul.f32 v11, v10  }
0x92: {  	v11 =	vbroadcast v20, $0x0;
	v20 =	vshrl.u32 v22, $0x3;
	v13 =	vmul.f32 v13, v2;
	v22 =	vld [tilespmem:s17+$0x10]  }
0x93: {  	v19 =	vbroadcast v19, $0x0;
	v20 =	vshll.u32 v20, v1;
	v14 =	vmul.f32 v14, v4;
	v24 =	vld [tilespmem:s17+$0x20];
	[tilespmem:s17+$0x30] =	vst v10  }
0x94: {  	v2 =	vld.idx.msk [tilespmem:v9+s11+$0x0], $0xffff;
	v9 =	vbroadcast v18, $0x0;
	v10 =	vadd.s32 $0x7, v20;
	[tilespmem:s17+$0xFFFFFFC0] =	vst v13;
	v12 =	vmul.f32 v12, v3  }
0x95: {  	v3 =	vmov s15;
	v4 =	vld.idx.msk [tilespmem:v17+s11+$0x0], $0xffff;
	v10 =	vbroadcast v10, $0x0;
	[tilespmem:s17+$0xFFFFFFD0] =	vst v14;
	v13 =	vmul.f32 v15, v5  }
0x96: {  	s23 =	sadd.s32 $0x1, s15;
	s24 =	sadd.s32 $0x2, s15;
	v14 =	vshrl.u32 v3, $0x3;
	v3 =	vld.idx.msk [tilespmem:v16+s11+$0x0], $0xffff;
	[tilespmem:s17+$0xFFFFFFE0] =	vst v12;
	v12 =	vmul.f32 v23, v7  }
0x97: {  	v15 =	vmov s23;
	s23 =	sadd.s32 $0x3, s15;
	v16 =	vmov s24;
	s24 =	sadd.s32 $0x4, s15;
	v5 =	vld.idx.msk [tilespmem:v21+s11+$0x0], $0xffff;
	[tilespmem:s17+$0xFFFFFFF0] =	vst v13;
	v13 =	vmul.f32 v22, v8  }
0x98: {  	v17 =	vmov s23;
	s23 =	sadd.s32 $0x5, s15;
	v18 =	vmov s24;
	s24 =	sadd.s32 $0x6, s15;
	v7 =	vld.idx.msk [tilespmem:v11+s11+$0x0], $0xffff;
	[tilespmem:s17+$0x0] =	vst v12;
	v11 =	vmul.f32 v24, v6  }
0x99: {  	v12 =	vshll.u32 v14, v1;
	v14 =	vmov s23;
	v20 =	vmov s24;
	v8 =	vld.idx.msk [tilespmem:v19+s11+$0x0], $0xffff;
	[tilespmem:s17+$0x10] =	vst v13  }
0x9a: {  	v13 =	vshrl.u32 v15, $0x3;
	v15 =	vshrl.u32 v16, $0x3;
	v16 =	vshrl.u32 v17, $0x3;
	v6 =	vld.idx.msk [tilespmem:v9+s11+$0x0], $0xffff;
	[tilespmem:s17+$0x20] =	vst v11  }
0x9b: {  	v17 =	vshrl.u32 v18, $0x3;
	v14 =	vshrl.u32 v14, $0x3;
	v18 =	vshrl.u32 v20, $0x3;
	s17 =	sadd.s32 $0x80, s17;
	v10 =	vld.idx.msk [tilespmem:v10+s11+$0x0], $0xffff  }
.Ltmp1:
0x9c: {  	v9 =	vbroadcast v12, $0x0;
	v12 =	vshll.u32 v13, v1;
	v15 =	vshll.u32 v15, v1;
	v11 =	vld [tilespmem:s17+$0x30];
	(pc) =	sbr.rel @p0 .LBB2_5-.Ltmp1, $4  }
0x9d: {  	v16 =	vshll.u32 v16, v1;
	v19 =	vshll.u32 v17, v1;
	v22 =	vshll.u32 v14, v1;
	v13 =	vld [tilespmem:s17+$0xFFFFFFC0]  }
0x9e: {  	v18 =	vshll.u32 v18, v1;
	v12 =	vadd.s32 $0x1, v12;
	v15 =	vadd.s32 $0x2, v15;
	v14 =	vld [tilespmem:s17+$0xFFFFFFD0]  }
0x9f: {  	v21 =	vadd.s32 $0x3, v16;
	v20 =	vadd.s32 $0x4, v19;
	v17 =	vbroadcast v12, $0x0;
	v12 =	vld [tilespmem:s17+$0xFFFFFFE0]  }
0xa0: {  	s23 =	sadd.s32 $0x7, s15;
	s15 =	sadd.s32 $0x8, s15;
	v19 =	vadd.s32 $0x5, v22;
	v18 =	vadd.s32 $0x6, v18;
	v16 =	vbroadcast v15, $0x0;
	v15 =	vld [tilespmem:s17+$0xFFFFFFF0]  }
0xa1: {  	_ = 	snop  }
0xa2: {  	v23 =	vld [tilespmem:s17+$0x0]  }
0xa3: {  	v24 =	vld [tilespmem:s17+$0x10]  }
0xa4: {  	v25 =	vld [tilespmem:s17+$0x20]  }
0xa5: {  	v21 =	vbroadcast v21, $0x0;
	v9 =	vld.idx.msk [tilespmem:v9+s11+$0x0], $0xffff  }
0xa6: {  	v22 =	vmov s23;
	v20 =	vbroadcast v20, $0x0;
	v17 =	vld.idx.msk [tilespmem:v17+s11+$0x0], $0xffff;
	v2 =	vmul.f32 v13, v2  }
0xa7: {  	v19 =	vbroadcast v19, $0x0;
	s15 =	sadd.s32 $0x80, s17;
	v22 =	vshrl.u32 v22, $0x3;
	v16 =	vld.idx.msk [tilespmem:v16+s11+$0x0], $0xffff;
	v4 =	vmul.f32 v14, v4  }
0xa8: {  	v18 =	vbroadcast v18, $0x0;
	v22 =	vshll.u32 v22, v1;
	[tilespmem:s17+$0xFFFFFFC0] =	vst v2;
	v2 =	vmul.f32 v12, v3;
	v3 =	vld [tilespmem:s15+$0x30]  }
0xa9: {  	v22 =	vadd.s32 $0x7, v22;
	[tilespmem:s17+$0xFFFFFFD0] =	vst v4;
	v4 =	vmul.f32 v15, v5;
	v5 =	vld [tilespmem:s15+$0xFFFFFFC0]  }
0xaa: {  	v22 =	vbroadcast v22, $0x0;
	[tilespmem:s17+$0xFFFFFFE0] =	vst v2;
	v2 =	vmul.f32 v23, v7;
	v7 =	vld [tilespmem:s15+$0xFFFFFFD0]  }
0xab: {  	v21 =	vld.idx.msk [tilespmem:v21+s11+$0x0], $0xffff  }
0xac: {  	v10 =	vmul.f32 v11, v10;
	v20 =	vld.idx.msk [tilespmem:v20+s11+$0x0], $0xffff  }
0xad: {  	v11 =	vld.idx.msk [tilespmem:v19+s11+$0x0], $0xffff  }
0xae: {  	[tilespmem:s17+$0x30] =	vst v10;
	v13 =	vld.idx.msk [tilespmem:v18+s11+$0x0], $0xffff  }
0xaf: {  	[tilespmem:s17+$0xFFFFFFF0] =	vst v4;
	v4 =	vmul.f32 v24, v8;
	v8 =	vld [tilespmem:s15+$0xFFFFFFE0]  }
0xb0: {  	[tilespmem:s17+$0x0] =	vst v2;
	v2 =	vmul.f32 v25, v6;
	v10 =	vld.idx.msk [tilespmem:v22+s11+$0x0], $0xffff  }
0xb1: {  	[tilespmem:s17+$0x10] =	vst v4;
	v4 =	vld [tilespmem:s15+$0x0]  }
0xb2: {  	v6 =	vld [tilespmem:s15+$0xFFFFFFF0];
	[tilespmem:s17+$0x20] =	vst v2;
	v2 =	vmul.f32 v5, v9  }
0xb3: {  	v9 =	vld [tilespmem:s15+$0x20];
	v7 =	vmul.f32 v7, v17  }
0xb4: {  	v5 =	vld [tilespmem:s15+$0x10];
	[tilespmem:s15+$0xFFFFFFC0] =	vst v2;
	v2 =	vmul.f32 v8, v16  }
0xb5: {  	[tilespmem:s15+$0xFFFFFFD0] =	vst v7;
	v3 =	vmul.f32 v3, v10  }
0xb6: {  	[tilespmem:s15+$0xFFFFFFE0] =	vst v2;
	v2 =	vmul.f32 v4, v20  }
0xb7: {  	[tilespmem:s15+$0x30] =	vst v3;
	v3 =	vmul.f32 v6, v21  }
0xb8: {  	[tilespmem:s15+$0x0] =	vst v2;
	v2 =	vmul.f32 v9, v13  }
0xb9: {  	[tilespmem:s15+$0xFFFFFFF0] =	vst v3;
	v3 =	vmul.f32 v5, v11  }
0xba: {  	[tilespmem:s15+$0x20] =	vst v2  }
0xbb: {  	s17 =	smul.u32 $0x640, s0;
	[tilespmem:s15+$0x10] =	vst v3  }
0xbc: {  	[spmem:s3] =	stream.indirect.scatter.add.f32 [tilespmem:s7], [sflag:$0x3], $0x10, s10, s12, $0xb8;
	[tilespmem:$0x1FDC0] =	vst v63  }
0xbd: {  	s24 =	sadd.s32 s17, s18;
	_ =	swait.ge [sflag:s8], $0x3200  }
0xbe: {  	s15 =	sshrl.u32 s24, $0x3;
	[sflag:s8] =	ssyncset.done $0x0  }
0xbf: {  	s24 =	simm.s32 $0x0;
	s25 =	sadd.s32 s16, s15;
	[sflag:s8] =	ssyncadd.s32 $0xFFFFCE00  }
0xc0: {  	[tilespmem:s9], [sflag:$0x3] =	stream.linear.gather [hbm4b:s25+s24], $0x320, $0x38;
	[tilespmem:$0x1FDC0] =	vst v63  }
0xc1: {  	s23 =	simm.s32 $0x1;
	_ =	swait.ge [sflag:s8], $0x320  }
0xc2: {  	v3 =	vmov s23;
	s23 =	simm.s32 $0x3;
	[sflag:s8] =	ssyncset.done $0x0  }
0xc3: {  	v5 =	vmov s23;
	s23 =	simm.s32 $0x5;
	s25 =	sadd.s32 s2, s15;
	[sflag:s8] =	ssyncadd.s32 $0xFFFFFCE0  }
0xc4: {  	v2 =	vmov s24;
	[tilespmem:s10], [sflag:$0x3] =	stream.linear.gather [hbm4b:s25+s24], $0x320, $0x38;
	[tilespmem:$0x1FDC0] =	vst v63  }
0xc5: {  	v3 =	vshrl.u32 v3, $0x3;
	v2 =	vshrl.u32 v2, $0x3;
	v7 =	vmov s23;
	_ =	swait.ge [sflag:s8], $0x320  }
0xc6: {  	v5 =	vshrl.u32 v5, $0x3;
	v3 =	vshll.u32 v3, v1;
	v2 =	vshll.u32 v2, v1;
	[sflag:s8] =	ssyncset.done $0x0  }
0xc7: {  	v7 =	vshrl.u32 v7, $0x3;
	v5 =	vshll.u32 v5, v1;
	v3 =	vadd.s32 $0x1, v3;
	s15 =	sadd.s32 s14, s15;
	s25 =	simm.s32 $0x2;
	[sflag:s8] =	ssyncadd.s32 $0xFFFFFCE0  }
0xc8: {  	v2 =	vbroadcast v2, $0x0;
	v7 =	vshll.u32 v7, v1;
	v4 =	vmov s25;
	[tilespmem:s11], [sflag:$0x3] =	stream.linear.gather [hbm4b:s15+s24], $0x320, $0x38;
	[tilespmem:$0x1FDC0] =	vst v63  }
0xc9: {  	v3 =	vbroadcast v3, $0x0;
	v5 =	vadd.s32 $0x3, v5;
	s25 =	simm.s32 $0x4;
	v4 =	vshrl.u32 v4, $0x3;
	_ =	swait.ge [sflag:s8], $0x320  }
0xca: {  	v5 =	vbroadcast v5, $0x0;
	v6 =	vmov s25;
	v4 =	vshll.u32 v4, v1;
	[sflag:s8] =	ssyncset.done $0x0  }
0xcb: {  	s23 =	simm.s32 $0x7;
	v7 =	vadd.s32 $0x5, v7;
	s25 =	simm.s32 $0x6;
	v6 =	vshrl.u32 v6, $0x3;
	v4 =	vadd.s32 $0x2, v4;
	[sflag:s8] =	ssyncadd.s32 $0xFFFFFCE0  }
0xcc: {  	v8 =	vmov s25;
	v6 =	vshll.u32 v6, v1;
	v9 =	vbroadcast v4, $0x0;
	[tilespmem:s7], [sflag:$0x1] =	stream.indirect.gather [hbm4b:s5+s12], $0x10, s9, s12, $0xb8;
	[tilespmem:$0x1FDC0] =	vst v63  }
0xcd: {  	v8 =	vshrl.u32 v8, $0x3;
	v4 =	vadd.s32 $0x4, v6;
	v6 =	vmov s23;
	_ =	swait.ge [sflag:s31], $0x3200  }
0xce: {  	v8 =	vshll.u32 v8, v1;
	v10 =	vbroadcast v4, $0x0;
	v4 =	vshrl.u32 v6, $0x3;
	[sflag:s31] =	ssyncset.done $0x0  }
0xcf: {  	v6 =	vadd.s32 $0x6, v8;
	v8 =	vbroadcast v7, $0x0;
	v4 =	vshll.u32 v4, v1;
	[sflag:s31] =	ssyncadd.s32 $0xFFFFCE00  }
0xd0: {  	v7 =	vadd.s32 $0x7, v4;
	v2 =	vld.idx.msk [tilespmem:v2+s21+$0x0], $0xffff  }
0xd1: {  	s25 =	simm.s32 $0x9;
	v11 =	vbroadcast v7, $0x0;
	v4 =	vld.idx.msk [tilespmem:v3+s21+$0x0], $0xffff  }
0xd2: {  	s24 =	simm.s32 $0x8;
	v12 =	vmov s25;
	s25 =	simm.s32 $0xC;
	v3 =	vld.idx.msk [tilespmem:v9+s21+$0x0], $0xffff  }
0xd3: {  	s23 =	simm.s32 $0xA;
	v15 =	vmov s25;
	s25 =	simm.s32 $0xE;
	v12 =	vshrl.u32 v12, $0x3;
	v7 =	vmov s24;
	v5 =	vld.idx.msk [tilespmem:v5+s21+$0x0], $0xffff  }
0xd4: {  	v13 =	vmov s23;
	v16 =	vmov s25;
	s24 =	simm.s32 $0xB;
	v9 =	vshrl.u32 v7, $0x3;
	v7 =	vld.idx.msk [tilespmem:v10+s21+$0x0], $0xffff  }
0xd5: {  	s15 =	simm.s32 $0x1CC00;
	v15 =	vshrl.u32 v15, $0x3;
	v13 =	vshrl.u32 v13, $0x3;
	v14 =	vmov s24;
	s24 =	simm.s32 $0xD;
	v8 =	vld.idx.msk [tilespmem:v8+s21+$0x0], $0xffff  }
0xd6: {  	v6 =	vbroadcast v6, $0x0;
	v18 =	vshll.u32 v13, v1;
	v10 =	vmov s24;
	v13 =	vld [tilespmem:s15+$0xFFFFFFC0]  }
0xd7: {  	v12 =	vshll.u32 v12, v1;
	v16 =	vshrl.u32 v16, $0x3;
	v17 =	vshrl.u32 v10, $0x3;
	v10 =	vld.idx.msk [tilespmem:v11+s21+$0x0], $0xffff  }
0xd8: {  	v15 =	vshll.u32 v15, v1;
	v12 =	vadd.s32 $0x1, v12;
	v14 =	vshrl.u32 v14, $0x3;
	v11 =	vld [tilespmem:s15+$0x30]  }
0xd9: {  	v23 =	vshll.u32 v16, v1;
	v19 =	vshll.u32 v14, v1;
	v14 =	vld [tilespmem:s15+$0xFFFFFFD0];
	v9 =	vshll.u32 v9, v1  }
0xda: {  	v20 =	vadd.s32 $0x4, v15;
	v18 =	vadd.s32 $0x2, v18;
	v15 =	vld [tilespmem:s15+$0xFFFFFFF0];
	v9 =	vbroadcast v9, $0x0  }
0xdb: {  	v16 =	vbroadcast v18, $0x0;
	v22 =	vshll.u32 v17, v1;
	v17 =	vbroadcast v12, $0x0;
	v12 =	vld [tilespmem:s15+$0xFFFFFFE0]  }
0xdc: {  	s23 =	simm.s32 $0x10;
	v18 =	vadd.s32 $0x6, v23;
	s24 =	simm.s32 $0xF;
	v6 =	vld.idx.msk [tilespmem:v6+s21+$0x0], $0xffff;
	v21 =	vadd.s32 $0x3, v19;
	v19 =	vadd.s32 $0x5, v22  }
.LBB2_7:
0xdd: {  	p0 =	slt.u32 s23, $0x318;
	v21 =	vbroadcast v21, $0x0;
	v22 =	vmov s24;
	v23 =	vld [tilespmem:s15+$0x0];
	v10 =	vmul.f32 v11, v10  }
0xde: {  	v11 =	vbroadcast v20, $0x0;
	v20 =	vshrl.u32 v22, $0x3;
	v13 =	vmul.f32 v13, v2;
	v22 =	vld [tilespmem:s15+$0x10]  }
0xdf: {  	v19 =	vbroadcast v19, $0x0;
	v20 =	vshll.u32 v20, v1;
	v14 =	vmul.f32 v14, v4;
	v24 =	vld [tilespmem:s15+$0x20];
	[tilespmem:s15+$0x30] =	vst v10  }
0xe0: {  	v2 =	vld.idx.msk [tilespmem:v9+s21+$0x0], $0xffff;
	v9 =	vbroadcast v18, $0x0;
	v10 =	vadd.s32 $0x7, v20;
	[tilespmem:s15+$0xFFFFFFC0] =	vst v13;
	v12 =	vmul.f32 v12, v3  }
0xe1: {  	v3 =	vmov s23;
	v4 =	vld.idx.msk [tilespmem:v17+s21+$0x0], $0xffff;
	v10 =	vbroadcast v10, $0x0;
	[tilespmem:s15+$0xFFFFFFD0] =	vst v14;
	v13 =	vmul.f32 v15, v5  }
0xe2: {  	s24 =	sadd.s32 $0x1, s23;
	s25 =	sadd.s32 $0x2, s23;
	v14 =	vshrl.u32 v3, $0x3;
	v3 =	vld.idx.msk [tilespmem:v16+s21+$0x0], $0xffff;
	[tilespmem:s15+$0xFFFFFFE0] =	vst v12;
	v12 =	vmul.f32 v23, v7  }
0xe3: {  	v15 =	vmov s24;
	s24 =	sadd.s32 $0x3, s23;
	v16 =	vmov s25;
	s25 =	sadd.s32 $0x4, s23;
	v5 =	vld.idx.msk [tilespmem:v21+s21+$0x0], $0xffff;
	[tilespmem:s15+$0xFFFFFFF0] =	vst v13;
	v13 =	vmul.f32 v22, v8  }
0xe4: {  	v17 =	vmov s24;
	s24 =	sadd.s32 $0x5, s23;
	v18 =	vmov s25;
	s25 =	sadd.s32 $0x6, s23;
	v7 =	vld.idx.msk [tilespmem:v11+s21+$0x0], $0xffff;
	[tilespmem:s15+$0x0] =	vst v12;
	v11 =	vmul.f32 v24, v6  }
0xe5: {  	v12 =	vshll.u32 v14, v1;
	v14 =	vmov s24;
	v20 =	vmov s25;
	v8 =	vld.idx.msk [tilespmem:v19+s21+$0x0], $0xffff;
	[tilespmem:s15+$0x10] =	vst v13  }
0xe6: {  	v13 =	vshrl.u32 v15, $0x3;
	v15 =	vshrl.u32 v16, $0x3;
	v16 =	vshrl.u32 v17, $0x3;
	v6 =	vld.idx.msk [tilespmem:v9+s21+$0x0], $0xffff;
	[tilespmem:s15+$0x20] =	vst v11  }
0xe7: {  	v17 =	vshrl.u32 v18, $0x3;
	v14 =	vshrl.u32 v14, $0x3;
	v18 =	vshrl.u32 v20, $0x3;
	s15 =	sadd.s32 $0x80, s15;
	v10 =	vld.idx.msk [tilespmem:v10+s21+$0x0], $0xffff  }
.Ltmp2:
0xe8: {  	v9 =	vbroadcast v12, $0x0;
	v12 =	vshll.u32 v13, v1;
	v15 =	vshll.u32 v15, v1;
	v11 =	vld [tilespmem:s15+$0x30];
	(pc) =	sbr.rel @p0 .LBB2_7-.Ltmp2, $4  }
0xe9: {  	v16 =	vshll.u32 v16, v1;
	v19 =	vshll.u32 v17, v1;
	v22 =	vshll.u32 v14, v1;
	v13 =	vld [tilespmem:s15+$0xFFFFFFC0]  }
0xea: {  	v18 =	vshll.u32 v18, v1;
	v12 =	vadd.s32 $0x1, v12;
	v15 =	vadd.s32 $0x2, v15;
	v14 =	vld [tilespmem:s15+$0xFFFFFFD0]  }
0xeb: {  	v21 =	vadd.s32 $0x3, v16;
	v20 =	vadd.s32 $0x4, v19;
	v17 =	vbroadcast v12, $0x0;
	v12 =	vld [tilespmem:s15+$0xFFFFFFE0]  }
0xec: {  	s24 =	sadd.s32 $0x7, s23;
	s23 =	sadd.s32 $0x8, s23;
	v19 =	vadd.s32 $0x5, v22;
	v18 =	vadd.s32 $0x6, v18;
	v16 =	vbroadcast v15, $0x0;
	v15 =	vld [tilespmem:s15+$0xFFFFFFF0]  }
0xed: {  	_ = 	snop  }
0xee: {  	v23 =	vld [tilespmem:s15+$0x0]  }
0xef: {  	v24 =	vld [tilespmem:s15+$0x10]  }
0xf0: {  	v25 =	vld [tilespmem:s15+$0x20]  }
0xf1: {  	v9 =	vld.idx.msk [tilespmem:v9+s21+$0x0], $0xffff  }
0xf2: {  	v22 =	vmov s24;
	v17 =	vld.idx.msk [tilespmem:v17+s21+$0x0], $0xffff  }
0xf3: {  	s23 =	sadd.s32 $0x80, s15;
	v22 =	vshrl.u32 v22, $0x3;
	v16 =	vld.idx.msk [tilespmem:v16+s21+$0x0], $0xffff  }
0xf4: {  	v56 =	vld [tilespmem:s23+$0xFFFFFFC0];
	v22 =	vshll.u32 v22, v1  }
0xf5: {  	v57 =	vld [tilespmem:s23+$0xFFFFFFD0];
	v22 =	vadd.s32 $0x7, v22  }
0xf6: {  	v2 =	vmul.f32 v13, v2;
	v59 =	vld [tilespmem:s23+$0xFFFFFFE0];
	v22 =	vbroadcast v22, $0x0  }
0xf7: {  	v20 =	vbroadcast v20, $0x0;
	v10 =	vmul.f32 v11, v10;
	v60 =	vld [tilespmem:s23+$0xFFFFFFF0]  }
0xf8: {  	v21 =	vbroadcast v21, $0x0;
	v61 =	vld [tilespmem:s23+$0x0];
	[tilespmem:s15+$0xFFFFFFC0] =	vst v2;
	v2 =	vmul.f32 v12, v3  }
0xf9: {  	v18 =	vbroadcast v18, $0x0;
	v62 =	vld [tilespmem:s23+$0x10];
	v4 =	vmul.f32 v14, v4;
	[tilespmem:s15+$0x30] =	vst v10  }
0xfa: {  	v19 =	vbroadcast v19, $0x0;
	v63 =	vld [tilespmem:s23+$0x20];
	[tilespmem:s15+$0xFFFFFFE0] =	vst v2;
	v2 =	vmul.f32 v23, v7  }
0xfb: {  	v3 =	vld [tilespmem:s23+$0x30];
	[tilespmem:s15+$0xFFFFFFD0] =	vst v4;
	v55 =	vmul.f32 v15, v5  }
0xfc: {  	[tilespmem:s15+$0x0] =	vst v2;
	v2 =	vmul.f32 v25, v6;
	v54 =	vld.idx.msk [tilespmem:v22+s21+$0x0], $0xffff  }
0xfd: {  	v58 =	vmul.f32 v24, v8;
	v20 =	vld.idx.msk [tilespmem:v20+s21+$0x0], $0xffff;
	[tilespmem:s15+$0xFFFFFFF0] =	vst v55  }
0xfe: {  	v21 =	vld.idx.msk [tilespmem:v21+s21+$0x0], $0xffff;
	[tilespmem:s15+$0x20] =	vst v2;
	v2 =	vmul.f32 v56, v9  }
0xff: {  	v53 =	vld.idx.msk [tilespmem:v18+s21+$0x0], $0xffff;
	v7 =	vmul.f32 v57, v17;
	[tilespmem:s15+$0x10] =	vst v58  }
0x100: {  	v52 =	vld.idx.msk [tilespmem:v19+s21+$0x0], $0xffff;
	[tilespmem:s23+$0xFFFFFFC0] =	vst v2;
	v2 =	vmul.f32 v59, v16  }
0x101: {  	[tilespmem:s23+$0xFFFFFFD0] =	vst v7;
	v3 =	vmul.f32 v3, v54  }
0x102: {  	[tilespmem:s23+$0xFFFFFFE0] =	vst v2;
	v2 =	vmul.f32 v61, v20  }
0x103: {  	[tilespmem:s23+$0x30] =	vst v3;
	v3 =	vmul.f32 v60, v21  }
0x104: {  	[tilespmem:s23+$0x0] =	vst v2;
	v2 =	vmul.f32 v63, v53  }
0x105: {  	[tilespmem:s23+$0xFFFFFFF0] =	vst v3;
	v3 =	vmul.f32 v62, v52  }
0x106: {  	p0 =	seq.s32 s0, $0x3D;
	[tilespmem:s23+$0x20] =	vst v2  }
.Ltmp3:
0x107: {  	[tilespmem:s23+$0x10] =	vst v3;
	(pc) =	sbr.rel @p0 .LBB2_10-.Ltmp3, $4  }
0x108: {  	[spmem:s3] =	stream.indirect.scatter.add.f32 [tilespmem:s22], [sflag:$0x3], $0x10, s20, s12, $0xb8;
	[tilespmem:$0x1FDC0] =	vst v63  }
0x109: {  	_ =	swait.ge [sflag:s8], $0x3200  }
0x10a: {  	[sflag:s8] =	ssyncset.done $0x0  }
0x10b: {  	[sflag:s8] =	ssyncadd.s32 $0xFFFFCE00  }
0x10c: {  	s15 =	sadd.s32 s17, s19  }
0x10d: {  	s15 =	sshrl.u32 s15, $0x3  }
0x10e: {  	s24 =	sadd.s32 s16, s15  }
0x10f: {  	[tilespmem:s13], [sflag:$0x3] =	stream.linear.gather [hbm4b:s24+s4], $0x320, $0x38;
	[tilespmem:$0x1FDC0] =	vst v63  }
0x110: {  	_ =	swait.ge [sflag:s8], $0x320  }
0x111: {  	[sflag:s8] =	ssyncset.done $0x0  }
0x112: {  	s25 =	sadd.s32 s2, s15;
	[sflag:s8] =	ssyncadd.s32 $0xFFFFFCE0  }
0x113: {  	[tilespmem:s20], [sflag:$0x3] =	stream.linear.gather [hbm4b:s25+s4], $0x320, $0x38;
	[tilespmem:$0x1FDC0] =	vst v63  }
0x114: {  	_ =	swait.ge [sflag:s8], $0x320  }
0x115: {  	[sflag:s8] =	ssyncset.done $0x0  }
0x116: {  	s15 =	sadd.s32 s14, s15;
	[sflag:s8] =	ssyncadd.s32 $0xFFFFFCE0  }
0x117: {  	[tilespmem:s21], [sflag:$0x3] =	stream.linear.gather [hbm4b:s15+s4], $0x320, $0x38;
	[tilespmem:$0x1FDC0] =	vst v63  }
.Ltmp4:
0x118: {  	_ = 	snop;
	(pc) =	sbr.rel .LBB2_4-.Ltmp4, $4  }
0x119: {  	_ =	swait.ge [sflag:s8], $0x320  }
0x11a: {  	[sflag:s8] =	ssyncset.done $0x0  }
0x11b: {  	s0 =	sadd.s32 $0x1, s0;
	[sflag:s8] =	ssyncadd.s32 $0xFFFFFCE0  }
0x11c: {  	[tilespmem:s22], [sflag:$0x2] =	stream.indirect.gather [hbm4b:s5+s12], $0x10, s13, s12, $0xb8;
	[tilespmem:$0x1FDC0] =	vst v63  }
.LBB2_10:
0x11d: {  	s0 =	simm.s32 $0x0;
	s24 =	simm.s32 $0x1;
	s6 =	simm.s32 $0x2  }
0x11e: {  	s25 =	simm.s32 $0x3;
	s15 =	simm.s32 $0x4;
	s17 =	simm.s32 $0x5;
	v2 =	vmov s0;
	v3 =	vmov s24;
	v4 =	vmov s6  }
0x11f: {  	s23 =	simm.s32 $0x6;
	v5 =	vmov s25;
	v6 =	vmov s15;
	v7 =	vmov s17  }
0x120: {  	v8 =	vmov s23;
	v2 =	vshrl.u32 v2, $0x3;
	v3 =	vshrl.u32 v3, $0x3  }
0x121: {  	s15 =	simm.s32 $0xA;
	v4 =	vshrl.u32 v4, $0x3;
	v5 =	vshrl.u32 v5, $0x3;
	v6 =	vshrl.u32 v6, $0x3  }
0x122: {  	s17 =	simm.s32 $0xB;
	s23 =	simm.s32 $0xC;
	v7 =	vshrl.u32 v7, $0x3;
	v8 =	vshrl.u32 v8, $0x3;
	v13 =	vmov s15  }
0x123: {  	v14 =	vmov s17;
	v15 =	vmov s23;
	v2 =	vshll.u32 v2, v1  }
0x124: {  	v3 =	vshll.u32 v3, v1;
	v4 =	vshll.u32 v4, v1;
	v5 =	vshll.u32 v5, v1  }
0x125: {  	v6 =	vshll.u32 v6, v1;
	v7 =	vshll.u32 v7, v1;
	v8 =	vshll.u32 v8, v1  }
0x126: {  	v13 =	vshrl.u32 v13, $0x3;
	v14 =	vshrl.u32 v14, $0x3;
	v15 =	vshrl.u32 v15, $0x3  }
0x127: {  	s24 =	simm.s32 $0x7;
	v2 =	vbroadcast v2, $0x0;
	v3 =	vadd.s32 $0x1, v3;
	v4 =	vadd.s32 $0x2, v4  }
0x128: {  	_ =	swait.ge [sflag:s30], $0x3200;
	v9 =	vbroadcast v4, $0x0;
	v4 =	vadd.s32 $0x4, v6;
	v6 =	vmov s24  }
0x129: {  	[sflag:s30] =	ssyncset.done $0x0;
	v3 =	vbroadcast v3, $0x0;
	v10 =	vbroadcast v4, $0x0;
	v4 =	vshrl.u32 v6, $0x3  }
0x12a: {  	s0 =	simm.s32 $0x19A00;
	[sflag:s30] =	ssyncadd.s32 $0xFFFFCE00;
	v7 =	vadd.s32 $0x5, v7;
	v18 =	vshll.u32 v13, v1;
	v4 =	vshll.u32 v4, v1  }
0x12b: {  	v13 =	vld [tilespmem:s0+$0xFFFFFFC0];
	v6 =	vadd.s32 $0x6, v8;
	v8 =	vbroadcast v7, $0x0;
	v7 =	vadd.s32 $0x7, v4  }
0x12c: {  	v19 =	vshll.u32 v14, v1;
	v15 =	vshll.u32 v15, v1;
	v14 =	vld [tilespmem:s0+$0xFFFFFFD0];
	v11 =	vbroadcast v7, $0x0  }
0x12d: {  	v5 =	vadd.s32 $0x3, v5;
	v20 =	vadd.s32 $0x4, v15;
	v15 =	vld [tilespmem:s0+$0xFFFFFFF0]  }
0x12e: {  	s6 =	simm.s32 $0x9;
	v5 =	vbroadcast v5, $0x0;
	v2 =	vld.idx.msk [tilespmem:v2+s11+$0x0], $0xffff  }
0x12f: {  	s25 =	simm.s32 $0x8;
	v12 =	vmov s6;
	v4 =	vld.idx.msk [tilespmem:v3+s11+$0x0], $0xffff  }
0x130: {  	v12 =	vshrl.u32 v12, $0x3;
	s24 =	simm.s32 $0xD;
	v7 =	vmov s25;
	v3 =	vld.idx.msk [tilespmem:v9+s11+$0x0], $0xffff  }
0x131: {  	v6 =	vbroadcast v6, $0x0;
	v9 =	vshrl.u32 v7, $0x3;
	v7 =	vld.idx.msk [tilespmem:v10+s11+$0x0], $0xffff;
	v10 =	vmov s24  }
0x132: {  	v12 =	vshll.u32 v12, v1;
	v17 =	vshrl.u32 v10, $0x3;
	v10 =	vld.idx.msk [tilespmem:v11+s11+$0x0], $0xffff  }
0x133: {  	v12 =	vadd.s32 $0x1, v12;
	s25 =	simm.s32 $0xE;
	v11 =	vld [tilespmem:s0+$0x30]  }
0x134: {  	v18 =	vadd.s32 $0x2, v18;
	v16 =	vmov s25;
	v5 =	vld.idx.msk [tilespmem:v5+s11+$0x0], $0xffff;
	v9 =	vshll.u32 v9, v1  }
0x135: {  	v21 =	vadd.s32 $0x3, v19;
	v16 =	vshrl.u32 v16, $0x3;
	v8 =	vld.idx.msk [tilespmem:v8+s11+$0x0], $0xffff;
	v9 =	vbroadcast v9, $0x0  }
0x136: {  	v23 =	vshll.u32 v16, v1;
	v22 =	vshll.u32 v17, v1;
	v17 =	vbroadcast v12, $0x0;
	v12 =	vld [tilespmem:s0+$0xFFFFFFE0]  }
0x137: {  	s15 =	simm.s32 $0xF;
	s6 =	simm.s32 $0x10;
	v16 =	vbroadcast v18, $0x0;
	v6 =	vld.idx.msk [tilespmem:v6+s11+$0x0], $0xffff;
	v18 =	vadd.s32 $0x6, v23;
	v19 =	vadd.s32 $0x5, v22  }
.LBB2_11:
0x138: {  	p0 =	slt.u32 s6, $0x318;
	v21 =	vbroadcast v21, $0x0;
	v22 =	vmov s15;
	v23 =	vld [tilespmem:s0+$0x0];
	v10 =	vmul.f32 v11, v10  }
0x139: {  	v11 =	vbroadcast v20, $0x0;
	v20 =	vshrl.u32 v22, $0x3;
	v13 =	vmul.f32 v13, v2;
	v22 =	vld [tilespmem:s0+$0x10]  }
0x13a: {  	v19 =	vbroadcast v19, $0x0;
	v20 =	vshll.u32 v20, v1;
	v14 =	vmul.f32 v14, v4;
	v24 =	vld [tilespmem:s0+$0x20];
	[tilespmem:s0+$0x30] =	vst v10  }
0x13b: {  	v2 =	vld.idx.msk [tilespmem:v9+s11+$0x0], $0xffff;
	v9 =	vbroadcast v18, $0x0;
	v10 =	vadd.s32 $0x7, v20;
	[tilespmem:s0+$0xFFFFFFC0] =	vst v13;
	v12 =	vmul.f32 v12, v3  }
0x13c: {  	v3 =	vmov s6;
	v4 =	vld.idx.msk [tilespmem:v17+s11+$0x0], $0xffff;
	v10 =	vbroadcast v10, $0x0;
	[tilespmem:s0+$0xFFFFFFD0] =	vst v14;
	v13 =	vmul.f32 v15, v5  }
0x13d: {  	s15 =	sadd.s32 $0x1, s6;
	s17 =	sadd.s32 $0x2, s6;
	v14 =	vshrl.u32 v3, $0x3;
	v3 =	vld.idx.msk [tilespmem:v16+s11+$0x0], $0xffff;
	[tilespmem:s0+$0xFFFFFFE0] =	vst v12;
	v12 =	vmul.f32 v23, v7  }
0x13e: {  	v15 =	vmov s15;
	s15 =	sadd.s32 $0x3, s6;
	v16 =	vmov s17;
	s17 =	sadd.s32 $0x4, s6;
	v5 =	vld.idx.msk [tilespmem:v21+s11+$0x0], $0xffff;
	[tilespmem:s0+$0xFFFFFFF0] =	vst v13;
	v13 =	vmul.f32 v22, v8  }
0x13f: {  	v17 =	vmov s15;
	s15 =	sadd.s32 $0x5, s6;
	v18 =	vmov s17;
	s17 =	sadd.s32 $0x6, s6;
	v7 =	vld.idx.msk [tilespmem:v11+s11+$0x0], $0xffff;
	[tilespmem:s0+$0x0] =	vst v12;
	v11 =	vmul.f32 v24, v6  }
0x140: {  	v12 =	vshll.u32 v14, v1;
	v14 =	vmov s15;
	v20 =	vmov s17;
	v8 =	vld.idx.msk [tilespmem:v19+s11+$0x0], $0xffff;
	[tilespmem:s0+$0x10] =	vst v13  }
0x141: {  	v13 =	vshrl.u32 v15, $0x3;
	v15 =	vshrl.u32 v16, $0x3;
	v16 =	vshrl.u32 v17, $0x3;
	v6 =	vld.idx.msk [tilespmem:v9+s11+$0x0], $0xffff;
	[tilespmem:s0+$0x20] =	vst v11  }
0x142: {  	v17 =	vshrl.u32 v18, $0x3;
	v14 =	vshrl.u32 v14, $0x3;
	v18 =	vshrl.u32 v20, $0x3;
	s0 =	sadd.s32 $0x80, s0;
	v10 =	vld.idx.msk [tilespmem:v10+s11+$0x0], $0xffff  }
.Ltmp5:
0x143: {  	v9 =	vbroadcast v12, $0x0;
	v12 =	vshll.u32 v13, v1;
	v15 =	vshll.u32 v15, v1;
	v11 =	vld [tilespmem:s0+$0x30];
	(pc) =	sbr.rel @p0 .LBB2_11-.Ltmp5, $4  }
0x144: {  	v16 =	vshll.u32 v16, v1;
	v19 =	vshll.u32 v17, v1;
	v22 =	vshll.u32 v14, v1;
	v13 =	vld [tilespmem:s0+$0xFFFFFFC0]  }
0x145: {  	v18 =	vshll.u32 v18, v1;
	v12 =	vadd.s32 $0x1, v12;
	v15 =	vadd.s32 $0x2, v15;
	v14 =	vld [tilespmem:s0+$0xFFFFFFD0]  }
0x146: {  	v21 =	vadd.s32 $0x3, v16;
	v20 =	vadd.s32 $0x4, v19;
	v17 =	vbroadcast v12, $0x0;
	v12 =	vld [tilespmem:s0+$0xFFFFFFE0]  }
0x147: {  	s15 =	sadd.s32 $0x7, s6;
	s6 =	sadd.s32 $0x8, s6;
	v19 =	vadd.s32 $0x5, v22;
	v18 =	vadd.s32 $0x6, v18;
	v16 =	vbroadcast v15, $0x0;
	v15 =	vld [tilespmem:s0+$0xFFFFFFF0]  }
0x148: {  	_ = 	snop  }
0x149: {  	v23 =	vld [tilespmem:s0+$0x0]  }
0x14a: {  	v24 =	vld [tilespmem:s0+$0x10]  }
0x14b: {  	v25 =	vld [tilespmem:s0+$0x20]  }
0x14c: {  	v9 =	vld.idx.msk [tilespmem:v9+s11+$0x0], $0xffff  }
0x14d: {  	v22 =	vmov s15;
	v17 =	vld.idx.msk [tilespmem:v17+s11+$0x0], $0xffff  }
0x14e: {  	s6 =	sadd.s32 $0x80, s0;
	v22 =	vshrl.u32 v22, $0x3;
	v16 =	vld.idx.msk [tilespmem:v16+s11+$0x0], $0xffff  }
0x14f: {  	v56 =	vld [tilespmem:s6+$0xFFFFFFC0];
	v22 =	vshll.u32 v22, v1  }
0x150: {  	v57 =	vld [tilespmem:s6+$0xFFFFFFD0];
	v22 =	vadd.s32 $0x7, v22  }
0x151: {  	v2 =	vmul.f32 v13, v2;
	v59 =	vld [tilespmem:s6+$0xFFFFFFE0];
	v22 =	vbroadcast v22, $0x0  }
0x152: {  	v20 =	vbroadcast v20, $0x0;
	v10 =	vmul.f32 v11, v10;
	v60 =	vld [tilespmem:s6+$0xFFFFFFF0]  }
0x153: {  	v21 =	vbroadcast v21, $0x0;
	v61 =	vld [tilespmem:s6+$0x0];
	[tilespmem:s0+$0xFFFFFFC0] =	vst v2;
	v2 =	vmul.f32 v12, v3  }
0x154: {  	v18 =	vbroadcast v18, $0x0;
	v62 =	vld [tilespmem:s6+$0x10];
	v4 =	vmul.f32 v14, v4;
	[tilespmem:s0+$0x30] =	vst v10  }
0x155: {  	v19 =	vbroadcast v19, $0x0;
	v63 =	vld [tilespmem:s6+$0x20];
	[tilespmem:s0+$0xFFFFFFE0] =	vst v2;
	v2 =	vmul.f32 v23, v7  }
0x156: {  	v3 =	vld [tilespmem:s6+$0x30];
	[tilespmem:s0+$0xFFFFFFD0] =	vst v4;
	v55 =	vmul.f32 v15, v5  }
0x157: {  	[tilespmem:s0+$0x0] =	vst v2;
	v2 =	vmul.f32 v25, v6;
	v54 =	vld.idx.msk [tilespmem:v22+s11+$0x0], $0xffff  }
0x158: {  	v58 =	vmul.f32 v24, v8;
	v20 =	vld.idx.msk [tilespmem:v20+s11+$0x0], $0xffff;
	[tilespmem:s0+$0xFFFFFFF0] =	vst v55  }
0x159: {  	v21 =	vld.idx.msk [tilespmem:v21+s11+$0x0], $0xffff;
	[tilespmem:s0+$0x20] =	vst v2;
	v2 =	vmul.f32 v56, v9  }
0x15a: {  	v53 =	vld.idx.msk [tilespmem:v18+s11+$0x0], $0xffff;
	v7 =	vmul.f32 v57, v17;
	[tilespmem:s0+$0x10] =	vst v58  }
0x15b: {  	v52 =	vld.idx.msk [tilespmem:v19+s11+$0x0], $0xffff;
	[tilespmem:s6+$0xFFFFFFC0] =	vst v2;
	v2 =	vmul.f32 v59, v16  }
0x15c: {  	[tilespmem:s6+$0xFFFFFFD0] =	vst v7;
	v3 =	vmul.f32 v3, v54  }
0x15d: {  	[tilespmem:s6+$0xFFFFFFE0] =	vst v2;
	v2 =	vmul.f32 v61, v20  }
0x15e: {  	[tilespmem:s6+$0x30] =	vst v3;
	v3 =	vmul.f32 v60, v21  }
0x15f: {  	[tilespmem:s6+$0x0] =	vst v2;
	v2 =	vmul.f32 v63, v53  }
0x160: {  	[tilespmem:s6+$0xFFFFFFF0] =	vst v3;
	v3 =	vmul.f32 v62, v52  }
0x161: {  	[tilespmem:s6+$0x20] =	vst v2  }
0x162: {  	[tilespmem:s6+$0x10] =	vst v3  }
0x163: {  	[spmem:s3] =	stream.indirect.scatter.add.f32 [tilespmem:s7], [sflag:$0x3], $0x10, s10, s12, $0xb8;
	[tilespmem:$0x1FDC0] =	vst v63  }
0x164: {  	_ =	swait.ge [sflag:s8], $0x3200  }
0x165: {  	[sflag:s8] =	ssyncset.done $0x0  }
0x166: {  	[sflag:s8] =	ssyncadd.s32 $0xFFFFCE00  }
0x167: {  	[bflag:$0x0] =	sbarrier.arrive $0xFFFF  }
0x168: {  	s15 =	rddreg [dreg:$0xd]  }
0x169: {  	[tilespmem:s7], [sflag:$0x3] =	stream.linear.gather [spmem:s15], $0x3200, $0x38;
	[tilespmem:$0x1FDC0] =	vst v63  }
0x16a: {  	_ =	swait.ge [sflag:s8], $0x3200  }
0x16b: {  	[sflag:s8] =	ssyncset.done $0x0  }
0x16c: {  	s17 =	rddreg [dreg:$0x5];
	[sflag:s8] =	ssyncadd.s32 $0xFFFFCE00  }
0x16d: {  	[hbm4b:s17+s4] =	stream.linear.scatter [tilespmem:s7], [sflag:$0x3], $0x3200, $0x38;
	[tilespmem:$0x1FDC0] =	vst v63  }
0x16e: {  	_ =	swait.ge [sflag:s8], $0x3200  }
0x16f: {  	[sflag:s8] =	ssyncset.done $0x0  }
0x170: {  	[sflag:s8] =	ssyncadd.s32 $0xFFFFCE00  }
0x171: {  	[tilespmem:s7], [sflag:$0x3] =	stream.linear.gather [spmem:s28], $0x3200, $0x38;
	[tilespmem:$0x1FDC0] =	vst v63  }
0x172: {  	_ =	swait.ge [sflag:s8], $0x3200  }
0x173: {  	[sflag:s8] =	ssyncset.done $0x0  }
0x174: {  	s23 =	rddreg [dreg:$0x6];
	[sflag:s8] =	ssyncadd.s32 $0xFFFFCE00  }
0x175: {  	[hbm4b:s23+s4] =	stream.linear.scatter [tilespmem:s7], [sflag:$0x3], $0x3200, $0x38;
	[tilespmem:$0x1FDC0] =	vst v63  }
0x176: {  	_ =	swait.ge [sflag:s8], $0x3200  }
0x177: {  	[sflag:s8] =	ssyncset.done $0x0  }
0x178: {  	s25 =	rddreg [dreg:$0x10];
	[sflag:s8] =	ssyncadd.s32 $0xFFFFCE00  }
0x179: {  	[tilespmem:s7], [sflag:$0x3] =	stream.linear.gather [spmem:s25], $0x3200, $0x38;
	[tilespmem:$0x1FDC0] =	vst v63  }
0x17a: {  	_ =	swait.ge [sflag:s8], $0x3200  }
0x17b: {  	[sflag:s8] =	ssyncset.done $0x0  }
0x17c: {  	s24 =	smov.u32 s28;
	s28 =	rddreg [dreg:$0x7];
	[sflag:s8] =	ssyncadd.s32 $0xFFFFCE00  }
0x17d: {  	[hbm4b:s28+s4] =	stream.linear.scatter [tilespmem:s7], [sflag:$0x3], $0x3200, $0x38;
	[tilespmem:$0x1FDC0] =	vst v63  }
0x17e: {  	_ =	swait.ge [sflag:s8], $0x3200  }
0x17f: {  	[sflag:s8] =	ssyncset.done $0x0  }
0x180: {  	s6 =	rddreg [dreg:$0x11];
	[sflag:s8] =	ssyncadd.s32 $0xFFFFCE00  }
0x181: {  	[tilespmem:s7], [sflag:$0x3] =	stream.linear.gather [spmem:s6], $0x3200, $0x38;
	[tilespmem:$0x1FDC0] =	vst v63  }
0x182: {  	_ =	swait.ge [sflag:s8], $0x3200  }
0x183: {  	[sflag:s8] =	ssyncset.done $0x0  }
0x184: {  	s15 =	rddreg [dreg:$0x8];
	[sflag:s8] =	ssyncadd.s32 $0xFFFFCE00  }
0x185: {  	[hbm4b:s15+s4] =	stream.linear.scatter [tilespmem:s7], [sflag:$0x3], $0x3200, $0x38;
	[tilespmem:$0x1FDC0] =	vst v63  }
0x186: {  	_ =	swait.ge [sflag:s8], $0x3200  }
0x187: {  	[sflag:s8] =	ssyncset.done $0x0  }
0x188: {  	[sflag:s8] =	ssyncadd.s32 $0xFFFFCE00  }
0x189: {  	[tilespmem:s7], [sflag:$0x3] =	stream.linear.gather [spmem:s29], $0x3200, $0x38;
	[tilespmem:$0x1FDC0] =	vst v63  }
0x18a: {  	_ =	swait.ge [sflag:s8], $0x3200  }
0x18b: {  	[sflag:s8] =	ssyncset.done $0x0  }
0x18c: {  	s17 =	rddreg [dreg:$0x9];
	[sflag:s8] =	ssyncadd.s32 $0xFFFFCE00  }
0x18d: {  	[hbm4b:s17+s4] =	stream.linear.scatter [tilespmem:s7], [sflag:$0x3], $0x3200, $0x38;
	[tilespmem:$0x1FDC0] =	vst v63  }
0x18e: {  	_ =	swait.ge [sflag:s8], $0x3200  }
0x18f: {  	[sflag:s8] =	ssyncset.done $0x0  }
0x190: {  	[sflag:s8] =	ssyncadd.s32 $0xFFFFCE00  }
0x191: {  	[tilespmem:s7], [sflag:$0x3] =	stream.linear.gather [spmem:s26], $0x3200, $0x38;
	[tilespmem:$0x1FDC0] =	vst v63  }
0x192: {  	_ =	swait.ge [sflag:s8], $0x3200  }
0x193: {  	[sflag:s8] =	ssyncset.done $0x0  }
0x194: {  	s23 =	rddreg [dreg:$0xa];
	[sflag:s8] =	ssyncadd.s32 $0xFFFFCE00  }
0x195: {  	[hbm4b:s23+s4] =	stream.linear.scatter [tilespmem:s7], [sflag:$0x3], $0x3200, $0x38;
	[tilespmem:$0x1FDC0] =	vst v63  }
0x196: {  	_ =	swait.ge [sflag:s8], $0x3200  }
0x197: {  	[sflag:s8] =	ssyncset.done $0x0  }
0x198: {  	s25 =	rddreg [dreg:$0x13];
	[sflag:s8] =	ssyncadd.s32 $0xFFFFCE00  }
0x199: {  	[tilespmem:s7], [sflag:$0x3] =	stream.linear.gather [spmem:s25], $0x3200, $0x38;
	[tilespmem:$0x1FDC0] =	vst v63  }
0x19a: {  	_ =	swait.ge [sflag:s8], $0x3200  }
0x19b: {  	[sflag:s8] =	ssyncset.done $0x0  }
0x19c: {  	s17 =	smov.u32 s26;
	s26 =	rddreg [dreg:$0xb];
	[sflag:s8] =	ssyncadd.s32 $0xFFFFCE00  }
0x19d: {  	[hbm4b:s26+s4] =	stream.linear.scatter [tilespmem:s7], [sflag:$0x3], $0x3200, $0x38;
	[tilespmem:$0x1FDC0] =	vst v63  }
0x19e: {  	_ =	swait.ge [sflag:s8], $0x3200  }
0x19f: {  	[sflag:s8] =	ssyncset.done $0x0  }
0x1a0: {  	s23 =	rddreg [dreg:$0x12];
	[sflag:s8] =	ssyncadd.s32 $0xFFFFCE00  }
0x1a1: {  	[tilespmem:s7], [sflag:$0x3] =	stream.linear.gather [spmem:s23], $0x2900, $0x38;
	[tilespmem:$0x1FDC0] =	vst v63  }
0x1a2: {  	_ =	swait.ge [sflag:s8], $0x2900  }
0x1a3: {  	[sflag:s8] =	ssyncset.done $0x0  }
0x1a4: {  	s28 =	rddreg [dreg:$0x4];
	[sflag:s8] =	ssyncadd.s32 $0xFFFFD700  }
0x1a5: {  	[hbm4b:s28+s4] =	stream.linear.scatter [tilespmem:s7], [sflag:$0x3], $0x2900, $0x38;
	[tilespmem:$0x1FDC0] =	vst v63  }
0x1a6: {  	_ =	swait.ge [sflag:s8], $0x2900  }
0x1a7: {  	s1 =	sadd.s32 $0x1, s1;
	s15 =	smov.u32 s29;
	s29 =	rddreg [dreg:$0xe]  }
0x1a8: {  	p0 =	sne.s32 s1, s29  }
.Ltmp6:
0x1a9: {  	_ = 	snop;
	(pc) =	sbr.rel @p0 .LBB2_1-.Ltmp6, $3  }
0x1aa: {  	_ =	sdelay $0x1  }
0x1ab: {  	[sflag:s8] =	ssyncset.done $0x0  }
0x1ac: {  	[sflag:s8] =	ssyncadd.s32 $0xFFFFD700  }
0x1ad: {  	_ =	sfence.sel $0x180000  }
0x1ae: {  	[bflag:$0x0] =	sbarrier.arrive $0xFFFF  }
0x1af: {  	_ =	strace $0x9000004D  }
0x1b0: {  	s0 =	stileid.u32;
	[bflag:$0x2] =	sbarrier.arrive $0xFFFF  }
0x1b1: {  	p0 =	sne.s32 s0, $0x0;
	s0 =	rddreg [dreg:$0x3]  }
0x1b2: {  	s0 =	sadd.s32 @!p0 $0x100000, s0  }
0x1b3: {  	[sflag:s0] =	ssyncadd.tile.s32 @!p0 $0x1;
	_ =	shalt  }
.Lfunc_end2:
_tile_overlayer_lowered:
.L_overlay_start_2:
0x1b4: {  	(tag) =	ssettag $0x2  }
0x1b5: {  	s0 =	rddreg [dreg:$0x0];
	s2 =	stileid.u32  }
0x1b6: {  	s1 =	rddreg [dreg:$0x1];
	p0 =	sne.s32 s2, $0x0  }
0x1b7: {  	s3 =	rddreg [dreg:$0x2];
	[bflag:$0x3] =	sbarrier.arrive $0xFFFF;
	s2 =	simm.s32 @!p0 $0x1C03  }
0x1b8: {  	[timem:s3], [sflag:s2] =	dma.local @!p0 [hbm:s0], s1  }
0x1b9: {  	s0 =	simm.s32 @!p0 $0x3  }
0x1ba: {  	_ =	swait.ge @!p0 [sflag:s0], s1  }
0x1bb: {  	s1 =	ssub.s32 @!p0 $0x0, s1;
	[sflag:s0] =	ssyncset.done @!p0 $0x0  }
0x1bc: {  	[sflag:s0] =	ssyncadd.s32 @!p0 s1  }
0x1bd: {  	[bflag:$0x3] =	sbarrier.arrive $0xFFFF  }
0x1be: {  	_ =	shalt  }

</sc_bundles>
